<compile_context>
chip_gen: v7x
topology: tpu7x:2x2x1
jax: 0.10.2.dev20260603
libtpu: 0.0.44.dev20260713+nightly
codegen_flags: <defaults>
</compile_context>

<pallas_src>
import functools

import jax
import jax.numpy as jnp
from jax import lax
from jax.experimental import pallas as pl
from jax.experimental.pallas import tpu as pltpu
from jax.experimental.pallas import tpu_sc as plsc

N = 10000
E = 320000
D = 128
DE = 16
H = 128
G = 128

NC = 2
NS = 16
NW = NC * NS
EP = E // NW
PASSES = 2
EPP = EP // PASSES
CH = 40
NCHUNK = EPP // CH
N_PAD = 10240
ROWS_PER_TILE = N_PAD // NS
ZR = CH



_BE = 16000


def _emb_body(eat_ref, we_ref, be_ref, out_ref):
    out_ref[...] = (
        lax.dot_general(eat_ref[...], we_ref[...], (((0,), (0,)), ((), ())),
                        preferred_element_type=jnp.float32)
        + be_ref[...]
    )


def _edge_emb(edge_attr_t, We, be2d):
    return pl.pallas_call(
        _emb_body,
        grid=(E // _BE,),
        in_specs=[
            pl.BlockSpec((DE, _BE), lambda i: (0, i)),
            pl.BlockSpec((DE, D), lambda i: (0, 0)),
            pl.BlockSpec((1, D), lambda i: (0, 0)),
        ],
        out_specs=pl.BlockSpec((_BE, D), lambda i: (i, 0)),
        out_shape=jax.ShapeDtypeStruct((E, D), jnp.float32),
    )(edge_attr_t, We, be2d)




def _sc_edge_body(x_hbm, emb_hbm, src_hbm, dst_hbm, out_hbm,
                  agg_sh, sidx_all,
                  embv0, embv1, embv2, xv0, xv1, xv2, didx0, didx1, didx2,
                  sem_e0, sem_e1, sem_e2, sem_g0, sem_g1, sem_g2,
                  sem_c0, sem_c1, sem_c2, sem_d0, sem_d1, sem_d2):
    cid = lax.axis_index("c")
    sid = lax.axis_index("s")
    wid = cid * NS + sid
    base = wid * EP

    embv = (embv0, embv1, embv2)
    xv = (xv0, xv1, xv2)
    didx = (didx0, didx1, didx2)
    sem_e = (sem_e0, sem_e1, sem_e2)
    sem_g = (sem_g0, sem_g1, sem_g2)
    sem_c = (sem_c0, sem_c1, sem_c2)
    sem_d = (sem_d0, sem_d1, sem_d2)

    def _issue_inputs(pbase, j, p):
        pltpu.async_copy(emb_hbm.at[pl.ds(pbase + j * CH, CH)], embv[p], sem_e[p])
        pltpu.async_copy(x_hbm.at[sidx_all.at[pl.ds(j * CH, CH)]], xv[p], sem_g[p])
        pltpu.async_copy(dst_hbm.at[pl.ds(pbase + j * CH, CH)], didx[p], sem_d[p])

    def _wait_inputs(p):
        pltpu.make_async_copy(emb_hbm.at[pl.ds(base, CH)], embv[p], sem_e[p]).wait()
        pltpu.make_async_copy(x_hbm.at[sidx_all.at[pl.ds(0, CH)]], xv[p], sem_g[p]).wait()
        pltpu.make_async_copy(dst_hbm.at[pl.ds(base, CH)], didx[p], sem_d[p]).wait()

    def _issue_scatter(j, p):
        pltpu.async_copy(embv[p], agg_sh.at[didx[p]], sem_c[p], add=True)

    def _wait_scatter(p):
        pltpu.make_async_copy(embv[p], agg_sh.at[didx[p]], sem_c[p]).wait()

    def _compute(p):
        ev = embv[p]
        gv = xv[p]

        @plsc.parallel_loop(0, CH, step=1, unroll=4)
        def _row(r):
            for c in range(D // 16):
                sl = pl.ds(c * 16, 16)
                ev[r, sl] = jnp.maximum(gv[r, sl] + ev[r, sl], 0.0)

    NT = (NCHUNK - 2) // 3

    for q in range(PASSES):
        pbase = base + q * EPP
        pltpu.sync_copy(src_hbm.at[pl.ds(pbase, EPP)], sidx_all)
        _issue_inputs(pbase, 0, 0)
        _issue_inputs(pbase, 1, 1)

        if q == 0:
            zeros16 = jnp.zeros((16,), jnp.float32)

            def _zrow(r, _):
                for c in range(D // 16):
                    embv2[r, pl.ds(c * 16, 16)] = zeros16
                return 0

            lax.fori_loop(0, ZR, _zrow, 0)
            for k in range(ROWS_PER_TILE // ZR):
                pltpu.sync_copy(
                    embv2, agg_sh.at[pl.ds(sid * ROWS_PER_TILE + k * ZR, ZR)])
            plsc.subcore_barrier()

        def _step(j, p, guard_first):
            _wait_inputs(p)
            _compute(p)
            if guard_first:
                pl.when(j >= 1)(lambda: _wait_scatter((p + 2) % 3))
            else:
                _wait_scatter((p + 2) % 3)
            _issue_inputs(pbase, j + 2, (p + 2) % 3)
            _issue_scatter(j, p)

        def _triple(t, _):
            j0 = 3 * t
            _step(j0, 0, True)
            _step(j0 + 1, 1, False)
            _step(j0 + 2, 2, False)
            return 0

        lax.fori_loop(0, NT, _triple, 0)

        for j in range(3 * NT, NCHUNK):
            p = j % 3
            _wait_inputs(p)
            _compute(p)
            _wait_scatter((p + 2) % 3)
            _issue_scatter(j, p)
        _wait_scatter((NCHUNK - 1) % 3)
    plsc.subcore_barrier()

    row0 = sid * ROWS_PER_TILE
    pltpu.sync_copy(agg_sh.at[pl.ds(row0, ROWS_PER_TILE)],
                    out_hbm.at[cid, pl.ds(row0, ROWS_PER_TILE)])


@functools.cache
def _make_sc_edge_kernel():
    return functools.partial(
        pl.kernel,
        out_type=jax.ShapeDtypeStruct((NC, N_PAD, D), jnp.float32),
        mesh=plsc.VectorSubcoreMesh(core_axis_name="c", subcore_axis_name="s",
                                    num_cores=NC, num_subcores=NS),
        scratch_types=[
            pltpu.VMEM_SHARED((N_PAD, D), jnp.float32),
            pltpu.VMEM((EPP,), jnp.int32),
            pltpu.VMEM((CH, D), jnp.float32),
            pltpu.VMEM((CH, D), jnp.float32),
            pltpu.VMEM((CH, D), jnp.float32),
            pltpu.VMEM((CH, D), jnp.float32),
            pltpu.VMEM((CH, D), jnp.float32),
            pltpu.VMEM((CH, D), jnp.float32),
            pltpu.VMEM((CH,), jnp.int32),
            pltpu.VMEM((CH,), jnp.int32),
            pltpu.VMEM((CH,), jnp.int32),
            pltpu.SemaphoreType.DMA,
            pltpu.SemaphoreType.DMA,
            pltpu.SemaphoreType.DMA,
            pltpu.SemaphoreType.DMA,
            pltpu.SemaphoreType.DMA,
            pltpu.SemaphoreType.DMA,
            pltpu.SemaphoreType.DMA,
            pltpu.SemaphoreType.DMA,
            pltpu.SemaphoreType.DMA,
            pltpu.SemaphoreType.DMA,
            pltpu.SemaphoreType.DMA,
            pltpu.SemaphoreType.DMA,
        ],
    )(_sc_edge_body)



_BN = 2000


def _node_body(x_ref, p0_ref, p1_ref, b_ref, w1_ref, b1_ref, wc_ref, bc_ref,
               out_ref, pooled_acc, cnt_acc):
    i = pl.program_id(0)

    @pl.when(i == 0)
    def _():
        pooled_acc[...] = jnp.zeros_like(pooled_acc)
        cnt_acc[...] = jnp.zeros_like(cnt_acc)

    t = x_ref[...] + p0_ref[...] + p1_ref[...]
    h = jnp.maximum(
        jnp.dot(t, w1_ref[...], preferred_element_type=jnp.float32,
                precision=lax.Precision.HIGHEST) + b1_ref[...],
        0.0,
    )
    bvec = b_ref[0, 0, :]
    gids = lax.broadcasted_iota(jnp.int32, (_BN, G), 1)
    onehot = jnp.where(bvec[:, None] == gids, 1.0, 0.0)
    pooled_acc[...] += lax.dot_general(
        onehot, h, (((0,), (0,)), ((), ())), preferred_element_type=jnp.float32,
        precision=lax.Precision.HIGHEST)
    cnt_acc[...] += lax.dot_general(
        onehot, jnp.ones((_BN, G), jnp.float32), (((0,), (0,)), ((), ())),
        preferred_element_type=jnp.float32)

    @pl.when(i == pl.num_programs(0) - 1)
    def _():
        cnt = jnp.maximum(cnt_acc[...], 1.0)
        logits = jnp.dot(pooled_acc[...], wc_ref[...],
                         preferred_element_type=jnp.float32,
                         precision=lax.Precision.HIGHEST)
        out_ref[...] = logits / cnt[:, :2] + bc_ref[...]


def _node_pool(x, p0, p1, batch3d, W1, b12d, Wc, bc2d):
    return pl.pallas_call(
        _node_body,
        grid=(N // _BN,),
        in_specs=[
            pl.BlockSpec((_BN, D), lambda i: (i, 0)),
            pl.BlockSpec((_BN, D), lambda i: (i, 0)),
            pl.BlockSpec((_BN, D), lambda i: (i, 0)),
            pl.BlockSpec((1, 1, _BN), lambda i: (i, 0, 0)),
            pl.BlockSpec((D, H), lambda i: (0, 0)),
            pl.BlockSpec((1, H), lambda i: (0, 0)),
            pl.BlockSpec((H, 2), lambda i: (0, 0)),
            pl.BlockSpec((1, 2), lambda i: (0, 0)),
        ],
        out_specs=pl.BlockSpec((G, 2), lambda i: (0, 0)),
        out_shape=jax.ShapeDtypeStruct((G, 2), jnp.float32),
        scratch_shapes=[
            pltpu.VMEM((G, H), jnp.float32),
            pltpu.VMEM((G, G), jnp.float32),
        ],
    )(x, p0, p1, batch3d, W1, b12d, Wc, bc2d)




def kernel(x, edge_index, edge_attr, batch, We, be, W1, b1, Wc, bc):
    emb = _edge_emb(edge_attr.T, We, be.reshape(1, D))
    src = edge_index[0]
    dst = edge_index[1]
    partials = _make_sc_edge_kernel()(x, emb, src, dst)[:, :N]
    batch3d = batch.reshape(N // _BN, 1, _BN)
    return _node_pool(x, partials[0], partials[1], batch3d,
                      W1, b1.reshape(1, H), Wc, bc.reshape(1, 2))

# --- scband reference (transcript-rebuilt; emitter-appended) ---
"""Pipeline reference for scband-cancer-gnn-26568667693553 (READ-ONLY COPY).

The authoritative reference and input builder live on the scoring server;
editing this copy changes nothing except your own understanding.
"""

import jax, jax.numpy as jnp
import numpy as np

N = 10000
E = 320000
D = 128
DE = 16
H = 128
G = 128


def setup_inputs(seed: int = 0) -> dict:
    key = jax.random.key(seed)
    ks = jax.random.split(key, 10)
    x = jax.random.normal(ks[0], (N, D), dtype=jnp.float32)
    edge_index = jax.random.randint(ks[1], (2, E), 0, N, dtype=jnp.int32)
    edge_attr = jax.random.normal(ks[2], (E, DE), dtype=jnp.float32)
    batch = jnp.sort(jax.random.randint(ks[3], (N,), 0, G, dtype=jnp.int32))
    # GINEConv edge linear: edge_dim -> in_channels of nn (num_node_features)
    We = jax.random.normal(ks[4], (DE, D), dtype=jnp.float32) * (1.0 / np.sqrt(DE))
    be = jnp.zeros((D,), dtype=jnp.float32)
    # nn1: Linear(num_node_features -> hidden_channels)
    W1 = jax.random.normal(ks[5], (D, H), dtype=jnp.float32) * (1.0 / np.sqrt(D))
    b1 = jnp.zeros((H,), dtype=jnp.float32)
    # classifier: Linear(hidden_channels -> 2)
    Wc = jax.random.normal(ks[6], (H, 2), dtype=jnp.float32) * (1.0 / np.sqrt(H))
    bc = jnp.zeros((2,), dtype=jnp.float32)
    return {"x": x, "edge_index": edge_index, "edge_attr": edge_attr, "batch": batch,
            "We": We, "be": be, "W1": W1, "b1": b1, "Wc": Wc, "bc": bc}


def reference(x, edge_index, edge_attr, batch, We, be, W1, b1, Wc, bc):
    # GINEConv (eps=0): m_ij = relu(x_j + lin_edge(edge_attr)); aggr = sum over incoming edges
    edge_emb = edge_attr @ We + be
    src = edge_index[0]
    dst = edge_index[1]
    m = jax.nn.relu(x[src] + edge_emb)
    agg = jax.ops.segment_sum(m, dst, num_segments=N)
    # nn1 = Linear + ReLU applied to (1+eps)*x + aggr
    h = jax.nn.relu(((1.0 + 0.0) * x + agg) @ W1 + b1)
    # outer F.relu in forward
    h = jax.nn.relu(h)
    # global_mean_pool over graph ids
    counts = jnp.maximum(jnp.bincount(batch, length=G), 1).astype(jnp.float32)
    pooled = jax.ops.segment_sum(h, batch, num_segments=G) / counts[:, None]
    return pooled @ Wc + bc

if __name__ == "__main__":
    import jax
    _d = setup_inputs()
    print(jax.jit(kernel)(*tuple(_d.values())))

</pallas_src>

<mosaic_0001>
#map = affine_map<(d0, d1) -> (0, 0)>
#map1 = affine_map<(d0, d1) -> (0)>
#map2 = affine_map<(d0, d1) -> (0, 0, 0)>
module attributes {stable_mosaic.version = 14 : i64} {
  func.func @_sc_edge_body(%arg0: i32, %arg1: i32, %arg2: memref<10000x128xf32, #tpu.memory_space<hbm>>, %arg3: memref<320000x128xf32, #tpu.memory_space<hbm>>, %arg4: memref<320000xi32, #tpu.memory_space<hbm>>, %arg5: memref<320000xi32, #tpu.memory_space<hbm>>, %arg6: memref<2x10240x128xf32, #tpu.memory_space<hbm>>, %arg7: memref<10240x128xf32, #tpu.memory_space<vmem_shared>>, %arg8: memref<5000xi32, #tpu.memory_space<vmem>>, %arg9: memref<40x128xf32, #tpu.memory_space<vmem>>, %arg10: memref<40x128xf32, #tpu.memory_space<vmem>>, %arg11: memref<40x128xf32, #tpu.memory_space<vmem>>, %arg12: memref<40x128xf32, #tpu.memory_space<vmem>>, %arg13: memref<40x128xf32, #tpu.memory_space<vmem>>, %arg14: memref<40x128xf32, #tpu.memory_space<vmem>>, %arg15: memref<40xi32, #tpu.memory_space<vmem>>, %arg16: memref<40xi32, #tpu.memory_space<vmem>>, %arg17: memref<40xi32, #tpu.memory_space<vmem>>, %arg18: memref<!tpu.dma_semaphore, #tpu.memory_space<semaphore_mem>>, %arg19: memref<!tpu.dma_semaphore, #tpu.memory_space<semaphore_mem>>, %arg20: memref<!tpu.dma_semaphore, #tpu.memory_space<semaphore_mem>>, %arg21: memref<!tpu.dma_semaphore, #tpu.memory_space<semaphore_mem>>, %arg22: memref<!tpu.dma_semaphore, #tpu.memory_space<semaphore_mem>>, %arg23: memref<!tpu.dma_semaphore, #tpu.memory_space<semaphore_mem>>, %arg24: memref<!tpu.dma_semaphore, #tpu.memory_space<semaphore_mem>>, %arg25: memref<!tpu.dma_semaphore, #tpu.memory_space<semaphore_mem>>, %arg26: memref<!tpu.dma_semaphore, #tpu.memory_space<semaphore_mem>>, %arg27: memref<!tpu.dma_semaphore, #tpu.memory_space<semaphore_mem>>, %arg28: memref<!tpu.dma_semaphore, #tpu.memory_space<semaphore_mem>>, %arg29: memref<!tpu.dma_semaphore, #tpu.memory_space<semaphore_mem>>) attributes {dimension_semantics = [#tpu.dimension_semantics<core_parallel>, #tpu.dimension_semantics<subcore_parallel>], iteration_bounds = array<i64: 2, 16>, scalar_prefetch = 0 : i64, scratch_operands = 23 : i64, tpu.core_type = #tpu.core_type<sc_vector_subcore>, window_params = [{transform_indices = #map}, {transform_indices = #map}, {transform_indices = #map1}, {transform_indices = #map1}, {transform_indices = #map2}]} {
    %mul3A = arith.constant 16 : i32
    %mul3A_0 = arith.muli %arg0, %mul3A : i32
    %add3A = arith.addi %mul3A_0, %arg1 : i32
    %mul3A_1 = arith.constant 10000 : i32
    %mul3A_2 = arith.muli %add3A, %mul3A_1 : i32
    %add3A_3 = arith.constant 0 : i32
    %add3A_4 = arith.addi %mul3A_2, %add3A_3 : i32
    "tpu.region"() ({
      %run_scoped3A = tpu.sem_alloc : memref<!tpu.dma_semaphore, #tpu.memory_space<semaphore_mem>>
      %dma_start3A_238 = tpu.memref_slice %arg4[%add3A_4] : memref<320000xi32, #tpu.memory_space<hbm>> -> memref<5000xi32, #tpu.memory_space<hbm>>
      %dma_start3A_239 = tpu.memref_slice %arg4[%add3A_4] : memref<320000xi32, #tpu.memory_space<hbm>> -> memref<5000xi32, #tpu.memory_space<hbm>>
      tpu.enqueue_dma source(%dma_start3A_239 : memref<5000xi32, #tpu.memory_space<hbm>>) target(%arg8 : memref<5000xi32, #tpu.memory_space<vmem>>) target_semaphore(%run_scoped3A : memref<!tpu.dma_semaphore, #tpu.memory_space<semaphore_mem>>)
      %dma_wait3A_240 = tpu.memref_slice %arg4[%add3A_4] : memref<320000xi32, #tpu.memory_space<hbm>> -> memref<5000xi32, #tpu.memory_space<hbm>>
      %dma_wait3A_241 = tpu.memref_slice %arg4[%add3A_4] : memref<320000xi32, #tpu.memory_space<hbm>> -> memref<5000xi32, #tpu.memory_space<hbm>>
      tpu.wait_dma2 semaphore(%run_scoped3A : memref<!tpu.dma_semaphore, #tpu.memory_space<semaphore_mem>>) src(%dma_wait3A_241 : memref<5000xi32, #tpu.memory_space<hbm>>) dst(%arg8 : memref<5000xi32, #tpu.memory_space<vmem>>)
      tpu.yield
    }) : () -> ()
    %add3A_5 = arith.constant 0 : i32
    %add3A_6 = arith.addi %add3A_4, %add3A_5 : i32
    %dma_start3A = arith.constant 0 : i32
    %dma_start3A_7 = tpu.memref_slice %arg3[%add3A_6, %dma_start3A] : memref<320000x128xf32, #tpu.memory_space<hbm>> -> memref<40x128xf32, #tpu.memory_space<hbm>>
    %dma_start3A_8 = arith.constant 0 : i32
    %dma_start3A_9 = tpu.memref_slice %arg3[%add3A_6, %dma_start3A_8] : memref<320000x128xf32, #tpu.memory_space<hbm>> -> memref<40x128xf32, #tpu.memory_space<hbm>>
    tpu.enqueue_dma source(%dma_start3A_9 : memref<40x128xf32, #tpu.memory_space<hbm>>) target(%arg9 : memref<40x128xf32, #tpu.memory_space<vmem>>) target_semaphore(%arg18 : memref<!tpu.dma_semaphore, #tpu.memory_space<semaphore_mem>>)
    %dma_start3A_10 = arith.constant 0 : i32
    %dma_start3A_11 = tpu.memref_slice %arg8[%dma_start3A_10] : memref<5000xi32, #tpu.memory_space<vmem>> -> memref<40xi32, #tpu.memory_space<vmem>>
    %dma_start3A_12 = arith.constant 0 : i32
    %dma_start3A_13 = arith.constant 0 : i32
    %dma_start3A_14 = tpu.memref_slice %arg2[%dma_start3A_12, %dma_start3A_13] : memref<10000x128xf32, #tpu.memory_space<hbm>> -> memref<10000x128xf32, #tpu.memory_space<hbm>>
    tpu.enqueue_indirect_dma source(%dma_start3A_14 : memref<10000x128xf32, #tpu.memory_space<hbm>>) target(%arg12 : memref<40x128xf32, #tpu.memory_space<vmem>>) offsets(%dma_start3A_11 : memref<40xi32, #tpu.memory_space<vmem>>) semaphore(%arg21 : memref<!tpu.dma_semaphore, #tpu.memory_space<semaphore_mem>>)
    %add3A_15 = arith.constant 0 : i32
    %add3A_16 = arith.addi %add3A_4, %add3A_15 : i32
    %dma_start3A_17 = tpu.memref_slice %arg5[%add3A_16] : memref<320000xi32, #tpu.memory_space<hbm>> -> memref<40xi32, #tpu.memory_space<hbm>>
    %dma_start3A_18 = tpu.memref_slice %arg5[%add3A_16] : memref<320000xi32, #tpu.memory_space<hbm>> -> memref<40xi32, #tpu.memory_space<hbm>>
    tpu.enqueue_dma source(%dma_start3A_18 : memref<40xi32, #tpu.memory_space<hbm>>) target(%arg15 : memref<40xi32, #tpu.memory_space<vmem>>) target_semaphore(%arg27 : memref<!tpu.dma_semaphore, #tpu.memory_space<semaphore_mem>>)
    %add3A_19 = arith.constant 40 : i32
    %add3A_20 = arith.addi %add3A_4, %add3A_19 : i32
    %dma_start3A_21 = arith.constant 0 : i32
    %dma_start3A_22 = tpu.memref_slice %arg3[%add3A_20, %dma_start3A_21] : memref<320000x128xf32, #tpu.memory_space<hbm>> -> memref<40x128xf32, #tpu.memory_space<hbm>>
    %dma_start3A_23 = arith.constant 0 : i32
    %dma_start3A_24 = tpu.memref_slice %arg3[%add3A_20, %dma_start3A_23] : memref<320000x128xf32, #tpu.memory_space<hbm>> -> memref<40x128xf32, #tpu.memory_space<hbm>>
    tpu.enqueue_dma source(%dma_start3A_24 : memref<40x128xf32, #tpu.memory_space<hbm>>) target(%arg10 : memref<40x128xf32, #tpu.memory_space<vmem>>) target_semaphore(%arg19 : memref<!tpu.dma_semaphore, #tpu.memory_space<semaphore_mem>>)
    %dma_start3A_25 = arith.constant 40 : i32
    %dma_start3A_26 = tpu.memref_slice %arg8[%dma_start3A_25] : memref<5000xi32, #tpu.memory_space<vmem>> -> memref<40xi32, #tpu.memory_space<vmem>>
    %dma_start3A_27 = arith.constant 0 : i32
    %dma_start3A_28 = arith.constant 0 : i32
    %dma_start3A_29 = tpu.memref_slice %arg2[%dma_start3A_27, %dma_start3A_28] : memref<10000x128xf32, #tpu.memory_space<hbm>> -> memref<10000x128xf32, #tpu.memory_space<hbm>>
    tpu.enqueue_indirect_dma source(%dma_start3A_29 : memref<10000x128xf32, #tpu.memory_space<hbm>>) target(%arg13 : memref<40x128xf32, #tpu.memory_space<vmem>>) offsets(%dma_start3A_26 : memref<40xi32, #tpu.memory_space<vmem>>) semaphore(%arg22 : memref<!tpu.dma_semaphore, #tpu.memory_space<semaphore_mem>>)
    %add3A_30 = arith.constant 40 : i32
    %add3A_31 = arith.addi %add3A_4, %add3A_30 : i32
    %dma_start3A_32 = tpu.memref_slice %arg5[%add3A_31] : memref<320000xi32, #tpu.memory_space<hbm>> -> memref<40xi32, #tpu.memory_space<hbm>>
    %dma_start3A_33 = tpu.memref_slice %arg5[%add3A_31] : memref<320000xi32, #tpu.memory_space<hbm>> -> memref<40xi32, #tpu.memory_space<hbm>>
    tpu.enqueue_dma source(%dma_start3A_33 : memref<40xi32, #tpu.memory_space<hbm>>) target(%arg16 : memref<40xi32, #tpu.memory_space<vmem>>) target_semaphore(%arg28 : memref<!tpu.dma_semaphore, #tpu.memory_space<semaphore_mem>>)
    %broadcast_in_dim3A = arith.constant 0.000000e+00 : f32
    %broadcast_in_dim3A_34 = vector.broadcast %broadcast_in_dim3A : f32 to vector<16xf32>
    %scan3A = arith.constant 0 : i32
    %scan3A_35 = arith.constant 0 : i32
    %scan3A_36 = arith.constant 40 : i32
    %scan3A_37 = arith.addi %scan3A_35, %scan3A_36 : i32
    %scan3A_38 = arith.constant 1 : i32
    %scan3A_39 = scf.for %scan3A_238 = %scan3A_35 to %scan3A_37 step %scan3A_38 iter_args(%scan3A_239 = %scan3A) -> (i32)  : i32 {
      %swap3A = arith.index_cast %scan3A_238 : i32 to index
      %swap3A_240 = arith.constant 0 : index
      %swap3A_241 = tpu.vector_load %arg11[%swap3A, %swap3A_240] {strides = array<i32>} : memref<40x128xf32, #tpu.memory_space<vmem>>, vector<1x16xf32>,
      %swap3A_242 = vector.shape_cast %swap3A_241 : vector<1x16xf32> to vector<16xf32>
      %swap3A_243 = vector.shape_cast %broadcast_in_dim3A_34 : vector<16xf32> to vector<1x16xf32>
      tpu.vector_store %arg11[%swap3A, %swap3A_240], %swap3A_243 {strides = array<i32>} : memref<40x128xf32, #tpu.memory_space<vmem>>, vector<1x16xf32>,
      %swap3A_244 = arith.index_cast %scan3A_238 : i32 to index
      %swap3A_245 = arith.constant 16 : index
      %swap3A_246 = tpu.vector_load %arg11[%swap3A_244, %swap3A_245] {strides = array<i32>} : memref<40x128xf32, #tpu.memory_space<vmem>>, vector<1x16xf32>,
      %swap3A_247 = vector.shape_cast %swap3A_246 : vector<1x16xf32> to vector<16xf32>
      %swap3A_248 = vector.shape_cast %broadcast_in_dim3A_34 : vector<16xf32> to vector<1x16xf32>
      tpu.vector_store %arg11[%swap3A_244, %swap3A_245], %swap3A_248 {strides = array<i32>} : memref<40x128xf32, #tpu.memory_space<vmem>>, vector<1x16xf32>,
      %swap3A_249 = arith.index_cast %scan3A_238 : i32 to index
      %swap3A_250 = arith.constant 32 : index
      %swap3A_251 = tpu.vector_load %arg11[%swap3A_249, %swap3A_250] {strides = array<i32>} : memref<40x128xf32, #tpu.memory_space<vmem>>, vector<1x16xf32>,
      %swap3A_252 = vector.shape_cast %swap3A_251 : vector<1x16xf32> to vector<16xf32>
      %swap3A_253 = vector.shape_cast %broadcast_in_dim3A_34 : vector<16xf32> to vector<1x16xf32>
      tpu.vector_store %arg11[%swap3A_249, %swap3A_250], %swap3A_253 {strides = array<i32>} : memref<40x128xf32, #tpu.memory_space<vmem>>, vector<1x16xf32>,
      %swap3A_254 = arith.index_cast %scan3A_238 : i32 to index
      %swap3A_255 = arith.constant 48 : index
      %swap3A_256 = tpu.vector_load %arg11[%swap3A_254, %swap3A_255] {strides = array<i32>} : memref<40x128xf32, #tpu.memory_space<vmem>>, vector<1x16xf32>,
      %swap3A_257 = vector.shape_cast %swap3A_256 : vector<1x16xf32> to vector<16xf32>
      %swap3A_258 = vector.shape_cast %broadcast_in_dim3A_34 : vector<16xf32> to vector<1x16xf32>
      tpu.vector_store %arg11[%swap3A_254, %swap3A_255], %swap3A_258 {strides = array<i32>} : memref<40x128xf32, #tpu.memory_space<vmem>>, vector<1x16xf32>,
      %swap3A_259 = arith.index_cast %scan3A_238 : i32 to index
      %swap3A_260 = arith.constant 64 : index
      %swap3A_261 = tpu.vector_load %arg11[%swap3A_259, %swap3A_260] {strides = array<i32>} : memref<40x128xf32, #tpu.memory_space<vmem>>, vector<1x16xf32>,
      %swap3A_262 = vector.shape_cast %swap3A_261 : vector<1x16xf32> to vector<16xf32>
      %swap3A_263 = vector.shape_cast %broadcast_in_dim3A_34 : vector<16xf32> to vector<1x16xf32>
      tpu.vector_store %arg11[%swap3A_259, %swap3A_260], %swap3A_263 {strides = array<i32>} : memref<40x128xf32, #tpu.memory_space<vmem>>, vector<1x16xf32>,
      %swap3A_264 = arith.index_cast %scan3A_238 : i32 to index
      %swap3A_265 = arith.constant 80 : index
      %swap3A_266 = tpu.vector_load %arg11[%swap3A_264, %swap3A_265] {strides = array<i32>} : memref<40x128xf32, #tpu.memory_space<vmem>>, vector<1x16xf32>,
      %swap3A_267 = vector.shape_cast %swap3A_266 : vector<1x16xf32> to vector<16xf32>
      %swap3A_268 = vector.shape_cast %broadcast_in_dim3A_34 : vector<16xf32> to vector<1x16xf32>
      tpu.vector_store %arg11[%swap3A_264, %swap3A_265], %swap3A_268 {strides = array<i32>} : memref<40x128xf32, #tpu.memory_space<vmem>>, vector<1x16xf32>,
      %swap3A_269 = arith.index_cast %scan3A_238 : i32 to index
      %swap3A_270 = arith.constant 96 : index
      %swap3A_271 = tpu.vector_load %arg11[%swap3A_269, %swap3A_270] {strides = array<i32>} : memref<40x128xf32, #tpu.memory_space<vmem>>, vector<1x16xf32>,
      %swap3A_272 = vector.shape_cast %swap3A_271 : vector<1x16xf32> to vector<16xf32>
      %swap3A_273 = vector.shape_cast %broadcast_in_dim3A_34 : vector<16xf32> to vector<1x16xf32>
      tpu.vector_store %arg11[%swap3A_269, %swap3A_270], %swap3A_273 {strides = array<i32>} : memref<40x128xf32, #tpu.memory_space<vmem>>, vector<1x16xf32>,
      %swap3A_274 = arith.index_cast %scan3A_238 : i32 to index
      %swap3A_275 = arith.constant 112 : index
      %swap3A_276 = tpu.vector_load %arg11[%swap3A_274, %swap3A_275] {strides = array<i32>} : memref<40x128xf32, #tpu.memory_space<vmem>>, vector<1x16xf32>,
      %swap3A_277 = vector.shape_cast %swap3A_276 : vector<1x16xf32> to vector<16xf32>
      %swap3A_278 = vector.shape_cast %broadcast_in_dim3A_34 : vector<16xf32> to vector<1x16xf32>
      tpu.vector_store %arg11[%swap3A_274, %swap3A_275], %swap3A_278 {strides = array<i32>} : memref<40x128xf32, #tpu.memory_space<vmem>>, vector<1x16xf32>,
      %scan3A_279 = arith.constant 0 : i32
      scf.yield %scan3A_279 : i32
    }
    %scan3A_40 = arith.constant 40 : i32
    %mul3A_41 = arith.constant 640 : i32
    %mul3A_42 = arith.muli %arg1, %mul3A_41 : i32
    %add3A_43 = arith.constant 0 : i32
    %add3A_44 = arith.addi %mul3A_42, %add3A_43 : i32
    "tpu.region"() ({
      %run_scoped3A = tpu.sem_alloc : memref<!tpu.dma_semaphore, #tpu.memory_space<semaphore_mem>>
      %dma_start3A_238 = arith.constant 0 : i32
      %dma_start3A_239 = tpu.memref_slice %arg7[%add3A_44, %dma_start3A_238] : memref<10240x128xf32, #tpu.memory_space<vmem_shared>> -> memref<40x128xf32, #tpu.memory_space<vmem_shared>>
      %dma_start3A_240 = arith.constant 0 : i32
      %dma_start3A_241 = tpu.memref_slice %arg7[%add3A_44, %dma_start3A_240] : memref<10240x128xf32, #tpu.memory_space<vmem_shared>> -> memref<40x128xf32, #tpu.memory_space<vmem_shared>>
      tpu.enqueue_dma source(%arg11 : memref<40x128xf32, #tpu.memory_space<vmem>>) target(%dma_start3A_241 : memref<40x128xf32, #tpu.memory_space<vmem_shared>>) target_semaphore(%run_scoped3A : memref<!tpu.dma_semaphore, #tpu.memory_space<semaphore_mem>>)
      %dma_wait3A_242 = arith.constant 0 : i32
      %dma_wait3A_243 = tpu.memref_slice %arg7[%add3A_44, %dma_wait3A_242] : memref<10240x128xf32, #tpu.memory_space<vmem_shared>> -> memref<40x128xf32, #tpu.memory_space<vmem_shared>>
      %dma_wait3A_244 = arith.constant 0 : i32
      %dma_wait3A_245 = tpu.memref_slice %arg7[%add3A_44, %dma_wait3A_244] : memref<10240x128xf32, #tpu.memory_space<vmem_shared>> -> memref<40x128xf32, #tpu.memory_space<vmem_shared>>
      tpu.wait_dma2 semaphore(%run_scoped3A : memref<!tpu.dma_semaphore, #tpu.memory_space<semaphore_mem>>) src(%arg11 : memref<40x128xf32, #tpu.memory_space<vmem>>) dst(%dma_wait3A_245 : memref<40x128xf32, #tpu.memory_space<vmem_shared>>)
      tpu.yield
    }) : () -> ()
    %mul3A_45 = arith.constant 640 : i32
    %mul3A_46 = arith.muli %arg1, %mul3A_45 : i32
    %add3A_47 = arith.constant 40 : i32
    %add3A_48 = arith.addi %mul3A_46, %add3A_47 : i32
    "tpu.region"() ({
      %run_scoped3A = tpu.sem_alloc : memref<!tpu.dma_semaphore, #tpu.memory_space<semaphore_mem>>
      %dma_start3A_238 = arith.constant 0 : i32
      %dma_start3A_239 = tpu.memref_slice %arg7[%add3A_48, %dma_start3A_238] : memref<10240x128xf32, #tpu.memory_space<vmem_shared>> -> memref<40x128xf32, #tpu.memory_space<vmem_shared>>
      %dma_start3A_240 = arith.constant 0 : i32
      %dma_start3A_241 = tpu.memref_slice %arg7[%add3A_48, %dma_start3A_240] : memref<10240x128xf32, #tpu.memory_space<vmem_shared>> -> memref<40x128xf32, #tpu.memory_space<vmem_shared>>
      tpu.enqueue_dma source(%arg11 : memref<40x128xf32, #tpu.memory_space<vmem>>) target(%dma_start3A_241 : memref<40x128xf32, #tpu.memory_space<vmem_shared>>) target_semaphore(%run_scoped3A : memref<!tpu.dma_semaphore, #tpu.memory_space<semaphore_mem>>)
      %dma_wait3A_242 = arith.constant 0 : i32
      %dma_wait3A_243 = tpu.memref_slice %arg7[%add3A_48, %dma_wait3A_242] : memref<10240x128xf32, #tpu.memory_space<vmem_shared>> -> memref<40x128xf32, #tpu.memory_space<vmem_shared>>
      %dma_wait3A_244 = arith.constant 0 : i32
      %dma_wait3A_245 = tpu.memref_slice %arg7[%add3A_48, %dma_wait3A_244] : memref<10240x128xf32, #tpu.memory_space<vmem_shared>> -> memref<40x128xf32, #tpu.memory_space<vmem_shared>>
      tpu.wait_dma2 semaphore(%run_scoped3A : memref<!tpu.dma_semaphore, #tpu.memory_space<semaphore_mem>>) src(%arg11 : memref<40x128xf32, #tpu.memory_space<vmem>>) dst(%dma_wait3A_245 : memref<40x128xf32, #tpu.memory_space<vmem_shared>>)
      tpu.yield
    }) : () -> ()
    %mul3A_49 = arith.constant 640 : i32
    %mul3A_50 = arith.muli %arg1, %mul3A_49 : i32
    %add3A_51 = arith.constant 80 : i32
    %add3A_52 = arith.addi %mul3A_50, %add3A_51 : i32
    "tpu.region"() ({
      %run_scoped3A = tpu.sem_alloc : memref<!tpu.dma_semaphore, #tpu.memory_space<semaphore_mem>>
      %dma_start3A_238 = arith.constant 0 : i32
      %dma_start3A_239 = tpu.memref_slice %arg7[%add3A_52, %dma_start3A_238] : memref<10240x128xf32, #tpu.memory_space<vmem_shared>> -> memref<40x128xf32, #tpu.memory_space<vmem_shared>>
      %dma_start3A_240 = arith.constant 0 : i32
      %dma_start3A_241 = tpu.memref_slice %arg7[%add3A_52, %dma_start3A_240] : memref<10240x128xf32, #tpu.memory_space<vmem_shared>> -> memref<40x128xf32, #tpu.memory_space<vmem_shared>>
      tpu.enqueue_dma source(%arg11 : memref<40x128xf32, #tpu.memory_space<vmem>>) target(%dma_start3A_241 : memref<40x128xf32, #tpu.memory_space<vmem_shared>>) target_semaphore(%run_scoped3A : memref<!tpu.dma_semaphore, #tpu.memory_space<semaphore_mem>>)
      %dma_wait3A_242 = arith.constant 0 : i32
      %dma_wait3A_243 = tpu.memref_slice %arg7[%add3A_52, %dma_wait3A_242] : memref<10240x128xf32, #tpu.memory_space<vmem_shared>> -> memref<40x128xf32, #tpu.memory_space<vmem_shared>>
      %dma_wait3A_244 = arith.constant 0 : i32
      %dma_wait3A_245 = tpu.memref_slice %arg7[%add3A_52, %dma_wait3A_244] : memref<10240x128xf32, #tpu.memory_space<vmem_shared>> -> memref<40x128xf32, #tpu.memory_space<vmem_shared>>
      tpu.wait_dma2 semaphore(%run_scoped3A : memref<!tpu.dma_semaphore, #tpu.memory_space<semaphore_mem>>) src(%arg11 : memref<40x128xf32, #tpu.memory_space<vmem>>) dst(%dma_wait3A_245 : memref<40x128xf32, #tpu.memory_space<vmem_shared>>)
      tpu.yield
    }) : () -> ()
    %mul3A_53 = arith.constant 640 : i32
    %mul3A_54 = arith.muli %arg1, %mul3A_53 : i32
    %add3A_55 = arith.constant 120 : i32
    %add3A_56 = arith.addi %mul3A_54, %add3A_55 : i32
    "tpu.region"() ({
      %run_scoped3A = tpu.sem_alloc : memref<!tpu.dma_semaphore, #tpu.memory_space<semaphore_mem>>
      %dma_start3A_238 = arith.constant 0 : i32
      %dma_start3A_239 = tpu.memref_slice %arg7[%add3A_56, %dma_start3A_238] : memref<10240x128xf32, #tpu.memory_space<vmem_shared>> -> memref<40x128xf32, #tpu.memory_space<vmem_shared>>
      %dma_start3A_240 = arith.constant 0 : i32
      %dma_start3A_241 = tpu.memref_slice %arg7[%add3A_56, %dma_start3A_240] : memref<10240x128xf32, #tpu.memory_space<vmem_shared>> -> memref<40x128xf32, #tpu.memory_space<vmem_shared>>
      tpu.enqueue_dma source(%arg11 : memref<40x128xf32, #tpu.memory_space<vmem>>) target(%dma_start3A_241 : memref<40x128xf32, #tpu.memory_space<vmem_shared>>) target_semaphore(%run_scoped3A : memref<!tpu.dma_semaphore, #tpu.memory_space<semaphore_mem>>)
      %dma_wait3A_242 = arith.constant 0 : i32
      %dma_wait3A_243 = tpu.memref_slice %arg7[%add3A_56, %dma_wait3A_242] : memref<10240x128xf32, #tpu.memory_space<vmem_shared>> -> memref<40x128xf32, #tpu.memory_space<vmem_shared>>
      %dma_wait3A_244 = arith.constant 0 : i32
      %dma_wait3A_245 = tpu.memref_slice %arg7[%add3A_56, %dma_wait3A_244] : memref<10240x128xf32, #tpu.memory_space<vmem_shared>> -> memref<40x128xf32, #tpu.memory_space<vmem_shared>>
      tpu.wait_dma2 semaphore(%run_scoped3A : memref<!tpu.dma_semaphore, #tpu.memory_space<semaphore_mem>>) src(%arg11 : memref<40x128xf32, #tpu.memory_space<vmem>>) dst(%dma_wait3A_245 : memref<40x128xf32, #tpu.memory_space<vmem_shared>>)
      tpu.yield
    }) : () -> ()
    %mul3A_57 = arith.constant 640 : i32
    %mul3A_58 = arith.muli %arg1, %mul3A_57 : i32
    %add3A_59 = arith.constant 160 : i32
    %add3A_60 = arith.addi %mul3A_58, %add3A_59 : i32
    "tpu.region"() ({
      %run_scoped3A = tpu.sem_alloc : memref<!tpu.dma_semaphore, #tpu.memory_space<semaphore_mem>>
      %dma_start3A_238 = arith.constant 0 : i32
      %dma_start3A_239 = tpu.memref_slice %arg7[%add3A_60, %dma_start3A_238] : memref<10240x128xf32, #tpu.memory_space<vmem_shared>> -> memref<40x128xf32, #tpu.memory_space<vmem_shared>>
      %dma_start3A_240 = arith.constant 0 : i32
      %dma_start3A_241 = tpu.memref_slice %arg7[%add3A_60, %dma_start3A_240] : memref<10240x128xf32, #tpu.memory_space<vmem_shared>> -> memref<40x128xf32, #tpu.memory_space<vmem_shared>>
      tpu.enqueue_dma source(%arg11 : memref<40x128xf32, #tpu.memory_space<vmem>>) target(%dma_start3A_241 : memref<40x128xf32, #tpu.memory_space<vmem_shared>>) target_semaphore(%run_scoped3A : memref<!tpu.dma_semaphore, #tpu.memory_space<semaphore_mem>>)
      %dma_wait3A_242 = arith.constant 0 : i32
      %dma_wait3A_243 = tpu.memref_slice %arg7[%add3A_60, %dma_wait3A_242] : memref<10240x128xf32, #tpu.memory_space<vmem_shared>> -> memref<40x128xf32, #tpu.memory_space<vmem_shared>>
      %dma_wait3A_244 = arith.constant 0 : i32
      %dma_wait3A_245 = tpu.memref_slice %arg7[%add3A_60, %dma_wait3A_244] : memref<10240x128xf32, #tpu.memory_space<vmem_shared>> -> memref<40x128xf32, #tpu.memory_space<vmem_shared>>
      tpu.wait_dma2 semaphore(%run_scoped3A : memref<!tpu.dma_semaphore, #tpu.memory_space<semaphore_mem>>) src(%arg11 : memref<40x128xf32, #tpu.memory_space<vmem>>) dst(%dma_wait3A_245 : memref<40x128xf32, #tpu.memory_space<vmem_shared>>)
      tpu.yield
    }) : () -> ()
    %mul3A_61 = arith.constant 640 : i32
    %mul3A_62 = arith.muli %arg1, %mul3A_61 : i32
    %add3A_63 = arith.constant 200 : i32
    %add3A_64 = arith.addi %mul3A_62, %add3A_63 : i32
    "tpu.region"() ({
      %run_scoped3A = tpu.sem_alloc : memref<!tpu.dma_semaphore, #tpu.memory_space<semaphore_mem>>
      %dma_start3A_238 = arith.constant 0 : i32
      %dma_start3A_239 = tpu.memref_slice %arg7[%add3A_64, %dma_start3A_238] : memref<10240x128xf32, #tpu.memory_space<vmem_shared>> -> memref<40x128xf32, #tpu.memory_space<vmem_shared>>
      %dma_start3A_240 = arith.constant 0 : i32
      %dma_start3A_241 = tpu.memref_slice %arg7[%add3A_64, %dma_start3A_240] : memref<10240x128xf32, #tpu.memory_space<vmem_shared>> -> memref<40x128xf32, #tpu.memory_space<vmem_shared>>
      tpu.enqueue_dma source(%arg11 : memref<40x128xf32, #tpu.memory_space<vmem>>) target(%dma_start3A_241 : memref<40x128xf32, #tpu.memory_space<vmem_shared>>) target_semaphore(%run_scoped3A : memref<!tpu.dma_semaphore, #tpu.memory_space<semaphore_mem>>)
      %dma_wait3A_242 = arith.constant 0 : i32
      %dma_wait3A_243 = tpu.memref_slice %arg7[%add3A_64, %dma_wait3A_242] : memref<10240x128xf32, #tpu.memory_space<vmem_shared>> -> memref<40x128xf32, #tpu.memory_space<vmem_shared>>
      %dma_wait3A_244 = arith.constant 0 : i32
      %dma_wait3A_245 = tpu.memref_slice %arg7[%add3A_64, %dma_wait3A_244] : memref<10240x128xf32, #tpu.memory_space<vmem_shared>> -> memref<40x128xf32, #tpu.memory_space<vmem_shared>>
      tpu.wait_dma2 semaphore(%run_scoped3A : memref<!tpu.dma_semaphore, #tpu.memory_space<semaphore_mem>>) src(%arg11 : memref<40x128xf32, #tpu.memory_space<vmem>>) dst(%dma_wait3A_245 : memref<40x128xf32, #tpu.memory_space<vmem_shared>>)
      tpu.yield
    }) : () -> ()
    %mul3A_65 = arith.constant 640 : i32
    %mul3A_66 = arith.muli %arg1, %mul3A_65 : i32
    %add3A_67 = arith.constant 240 : i32
    %add3A_68 = arith.addi %mul3A_66, %add3A_67 : i32
    "tpu.region"() ({
      %run_scoped3A = tpu.sem_alloc : memref<!tpu.dma_semaphore, #tpu.memory_space<semaphore_mem>>
      %dma_start3A_238 = arith.constant 0 : i32
      %dma_start3A_239 = tpu.memref_slice %arg7[%add3A_68, %dma_start3A_238] : memref<10240x128xf32, #tpu.memory_space<vmem_shared>> -> memref<40x128xf32, #tpu.memory_space<vmem_shared>>
      %dma_start3A_240 = arith.constant 0 : i32
      %dma_start3A_241 = tpu.memref_slice %arg7[%add3A_68, %dma_start3A_240] : memref<10240x128xf32, #tpu.memory_space<vmem_shared>> -> memref<40x128xf32, #tpu.memory_space<vmem_shared>>
      tpu.enqueue_dma source(%arg11 : memref<40x128xf32, #tpu.memory_space<vmem>>) target(%dma_start3A_241 : memref<40x128xf32, #tpu.memory_space<vmem_shared>>) target_semaphore(%run_scoped3A : memref<!tpu.dma_semaphore, #tpu.memory_space<semaphore_mem>>)
      %dma_wait3A_242 = arith.constant 0 : i32
      %dma_wait3A_243 = tpu.memref_slice %arg7[%add3A_68, %dma_wait3A_242] : memref<10240x128xf32, #tpu.memory_space<vmem_shared>> -> memref<40x128xf32, #tpu.memory_space<vmem_shared>>
      %dma_wait3A_244 = arith.constant 0 : i32
      %dma_wait3A_245 = tpu.memref_slice %arg7[%add3A_68, %dma_wait3A_244] : memref<10240x128xf32, #tpu.memory_space<vmem_shared>> -> memref<40x128xf32, #tpu.memory_space<vmem_shared>>
      tpu.wait_dma2 semaphore(%run_scoped3A : memref<!tpu.dma_semaphore, #tpu.memory_space<semaphore_mem>>) src(%arg11 : memref<40x128xf32, #tpu.memory_space<vmem>>) dst(%dma_wait3A_245 : memref<40x128xf32, #tpu.memory_space<vmem_shared>>)
      tpu.yield
    }) : () -> ()
    %mul3A_69 = arith.constant 640 : i32
    %mul3A_70 = arith.muli %arg1, %mul3A_69 : i32
    %add3A_71 = arith.constant 280 : i32
    %add3A_72 = arith.addi %mul3A_70, %add3A_71 : i32
    "tpu.region"() ({
      %run_scoped3A = tpu.sem_alloc : memref<!tpu.dma_semaphore, #tpu.memory_space<semaphore_mem>>
      %dma_start3A_238 = arith.constant 0 : i32
      %dma_start3A_239 = tpu.memref_slice %arg7[%add3A_72, %dma_start3A_238] : memref<10240x128xf32, #tpu.memory_space<vmem_shared>> -> memref<40x128xf32, #tpu.memory_space<vmem_shared>>
      %dma_start3A_240 = arith.constant 0 : i32
      %dma_start3A_241 = tpu.memref_slice %arg7[%add3A_72, %dma_start3A_240] : memref<10240x128xf32, #tpu.memory_space<vmem_shared>> -> memref<40x128xf32, #tpu.memory_space<vmem_shared>>
      tpu.enqueue_dma source(%arg11 : memref<40x128xf32, #tpu.memory_space<vmem>>) target(%dma_start3A_241 : memref<40x128xf32, #tpu.memory_space<vmem_shared>>) target_semaphore(%run_scoped3A : memref<!tpu.dma_semaphore, #tpu.memory_space<semaphore_mem>>)
      %dma_wait3A_242 = arith.constant 0 : i32
      %dma_wait3A_243 = tpu.memref_slice %arg7[%add3A_72, %dma_wait3A_242] : memref<10240x128xf32, #tpu.memory_space<vmem_shared>> -> memref<40x128xf32, #tpu.memory_space<vmem_shared>>
      %dma_wait3A_244 = arith.constant 0 : i32
      %dma_wait3A_245 = tpu.memref_slice %arg7[%add3A_72, %dma_wait3A_244] : memref<10240x128xf32, #tpu.memory_space<vmem_shared>> -> memref<40x128xf32, #tpu.memory_space<vmem_shared>>
      tpu.wait_dma2 semaphore(%run_scoped3A : memref<!tpu.dma_semaphore, #tpu.memory_space<semaphore_mem>>) src(%arg11 : memref<40x128xf32, #tpu.memory_space<vmem>>) dst(%dma_wait3A_245 : memref<40x128xf32, #tpu.memory_space<vmem_shared>>)
      tpu.yield
    }) : () -> ()
    %mul3A_73 = arith.constant 640 : i32
    %mul3A_74 = arith.muli %arg1, %mul3A_73 : i32
    %add3A_75 = arith.constant 320 : i32
    %add3A_76 = arith.addi %mul3A_74, %add3A_75 : i32
    "tpu.region"() ({
      %run_scoped3A = tpu.sem_alloc : memref<!tpu.dma_semaphore, #tpu.memory_space<semaphore_mem>>
      %dma_start3A_238 = arith.constant 0 : i32
      %dma_start3A_239 = tpu.memref_slice %arg7[%add3A_76, %dma_start3A_238] : memref<10240x128xf32, #tpu.memory_space<vmem_shared>> -> memref<40x128xf32, #tpu.memory_space<vmem_shared>>
      %dma_start3A_240 = arith.constant 0 : i32
      %dma_start3A_241 = tpu.memref_slice %arg7[%add3A_76, %dma_start3A_240] : memref<10240x128xf32, #tpu.memory_space<vmem_shared>> -> memref<40x128xf32, #tpu.memory_space<vmem_shared>>
      tpu.enqueue_dma source(%arg11 : memref<40x128xf32, #tpu.memory_space<vmem>>) target(%dma_start3A_241 : memref<40x128xf32, #tpu.memory_space<vmem_shared>>) target_semaphore(%run_scoped3A : memref<!tpu.dma_semaphore, #tpu.memory_space<semaphore_mem>>)
      %dma_wait3A_242 = arith.constant 0 : i32
      %dma_wait3A_243 = tpu.memref_slice %arg7[%add3A_76, %dma_wait3A_242] : memref<10240x128xf32, #tpu.memory_space<vmem_shared>> -> memref<40x128xf32, #tpu.memory_space<vmem_shared>>
      %dma_wait3A_244 = arith.constant 0 : i32
      %dma_wait3A_245 = tpu.memref_slice %arg7[%add3A_76, %dma_wait3A_244] : memref<10240x128xf32, #tpu.memory_space<vmem_shared>> -> memref<40x128xf32, #tpu.memory_space<vmem_shared>>
      tpu.wait_dma2 semaphore(%run_scoped3A : memref<!tpu.dma_semaphore, #tpu.memory_space<semaphore_mem>>) src(%arg11 : memref<40x128xf32, #tpu.memory_space<vmem>>) dst(%dma_wait3A_245 : memref<40x128xf32, #tpu.memory_space<vmem_shared>>)
      tpu.yield
    }) : () -> ()
    %mul3A_77 = arith.constant 640 : i32
    %mul3A_78 = arith.muli %arg1, %mul3A_77 : i32
    %add3A_79 = arith.constant 360 : i32
    %add3A_80 = arith.addi %mul3A_78, %add3A_79 : i32
    "tpu.region"() ({
      %run_scoped3A = tpu.sem_alloc : memref<!tpu.dma_semaphore, #tpu.memory_space<semaphore_mem>>
      %dma_start3A_238 = arith.constant 0 : i32
      %dma_start3A_239 = tpu.memref_slice %arg7[%add3A_80, %dma_start3A_238] : memref<10240x128xf32, #tpu.memory_space<vmem_shared>> -> memref<40x128xf32, #tpu.memory_space<vmem_shared>>
      %dma_start3A_240 = arith.constant 0 : i32
      %dma_start3A_241 = tpu.memref_slice %arg7[%add3A_80, %dma_start3A_240] : memref<10240x128xf32, #tpu.memory_space<vmem_shared>> -> memref<40x128xf32, #tpu.memory_space<vmem_shared>>
      tpu.enqueue_dma source(%arg11 : memref<40x128xf32, #tpu.memory_space<vmem>>) target(%dma_start3A_241 : memref<40x128xf32, #tpu.memory_space<vmem_shared>>) target_semaphore(%run_scoped3A : memref<!tpu.dma_semaphore, #tpu.memory_space<semaphore_mem>>)
      %dma_wait3A_242 = arith.constant 0 : i32
      %dma_wait3A_243 = tpu.memref_slice %arg7[%add3A_80, %dma_wait3A_242] : memref<10240x128xf32, #tpu.memory_space<vmem_shared>> -> memref<40x128xf32, #tpu.memory_space<vmem_shared>>
      %dma_wait3A_244 = arith.constant 0 : i32
      %dma_wait3A_245 = tpu.memref_slice %arg7[%add3A_80, %dma_wait3A_244] : memref<10240x128xf32, #tpu.memory_space<vmem_shared>> -> memref<40x128xf32, #tpu.memory_space<vmem_shared>>
      tpu.wait_dma2 semaphore(%run_scoped3A : memref<!tpu.dma_semaphore, #tpu.memory_space<semaphore_mem>>) src(%arg11 : memref<40x128xf32, #tpu.memory_space<vmem>>) dst(%dma_wait3A_245 : memref<40x128xf32, #tpu.memory_space<vmem_shared>>)
      tpu.yield
    }) : () -> ()
    %mul3A_81 = arith.constant 640 : i32
    %mul3A_82 = arith.muli %arg1, %mul3A_81 : i32
    %add3A_83 = arith.constant 400 : i32
    %add3A_84 = arith.addi %mul3A_82, %add3A_83 : i32
    "tpu.region"() ({
      %run_scoped3A = tpu.sem_alloc : memref<!tpu.dma_semaphore, #tpu.memory_space<semaphore_mem>>
      %dma_start3A_238 = arith.constant 0 : i32
      %dma_start3A_239 = tpu.memref_slice %arg7[%add3A_84, %dma_start3A_238] : memref<10240x128xf32, #tpu.memory_space<vmem_shared>> -> memref<40x128xf32, #tpu.memory_space<vmem_shared>>
      %dma_start3A_240 = arith.constant 0 : i32
      %dma_start3A_241 = tpu.memref_slice %arg7[%add3A_84, %dma_start3A_240] : memref<10240x128xf32, #tpu.memory_space<vmem_shared>> -> memref<40x128xf32, #tpu.memory_space<vmem_shared>>
      tpu.enqueue_dma source(%arg11 : memref<40x128xf32, #tpu.memory_space<vmem>>) target(%dma_start3A_241 : memref<40x128xf32, #tpu.memory_space<vmem_shared>>) target_semaphore(%run_scoped3A : memref<!tpu.dma_semaphore, #tpu.memory_space<semaphore_mem>>)
      %dma_wait3A_242 = arith.constant 0 : i32
      %dma_wait3A_243 = tpu.memref_slice %arg7[%add3A_84, %dma_wait3A_242] : memref<10240x128xf32, #tpu.memory_space<vmem_shared>> -> memref<40x128xf32, #tpu.memory_space<vmem_shared>>
      %dma_wait3A_244 = arith.constant 0 : i32
      %dma_wait3A_245 = tpu.memref_slice %arg7[%add3A_84, %dma_wait3A_244] : memref<10240x128xf32, #tpu.memory_space<vmem_shared>> -> memref<40x128xf32, #tpu.memory_space<vmem_shared>>
      tpu.wait_dma2 semaphore(%run_scoped3A : memref<!tpu.dma_semaphore, #tpu.memory_space<semaphore_mem>>) src(%arg11 : memref<40x128xf32, #tpu.memory_space<vmem>>) dst(%dma_wait3A_245 : memref<40x128xf32, #tpu.memory_space<vmem_shared>>)
      tpu.yield
    }) : () -> ()
    %mul3A_85 = arith.constant 640 : i32
    %mul3A_86 = arith.muli %arg1, %mul3A_85 : i32
    %add3A_87 = arith.constant 440 : i32
    %add3A_88 = arith.addi %mul3A_86, %add3A_87 : i32
    "tpu.region"() ({
      %run_scoped3A = tpu.sem_alloc : memref<!tpu.dma_semaphore, #tpu.memory_space<semaphore_mem>>
      %dma_start3A_238 = arith.constant 0 : i32
      %dma_start3A_239 = tpu.memref_slice %arg7[%add3A_88, %dma_start3A_238] : memref<10240x128xf32, #tpu.memory_space<vmem_shared>> -> memref<40x128xf32, #tpu.memory_space<vmem_shared>>
      %dma_start3A_240 = arith.constant 0 : i32
      %dma_start3A_241 = tpu.memref_slice %arg7[%add3A_88, %dma_start3A_240] : memref<10240x128xf32, #tpu.memory_space<vmem_shared>> -> memref<40x128xf32, #tpu.memory_space<vmem_shared>>
      tpu.enqueue_dma source(%arg11 : memref<40x128xf32, #tpu.memory_space<vmem>>) target(%dma_start3A_241 : memref<40x128xf32, #tpu.memory_space<vmem_shared>>) target_semaphore(%run_scoped3A : memref<!tpu.dma_semaphore, #tpu.memory_space<semaphore_mem>>)
      %dma_wait3A_242 = arith.constant 0 : i32
      %dma_wait3A_243 = tpu.memref_slice %arg7[%add3A_88, %dma_wait3A_242] : memref<10240x128xf32, #tpu.memory_space<vmem_shared>> -> memref<40x128xf32, #tpu.memory_space<vmem_shared>>
      %dma_wait3A_244 = arith.constant 0 : i32
      %dma_wait3A_245 = tpu.memref_slice %arg7[%add3A_88, %dma_wait3A_244] : memref<10240x128xf32, #tpu.memory_space<vmem_shared>> -> memref<40x128xf32, #tpu.memory_space<vmem_shared>>
      tpu.wait_dma2 semaphore(%run_scoped3A : memref<!tpu.dma_semaphore, #tpu.memory_space<semaphore_mem>>) src(%arg11 : memref<40x128xf32, #tpu.memory_space<vmem>>) dst(%dma_wait3A_245 : memref<40x128xf32, #tpu.memory_space<vmem_shared>>)
      tpu.yield
    }) : () -> ()
    %mul3A_89 = arith.constant 640 : i32
    %mul3A_90 = arith.muli %arg1, %mul3A_89 : i32
    %add3A_91 = arith.constant 480 : i32
    %add3A_92 = arith.addi %mul3A_90, %add3A_91 : i32
    "tpu.region"() ({
      %run_scoped3A = tpu.sem_alloc : memref<!tpu.dma_semaphore, #tpu.memory_space<semaphore_mem>>
      %dma_start3A_238 = arith.constant 0 : i32
      %dma_start3A_239 = tpu.memref_slice %arg7[%add3A_92, %dma_start3A_238] : memref<10240x128xf32, #tpu.memory_space<vmem_shared>> -> memref<40x128xf32, #tpu.memory_space<vmem_shared>>
      %dma_start3A_240 = arith.constant 0 : i32
      %dma_start3A_241 = tpu.memref_slice %arg7[%add3A_92, %dma_start3A_240] : memref<10240x128xf32, #tpu.memory_space<vmem_shared>> -> memref<40x128xf32, #tpu.memory_space<vmem_shared>>
      tpu.enqueue_dma source(%arg11 : memref<40x128xf32, #tpu.memory_space<vmem>>) target(%dma_start3A_241 : memref<40x128xf32, #tpu.memory_space<vmem_shared>>) target_semaphore(%run_scoped3A : memref<!tpu.dma_semaphore, #tpu.memory_space<semaphore_mem>>)
      %dma_wait3A_242 = arith.constant 0 : i32
      %dma_wait3A_243 = tpu.memref_slice %arg7[%add3A_92, %dma_wait3A_242] : memref<10240x128xf32, #tpu.memory_space<vmem_shared>> -> memref<40x128xf32, #tpu.memory_space<vmem_shared>>
      %dma_wait3A_244 = arith.constant 0 : i32
      %dma_wait3A_245 = tpu.memref_slice %arg7[%add3A_92, %dma_wait3A_244] : memref<10240x128xf32, #tpu.memory_space<vmem_shared>> -> memref<40x128xf32, #tpu.memory_space<vmem_shared>>
      tpu.wait_dma2 semaphore(%run_scoped3A : memref<!tpu.dma_semaphore, #tpu.memory_space<semaphore_mem>>) src(%arg11 : memref<40x128xf32, #tpu.memory_space<vmem>>) dst(%dma_wait3A_245 : memref<40x128xf32, #tpu.memory_space<vmem_shared>>)
      tpu.yield
    }) : () -> ()
    %mul3A_93 = arith.constant 640 : i32
    %mul3A_94 = arith.muli %arg1, %mul3A_93 : i32
    %add3A_95 = arith.constant 520 : i32
    %add3A_96 = arith.addi %mul3A_94, %add3A_95 : i32
    "tpu.region"() ({
      %run_scoped3A = tpu.sem_alloc : memref<!tpu.dma_semaphore, #tpu.memory_space<semaphore_mem>>
      %dma_start3A_238 = arith.constant 0 : i32
      %dma_start3A_239 = tpu.memref_slice %arg7[%add3A_96, %dma_start3A_238] : memref<10240x128xf32, #tpu.memory_space<vmem_shared>> -> memref<40x128xf32, #tpu.memory_space<vmem_shared>>
      %dma_start3A_240 = arith.constant 0 : i32
      %dma_start3A_241 = tpu.memref_slice %arg7[%add3A_96, %dma_start3A_240] : memref<10240x128xf32, #tpu.memory_space<vmem_shared>> -> memref<40x128xf32, #tpu.memory_space<vmem_shared>>
      tpu.enqueue_dma source(%arg11 : memref<40x128xf32, #tpu.memory_space<vmem>>) target(%dma_start3A_241 : memref<40x128xf32, #tpu.memory_space<vmem_shared>>) target_semaphore(%run_scoped3A : memref<!tpu.dma_semaphore, #tpu.memory_space<semaphore_mem>>)
      %dma_wait3A_242 = arith.constant 0 : i32
      %dma_wait3A_243 = tpu.memref_slice %arg7[%add3A_96, %dma_wait3A_242] : memref<10240x128xf32, #tpu.memory_space<vmem_shared>> -> memref<40x128xf32, #tpu.memory_space<vmem_shared>>
      %dma_wait3A_244 = arith.constant 0 : i32
      %dma_wait3A_245 = tpu.memref_slice %arg7[%add3A_96, %dma_wait3A_244] : memref<10240x128xf32, #tpu.memory_space<vmem_shared>> -> memref<40x128xf32, #tpu.memory_space<vmem_shared>>
      tpu.wait_dma2 semaphore(%run_scoped3A : memref<!tpu.dma_semaphore, #tpu.memory_space<semaphore_mem>>) src(%arg11 : memref<40x128xf32, #tpu.memory_space<vmem>>) dst(%dma_wait3A_245 : memref<40x128xf32, #tpu.memory_space<vmem_shared>>)
      tpu.yield
    }) : () -> ()
    %mul3A_97 = arith.constant 640 : i32
    %mul3A_98 = arith.muli %arg1, %mul3A_97 : i32
    %add3A_99 = arith.constant 560 : i32
    %add3A_100 = arith.addi %mul3A_98, %add3A_99 : i32
    "tpu.region"() ({
      %run_scoped3A = tpu.sem_alloc : memref<!tpu.dma_semaphore, #tpu.memory_space<semaphore_mem>>
      %dma_start3A_238 = arith.constant 0 : i32
      %dma_start3A_239 = tpu.memref_slice %arg7[%add3A_100, %dma_start3A_238] : memref<10240x128xf32, #tpu.memory_space<vmem_shared>> -> memref<40x128xf32, #tpu.memory_space<vmem_shared>>
      %dma_start3A_240 = arith.constant 0 : i32
      %dma_start3A_241 = tpu.memref_slice %arg7[%add3A_100, %dma_start3A_240] : memref<10240x128xf32, #tpu.memory_space<vmem_shared>> -> memref<40x128xf32, #tpu.memory_space<vmem_shared>>
      tpu.enqueue_dma source(%arg11 : memref<40x128xf32, #tpu.memory_space<vmem>>) target(%dma_start3A_241 : memref<40x128xf32, #tpu.memory_space<vmem_shared>>) target_semaphore(%run_scoped3A : memref<!tpu.dma_semaphore, #tpu.memory_space<semaphore_mem>>)
      %dma_wait3A_242 = arith.constant 0 : i32
      %dma_wait3A_243 = tpu.memref_slice %arg7[%add3A_100, %dma_wait3A_242] : memref<10240x128xf32, #tpu.memory_space<vmem_shared>> -> memref<40x128xf32, #tpu.memory_space<vmem_shared>>
      %dma_wait3A_244 = arith.constant 0 : i32
      %dma_wait3A_245 = tpu.memref_slice %arg7[%add3A_100, %dma_wait3A_244] : memref<10240x128xf32, #tpu.memory_space<vmem_shared>> -> memref<40x128xf32, #tpu.memory_space<vmem_shared>>
      tpu.wait_dma2 semaphore(%run_scoped3A : memref<!tpu.dma_semaphore, #tpu.memory_space<semaphore_mem>>) src(%arg11 : memref<40x128xf32, #tpu.memory_space<vmem>>) dst(%dma_wait3A_245 : memref<40x128xf32, #tpu.memory_space<vmem_shared>>)
      tpu.yield
    }) : () -> ()
    %mul3A_101 = arith.constant 640 : i32
    %mul3A_102 = arith.muli %arg1, %mul3A_101 : i32
    %add3A_103 = arith.constant 600 : i32
    %add3A_104 = arith.addi %mul3A_102, %add3A_103 : i32
    "tpu.region"() ({
      %run_scoped3A = tpu.sem_alloc : memref<!tpu.dma_semaphore, #tpu.memory_space<semaphore_mem>>
      %dma_start3A_238 = arith.constant 0 : i32
      %dma_start3A_239 = tpu.memref_slice %arg7[%add3A_104, %dma_start3A_238] : memref<10240x128xf32, #tpu.memory_space<vmem_shared>> -> memref<40x128xf32, #tpu.memory_space<vmem_shared>>
      %dma_start3A_240 = arith.constant 0 : i32
      %dma_start3A_241 = tpu.memref_slice %arg7[%add3A_104, %dma_start3A_240] : memref<10240x128xf32, #tpu.memory_space<vmem_shared>> -> memref<40x128xf32, #tpu.memory_space<vmem_shared>>
      tpu.enqueue_dma source(%arg11 : memref<40x128xf32, #tpu.memory_space<vmem>>) target(%dma_start3A_241 : memref<40x128xf32, #tpu.memory_space<vmem_shared>>) target_semaphore(%run_scoped3A : memref<!tpu.dma_semaphore, #tpu.memory_space<semaphore_mem>>)
      %dma_wait3A_242 = arith.constant 0 : i32
      %dma_wait3A_243 = tpu.memref_slice %arg7[%add3A_104, %dma_wait3A_242] : memref<10240x128xf32, #tpu.memory_space<vmem_shared>> -> memref<40x128xf32, #tpu.memory_space<vmem_shared>>
      %dma_wait3A_244 = arith.constant 0 : i32
      %dma_wait3A_245 = tpu.memref_slice %arg7[%add3A_104, %dma_wait3A_244] : memref<10240x128xf32, #tpu.memory_space<vmem_shared>> -> memref<40x128xf32, #tpu.memory_space<vmem_shared>>
      tpu.wait_dma2 semaphore(%run_scoped3A : memref<!tpu.dma_semaphore, #tpu.memory_space<semaphore_mem>>) src(%arg11 : memref<40x128xf32, #tpu.memory_space<vmem>>) dst(%dma_wait3A_245 : memref<40x128xf32, #tpu.memory_space<vmem_shared>>)
      tpu.yield
    }) : () -> ()
    %barrier3A = arith.constant 0 : index
    tpu.barrier barrier_id(%barrier3A)
    %scan3A_105 = arith.constant 0 : i32
    %scan3A_106 = arith.constant 0 : i32
    %scan3A_107 = arith.constant 41 : i32
    %scan3A_108 = arith.addi %scan3A_106, %scan3A_107 : i32
    %scan3A_109 = arith.constant 1 : i32
    %scan3A_110 = scf.for %scan3A_238 = %scan3A_106 to %scan3A_108 step %scan3A_109 iter_args(%scan3A_239 = %scan3A_105) -> (i32)  : i32 {
      %mul3A_240 = arith.constant 3 : i32
      %mul3A_241 = arith.muli %mul3A_240, %scan3A_238 : i32
      %dma_wait3A_242 = arith.constant 0 : i32
      %dma_wait3A_243 = tpu.memref_slice %arg3[%mul3A_2, %dma_wait3A_242] : memref<320000x128xf32, #tpu.memory_space<hbm>> -> memref<40x128xf32, #tpu.memory_space<hbm>>
      %dma_wait3A_244 = arith.constant 0 : i32
      %dma_wait3A_245 = tpu.memref_slice %arg3[%mul3A_2, %dma_wait3A_244] : memref<320000x128xf32, #tpu.memory_space<hbm>> -> memref<40x128xf32, #tpu.memory_space<hbm>>
      tpu.wait_dma2 semaphore(%arg18 : memref<!tpu.dma_semaphore, #tpu.memory_space<semaphore_mem>>) src(%dma_wait3A_245 : memref<40x128xf32, #tpu.memory_space<hbm>>) dst(%arg9 : memref<40x128xf32, #tpu.memory_space<vmem>>)
      %dma_wait3A_246 = arith.constant 0 : i32
      %dma_wait3A_247 = tpu.memref_slice %arg8[%dma_wait3A_246] : memref<5000xi32, #tpu.memory_space<vmem>> -> memref<40xi32, #tpu.memory_space<vmem>>
      %dma_wait3A_248 = arith.constant 0 : i32
      %dma_wait3A_249 = arith.constant 0 : i32
      %dma_wait3A_250 = tpu.memref_slice %arg2[%dma_wait3A_248, %dma_wait3A_249] : memref<10000x128xf32, #tpu.memory_space<hbm>> -> memref<10000x128xf32, #tpu.memory_space<hbm>>
      tpu.wait_indirect_dma semaphore(%arg21 : memref<!tpu.dma_semaphore, #tpu.memory_space<semaphore_mem>>) src(%dma_wait3A_250 : memref<10000x128xf32, #tpu.memory_space<hbm>>) dst(%arg12 : memref<40x128xf32, #tpu.memory_space<vmem>>)
      %dma_wait3A_251 = tpu.memref_slice %arg5[%mul3A_2] : memref<320000xi32, #tpu.memory_space<hbm>> -> memref<40xi32, #tpu.memory_space<hbm>>
      %dma_wait3A_252 = tpu.memref_slice %arg5[%mul3A_2] : memref<320000xi32, #tpu.memory_space<hbm>> -> memref<40xi32, #tpu.memory_space<hbm>>
      tpu.wait_dma2 semaphore(%arg27 : memref<!tpu.dma_semaphore, #tpu.memory_space<semaphore_mem>>) src(%dma_wait3A_252 : memref<40xi32, #tpu.memory_space<hbm>>) dst(%arg15 : memref<40xi32, #tpu.memory_space<vmem>>)
      %parallel_loop3A_253 = arith.constant 0 : i32
      %parallel_loop3A_254 = arith.constant 40 : i32
      %parallel_loop3A_255 = arith.constant 1 : i32
      scf.for %parallel_loop3A_366 = %parallel_loop3A_253 to %parallel_loop3A_254 step %parallel_loop3A_255  : i32 {
        %parallel_loop3A_367 = arith.index_cast %parallel_loop3A_366 : i32 to index
        %parallel_loop3A_368 = arith.constant 0 : index
        %parallel_loop3A_369 = tpu.vector_load %arg12[%parallel_loop3A_367, %parallel_loop3A_368] {strides = array<i32>} : memref<40x128xf32, #tpu.memory_space<vmem>>, vector<1x16xf32>,
        %parallel_loop3A_370 = vector.shape_cast %parallel_loop3A_369 : vector<1x16xf32> to vector<16xf32>
        %parallel_loop3A_371 = arith.index_cast %parallel_loop3A_366 : i32 to index
        %parallel_loop3A_372 = arith.constant 0 : index
        %parallel_loop3A_373 = tpu.vector_load %arg9[%parallel_loop3A_371, %parallel_loop3A_372] {strides = array<i32>} : memref<40x128xf32, #tpu.memory_space<vmem>>, vector<1x16xf32>,
        %parallel_loop3A_374 = vector.shape_cast %parallel_loop3A_373 : vector<1x16xf32> to vector<16xf32>
        %parallel_loop3A_375 = arith.addf %parallel_loop3A_370, %parallel_loop3A_374 : vector<16xf32>
        %parallel_loop3A_376 = arith.constant 0.000000e+00 : f32
        %parallel_loop3A_377 = vector.broadcast %parallel_loop3A_376 : f32 to vector<16xf32>
        %parallel_loop3A_378 = arith.maximumf %parallel_loop3A_375, %parallel_loop3A_377 : vector<16xf32>
        %parallel_loop3A_379 = arith.index_cast %parallel_loop3A_366 : i32 to index
        %parallel_loop3A_380 = arith.constant 0 : index
        %parallel_loop3A_381 = tpu.vector_load %arg9[%parallel_loop3A_379, %parallel_loop3A_380] {strides = array<i32>} : memref<40x128xf32, #tpu.memory_space<vmem>>, vector<1x16xf32>,
        %parallel_loop3A_382 = vector.shape_cast %parallel_loop3A_381 : vector<1x16xf32> to vector<16xf32>
        %parallel_loop3A_383 = vector.shape_cast %parallel_loop3A_378 : vector<16xf32> to vector<1x16xf32>
        tpu.vector_store %arg9[%parallel_loop3A_379, %parallel_loop3A_380], %parallel_loop3A_383 {strides = array<i32>} : memref<40x128xf32, #tpu.memory_space<vmem>>, vector<1x16xf32>,
        %parallel_loop3A_384 = arith.index_cast %parallel_loop3A_366 : i32 to index
        %parallel_loop3A_385 = arith.constant 16 : index
        %parallel_loop3A_386 = tpu.vector_load %arg12[%parallel_loop3A_384, %parallel_loop3A_385] {strides = array<i32>} : memref<40x128xf32, #tpu.memory_space<vmem>>, vector<1x16xf32>,
        %parallel_loop3A_387 = vector.shape_cast %parallel_loop3A_386 : vector<1x16xf32> to vector<16xf32>
        %parallel_loop3A_388 = arith.index_cast %parallel_loop3A_366 : i32 to index
        %parallel_loop3A_389 = arith.constant 16 : index
        %parallel_loop3A_390 = tpu.vector_load %arg9[%parallel_loop3A_388, %parallel_loop3A_389] {strides = array<i32>} : memref<40x128xf32, #tpu.memory_space<vmem>>, vector<1x16xf32>,
        %parallel_loop3A_391 = vector.shape_cast %parallel_loop3A_390 : vector<1x16xf32> to vector<16xf32>
        %parallel_loop3A_392 = arith.addf %parallel_loop3A_387, %parallel_loop3A_391 : vector<16xf32>
        %parallel_loop3A_393 = arith.constant 0.000000e+00 : f32
        %parallel_loop3A_394 = vector.broadcast %parallel_loop3A_393 : f32 to vector<16xf32>
        %parallel_loop3A_395 = arith.maximumf %parallel_loop3A_392, %parallel_loop3A_394 : vector<16xf32>
        %parallel_loop3A_396 = arith.index_cast %parallel_loop3A_366 : i32 to index
        %parallel_loop3A_397 = arith.constant 16 : index
        %parallel_loop3A_398 = tpu.vector_load %arg9[%parallel_loop3A_396, %parallel_loop3A_397] {strides = array<i32>} : memref<40x128xf32, #tpu.memory_space<vmem>>, vector<1x16xf32>,
        %parallel_loop3A_399 = vector.shape_cast %parallel_loop3A_398 : vector<1x16xf32> to vector<16xf32>
        %parallel_loop3A_400 = vector.shape_cast %parallel_loop3A_395 : vector<16xf32> to vector<1x16xf32>
        tpu.vector_store %arg9[%parallel_loop3A_396, %parallel_loop3A_397], %parallel_loop3A_400 {strides = array<i32>} : memref<40x128xf32, #tpu.memory_space<vmem>>, vector<1x16xf32>,
        %parallel_loop3A_401 = arith.index_cast %parallel_loop3A_366 : i32 to index
        %parallel_loop3A_402 = arith.constant 32 : index
        %parallel_loop3A_403 = tpu.vector_load %arg12[%parallel_loop3A_401, %parallel_loop3A_402] {strides = array<i32>} : memref<40x128xf32, #tpu.memory_space<vmem>>, vector<1x16xf32>,
        %parallel_loop3A_404 = vector.shape_cast %parallel_loop3A_403 : vector<1x16xf32> to vector<16xf32>
        %parallel_loop3A_405 = arith.index_cast %parallel_loop3A_366 : i32 to index
        %parallel_loop3A_406 = arith.constant 32 : index
        %parallel_loop3A_407 = tpu.vector_load %arg9[%parallel_loop3A_405, %parallel_loop3A_406] {strides = array<i32>} : memref<40x128xf32, #tpu.memory_space<vmem>>, vector<1x16xf32>,
        %parallel_loop3A_408 = vector.shape_cast %parallel_loop3A_407 : vector<1x16xf32> to vector<16xf32>
        %parallel_loop3A_409 = arith.addf %parallel_loop3A_404, %parallel_loop3A_408 : vector<16xf32>
        %parallel_loop3A_410 = arith.constant 0.000000e+00 : f32
        %parallel_loop3A_411 = vector.broadcast %parallel_loop3A_410 : f32 to vector<16xf32>
        %parallel_loop3A_412 = arith.maximumf %parallel_loop3A_409, %parallel_loop3A_411 : vector<16xf32>
        %parallel_loop3A_413 = arith.index_cast %parallel_loop3A_366 : i32 to index
        %parallel_loop3A_414 = arith.constant 32 : index
        %parallel_loop3A_415 = tpu.vector_load %arg9[%parallel_loop3A_413, %parallel_loop3A_414] {strides = array<i32>} : memref<40x128xf32, #tpu.memory_space<vmem>>, vector<1x16xf32>,
        %parallel_loop3A_416 = vector.shape_cast %parallel_loop3A_415 : vector<1x16xf32> to vector<16xf32>
        %parallel_loop3A_417 = vector.shape_cast %parallel_loop3A_412 : vector<16xf32> to vector<1x16xf32>
        tpu.vector_store %arg9[%parallel_loop3A_413, %parallel_loop3A_414], %parallel_loop3A_417 {strides = array<i32>} : memref<40x128xf32, #tpu.memory_space<vmem>>, vector<1x16xf32>,
        %parallel_loop3A_418 = arith.index_cast %parallel_loop3A_366 : i32 to index
        %parallel_loop3A_419 = arith.constant 48 : index
        %parallel_loop3A_420 = tpu.vector_load %arg12[%parallel_loop3A_418, %parallel_loop3A_419] {strides = array<i32>} : memref<40x128xf32, #tpu.memory_space<vmem>>, vector<1x16xf32>,
        %parallel_loop3A_421 = vector.shape_cast %parallel_loop3A_420 : vector<1x16xf32> to vector<16xf32>
        %parallel_loop3A_422 = arith.index_cast %parallel_loop3A_366 : i32 to index
        %parallel_loop3A_423 = arith.constant 48 : index
        %parallel_loop3A_424 = tpu.vector_load %arg9[%parallel_loop3A_422, %parallel_loop3A_423] {strides = array<i32>} : memref<40x128xf32, #tpu.memory_space<vmem>>, vector<1x16xf32>,
        %parallel_loop3A_425 = vector.shape_cast %parallel_loop3A_424 : vector<1x16xf32> to vector<16xf32>
        %parallel_loop3A_426 = arith.addf %parallel_loop3A_421, %parallel_loop3A_425 : vector<16xf32>
        %parallel_loop3A_427 = arith.constant 0.000000e+00 : f32
        %parallel_loop3A_428 = vector.broadcast %parallel_loop3A_427 : f32 to vector<16xf32>
        %parallel_loop3A_429 = arith.maximumf %parallel_loop3A_426, %parallel_loop3A_428 : vector<16xf32>
        %parallel_loop3A_430 = arith.index_cast %parallel_loop3A_366 : i32 to index
        %parallel_loop3A_431 = arith.constant 48 : index
        %parallel_loop3A_432 = tpu.vector_load %arg9[%parallel_loop3A_430, %parallel_loop3A_431] {strides = array<i32>} : memref<40x128xf32, #tpu.memory_space<vmem>>, vector<1x16xf32>,
        %parallel_loop3A_433 = vector.shape_cast %parallel_loop3A_432 : vector<1x16xf32> to vector<16xf32>
        %parallel_loop3A_434 = vector.shape_cast %parallel_loop3A_429 : vector<16xf32> to vector<1x16xf32>
        tpu.vector_store %arg9[%parallel_loop3A_430, %parallel_loop3A_431], %parallel_loop3A_434 {strides = array<i32>} : memref<40x128xf32, #tpu.memory_space<vmem>>, vector<1x16xf32>,
        %parallel_loop3A_435 = arith.index_cast %parallel_loop3A_366 : i32 to index
        %parallel_loop3A_436 = arith.constant 64 : index
        %parallel_loop3A_437 = tpu.vector_load %arg12[%parallel_loop3A_435, %parallel_loop3A_436] {strides = array<i32>} : memref<40x128xf32, #tpu.memory_space<vmem>>, vector<1x16xf32>,
        %parallel_loop3A_438 = vector.shape_cast %parallel_loop3A_437 : vector<1x16xf32> to vector<16xf32>
        %parallel_loop3A_439 = arith.index_cast %parallel_loop3A_366 : i32 to index
        %parallel_loop3A_440 = arith.constant 64 : index
        %parallel_loop3A_441 = tpu.vector_load %arg9[%parallel_loop3A_439, %parallel_loop3A_440] {strides = array<i32>} : memref<40x128xf32, #tpu.memory_space<vmem>>, vector<1x16xf32>,
        %parallel_loop3A_442 = vector.shape_cast %parallel_loop3A_441 : vector<1x16xf32> to vector<16xf32>
        %parallel_loop3A_443 = arith.addf %parallel_loop3A_438, %parallel_loop3A_442 : vector<16xf32>
        %parallel_loop3A_444 = arith.constant 0.000000e+00 : f32
        %parallel_loop3A_445 = vector.broadcast %parallel_loop3A_444 : f32 to vector<16xf32>
        %parallel_loop3A_446 = arith.maximumf %parallel_loop3A_443, %parallel_loop3A_445 : vector<16xf32>
        %parallel_loop3A_447 = arith.index_cast %parallel_loop3A_366 : i32 to index
        %parallel_loop3A_448 = arith.constant 64 : index
        %parallel_loop3A_449 = tpu.vector_load %arg9[%parallel_loop3A_447, %parallel_loop3A_448] {strides = array<i32>} : memref<40x128xf32, #tpu.memory_space<vmem>>, vector<1x16xf32>,
        %parallel_loop3A_450 = vector.shape_cast %parallel_loop3A_449 : vector<1x16xf32> to vector<16xf32>
        %parallel_loop3A_451 = vector.shape_cast %parallel_loop3A_446 : vector<16xf32> to vector<1x16xf32>
        tpu.vector_store %arg9[%parallel_loop3A_447, %parallel_loop3A_448], %parallel_loop3A_451 {strides = array<i32>} : memref<40x128xf32, #tpu.memory_space<vmem>>, vector<1x16xf32>,
        %parallel_loop3A_452 = arith.index_cast %parallel_loop3A_366 : i32 to index
        %parallel_loop3A_453 = arith.constant 80 : index
        %parallel_loop3A_454 = tpu.vector_load %arg12[%parallel_loop3A_452, %parallel_loop3A_453] {strides = array<i32>} : memref<40x128xf32, #tpu.memory_space<vmem>>, vector<1x16xf32>,
        %parallel_loop3A_455 = vector.shape_cast %parallel_loop3A_454 : vector<1x16xf32> to vector<16xf32>
        %parallel_loop3A_456 = arith.index_cast %parallel_loop3A_366 : i32 to index
        %parallel_loop3A_457 = arith.constant 80 : index
        %parallel_loop3A_458 = tpu.vector_load %arg9[%parallel_loop3A_456, %parallel_loop3A_457] {strides = array<i32>} : memref<40x128xf32, #tpu.memory_space<vmem>>, vector<1x16xf32>,
        %parallel_loop3A_459 = vector.shape_cast %parallel_loop3A_458 : vector<1x16xf32> to vector<16xf32>
        %parallel_loop3A_460 = arith.addf %parallel_loop3A_455, %parallel_loop3A_459 : vector<16xf32>
        %parallel_loop3A_461 = arith.constant 0.000000e+00 : f32
        %parallel_loop3A_462 = vector.broadcast %parallel_loop3A_461 : f32 to vector<16xf32>
        %parallel_loop3A_463 = arith.maximumf %parallel_loop3A_460, %parallel_loop3A_462 : vector<16xf32>
        %parallel_loop3A_464 = arith.index_cast %parallel_loop3A_366 : i32 to index
        %parallel_loop3A_465 = arith.constant 80 : index
        %parallel_loop3A_466 = tpu.vector_load %arg9[%parallel_loop3A_464, %parallel_loop3A_465] {strides = array<i32>} : memref<40x128xf32, #tpu.memory_space<vmem>>, vector<1x16xf32>,
        %parallel_loop3A_467 = vector.shape_cast %parallel_loop3A_466 : vector<1x16xf32> to vector<16xf32>
        %parallel_loop3A_468 = vector.shape_cast %parallel_loop3A_463 : vector<16xf32> to vector<1x16xf32>
        tpu.vector_store %arg9[%parallel_loop3A_464, %parallel_loop3A_465], %parallel_loop3A_468 {strides = array<i32>} : memref<40x128xf32, #tpu.memory_space<vmem>>, vector<1x16xf32>,
        %parallel_loop3A_469 = arith.index_cast %parallel_loop3A_366 : i32 to index
        %parallel_loop3A_470 = arith.constant 96 : index
        %parallel_loop3A_471 = tpu.vector_load %arg12[%parallel_loop3A_469, %parallel_loop3A_470] {strides = array<i32>} : memref<40x128xf32, #tpu.memory_space<vmem>>, vector<1x16xf32>,
        %parallel_loop3A_472 = vector.shape_cast %parallel_loop3A_471 : vector<1x16xf32> to vector<16xf32>
        %parallel_loop3A_473 = arith.index_cast %parallel_loop3A_366 : i32 to index
        %parallel_loop3A_474 = arith.constant 96 : index
        %parallel_loop3A_475 = tpu.vector_load %arg9[%parallel_loop3A_473, %parallel_loop3A_474] {strides = array<i32>} : memref<40x128xf32, #tpu.memory_space<vmem>>, vector<1x16xf32>,
        %parallel_loop3A_476 = vector.shape_cast %parallel_loop3A_475 : vector<1x16xf32> to vector<16xf32>
        %parallel_loop3A_477 = arith.addf %parallel_loop3A_472, %parallel_loop3A_476 : vector<16xf32>
        %parallel_loop3A_478 = arith.constant 0.000000e+00 : f32
        %parallel_loop3A_479 = vector.broadcast %parallel_loop3A_478 : f32 to vector<16xf32>
        %parallel_loop3A_480 = arith.maximumf %parallel_loop3A_477, %parallel_loop3A_479 : vector<16xf32>
        %parallel_loop3A_481 = arith.index_cast %parallel_loop3A_366 : i32 to index
        %parallel_loop3A_482 = arith.constant 96 : index
        %parallel_loop3A_483 = tpu.vector_load %arg9[%parallel_loop3A_481, %parallel_loop3A_482] {strides = array<i32>} : memref<40x128xf32, #tpu.memory_space<vmem>>, vector<1x16xf32>,
        %parallel_loop3A_484 = vector.shape_cast %parallel_loop3A_483 : vector<1x16xf32> to vector<16xf32>
        %parallel_loop3A_485 = vector.shape_cast %parallel_loop3A_480 : vector<16xf32> to vector<1x16xf32>
        tpu.vector_store %arg9[%parallel_loop3A_481, %parallel_loop3A_482], %parallel_loop3A_485 {strides = array<i32>} : memref<40x128xf32, #tpu.memory_space<vmem>>, vector<1x16xf32>,
        %parallel_loop3A_486 = arith.index_cast %parallel_loop3A_366 : i32 to index
        %parallel_loop3A_487 = arith.constant 112 : index
        %parallel_loop3A_488 = tpu.vector_load %arg12[%parallel_loop3A_486, %parallel_loop3A_487] {strides = array<i32>} : memref<40x128xf32, #tpu.memory_space<vmem>>, vector<1x16xf32>,
        %parallel_loop3A_489 = vector.shape_cast %parallel_loop3A_488 : vector<1x16xf32> to vector<16xf32>
        %parallel_loop3A_490 = arith.index_cast %parallel_loop3A_366 : i32 to index
        %parallel_loop3A_491 = arith.constant 112 : index
        %parallel_loop3A_492 = tpu.vector_load %arg9[%parallel_loop3A_490, %parallel_loop3A_491] {strides = array<i32>} : memref<40x128xf32, #tpu.memory_space<vmem>>, vector<1x16xf32>,
        %parallel_loop3A_493 = vector.shape_cast %parallel_loop3A_492 : vector<1x16xf32> to vector<16xf32>
        %parallel_loop3A_494 = arith.addf %parallel_loop3A_489, %parallel_loop3A_493 : vector<16xf32>
        %parallel_loop3A_495 = arith.constant 0.000000e+00 : f32
        %parallel_loop3A_496 = vector.broadcast %parallel_loop3A_495 : f32 to vector<16xf32>
        %parallel_loop3A_497 = arith.maximumf %parallel_loop3A_494, %parallel_loop3A_496 : vector<16xf32>
        %parallel_loop3A_498 = arith.index_cast %parallel_loop3A_366 : i32 to index
        %parallel_loop3A_499 = arith.constant 112 : index
        %parallel_loop3A_500 = tpu.vector_load %arg9[%parallel_loop3A_498, %parallel_loop3A_499] {strides = array<i32>} : memref<40x128xf32, #tpu.memory_space<vmem>>, vector<1x16xf32>,
        %parallel_loop3A_501 = vector.shape_cast %parallel_loop3A_500 : vector<1x16xf32> to vector<16xf32>
        %parallel_loop3A_502 = vector.shape_cast %parallel_loop3A_497 : vector<16xf32> to vector<1x16xf32>
        tpu.vector_store %arg9[%parallel_loop3A_498, %parallel_loop3A_499], %parallel_loop3A_502 {strides = array<i32>} : memref<40x128xf32, #tpu.memory_space<vmem>>, vector<1x16xf32>,
      } {sc.loop_unroll_factor = 4 : i64, sc.parallel_access}
      %ge3A = arith.constant 1 : i32
      %ge3A_256 = arith.cmpi sge, %mul3A_241, %ge3A : i32
      %convert_element_type3A = arith.extui %ge3A_256 : i1 to i32
      %cond3A = arith.constant 0 : i32
      %cond3A_257 = arith.cmpi ne, %convert_element_type3A, %cond3A : i32
      scf.if %cond3A_257 {
        %dma_wait3A_366 = arith.constant 0 : i32
        %dma_wait3A_367 = arith.constant 0 : i32
        %dma_wait3A_368 = tpu.memref_slice %arg7[%dma_wait3A_366, %dma_wait3A_367] : memref<10240x128xf32, #tpu.memory_space<vmem_shared>> -> memref<10240x128xf32, #tpu.memory_space<vmem_shared>>
        tpu.wait_indirect_dma semaphore(%arg26 : memref<!tpu.dma_semaphore, #tpu.memory_space<semaphore_mem>>) src(%arg11 : memref<40x128xf32, #tpu.memory_space<vmem>>) dst(%dma_wait3A_368 : memref<10240x128xf32, #tpu.memory_space<vmem_shared>>)
      } else {
      }
      %add3A_258 = arith.constant 2 : i32
      %add3A_259 = arith.addi %mul3A_241, %add3A_258 : i32
      %mul3A_260 = arith.constant 40 : i32
      %mul3A_261 = arith.muli %add3A_259, %mul3A_260 : i32
      %add3A_262 = arith.addi %add3A_4, %mul3A_261 : i32
      %dma_start3A_263 = arith.constant 0 : i32
      %dma_start3A_264 = tpu.memref_slice %arg3[%add3A_262, %dma_start3A_263] : memref<320000x128xf32, #tpu.memory_space<hbm>> -> memref<40x128xf32, #tpu.memory_space<hbm>>
      %dma_start3A_265 = arith.constant 0 : i32
      %dma_start3A_266 = tpu.memref_slice %arg3[%add3A_262, %dma_start3A_265] : memref<320000x128xf32, #tpu.memory_space<hbm>> -> memref<40x128xf32, #tpu.memory_space<hbm>>
      tpu.enqueue_dma source(%dma_start3A_266 : memref<40x128xf32, #tpu.memory_space<hbm>>) target(%arg11 : memref<40x128xf32, #tpu.memory_space<vmem>>) target_semaphore(%arg20 : memref<!tpu.dma_semaphore, #tpu.memory_space<semaphore_mem>>)
      %mul3A_267 = arith.constant 40 : i32
      %mul3A_268 = arith.muli %add3A_259, %mul3A_267 : i32
      %dma_start3A_269 = tpu.memref_slice %arg8[%mul3A_268] : memref<5000xi32, #tpu.memory_space<vmem>> -> memref<40xi32, #tpu.memory_space<vmem>>
      %dma_start3A_270 = arith.constant 0 : i32
      %dma_start3A_271 = arith.constant 0 : i32
      %dma_start3A_272 = tpu.memref_slice %arg2[%dma_start3A_270, %dma_start3A_271] : memref<10000x128xf32, #tpu.memory_space<hbm>> -> memref<10000x128xf32, #tpu.memory_space<hbm>>
      tpu.enqueue_indirect_dma source(%dma_start3A_272 : memref<10000x128xf32, #tpu.memory_space<hbm>>) target(%arg14 : memref<40x128xf32, #tpu.memory_space<vmem>>) offsets(%dma_start3A_269 : memref<40xi32, #tpu.memory_space<vmem>>) semaphore(%arg23 : memref<!tpu.dma_semaphore, #tpu.memory_space<semaphore_mem>>)
      %mul3A_273 = arith.constant 40 : i32
      %mul3A_274 = arith.muli %add3A_259, %mul3A_273 : i32
      %add3A_275 = arith.addi %add3A_4, %mul3A_274 : i32
      %dma_start3A_276 = tpu.memref_slice %arg5[%add3A_275] : memref<320000xi32, #tpu.memory_space<hbm>> -> memref<40xi32, #tpu.memory_space<hbm>>
      %dma_start3A_277 = tpu.memref_slice %arg5[%add3A_275] : memref<320000xi32, #tpu.memory_space<hbm>> -> memref<40xi32, #tpu.memory_space<hbm>>
      tpu.enqueue_dma source(%dma_start3A_277 : memref<40xi32, #tpu.memory_space<hbm>>) target(%arg17 : memref<40xi32, #tpu.memory_space<vmem>>) target_semaphore(%arg29 : memref<!tpu.dma_semaphore, #tpu.memory_space<semaphore_mem>>)
      %dma_start3A_278 = arith.constant 0 : i32
      %dma_start3A_279 = arith.constant 0 : i32
      %dma_start3A_280 = tpu.memref_slice %arg7[%dma_start3A_278, %dma_start3A_279] : memref<10240x128xf32, #tpu.memory_space<vmem_shared>> -> memref<10240x128xf32, #tpu.memory_space<vmem_shared>>
      tpu.enqueue_indirect_dma source(%arg9 : memref<40x128xf32, #tpu.memory_space<vmem>>) target(%dma_start3A_280 : memref<10240x128xf32, #tpu.memory_space<vmem_shared>>) offsets(%arg15 : memref<40xi32, #tpu.memory_space<vmem>>) semaphore(%arg24 : memref<!tpu.dma_semaphore, #tpu.memory_space<semaphore_mem>>) {add = true}
      %add3A_281 = arith.constant 1 : i32
      %add3A_282 = arith.addi %mul3A_241, %add3A_281 : i32
      %dma_wait3A_283 = arith.constant 0 : i32
      %dma_wait3A_284 = tpu.memref_slice %arg3[%mul3A_2, %dma_wait3A_283] : memref<320000x128xf32, #tpu.memory_space<hbm>> -> memref<40x128xf32, #tpu.memory_space<hbm>>
      %dma_wait3A_285 = arith.constant 0 : i32
      %dma_wait3A_286 = tpu.memref_slice %arg3[%mul3A_2, %dma_wait3A_285] : memref<320000x128xf32, #tpu.memory_space<hbm>> -> memref<40x128xf32, #tpu.memory_space<hbm>>
      tpu.wait_dma2 semaphore(%arg19 : memref<!tpu.dma_semaphore, #tpu.memory_space<semaphore_mem>>) src(%dma_wait3A_286 : memref<40x128xf32, #tpu.memory_space<hbm>>) dst(%arg10 : memref<40x128xf32, #tpu.memory_space<vmem>>)
      %dma_wait3A_287 = arith.constant 0 : i32
      %dma_wait3A_288 = tpu.memref_slice %arg8[%dma_wait3A_287] : memref<5000xi32, #tpu.memory_space<vmem>> -> memref<40xi32, #tpu.memory_space<vmem>>
      %dma_wait3A_289 = arith.constant 0 : i32
      %dma_wait3A_290 = arith.constant 0 : i32
      %dma_wait3A_291 = tpu.memref_slice %arg2[%dma_wait3A_289, %dma_wait3A_290] : memref<10000x128xf32, #tpu.memory_space<hbm>> -> memref<10000x128xf32, #tpu.memory_space<hbm>>
      tpu.wait_indirect_dma semaphore(%arg22 : memref<!tpu.dma_semaphore, #tpu.memory_space<semaphore_mem>>) src(%dma_wait3A_291 : memref<10000x128xf32, #tpu.memory_space<hbm>>) dst(%arg13 : memref<40x128xf32, #tpu.memory_space<vmem>>)
      %dma_wait3A_292 = tpu.memref_slice %arg5[%mul3A_2] : memref<320000xi32, #tpu.memory_space<hbm>> -> memref<40xi32, #tpu.memory_space<hbm>>
      %dma_wait3A_293 = tpu.memref_slice %arg5[%mul3A_2] : memref<320000xi32, #tpu.memory_space<hbm>> -> memref<40xi32, #tpu.memory_space<hbm>>
      tpu.wait_dma2 semaphore(%arg28 : memref<!tpu.dma_semaphore, #tpu.memory_space<semaphore_mem>>) src(%dma_wait3A_293 : memref<40xi32, #tpu.memory_space<hbm>>) dst(%arg16 : memref<40xi32, #tpu.memory_space<vmem>>)
      %parallel_loop3A_294 = arith.constant 0 : i32
      %parallel_loop3A_295 = arith.constant 40 : i32
      %parallel_loop3A_296 = arith.constant 1 : i32
      scf.for %parallel_loop3A_366 = %parallel_loop3A_294 to %parallel_loop3A_295 step %parallel_loop3A_296  : i32 {
        %parallel_loop3A_367 = arith.index_cast %parallel_loop3A_366 : i32 to index
        %parallel_loop3A_368 = arith.constant 0 : index
        %parallel_loop3A_369 = tpu.vector_load %arg13[%parallel_loop3A_367, %parallel_loop3A_368] {strides = array<i32>} : memref<40x128xf32, #tpu.memory_space<vmem>>, vector<1x16xf32>,
        %parallel_loop3A_370 = vector.shape_cast %parallel_loop3A_369 : vector<1x16xf32> to vector<16xf32>
        %parallel_loop3A_371 = arith.index_cast %parallel_loop3A_366 : i32 to index
        %parallel_loop3A_372 = arith.constant 0 : index
        %parallel_loop3A_373 = tpu.vector_load %arg10[%parallel_loop3A_371, %parallel_loop3A_372] {strides = array<i32>} : memref<40x128xf32, #tpu.memory_space<vmem>>, vector<1x16xf32>,
        %parallel_loop3A_374 = vector.shape_cast %parallel_loop3A_373 : vector<1x16xf32> to vector<16xf32>
        %parallel_loop3A_375 = arith.addf %parallel_loop3A_370, %parallel_loop3A_374 : vector<16xf32>
        %parallel_loop3A_376 = arith.constant 0.000000e+00 : f32
        %parallel_loop3A_377 = vector.broadcast %parallel_loop3A_376 : f32 to vector<16xf32>
        %parallel_loop3A_378 = arith.maximumf %parallel_loop3A_375, %parallel_loop3A_377 : vector<16xf32>
        %parallel_loop3A_379 = arith.index_cast %parallel_loop3A_366 : i32 to index
        %parallel_loop3A_380 = arith.constant 0 : index
        %parallel_loop3A_381 = tpu.vector_load %arg10[%parallel_loop3A_379, %parallel_loop3A_380] {strides = array<i32>} : memref<40x128xf32, #tpu.memory_space<vmem>>, vector<1x16xf32>,
        %parallel_loop3A_382 = vector.shape_cast %parallel_loop3A_381 : vector<1x16xf32> to vector<16xf32>
        %parallel_loop3A_383 = vector.shape_cast %parallel_loop3A_378 : vector<16xf32> to vector<1x16xf32>
        tpu.vector_store %arg10[%parallel_loop3A_379, %parallel_loop3A_380], %parallel_loop3A_383 {strides = array<i32>} : memref<40x128xf32, #tpu.memory_space<vmem>>, vector<1x16xf32>,
        %parallel_loop3A_384 = arith.index_cast %parallel_loop3A_366 : i32 to index
        %parallel_loop3A_385 = arith.constant 16 : index
        %parallel_loop3A_386 = tpu.vector_load %arg13[%parallel_loop3A_384, %parallel_loop3A_385] {strides = array<i32>} : memref<40x128xf32, #tpu.memory_space<vmem>>, vector<1x16xf32>,
        %parallel_loop3A_387 = vector.shape_cast %parallel_loop3A_386 : vector<1x16xf32> to vector<16xf32>
        %parallel_loop3A_388 = arith.index_cast %parallel_loop3A_366 : i32 to index
        %parallel_loop3A_389 = arith.constant 16 : index
        %parallel_loop3A_390 = tpu.vector_load %arg10[%parallel_loop3A_388, %parallel_loop3A_389] {strides = array<i32>} : memref<40x128xf32, #tpu.memory_space<vmem>>, vector<1x16xf32>,
        %parallel_loop3A_391 = vector.shape_cast %parallel_loop3A_390 : vector<1x16xf32> to vector<16xf32>
        %parallel_loop3A_392 = arith.addf %parallel_loop3A_387, %parallel_loop3A_391 : vector<16xf32>
        %parallel_loop3A_393 = arith.constant 0.000000e+00 : f32
        %parallel_loop3A_394 = vector.broadcast %parallel_loop3A_393 : f32 to vector<16xf32>
        %parallel_loop3A_395 = arith.maximumf %parallel_loop3A_392, %parallel_loop3A_394 : vector<16xf32>
        %parallel_loop3A_396 = arith.index_cast %parallel_loop3A_366 : i32 to index
        %parallel_loop3A_397 = arith.constant 16 : index
        %parallel_loop3A_398 = tpu.vector_load %arg10[%parallel_loop3A_396, %parallel_loop3A_397] {strides = array<i32>} : memref<40x128xf32, #tpu.memory_space<vmem>>, vector<1x16xf32>,
        %parallel_loop3A_399 = vector.shape_cast %parallel_loop3A_398 : vector<1x16xf32> to vector<16xf32>
        %parallel_loop3A_400 = vector.shape_cast %parallel_loop3A_395 : vector<16xf32> to vector<1x16xf32>
        tpu.vector_store %arg10[%parallel_loop3A_396, %parallel_loop3A_397], %parallel_loop3A_400 {strides = array<i32>} : memref<40x128xf32, #tpu.memory_space<vmem>>, vector<1x16xf32>,
        %parallel_loop3A_401 = arith.index_cast %parallel_loop3A_366 : i32 to index
        %parallel_loop3A_402 = arith.constant 32 : index
        %parallel_loop3A_403 = tpu.vector_load %arg13[%parallel_loop3A_401, %parallel_loop3A_402] {strides = array<i32>} : memref<40x128xf32, #tpu.memory_space<vmem>>, vector<1x16xf32>,
        %parallel_loop3A_404 = vector.shape_cast %parallel_loop3A_403 : vector<1x16xf32> to vector<16xf32>
        %parallel_loop3A_405 = arith.index_cast %parallel_loop3A_366 : i32 to index
        %parallel_loop3A_406 = arith.constant 32 : index
        %parallel_loop3A_407 = tpu.vector_load %arg10[%parallel_loop3A_405, %parallel_loop3A_406] {strides = array<i32>} : memref<40x128xf32, #tpu.memory_space<vmem>>, vector<1x16xf32>,
        %parallel_loop3A_408 = vector.shape_cast %parallel_loop3A_407 : vector<1x16xf32> to vector<16xf32>
        %parallel_loop3A_409 = arith.addf %parallel_loop3A_404, %parallel_loop3A_408 : vector<16xf32>
        %parallel_loop3A_410 = arith.constant 0.000000e+00 : f32
        %parallel_loop3A_411 = vector.broadcast %parallel_loop3A_410 : f32 to vector<16xf32>
        %parallel_loop3A_412 = arith.maximumf %parallel_loop3A_409, %parallel_loop3A_411 : vector<16xf32>
        %parallel_loop3A_413 = arith.index_cast %parallel_loop3A_366 : i32 to index
        %parallel_loop3A_414 = arith.constant 32 : index
        %parallel_loop3A_415 = tpu.vector_load %arg10[%parallel_loop3A_413, %parallel_loop3A_414] {strides = array<i32>} : memref<40x128xf32, #tpu.memory_space<vmem>>, vector<1x16xf32>,
        %parallel_loop3A_416 = vector.shape_cast %parallel_loop3A_415 : vector<1x16xf32> to vector<16xf32>
        %parallel_loop3A_417 = vector.shape_cast %parallel_loop3A_412 : vector<16xf32> to vector<1x16xf32>
        tpu.vector_store %arg10[%parallel_loop3A_413, %parallel_loop3A_414], %parallel_loop3A_417 {strides = array<i32>} : memref<40x128xf32, #tpu.memory_space<vmem>>, vector<1x16xf32>,
        %parallel_loop3A_418 = arith.index_cast %parallel_loop3A_366 : i32 to index
        %parallel_loop3A_419 = arith.constant 48 : index
        %parallel_loop3A_420 = tpu.vector_load %arg13[%parallel_loop3A_418, %parallel_loop3A_419] {strides = array<i32>} : memref<40x128xf32, #tpu.memory_space<vmem>>, vector<1x16xf32>,
        %parallel_loop3A_421 = vector.shape_cast %parallel_loop3A_420 : vector<1x16xf32> to vector<16xf32>
        %parallel_loop3A_422 = arith.index_cast %parallel_loop3A_366 : i32 to index
        %parallel_loop3A_423 = arith.constant 48 : index
        %parallel_loop3A_424 = tpu.vector_load %arg10[%parallel_loop3A_422, %parallel_loop3A_423] {strides = array<i32>} : memref<40x128xf32, #tpu.memory_space<vmem>>, vector<1x16xf32>,
        %parallel_loop3A_425 = vector.shape_cast %parallel_loop3A_424 : vector<1x16xf32> to vector<16xf32>
        %parallel_loop3A_426 = arith.addf %parallel_loop3A_421, %parallel_loop3A_425 : vector<16xf32>
        %parallel_loop3A_427 = arith.constant 0.000000e+00 : f32
        %parallel_loop3A_428 = vector.broadcast %parallel_loop3A_427 : f32 to vector<16xf32>
        %parallel_loop3A_429 = arith.maximumf %parallel_loop3A_426, %parallel_loop3A_428 : vector<16xf32>
        %parallel_loop3A_430 = arith.index_cast %parallel_loop3A_366 : i32 to index
        %parallel_loop3A_431 = arith.constant 48 : index
        %parallel_loop3A_432 = tpu.vector_load %arg10[%parallel_loop3A_430, %parallel_loop3A_431] {strides = array<i32>} : memref<40x128xf32, #tpu.memory_space<vmem>>, vector<1x16xf32>,
        %parallel_loop3A_433 = vector.shape_cast %parallel_loop3A_432 : vector<1x16xf32> to vector<16xf32>
        %parallel_loop3A_434 = vector.shape_cast %parallel_loop3A_429 : vector<16xf32> to vector<1x16xf32>
        tpu.vector_store %arg10[%parallel_loop3A_430, %parallel_loop3A_431], %parallel_loop3A_434 {strides = array<i32>} : memref<40x128xf32, #tpu.memory_space<vmem>>, vector<1x16xf32>,
        %parallel_loop3A_435 = arith.index_cast %parallel_loop3A_366 : i32 to index
        %parallel_loop3A_436 = arith.constant 64 : index
        %parallel_loop3A_437 = tpu.vector_load %arg13[%parallel_loop3A_435, %parallel_loop3A_436] {strides = array<i32>} : memref<40x128xf32, #tpu.memory_space<vmem>>, vector<1x16xf32>,
        %parallel_loop3A_438 = vector.shape_cast %parallel_loop3A_437 : vector<1x16xf32> to vector<16xf32>
        %parallel_loop3A_439 = arith.index_cast %parallel_loop3A_366 : i32 to index
        %parallel_loop3A_440 = arith.constant 64 : index
        %parallel_loop3A_441 = tpu.vector_load %arg10[%parallel_loop3A_439, %parallel_loop3A_440] {strides = array<i32>} : memref<40x128xf32, #tpu.memory_space<vmem>>, vector<1x16xf32>,
        %parallel_loop3A_442 = vector.shape_cast %parallel_loop3A_441 : vector<1x16xf32> to vector<16xf32>
        %parallel_loop3A_443 = arith.addf %parallel_loop3A_438, %parallel_loop3A_442 : vector<16xf32>
        %parallel_loop3A_444 = arith.constant 0.000000e+00 : f32
        %parallel_loop3A_445 = vector.broadcast %parallel_loop3A_444 : f32 to vector<16xf32>
        %parallel_loop3A_446 = arith.maximumf %parallel_loop3A_443, %parallel_loop3A_445 : vector<16xf32>
        %parallel_loop3A_447 = arith.index_cast %parallel_loop3A_366 : i32 to index
        %parallel_loop3A_448 = arith.constant 64 : index
        %parallel_loop3A_449 = tpu.vector_load %arg10[%parallel_loop3A_447, %parallel_loop3A_448] {strides = array<i32>} : memref<40x128xf32, #tpu.memory_space<vmem>>, vector<1x16xf32>,
        %parallel_loop3A_450 = vector.shape_cast %parallel_loop3A_449 : vector<1x16xf32> to vector<16xf32>
        %parallel_loop3A_451 = vector.shape_cast %parallel_loop3A_446 : vector<16xf32> to vector<1x16xf32>
        tpu.vector_store %arg10[%parallel_loop3A_447, %parallel_loop3A_448], %parallel_loop3A_451 {strides = array<i32>} : memref<40x128xf32, #tpu.memory_space<vmem>>, vector<1x16xf32>,
        %parallel_loop3A_452 = arith.index_cast %parallel_loop3A_366 : i32 to index
        %parallel_loop3A_453 = arith.constant 80 : index
        %parallel_loop3A_454 = tpu.vector_load %arg13[%parallel_loop3A_452, %parallel_loop3A_453] {strides = array<i32>} : memref<40x128xf32, #tpu.memory_space<vmem>>, vector<1x16xf32>,
        %parallel_loop3A_455 = vector.shape_cast %parallel_loop3A_454 : vector<1x16xf32> to vector<16xf32>
        %parallel_loop3A_456 = arith.index_cast %parallel_loop3A_366 : i32 to index
        %parallel_loop3A_457 = arith.constant 80 : index
        %parallel_loop3A_458 = tpu.vector_load %arg10[%parallel_loop3A_456, %parallel_loop3A_457] {strides = array<i32>} : memref<40x128xf32, #tpu.memory_space<vmem>>, vector<1x16xf32>,
        %parallel_loop3A_459 = vector.shape_cast %parallel_loop3A_458 : vector<1x16xf32> to vector<16xf32>
        %parallel_loop3A_460 = arith.addf %parallel_loop3A_455, %parallel_loop3A_459 : vector<16xf32>
        %parallel_loop3A_461 = arith.constant 0.000000e+00 : f32
        %parallel_loop3A_462 = vector.broadcast %parallel_loop3A_461 : f32 to vector<16xf32>
        %parallel_loop3A_463 = arith.maximumf %parallel_loop3A_460, %parallel_loop3A_462 : vector<16xf32>
        %parallel_loop3A_464 = arith.index_cast %parallel_loop3A_366 : i32 to index
        %parallel_loop3A_465 = arith.constant 80 : index
        %parallel_loop3A_466 = tpu.vector_load %arg10[%parallel_loop3A_464, %parallel_loop3A_465] {strides = array<i32>} : memref<40x128xf32, #tpu.memory_space<vmem>>, vector<1x16xf32>,
        %parallel_loop3A_467 = vector.shape_cast %parallel_loop3A_466 : vector<1x16xf32> to vector<16xf32>
        %parallel_loop3A_468 = vector.shape_cast %parallel_loop3A_463 : vector<16xf32> to vector<1x16xf32>
        tpu.vector_store %arg10[%parallel_loop3A_464, %parallel_loop3A_465], %parallel_loop3A_468 {strides = array<i32>} : memref<40x128xf32, #tpu.memory_space<vmem>>, vector<1x16xf32>,
        %parallel_loop3A_469 = arith.index_cast %parallel_loop3A_366 : i32 to index
        %parallel_loop3A_470 = arith.constant 96 : index
        %parallel_loop3A_471 = tpu.vector_load %arg13[%parallel_loop3A_469, %parallel_loop3A_470] {strides = array<i32>} : memref<40x128xf32, #tpu.memory_space<vmem>>, vector<1x16xf32>,
        %parallel_loop3A_472 = vector.shape_cast %parallel_loop3A_471 : vector<1x16xf32> to vector<16xf32>
        %parallel_loop3A_473 = arith.index_cast %parallel_loop3A_366 : i32 to index
        %parallel_loop3A_474 = arith.constant 96 : index
        %parallel_loop3A_475 = tpu.vector_load %arg10[%parallel_loop3A_473, %parallel_loop3A_474] {strides = array<i32>} : memref<40x128xf32, #tpu.memory_space<vmem>>, vector<1x16xf32>,
        %parallel_loop3A_476 = vector.shape_cast %parallel_loop3A_475 : vector<1x16xf32> to vector<16xf32>
        %parallel_loop3A_477 = arith.addf %parallel_loop3A_472, %parallel_loop3A_476 : vector<16xf32>
        %parallel_loop3A_478 = arith.constant 0.000000e+00 : f32
        %parallel_loop3A_479 = vector.broadcast %parallel_loop3A_478 : f32 to vector<16xf32>
        %parallel_loop3A_480 = arith.maximumf %parallel_loop3A_477, %parallel_loop3A_479 : vector<16xf32>
        %parallel_loop3A_481 = arith.index_cast %parallel_loop3A_366 : i32 to index
        %parallel_loop3A_482 = arith.constant 96 : index
        %parallel_loop3A_483 = tpu.vector_load %arg10[%parallel_loop3A_481, %parallel_loop3A_482] {strides = array<i32>} : memref<40x128xf32, #tpu.memory_space<vmem>>, vector<1x16xf32>,
        %parallel_loop3A_484 = vector.shape_cast %parallel_loop3A_483 : vector<1x16xf32> to vector<16xf32>
        %parallel_loop3A_485 = vector.shape_cast %parallel_loop3A_480 : vector<16xf32> to vector<1x16xf32>
        tpu.vector_store %arg10[%parallel_loop3A_481, %parallel_loop3A_482], %parallel_loop3A_485 {strides = array<i32>} : memref<40x128xf32, #tpu.memory_space<vmem>>, vector<1x16xf32>,
        %parallel_loop3A_486 = arith.index_cast %parallel_loop3A_366 : i32 to index
        %parallel_loop3A_487 = arith.constant 112 : index
        %parallel_loop3A_488 = tpu.vector_load %arg13[%parallel_loop3A_486, %parallel_loop3A_487] {strides = array<i32>} : memref<40x128xf32, #tpu.memory_space<vmem>>, vector<1x16xf32>,
        %parallel_loop3A_489 = vector.shape_cast %parallel_loop3A_488 : vector<1x16xf32> to vector<16xf32>
        %parallel_loop3A_490 = arith.index_cast %parallel_loop3A_366 : i32 to index
        %parallel_loop3A_491 = arith.constant 112 : index
        %parallel_loop3A_492 = tpu.vector_load %arg10[%parallel_loop3A_490, %parallel_loop3A_491] {strides = array<i32>} : memref<40x128xf32, #tpu.memory_space<vmem>>, vector<1x16xf32>,
        %parallel_loop3A_493 = vector.shape_cast %parallel_loop3A_492 : vector<1x16xf32> to vector<16xf32>
        %parallel_loop3A_494 = arith.addf %parallel_loop3A_489, %parallel_loop3A_493 : vector<16xf32>
        %parallel_loop3A_495 = arith.constant 0.000000e+00 : f32
        %parallel_loop3A_496 = vector.broadcast %parallel_loop3A_495 : f32 to vector<16xf32>
        %parallel_loop3A_497 = arith.maximumf %parallel_loop3A_494, %parallel_loop3A_496 : vector<16xf32>
        %parallel_loop3A_498 = arith.index_cast %parallel_loop3A_366 : i32 to index
        %parallel_loop3A_499 = arith.constant 112 : index
        %parallel_loop3A_500 = tpu.vector_load %arg10[%parallel_loop3A_498, %parallel_loop3A_499] {strides = array<i32>} : memref<40x128xf32, #tpu.memory_space<vmem>>, vector<1x16xf32>,
        %parallel_loop3A_501 = vector.shape_cast %parallel_loop3A_500 : vector<1x16xf32> to vector<16xf32>
        %parallel_loop3A_502 = vector.shape_cast %parallel_loop3A_497 : vector<16xf32> to vector<1x16xf32>
        tpu.vector_store %arg10[%parallel_loop3A_498, %parallel_loop3A_499], %parallel_loop3A_502 {strides = array<i32>} : memref<40x128xf32, #tpu.memory_space<vmem>>, vector<1x16xf32>,
      } {sc.loop_unroll_factor = 4 : i64, sc.parallel_access}
      %dma_wait3A_297 = arith.constant 0 : i32
      %dma_wait3A_298 = arith.constant 0 : i32
      %dma_wait3A_299 = tpu.memref_slice %arg7[%dma_wait3A_297, %dma_wait3A_298] : memref<10240x128xf32, #tpu.memory_space<vmem_shared>> -> memref<10240x128xf32, #tpu.memory_space<vmem_shared>>
      tpu.wait_indirect_dma semaphore(%arg24 : memref<!tpu.dma_semaphore, #tpu.memory_space<semaphore_mem>>) src(%arg9 : memref<40x128xf32, #tpu.memory_space<vmem>>) dst(%dma_wait3A_299 : memref<10240x128xf32, #tpu.memory_space<vmem_shared>>)
      %add3A_300 = arith.constant 2 : i32
      %add3A_301 = arith.addi %add3A_282, %add3A_300 : i32
      %mul3A_302 = arith.constant 40 : i32
      %mul3A_303 = arith.muli %add3A_301, %mul3A_302 : i32
      %add3A_304 = arith.addi %add3A_4, %mul3A_303 : i32
      %dma_start3A_305 = arith.constant 0 : i32
      %dma_start3A_306 = tpu.memref_slice %arg3[%add3A_304, %dma_start3A_305] : memref<320000x128xf32, #tpu.memory_space<hbm>> -> memref<40x128xf32, #tpu.memory_space<hbm>>
      %dma_start3A_307 = arith.constant 0 : i32
      %dma_start3A_308 = tpu.memref_slice %arg3[%add3A_304, %dma_start3A_307] : memref<320000x128xf32, #tpu.memory_space<hbm>> -> memref<40x128xf32, #tpu.memory_space<hbm>>
      tpu.enqueue_dma source(%dma_start3A_308 : memref<40x128xf32, #tpu.memory_space<hbm>>) target(%arg9 : memref<40x128xf32, #tpu.memory_space<vmem>>) target_semaphore(%arg18 : memref<!tpu.dma_semaphore, #tpu.memory_space<semaphore_mem>>)
      %mul3A_309 = arith.constant 40 : i32
      %mul3A_310 = arith.muli %add3A_301, %mul3A_309 : i32
      %dma_start3A_311 = tpu.memref_slice %arg8[%mul3A_310] : memref<5000xi32, #tpu.memory_space<vmem>> -> memref<40xi32, #tpu.memory_space<vmem>>
      %dma_start3A_312 = arith.constant 0 : i32
      %dma_start3A_313 = arith.constant 0 : i32
      %dma_start3A_314 = tpu.memref_slice %arg2[%dma_start3A_312, %dma_start3A_313] : memref<10000x128xf32, #tpu.memory_space<hbm>> -> memref<10000x128xf32, #tpu.memory_space<hbm>>
      tpu.enqueue_indirect_dma source(%dma_start3A_314 : memref<10000x128xf32, #tpu.memory_space<hbm>>) target(%arg12 : memref<40x128xf32, #tpu.memory_space<vmem>>) offsets(%dma_start3A_311 : memref<40xi32, #tpu.memory_space<vmem>>) semaphore(%arg21 : memref<!tpu.dma_semaphore, #tpu.memory_space<semaphore_mem>>)
      %mul3A_315 = arith.constant 40 : i32
      %mul3A_316 = arith.muli %add3A_301, %mul3A_315 : i32
      %add3A_317 = arith.addi %add3A_4, %mul3A_316 : i32
      %dma_start3A_318 = tpu.memref_slice %arg5[%add3A_317] : memref<320000xi32, #tpu.memory_space<hbm>> -> memref<40xi32, #tpu.memory_space<hbm>>
      %dma_start3A_319 = tpu.memref_slice %arg5[%add3A_317] : memref<320000xi32, #tpu.memory_space<hbm>> -> memref<40xi32, #tpu.memory_space<hbm>>
      tpu.enqueue_dma source(%dma_start3A_319 : memref<40xi32, #tpu.memory_space<hbm>>) target(%arg15 : memref<40xi32, #tpu.memory_space<vmem>>) target_semaphore(%arg27 : memref<!tpu.dma_semaphore, #tpu.memory_space<semaphore_mem>>)
      %dma_start3A_320 = arith.constant 0 : i32
      %dma_start3A_321 = arith.constant 0 : i32
      %dma_start3A_322 = tpu.memref_slice %arg7[%dma_start3A_320, %dma_start3A_321] : memref<10240x128xf32, #tpu.memory_space<vmem_shared>> -> memref<10240x128xf32, #tpu.memory_space<vmem_shared>>
      tpu.enqueue_indirect_dma source(%arg10 : memref<40x128xf32, #tpu.memory_space<vmem>>) target(%dma_start3A_322 : memref<10240x128xf32, #tpu.memory_space<vmem_shared>>) offsets(%arg16 : memref<40xi32, #tpu.memory_space<vmem>>) semaphore(%arg25 : memref<!tpu.dma_semaphore, #tpu.memory_space<semaphore_mem>>) {add = true}
      %add3A_323 = arith.constant 2 : i32
      %add3A_324 = arith.addi %mul3A_241, %add3A_323 : i32
      %dma_wait3A_325 = arith.constant 0 : i32
      %dma_wait3A_326 = tpu.memref_slice %arg3[%mul3A_2, %dma_wait3A_325] : memref<320000x128xf32, #tpu.memory_space<hbm>> -> memref<40x128xf32, #tpu.memory_space<hbm>>
      %dma_wait3A_327 = arith.constant 0 : i32
      %dma_wait3A_328 = tpu.memref_slice %arg3[%mul3A_2, %dma_wait3A_327] : memref<320000x128xf32, #tpu.memory_space<hbm>> -> memref<40x128xf32, #tpu.memory_space<hbm>>
      tpu.wait_dma2 semaphore(%arg20 : memref<!tpu.dma_semaphore, #tpu.memory_space<semaphore_mem>>) src(%dma_wait3A_328 : memref<40x128xf32, #tpu.memory_space<hbm>>) dst(%arg11 : memref<40x128xf32, #tpu.memory_space<vmem>>)
      %dma_wait3A_329 = arith.constant 0 : i32
      %dma_wait3A_330 = tpu.memref_slice %arg8[%dma_wait3A_329] : memref<5000xi32, #tpu.memory_space<vmem>> -> memref<40xi32, #tpu.memory_space<vmem>>
      %dma_wait3A_331 = arith.constant 0 : i32
      %dma_wait3A_332 = arith.constant 0 : i32
      %dma_wait3A_333 = tpu.memref_slice %arg2[%dma_wait3A_331, %dma_wait3A_332] : memref<10000x128xf32, #tpu.memory_space<hbm>> -> memref<10000x128xf32, #tpu.memory_space<hbm>>
      tpu.wait_indirect_dma semaphore(%arg23 : memref<!tpu.dma_semaphore, #tpu.memory_space<semaphore_mem>>) src(%dma_wait3A_333 : memref<10000x128xf32, #tpu.memory_space<hbm>>) dst(%arg14 : memref<40x128xf32, #tpu.memory_space<vmem>>)
      %dma_wait3A_334 = tpu.memref_slice %arg5[%mul3A_2] : memref<320000xi32, #tpu.memory_space<hbm>> -> memref<40xi32, #tpu.memory_space<hbm>>
      %dma_wait3A_335 = tpu.memref_slice %arg5[%mul3A_2] : memref<320000xi32, #tpu.memory_space<hbm>> -> memref<40xi32, #tpu.memory_space<hbm>>
      tpu.wait_dma2 semaphore(%arg29 : memref<!tpu.dma_semaphore, #tpu.memory_space<semaphore_mem>>) src(%dma_wait3A_335 : memref<40xi32, #tpu.memory_space<hbm>>) dst(%arg17 : memref<40xi32, #tpu.memory_space<vmem>>)
      %parallel_loop3A_336 = arith.constant 0 : i32
      %parallel_loop3A_337 = arith.constant 40 : i32
      %parallel_loop3A_338 = arith.constant 1 : i32
      scf.for %parallel_loop3A_366 = %parallel_loop3A_336 to %parallel_loop3A_337 step %parallel_loop3A_338  : i32 {
        %parallel_loop3A_367 = arith.index_cast %parallel_loop3A_366 : i32 to index
        %parallel_loop3A_368 = arith.constant 0 : index
        %parallel_loop3A_369 = tpu.vector_load %arg14[%parallel_loop3A_367, %parallel_loop3A_368] {strides = array<i32>} : memref<40x128xf32, #tpu.memory_space<vmem>>, vector<1x16xf32>,
        %parallel_loop3A_370 = vector.shape_cast %parallel_loop3A_369 : vector<1x16xf32> to vector<16xf32>
        %parallel_loop3A_371 = arith.index_cast %parallel_loop3A_366 : i32 to index
        %parallel_loop3A_372 = arith.constant 0 : index
        %parallel_loop3A_373 = tpu.vector_load %arg11[%parallel_loop3A_371, %parallel_loop3A_372] {strides = array<i32>} : memref<40x128xf32, #tpu.memory_space<vmem>>, vector<1x16xf32>,
        %parallel_loop3A_374 = vector.shape_cast %parallel_loop3A_373 : vector<1x16xf32> to vector<16xf32>
        %parallel_loop3A_375 = arith.addf %parallel_loop3A_370, %parallel_loop3A_374 : vector<16xf32>
        %parallel_loop3A_376 = arith.constant 0.000000e+00 : f32
        %parallel_loop3A_377 = vector.broadcast %parallel_loop3A_376 : f32 to vector<16xf32>
        %parallel_loop3A_378 = arith.maximumf %parallel_loop3A_375, %parallel_loop3A_377 : vector<16xf32>
        %parallel_loop3A_379 = arith.index_cast %parallel_loop3A_366 : i32 to index
        %parallel_loop3A_380 = arith.constant 0 : index
        %parallel_loop3A_381 = tpu.vector_load %arg11[%parallel_loop3A_379, %parallel_loop3A_380] {strides = array<i32>} : memref<40x128xf32, #tpu.memory_space<vmem>>, vector<1x16xf32>,
        %parallel_loop3A_382 = vector.shape_cast %parallel_loop3A_381 : vector<1x16xf32> to vector<16xf32>
        %parallel_loop3A_383 = vector.shape_cast %parallel_loop3A_378 : vector<16xf32> to vector<1x16xf32>
        tpu.vector_store %arg11[%parallel_loop3A_379, %parallel_loop3A_380], %parallel_loop3A_383 {strides = array<i32>} : memref<40x128xf32, #tpu.memory_space<vmem>>, vector<1x16xf32>,
        %parallel_loop3A_384 = arith.index_cast %parallel_loop3A_366 : i32 to index
        %parallel_loop3A_385 = arith.constant 16 : index
        %parallel_loop3A_386 = tpu.vector_load %arg14[%parallel_loop3A_384, %parallel_loop3A_385] {strides = array<i32>} : memref<40x128xf32, #tpu.memory_space<vmem>>, vector<1x16xf32>,
        %parallel_loop3A_387 = vector.shape_cast %parallel_loop3A_386 : vector<1x16xf32> to vector<16xf32>
        %parallel_loop3A_388 = arith.index_cast %parallel_loop3A_366 : i32 to index
        %parallel_loop3A_389 = arith.constant 16 : index
        %parallel_loop3A_390 = tpu.vector_load %arg11[%parallel_loop3A_388, %parallel_loop3A_389] {strides = array<i32>} : memref<40x128xf32, #tpu.memory_space<vmem>>, vector<1x16xf32>,
        %parallel_loop3A_391 = vector.shape_cast %parallel_loop3A_390 : vector<1x16xf32> to vector<16xf32>
        %parallel_loop3A_392 = arith.addf %parallel_loop3A_387, %parallel_loop3A_391 : vector<16xf32>
        %parallel_loop3A_393 = arith.constant 0.000000e+00 : f32
        %parallel_loop3A_394 = vector.broadcast %parallel_loop3A_393 : f32 to vector<16xf32>
        %parallel_loop3A_395 = arith.maximumf %parallel_loop3A_392, %parallel_loop3A_394 : vector<16xf32>
        %parallel_loop3A_396 = arith.index_cast %parallel_loop3A_366 : i32 to index
        %parallel_loop3A_397 = arith.constant 16 : index
        %parallel_loop3A_398 = tpu.vector_load %arg11[%parallel_loop3A_396, %parallel_loop3A_397] {strides = array<i32>} : memref<40x128xf32, #tpu.memory_space<vmem>>, vector<1x16xf32>,
        %parallel_loop3A_399 = vector.shape_cast %parallel_loop3A_398 : vector<1x16xf32> to vector<16xf32>
        %parallel_loop3A_400 = vector.shape_cast %parallel_loop3A_395 : vector<16xf32> to vector<1x16xf32>
        tpu.vector_store %arg11[%parallel_loop3A_396, %parallel_loop3A_397], %parallel_loop3A_400 {strides = array<i32>} : memref<40x128xf32, #tpu.memory_space<vmem>>, vector<1x16xf32>,
        %parallel_loop3A_401 = arith.index_cast %parallel_loop3A_366 : i32 to index
        %parallel_loop3A_402 = arith.constant 32 : index
        %parallel_loop3A_403 = tpu.vector_load %arg14[%parallel_loop3A_401, %parallel_loop3A_402] {strides = array<i32>} : memref<40x128xf32, #tpu.memory_space<vmem>>, vector<1x16xf32>,
        %parallel_loop3A_404 = vector.shape_cast %parallel_loop3A_403 : vector<1x16xf32> to vector<16xf32>
        %parallel_loop3A_405 = arith.index_cast %parallel_loop3A_366 : i32 to index
        %parallel_loop3A_406 = arith.constant 32 : index
        %parallel_loop3A_407 = tpu.vector_load %arg11[%parallel_loop3A_405, %parallel_loop3A_406] {strides = array<i32>} : memref<40x128xf32, #tpu.memory_space<vmem>>, vector<1x16xf32>,
        %parallel_loop3A_408 = vector.shape_cast %parallel_loop3A_407 : vector<1x16xf32> to vector<16xf32>
        %parallel_loop3A_409 = arith.addf %parallel_loop3A_404, %parallel_loop3A_408 : vector<16xf32>
        %parallel_loop3A_410 = arith.constant 0.000000e+00 : f32
        %parallel_loop3A_411 = vector.broadcast %parallel_loop3A_410 : f32 to vector<16xf32>
        %parallel_loop3A_412 = arith.maximumf %parallel_loop3A_409, %parallel_loop3A_411 : vector<16xf32>
        %parallel_loop3A_413 = arith.index_cast %parallel_loop3A_366 : i32 to index
        %parallel_loop3A_414 = arith.constant 32 : index
        %parallel_loop3A_415 = tpu.vector_load %arg11[%parallel_loop3A_413, %parallel_loop3A_414] {strides = array<i32>} : memref<40x128xf32, #tpu.memory_space<vmem>>, vector<1x16xf32>,
        %parallel_loop3A_416 = vector.shape_cast %parallel_loop3A_415 : vector<1x16xf32> to vector<16xf32>
        %parallel_loop3A_417 = vector.shape_cast %parallel_loop3A_412 : vector<16xf32> to vector<1x16xf32>
        tpu.vector_store %arg11[%parallel_loop3A_413, %parallel_loop3A_414], %parallel_loop3A_417 {strides = array<i32>} : memref<40x128xf32, #tpu.memory_space<vmem>>, vector<1x16xf32>,
        %parallel_loop3A_418 = arith.index_cast %parallel_loop3A_366 : i32 to index
        %parallel_loop3A_419 = arith.constant 48 : index
        %parallel_loop3A_420 = tpu.vector_load %arg14[%parallel_loop3A_418, %parallel_loop3A_419] {strides = array<i32>} : memref<40x128xf32, #tpu.memory_space<vmem>>, vector<1x16xf32>,
        %parallel_loop3A_421 = vector.shape_cast %parallel_loop3A_420 : vector<1x16xf32> to vector<16xf32>
        %parallel_loop3A_422 = arith.index_cast %parallel_loop3A_366 : i32 to index
        %parallel_loop3A_423 = arith.constant 48 : index
        %parallel_loop3A_424 = tpu.vector_load %arg11[%parallel_loop3A_422, %parallel_loop3A_423] {strides = array<i32>} : memref<40x128xf32, #tpu.memory_space<vmem>>, vector<1x16xf32>,
        %parallel_loop3A_425 = vector.shape_cast %parallel_loop3A_424 : vector<1x16xf32> to vector<16xf32>
        %parallel_loop3A_426 = arith.addf %parallel_loop3A_421, %parallel_loop3A_425 : vector<16xf32>
        %parallel_loop3A_427 = arith.constant 0.000000e+00 : f32
        %parallel_loop3A_428 = vector.broadcast %parallel_loop3A_427 : f32 to vector<16xf32>
        %parallel_loop3A_429 = arith.maximumf %parallel_loop3A_426, %parallel_loop3A_428 : vector<16xf32>
        %parallel_loop3A_430 = arith.index_cast %parallel_loop3A_366 : i32 to index
        %parallel_loop3A_431 = arith.constant 48 : index
        %parallel_loop3A_432 = tpu.vector_load %arg11[%parallel_loop3A_430, %parallel_loop3A_431] {strides = array<i32>} : memref<40x128xf32, #tpu.memory_space<vmem>>, vector<1x16xf32>,
        %parallel_loop3A_433 = vector.shape_cast %parallel_loop3A_432 : vector<1x16xf32> to vector<16xf32>
        %parallel_loop3A_434 = vector.shape_cast %parallel_loop3A_429 : vector<16xf32> to vector<1x16xf32>
        tpu.vector_store %arg11[%parallel_loop3A_430, %parallel_loop3A_431], %parallel_loop3A_434 {strides = array<i32>} : memref<40x128xf32, #tpu.memory_space<vmem>>, vector<1x16xf32>,
        %parallel_loop3A_435 = arith.index_cast %parallel_loop3A_366 : i32 to index
        %parallel_loop3A_436 = arith.constant 64 : index
        %parallel_loop3A_437 = tpu.vector_load %arg14[%parallel_loop3A_435, %parallel_loop3A_436] {strides = array<i32>} : memref<40x128xf32, #tpu.memory_space<vmem>>, vector<1x16xf32>,
        %parallel_loop3A_438 = vector.shape_cast %parallel_loop3A_437 : vector<1x16xf32> to vector<16xf32>
        %parallel_loop3A_439 = arith.index_cast %parallel_loop3A_366 : i32 to index
        %parallel_loop3A_440 = arith.constant 64 : index
        %parallel_loop3A_441 = tpu.vector_load %arg11[%parallel_loop3A_439, %parallel_loop3A_440] {strides = array<i32>} : memref<40x128xf32, #tpu.memory_space<vmem>>, vector<1x16xf32>,
        %parallel_loop3A_442 = vector.shape_cast %parallel_loop3A_441 : vector<1x16xf32> to vector<16xf32>
        %parallel_loop3A_443 = arith.addf %parallel_loop3A_438, %parallel_loop3A_442 : vector<16xf32>
        %parallel_loop3A_444 = arith.constant 0.000000e+00 : f32
        %parallel_loop3A_445 = vector.broadcast %parallel_loop3A_444 : f32 to vector<16xf32>
        %parallel_loop3A_446 = arith.maximumf %parallel_loop3A_443, %parallel_loop3A_445 : vector<16xf32>
        %parallel_loop3A_447 = arith.index_cast %parallel_loop3A_366 : i32 to index
        %parallel_loop3A_448 = arith.constant 64 : index
        %parallel_loop3A_449 = tpu.vector_load %arg11[%parallel_loop3A_447, %parallel_loop3A_448] {strides = array<i32>} : memref<40x128xf32, #tpu.memory_space<vmem>>, vector<1x16xf32>,
        %parallel_loop3A_450 = vector.shape_cast %parallel_loop3A_449 : vector<1x16xf32> to vector<16xf32>
        %parallel_loop3A_451 = vector.shape_cast %parallel_loop3A_446 : vector<16xf32> to vector<1x16xf32>
        tpu.vector_store %arg11[%parallel_loop3A_447, %parallel_loop3A_448], %parallel_loop3A_451 {strides = array<i32>} : memref<40x128xf32, #tpu.memory_space<vmem>>, vector<1x16xf32>,
        %parallel_loop3A_452 = arith.index_cast %parallel_loop3A_366 : i32 to index
        %parallel_loop3A_453 = arith.constant 80 : index
        %parallel_loop3A_454 = tpu.vector_load %arg14[%parallel_loop3A_452, %parallel_loop3A_453] {strides = array<i32>} : memref<40x128xf32, #tpu.memory_space<vmem>>, vector<1x16xf32>,
        %parallel_loop3A_455 = vector.shape_cast %parallel_loop3A_454 : vector<1x16xf32> to vector<16xf32>
        %parallel_loop3A_456 = arith.index_cast %parallel_loop3A_366 : i32 to index
        %parallel_loop3A_457 = arith.constant 80 : index
        %parallel_loop3A_458 = tpu.vector_load %arg11[%parallel_loop3A_456, %parallel_loop3A_457] {strides = array<i32>} : memref<40x128xf32, #tpu.memory_space<vmem>>, vector<1x16xf32>,
        %parallel_loop3A_459 = vector.shape_cast %parallel_loop3A_458 : vector<1x16xf32> to vector<16xf32>
        %parallel_loop3A_460 = arith.addf %parallel_loop3A_455, %parallel_loop3A_459 : vector<16xf32>
        %parallel_loop3A_461 = arith.constant 0.000000e+00 : f32
        %parallel_loop3A_462 = vector.broadcast %parallel_loop3A_461 : f32 to vector<16xf32>
        %parallel_loop3A_463 = arith.maximumf %parallel_loop3A_460, %parallel_loop3A_462 : vector<16xf32>
        %parallel_loop3A_464 = arith.index_cast %parallel_loop3A_366 : i32 to index
        %parallel_loop3A_465 = arith.constant 80 : index
        %parallel_loop3A_466 = tpu.vector_load %arg11[%parallel_loop3A_464, %parallel_loop3A_465] {strides = array<i32>} : memref<40x128xf32, #tpu.memory_space<vmem>>, vector<1x16xf32>,
        %parallel_loop3A_467 = vector.shape_cast %parallel_loop3A_466 : vector<1x16xf32> to vector<16xf32>
        %parallel_loop3A_468 = vector.shape_cast %parallel_loop3A_463 : vector<16xf32> to vector<1x16xf32>
        tpu.vector_store %arg11[%parallel_loop3A_464, %parallel_loop3A_465], %parallel_loop3A_468 {strides = array<i32>} : memref<40x128xf32, #tpu.memory_space<vmem>>, vector<1x16xf32>,
        %parallel_loop3A_469 = arith.index_cast %parallel_loop3A_366 : i32 to index
        %parallel_loop3A_470 = arith.constant 96 : index
        %parallel_loop3A_471 = tpu.vector_load %arg14[%parallel_loop3A_469, %parallel_loop3A_470] {strides = array<i32>} : memref<40x128xf32, #tpu.memory_space<vmem>>, vector<1x16xf32>,
        %parallel_loop3A_472 = vector.shape_cast %parallel_loop3A_471 : vector<1x16xf32> to vector<16xf32>
        %parallel_loop3A_473 = arith.index_cast %parallel_loop3A_366 : i32 to index
        %parallel_loop3A_474 = arith.constant 96 : index
        %parallel_loop3A_475 = tpu.vector_load %arg11[%parallel_loop3A_473, %parallel_loop3A_474] {strides = array<i32>} : memref<40x128xf32, #tpu.memory_space<vmem>>, vector<1x16xf32>,
        %parallel_loop3A_476 = vector.shape_cast %parallel_loop3A_475 : vector<1x16xf32> to vector<16xf32>
        %parallel_loop3A_477 = arith.addf %parallel_loop3A_472, %parallel_loop3A_476 : vector<16xf32>
        %parallel_loop3A_478 = arith.constant 0.000000e+00 : f32
        %parallel_loop3A_479 = vector.broadcast %parallel_loop3A_478 : f32 to vector<16xf32>
        %parallel_loop3A_480 = arith.maximumf %parallel_loop3A_477, %parallel_loop3A_479 : vector<16xf32>
        %parallel_loop3A_481 = arith.index_cast %parallel_loop3A_366 : i32 to index
        %parallel_loop3A_482 = arith.constant 96 : index
        %parallel_loop3A_483 = tpu.vector_load %arg11[%parallel_loop3A_481, %parallel_loop3A_482] {strides = array<i32>} : memref<40x128xf32, #tpu.memory_space<vmem>>, vector<1x16xf32>,
        %parallel_loop3A_484 = vector.shape_cast %parallel_loop3A_483 : vector<1x16xf32> to vector<16xf32>
        %parallel_loop3A_485 = vector.shape_cast %parallel_loop3A_480 : vector<16xf32> to vector<1x16xf32>
        tpu.vector_store %arg11[%parallel_loop3A_481, %parallel_loop3A_482], %parallel_loop3A_485 {strides = array<i32>} : memref<40x128xf32, #tpu.memory_space<vmem>>, vector<1x16xf32>,
        %parallel_loop3A_486 = arith.index_cast %parallel_loop3A_366 : i32 to index
        %parallel_loop3A_487 = arith.constant 112 : index
        %parallel_loop3A_488 = tpu.vector_load %arg14[%parallel_loop3A_486, %parallel_loop3A_487] {strides = array<i32>} : memref<40x128xf32, #tpu.memory_space<vmem>>, vector<1x16xf32>,
        %parallel_loop3A_489 = vector.shape_cast %parallel_loop3A_488 : vector<1x16xf32> to vector<16xf32>
        %parallel_loop3A_490 = arith.index_cast %parallel_loop3A_366 : i32 to index
        %parallel_loop3A_491 = arith.constant 112 : index
        %parallel_loop3A_492 = tpu.vector_load %arg11[%parallel_loop3A_490, %parallel_loop3A_491] {strides = array<i32>} : memref<40x128xf32, #tpu.memory_space<vmem>>, vector<1x16xf32>,
        %parallel_loop3A_493 = vector.shape_cast %parallel_loop3A_492 : vector<1x16xf32> to vector<16xf32>
        %parallel_loop3A_494 = arith.addf %parallel_loop3A_489, %parallel_loop3A_493 : vector<16xf32>
        %parallel_loop3A_495 = arith.constant 0.000000e+00 : f32
        %parallel_loop3A_496 = vector.broadcast %parallel_loop3A_495 : f32 to vector<16xf32>
        %parallel_loop3A_497 = arith.maximumf %parallel_loop3A_494, %parallel_loop3A_496 : vector<16xf32>
        %parallel_loop3A_498 = arith.index_cast %parallel_loop3A_366 : i32 to index
        %parallel_loop3A_499 = arith.constant 112 : index
        %parallel_loop3A_500 = tpu.vector_load %arg11[%parallel_loop3A_498, %parallel_loop3A_499] {strides = array<i32>} : memref<40x128xf32, #tpu.memory_space<vmem>>, vector<1x16xf32>,
        %parallel_loop3A_501 = vector.shape_cast %parallel_loop3A_500 : vector<1x16xf32> to vector<16xf32>
        %parallel_loop3A_502 = vector.shape_cast %parallel_loop3A_497 : vector<16xf32> to vector<1x16xf32>
        tpu.vector_store %arg11[%parallel_loop3A_498, %parallel_loop3A_499], %parallel_loop3A_502 {strides = array<i32>} : memref<40x128xf32, #tpu.memory_space<vmem>>, vector<1x16xf32>,
      } {sc.loop_unroll_factor = 4 : i64, sc.parallel_access}
      %dma_wait3A_339 = arith.constant 0 : i32
      %dma_wait3A_340 = arith.constant 0 : i32
      %dma_wait3A_341 = tpu.memref_slice %arg7[%dma_wait3A_339, %dma_wait3A_340] : memref<10240x128xf32, #tpu.memory_space<vmem_shared>> -> memref<10240x128xf32, #tpu.memory_space<vmem_shared>>
      tpu.wait_indirect_dma semaphore(%arg25 : memref<!tpu.dma_semaphore, #tpu.memory_space<semaphore_mem>>) src(%arg10 : memref<40x128xf32, #tpu.memory_space<vmem>>) dst(%dma_wait3A_341 : memref<10240x128xf32, #tpu.memory_space<vmem_shared>>)
      %add3A_342 = arith.constant 2 : i32
      %add3A_343 = arith.addi %add3A_324, %add3A_342 : i32
      %mul3A_344 = arith.constant 40 : i32
      %mul3A_345 = arith.muli %add3A_343, %mul3A_344 : i32
      %add3A_346 = arith.addi %add3A_4, %mul3A_345 : i32
      %dma_start3A_347 = arith.constant 0 : i32
      %dma_start3A_348 = tpu.memref_slice %arg3[%add3A_346, %dma_start3A_347] : memref<320000x128xf32, #tpu.memory_space<hbm>> -> memref<40x128xf32, #tpu.memory_space<hbm>>
      %dma_start3A_349 = arith.constant 0 : i32
      %dma_start3A_350 = tpu.memref_slice %arg3[%add3A_346, %dma_start3A_349] : memref<320000x128xf32, #tpu.memory_space<hbm>> -> memref<40x128xf32, #tpu.memory_space<hbm>>
      tpu.enqueue_dma source(%dma_start3A_350 : memref<40x128xf32, #tpu.memory_space<hbm>>) target(%arg10 : memref<40x128xf32, #tpu.memory_space<vmem>>) target_semaphore(%arg19 : memref<!tpu.dma_semaphore, #tpu.memory_space<semaphore_mem>>)
      %mul3A_351 = arith.constant 40 : i32
      %mul3A_352 = arith.muli %add3A_343, %mul3A_351 : i32
      %dma_start3A_353 = tpu.memref_slice %arg8[%mul3A_352] : memref<5000xi32, #tpu.memory_space<vmem>> -> memref<40xi32, #tpu.memory_space<vmem>>
      %dma_start3A_354 = arith.constant 0 : i32
      %dma_start3A_355 = arith.constant 0 : i32
      %dma_start3A_356 = tpu.memref_slice %arg2[%dma_start3A_354, %dma_start3A_355] : memref<10000x128xf32, #tpu.memory_space<hbm>> -> memref<10000x128xf32, #tpu.memory_space<hbm>>
      tpu.enqueue_indirect_dma source(%dma_start3A_356 : memref<10000x128xf32, #tpu.memory_space<hbm>>) target(%arg13 : memref<40x128xf32, #tpu.memory_space<vmem>>) offsets(%dma_start3A_353 : memref<40xi32, #tpu.memory_space<vmem>>) semaphore(%arg22 : memref<!tpu.dma_semaphore, #tpu.memory_space<semaphore_mem>>)
      %mul3A_357 = arith.constant 40 : i32
      %mul3A_358 = arith.muli %add3A_343, %mul3A_357 : i32
      %add3A_359 = arith.addi %add3A_4, %mul3A_358 : i32
      %dma_start3A_360 = tpu.memref_slice %arg5[%add3A_359] : memref<320000xi32, #tpu.memory_space<hbm>> -> memref<40xi32, #tpu.memory_space<hbm>>
      %dma_start3A_361 = tpu.memref_slice %arg5[%add3A_359] : memref<320000xi32, #tpu.memory_space<hbm>> -> memref<40xi32, #tpu.memory_space<hbm>>
      tpu.enqueue_dma source(%dma_start3A_361 : memref<40xi32, #tpu.memory_space<hbm>>) target(%arg16 : memref<40xi32, #tpu.memory_space<vmem>>) target_semaphore(%arg28 : memref<!tpu.dma_semaphore, #tpu.memory_space<semaphore_mem>>)
      %dma_start3A_362 = arith.constant 0 : i32
      %dma_start3A_363 = arith.constant 0 : i32
      %dma_start3A_364 = tpu.memref_slice %arg7[%dma_start3A_362, %dma_start3A_363] : memref<10240x128xf32, #tpu.memory_space<vmem_shared>> -> memref<10240x128xf32, #tpu.memory_space<vmem_shared>>
      tpu.enqueue_indirect_dma source(%arg11 : memref<40x128xf32, #tpu.memory_space<vmem>>) target(%dma_start3A_364 : memref<10240x128xf32, #tpu.memory_space<vmem_shared>>) offsets(%arg17 : memref<40xi32, #tpu.memory_space<vmem>>) semaphore(%arg26 : memref<!tpu.dma_semaphore, #tpu.memory_space<semaphore_mem>>) {add = true}
      %scan3A_365 = arith.constant 0 : i32
      scf.yield %scan3A_365 : i32
    }
    %scan3A_111 = arith.constant 41 : i32
    %dma_wait3A = arith.constant 0 : i32
    %dma_wait3A_112 = tpu.memref_slice %arg3[%mul3A_2, %dma_wait3A] : memref<320000x128xf32, #tpu.memory_space<hbm>> -> memref<40x128xf32, #tpu.memory_space<hbm>>
    %dma_wait3A_113 = arith.constant 0 : i32
    %dma_wait3A_114 = tpu.memref_slice %arg3[%mul3A_2, %dma_wait3A_113] : memref<320000x128xf32, #tpu.memory_space<hbm>> -> memref<40x128xf32, #tpu.memory_space<hbm>>
    tpu.wait_dma2 semaphore(%arg18 : memref<!tpu.dma_semaphore, #tpu.memory_space<semaphore_mem>>) src(%dma_wait3A_114 : memref<40x128xf32, #tpu.memory_space<hbm>>) dst(%arg9 : memref<40x128xf32, #tpu.memory_space<vmem>>)
    %dma_wait3A_115 = arith.constant 0 : i32
    %dma_wait3A_116 = tpu.memref_slice %arg8[%dma_wait3A_115] : memref<5000xi32, #tpu.memory_space<vmem>> -> memref<40xi32, #tpu.memory_space<vmem>>
    %dma_wait3A_117 = arith.constant 0 : i32
    %dma_wait3A_118 = arith.constant 0 : i32
    %dma_wait3A_119 = tpu.memref_slice %arg2[%dma_wait3A_117, %dma_wait3A_118] : memref<10000x128xf32, #tpu.memory_space<hbm>> -> memref<10000x128xf32, #tpu.memory_space<hbm>>
    tpu.wait_indirect_dma semaphore(%arg21 : memref<!tpu.dma_semaphore, #tpu.memory_space<semaphore_mem>>) src(%dma_wait3A_119 : memref<10000x128xf32, #tpu.memory_space<hbm>>) dst(%arg12 : memref<40x128xf32, #tpu.memory_space<vmem>>)
    %dma_wait3A_120 = tpu.memref_slice %arg5[%mul3A_2] : memref<320000xi32, #tpu.memory_space<hbm>> -> memref<40xi32, #tpu.memory_space<hbm>>
    %dma_wait3A_121 = tpu.memref_slice %arg5[%mul3A_2] : memref<320000xi32, #tpu.memory_space<hbm>> -> memref<40xi32, #tpu.memory_space<hbm>>
    tpu.wait_dma2 semaphore(%arg27 : memref<!tpu.dma_semaphore, #tpu.memory_space<semaphore_mem>>) src(%dma_wait3A_121 : memref<40xi32, #tpu.memory_space<hbm>>) dst(%arg15 : memref<40xi32, #tpu.memory_space<vmem>>)
    %parallel_loop3A = arith.constant 0 : i32
    %parallel_loop3A_122 = arith.constant 40 : i32
    %parallel_loop3A_123 = arith.constant 1 : i32
    scf.for %parallel_loop3A_238 = %parallel_loop3A to %parallel_loop3A_122 step %parallel_loop3A_123  : i32 {
      %parallel_loop3A_239 = arith.index_cast %parallel_loop3A_238 : i32 to index
      %parallel_loop3A_240 = arith.constant 0 : index
      %parallel_loop3A_241 = tpu.vector_load %arg12[%parallel_loop3A_239, %parallel_loop3A_240] {strides = array<i32>} : memref<40x128xf32, #tpu.memory_space<vmem>>, vector<1x16xf32>,
      %parallel_loop3A_242 = vector.shape_cast %parallel_loop3A_241 : vector<1x16xf32> to vector<16xf32>
      %parallel_loop3A_243 = arith.index_cast %parallel_loop3A_238 : i32 to index
      %parallel_loop3A_244 = arith.constant 0 : index
      %parallel_loop3A_245 = tpu.vector_load %arg9[%parallel_loop3A_243, %parallel_loop3A_244] {strides = array<i32>} : memref<40x128xf32, #tpu.memory_space<vmem>>, vector<1x16xf32>,
      %parallel_loop3A_246 = vector.shape_cast %parallel_loop3A_245 : vector<1x16xf32> to vector<16xf32>
      %parallel_loop3A_247 = arith.addf %parallel_loop3A_242, %parallel_loop3A_246 : vector<16xf32>
      %parallel_loop3A_248 = arith.constant 0.000000e+00 : f32
      %parallel_loop3A_249 = vector.broadcast %parallel_loop3A_248 : f32 to vector<16xf32>
      %parallel_loop3A_250 = arith.maximumf %parallel_loop3A_247, %parallel_loop3A_249 : vector<16xf32>
      %parallel_loop3A_251 = arith.index_cast %parallel_loop3A_238 : i32 to index
      %parallel_loop3A_252 = arith.constant 0 : index
      %parallel_loop3A_253 = tpu.vector_load %arg9[%parallel_loop3A_251, %parallel_loop3A_252] {strides = array<i32>} : memref<40x128xf32, #tpu.memory_space<vmem>>, vector<1x16xf32>,
      %parallel_loop3A_254 = vector.shape_cast %parallel_loop3A_253 : vector<1x16xf32> to vector<16xf32>
      %parallel_loop3A_255 = vector.shape_cast %parallel_loop3A_250 : vector<16xf32> to vector<1x16xf32>
      tpu.vector_store %arg9[%parallel_loop3A_251, %parallel_loop3A_252], %parallel_loop3A_255 {strides = array<i32>} : memref<40x128xf32, #tpu.memory_space<vmem>>, vector<1x16xf32>,
      %parallel_loop3A_256 = arith.index_cast %parallel_loop3A_238 : i32 to index
      %parallel_loop3A_257 = arith.constant 16 : index
      %parallel_loop3A_258 = tpu.vector_load %arg12[%parallel_loop3A_256, %parallel_loop3A_257] {strides = array<i32>} : memref<40x128xf32, #tpu.memory_space<vmem>>, vector<1x16xf32>,
      %parallel_loop3A_259 = vector.shape_cast %parallel_loop3A_258 : vector<1x16xf32> to vector<16xf32>
      %parallel_loop3A_260 = arith.index_cast %parallel_loop3A_238 : i32 to index
      %parallel_loop3A_261 = arith.constant 16 : index
      %parallel_loop3A_262 = tpu.vector_load %arg9[%parallel_loop3A_260, %parallel_loop3A_261] {strides = array<i32>} : memref<40x128xf32, #tpu.memory_space<vmem>>, vector<1x16xf32>,
      %parallel_loop3A_263 = vector.shape_cast %parallel_loop3A_262 : vector<1x16xf32> to vector<16xf32>
      %parallel_loop3A_264 = arith.addf %parallel_loop3A_259, %parallel_loop3A_263 : vector<16xf32>
      %parallel_loop3A_265 = arith.constant 0.000000e+00 : f32
      %parallel_loop3A_266 = vector.broadcast %parallel_loop3A_265 : f32 to vector<16xf32>
      %parallel_loop3A_267 = arith.maximumf %parallel_loop3A_264, %parallel_loop3A_266 : vector<16xf32>
      %parallel_loop3A_268 = arith.index_cast %parallel_loop3A_238 : i32 to index
      %parallel_loop3A_269 = arith.constant 16 : index
      %parallel_loop3A_270 = tpu.vector_load %arg9[%parallel_loop3A_268, %parallel_loop3A_269] {strides = array<i32>} : memref<40x128xf32, #tpu.memory_space<vmem>>, vector<1x16xf32>,
      %parallel_loop3A_271 = vector.shape_cast %parallel_loop3A_270 : vector<1x16xf32> to vector<16xf32>
      %parallel_loop3A_272 = vector.shape_cast %parallel_loop3A_267 : vector<16xf32> to vector<1x16xf32>
      tpu.vector_store %arg9[%parallel_loop3A_268, %parallel_loop3A_269], %parallel_loop3A_272 {strides = array<i32>} : memref<40x128xf32, #tpu.memory_space<vmem>>, vector<1x16xf32>,
      %parallel_loop3A_273 = arith.index_cast %parallel_loop3A_238 : i32 to index
      %parallel_loop3A_274 = arith.constant 32 : index
      %parallel_loop3A_275 = tpu.vector_load %arg12[%parallel_loop3A_273, %parallel_loop3A_274] {strides = array<i32>} : memref<40x128xf32, #tpu.memory_space<vmem>>, vector<1x16xf32>,
      %parallel_loop3A_276 = vector.shape_cast %parallel_loop3A_275 : vector<1x16xf32> to vector<16xf32>
      %parallel_loop3A_277 = arith.index_cast %parallel_loop3A_238 : i32 to index
      %parallel_loop3A_278 = arith.constant 32 : index
      %parallel_loop3A_279 = tpu.vector_load %arg9[%parallel_loop3A_277, %parallel_loop3A_278] {strides = array<i32>} : memref<40x128xf32, #tpu.memory_space<vmem>>, vector<1x16xf32>,
      %parallel_loop3A_280 = vector.shape_cast %parallel_loop3A_279 : vector<1x16xf32> to vector<16xf32>
      %parallel_loop3A_281 = arith.addf %parallel_loop3A_276, %parallel_loop3A_280 : vector<16xf32>
      %parallel_loop3A_282 = arith.constant 0.000000e+00 : f32
      %parallel_loop3A_283 = vector.broadcast %parallel_loop3A_282 : f32 to vector<16xf32>
      %parallel_loop3A_284 = arith.maximumf %parallel_loop3A_281, %parallel_loop3A_283 : vector<16xf32>
      %parallel_loop3A_285 = arith.index_cast %parallel_loop3A_238 : i32 to index
      %parallel_loop3A_286 = arith.constant 32 : index
      %parallel_loop3A_287 = tpu.vector_load %arg9[%parallel_loop3A_285, %parallel_loop3A_286] {strides = array<i32>} : memref<40x128xf32, #tpu.memory_space<vmem>>, vector<1x16xf32>,
      %parallel_loop3A_288 = vector.shape_cast %parallel_loop3A_287 : vector<1x16xf32> to vector<16xf32>
      %parallel_loop3A_289 = vector.shape_cast %parallel_loop3A_284 : vector<16xf32> to vector<1x16xf32>
      tpu.vector_store %arg9[%parallel_loop3A_285, %parallel_loop3A_286], %parallel_loop3A_289 {strides = array<i32>} : memref<40x128xf32, #tpu.memory_space<vmem>>, vector<1x16xf32>,
      %parallel_loop3A_290 = arith.index_cast %parallel_loop3A_238 : i32 to index
      %parallel_loop3A_291 = arith.constant 48 : index
      %parallel_loop3A_292 = tpu.vector_load %arg12[%parallel_loop3A_290, %parallel_loop3A_291] {strides = array<i32>} : memref<40x128xf32, #tpu.memory_space<vmem>>, vector<1x16xf32>,
      %parallel_loop3A_293 = vector.shape_cast %parallel_loop3A_292 : vector<1x16xf32> to vector<16xf32>
      %parallel_loop3A_294 = arith.index_cast %parallel_loop3A_238 : i32 to index
      %parallel_loop3A_295 = arith.constant 48 : index
      %parallel_loop3A_296 = tpu.vector_load %arg9[%parallel_loop3A_294, %parallel_loop3A_295] {strides = array<i32>} : memref<40x128xf32, #tpu.memory_space<vmem>>, vector<1x16xf32>,
      %parallel_loop3A_297 = vector.shape_cast %parallel_loop3A_296 : vector<1x16xf32> to vector<16xf32>
      %parallel_loop3A_298 = arith.addf %parallel_loop3A_293, %parallel_loop3A_297 : vector<16xf32>
      %parallel_loop3A_299 = arith.constant 0.000000e+00 : f32
      %parallel_loop3A_300 = vector.broadcast %parallel_loop3A_299 : f32 to vector<16xf32>
      %parallel_loop3A_301 = arith.maximumf %parallel_loop3A_298, %parallel_loop3A_300 : vector<16xf32>
      %parallel_loop3A_302 = arith.index_cast %parallel_loop3A_238 : i32 to index
      %parallel_loop3A_303 = arith.constant 48 : index
      %parallel_loop3A_304 = tpu.vector_load %arg9[%parallel_loop3A_302, %parallel_loop3A_303] {strides = array<i32>} : memref<40x128xf32, #tpu.memory_space<vmem>>, vector<1x16xf32>,
      %parallel_loop3A_305 = vector.shape_cast %parallel_loop3A_304 : vector<1x16xf32> to vector<16xf32>
      %parallel_loop3A_306 = vector.shape_cast %parallel_loop3A_301 : vector<16xf32> to vector<1x16xf32>
      tpu.vector_store %arg9[%parallel_loop3A_302, %parallel_loop3A_303], %parallel_loop3A_306 {strides = array<i32>} : memref<40x128xf32, #tpu.memory_space<vmem>>, vector<1x16xf32>,
      %parallel_loop3A_307 = arith.index_cast %parallel_loop3A_238 : i32 to index
      %parallel_loop3A_308 = arith.constant 64 : index
      %parallel_loop3A_309 = tpu.vector_load %arg12[%parallel_loop3A_307, %parallel_loop3A_308] {strides = array<i32>} : memref<40x128xf32, #tpu.memory_space<vmem>>, vector<1x16xf32>,
      %parallel_loop3A_310 = vector.shape_cast %parallel_loop3A_309 : vector<1x16xf32> to vector<16xf32>
      %parallel_loop3A_311 = arith.index_cast %parallel_loop3A_238 : i32 to index
      %parallel_loop3A_312 = arith.constant 64 : index
      %parallel_loop3A_313 = tpu.vector_load %arg9[%parallel_loop3A_311, %parallel_loop3A_312] {strides = array<i32>} : memref<40x128xf32, #tpu.memory_space<vmem>>, vector<1x16xf32>,
      %parallel_loop3A_314 = vector.shape_cast %parallel_loop3A_313 : vector<1x16xf32> to vector<16xf32>
      %parallel_loop3A_315 = arith.addf %parallel_loop3A_310, %parallel_loop3A_314 : vector<16xf32>
      %parallel_loop3A_316 = arith.constant 0.000000e+00 : f32
      %parallel_loop3A_317 = vector.broadcast %parallel_loop3A_316 : f32 to vector<16xf32>
      %parallel_loop3A_318 = arith.maximumf %parallel_loop3A_315, %parallel_loop3A_317 : vector<16xf32>
      %parallel_loop3A_319 = arith.index_cast %parallel_loop3A_238 : i32 to index
      %parallel_loop3A_320 = arith.constant 64 : index
      %parallel_loop3A_321 = tpu.vector_load %arg9[%parallel_loop3A_319, %parallel_loop3A_320] {strides = array<i32>} : memref<40x128xf32, #tpu.memory_space<vmem>>, vector<1x16xf32>,
      %parallel_loop3A_322 = vector.shape_cast %parallel_loop3A_321 : vector<1x16xf32> to vector<16xf32>
      %parallel_loop3A_323 = vector.shape_cast %parallel_loop3A_318 : vector<16xf32> to vector<1x16xf32>
      tpu.vector_store %arg9[%parallel_loop3A_319, %parallel_loop3A_320], %parallel_loop3A_323 {strides = array<i32>} : memref<40x128xf32, #tpu.memory_space<vmem>>, vector<1x16xf32>,
      %parallel_loop3A_324 = arith.index_cast %parallel_loop3A_238 : i32 to index
      %parallel_loop3A_325 = arith.constant 80 : index
      %parallel_loop3A_326 = tpu.vector_load %arg12[%parallel_loop3A_324, %parallel_loop3A_325] {strides = array<i32>} : memref<40x128xf32, #tpu.memory_space<vmem>>, vector<1x16xf32>,
      %parallel_loop3A_327 = vector.shape_cast %parallel_loop3A_326 : vector<1x16xf32> to vector<16xf32>
      %parallel_loop3A_328 = arith.index_cast %parallel_loop3A_238 : i32 to index
      %parallel_loop3A_329 = arith.constant 80 : index
      %parallel_loop3A_330 = tpu.vector_load %arg9[%parallel_loop3A_328, %parallel_loop3A_329] {strides = array<i32>} : memref<40x128xf32, #tpu.memory_space<vmem>>, vector<1x16xf32>,
      %parallel_loop3A_331 = vector.shape_cast %parallel_loop3A_330 : vector<1x16xf32> to vector<16xf32>
      %parallel_loop3A_332 = arith.addf %parallel_loop3A_327, %parallel_loop3A_331 : vector<16xf32>
      %parallel_loop3A_333 = arith.constant 0.000000e+00 : f32
      %parallel_loop3A_334 = vector.broadcast %parallel_loop3A_333 : f32 to vector<16xf32>
      %parallel_loop3A_335 = arith.maximumf %parallel_loop3A_332, %parallel_loop3A_334 : vector<16xf32>
      %parallel_loop3A_336 = arith.index_cast %parallel_loop3A_238 : i32 to index
      %parallel_loop3A_337 = arith.constant 80 : index
      %parallel_loop3A_338 = tpu.vector_load %arg9[%parallel_loop3A_336, %parallel_loop3A_337] {strides = array<i32>} : memref<40x128xf32, #tpu.memory_space<vmem>>, vector<1x16xf32>,
      %parallel_loop3A_339 = vector.shape_cast %parallel_loop3A_338 : vector<1x16xf32> to vector<16xf32>
      %parallel_loop3A_340 = vector.shape_cast %parallel_loop3A_335 : vector<16xf32> to vector<1x16xf32>
      tpu.vector_store %arg9[%parallel_loop3A_336, %parallel_loop3A_337], %parallel_loop3A_340 {strides = array<i32>} : memref<40x128xf32, #tpu.memory_space<vmem>>, vector<1x16xf32>,
      %parallel_loop3A_341 = arith.index_cast %parallel_loop3A_238 : i32 to index
      %parallel_loop3A_342 = arith.constant 96 : index
      %parallel_loop3A_343 = tpu.vector_load %arg12[%parallel_loop3A_341, %parallel_loop3A_342] {strides = array<i32>} : memref<40x128xf32, #tpu.memory_space<vmem>>, vector<1x16xf32>,
      %parallel_loop3A_344 = vector.shape_cast %parallel_loop3A_343 : vector<1x16xf32> to vector<16xf32>
      %parallel_loop3A_345 = arith.index_cast %parallel_loop3A_238 : i32 to index
      %parallel_loop3A_346 = arith.constant 96 : index
      %parallel_loop3A_347 = tpu.vector_load %arg9[%parallel_loop3A_345, %parallel_loop3A_346] {strides = array<i32>} : memref<40x128xf32, #tpu.memory_space<vmem>>, vector<1x16xf32>,
      %parallel_loop3A_348 = vector.shape_cast %parallel_loop3A_347 : vector<1x16xf32> to vector<16xf32>
      %parallel_loop3A_349 = arith.addf %parallel_loop3A_344, %parallel_loop3A_348 : vector<16xf32>
      %parallel_loop3A_350 = arith.constant 0.000000e+00 : f32
      %parallel_loop3A_351 = vector.broadcast %parallel_loop3A_350 : f32 to vector<16xf32>
      %parallel_loop3A_352 = arith.maximumf %parallel_loop3A_349, %parallel_loop3A_351 : vector<16xf32>
      %parallel_loop3A_353 = arith.index_cast %parallel_loop3A_238 : i32 to index
      %parallel_loop3A_354 = arith.constant 96 : index
      %parallel_loop3A_355 = tpu.vector_load %arg9[%parallel_loop3A_353, %parallel_loop3A_354] {strides = array<i32>} : memref<40x128xf32, #tpu.memory_space<vmem>>, vector<1x16xf32>,
      %parallel_loop3A_356 = vector.shape_cast %parallel_loop3A_355 : vector<1x16xf32> to vector<16xf32>
      %parallel_loop3A_357 = vector.shape_cast %parallel_loop3A_352 : vector<16xf32> to vector<1x16xf32>
      tpu.vector_store %arg9[%parallel_loop3A_353, %parallel_loop3A_354], %parallel_loop3A_357 {strides = array<i32>} : memref<40x128xf32, #tpu.memory_space<vmem>>, vector<1x16xf32>,
      %parallel_loop3A_358 = arith.index_cast %parallel_loop3A_238 : i32 to index
      %parallel_loop3A_359 = arith.constant 112 : index
      %parallel_loop3A_360 = tpu.vector_load %arg12[%parallel_loop3A_358, %parallel_loop3A_359] {strides = array<i32>} : memref<40x128xf32, #tpu.memory_space<vmem>>, vector<1x16xf32>,
      %parallel_loop3A_361 = vector.shape_cast %parallel_loop3A_360 : vector<1x16xf32> to vector<16xf32>
      %parallel_loop3A_362 = arith.index_cast %parallel_loop3A_238 : i32 to index
      %parallel_loop3A_363 = arith.constant 112 : index
      %parallel_loop3A_364 = tpu.vector_load %arg9[%parallel_loop3A_362, %parallel_loop3A_363] {strides = array<i32>} : memref<40x128xf32, #tpu.memory_space<vmem>>, vector<1x16xf32>,
      %parallel_loop3A_365 = vector.shape_cast %parallel_loop3A_364 : vector<1x16xf32> to vector<16xf32>
      %parallel_loop3A_366 = arith.addf %parallel_loop3A_361, %parallel_loop3A_365 : vector<16xf32>
      %parallel_loop3A_367 = arith.constant 0.000000e+00 : f32
      %parallel_loop3A_368 = vector.broadcast %parallel_loop3A_367 : f32 to vector<16xf32>
      %parallel_loop3A_369 = arith.maximumf %parallel_loop3A_366, %parallel_loop3A_368 : vector<16xf32>
      %parallel_loop3A_370 = arith.index_cast %parallel_loop3A_238 : i32 to index
      %parallel_loop3A_371 = arith.constant 112 : index
      %parallel_loop3A_372 = tpu.vector_load %arg9[%parallel_loop3A_370, %parallel_loop3A_371] {strides = array<i32>} : memref<40x128xf32, #tpu.memory_space<vmem>>, vector<1x16xf32>,
      %parallel_loop3A_373 = vector.shape_cast %parallel_loop3A_372 : vector<1x16xf32> to vector<16xf32>
      %parallel_loop3A_374 = vector.shape_cast %parallel_loop3A_369 : vector<16xf32> to vector<1x16xf32>
      tpu.vector_store %arg9[%parallel_loop3A_370, %parallel_loop3A_371], %parallel_loop3A_374 {strides = array<i32>} : memref<40x128xf32, #tpu.memory_space<vmem>>, vector<1x16xf32>,
    } {sc.loop_unroll_factor = 4 : i64, sc.parallel_access}
    %dma_wait3A_124 = arith.constant 0 : i32
    %dma_wait3A_125 = arith.constant 0 : i32
    %dma_wait3A_126 = tpu.memref_slice %arg7[%dma_wait3A_124, %dma_wait3A_125] : memref<10240x128xf32, #tpu.memory_space<vmem_shared>> -> memref<10240x128xf32, #tpu.memory_space<vmem_shared>>
    tpu.wait_indirect_dma semaphore(%arg26 : memref<!tpu.dma_semaphore, #tpu.memory_space<semaphore_mem>>) src(%arg11 : memref<40x128xf32, #tpu.memory_space<vmem>>) dst(%dma_wait3A_126 : memref<10240x128xf32, #tpu.memory_space<vmem_shared>>)
    %dma_start3A_127 = arith.constant 0 : i32
    %dma_start3A_128 = arith.constant 0 : i32
    %dma_start3A_129 = tpu.memref_slice %arg7[%dma_start3A_127, %dma_start3A_128] : memref<10240x128xf32, #tpu.memory_space<vmem_shared>> -> memref<10240x128xf32, #tpu.memory_space<vmem_shared>>
    tpu.enqueue_indirect_dma source(%arg9 : memref<40x128xf32, #tpu.memory_space<vmem>>) target(%dma_start3A_129 : memref<10240x128xf32, #tpu.memory_space<vmem_shared>>) offsets(%arg15 : memref<40xi32, #tpu.memory_space<vmem>>) semaphore(%arg24 : memref<!tpu.dma_semaphore, #tpu.memory_space<semaphore_mem>>) {add = true}
    %dma_wait3A_130 = arith.constant 0 : i32
    %dma_wait3A_131 = tpu.memref_slice %arg3[%mul3A_2, %dma_wait3A_130] : memref<320000x128xf32, #tpu.memory_space<hbm>> -> memref<40x128xf32, #tpu.memory_space<hbm>>
    %dma_wait3A_132 = arith.constant 0 : i32
    %dma_wait3A_133 = tpu.memref_slice %arg3[%mul3A_2, %dma_wait3A_132] : memref<320000x128xf32, #tpu.memory_space<hbm>> -> memref<40x128xf32, #tpu.memory_space<hbm>>
    tpu.wait_dma2 semaphore(%arg19 : memref<!tpu.dma_semaphore, #tpu.memory_space<semaphore_mem>>) src(%dma_wait3A_133 : memref<40x128xf32, #tpu.memory_space<hbm>>) dst(%arg10 : memref<40x128xf32, #tpu.memory_space<vmem>>)
    %dma_wait3A_134 = arith.constant 0 : i32
    %dma_wait3A_135 = tpu.memref_slice %arg8[%dma_wait3A_134] : memref<5000xi32, #tpu.memory_space<vmem>> -> memref<40xi32, #tpu.memory_space<vmem>>
    %dma_wait3A_136 = arith.constant 0 : i32
    %dma_wait3A_137 = arith.constant 0 : i32
    %dma_wait3A_138 = tpu.memref_slice %arg2[%dma_wait3A_136, %dma_wait3A_137] : memref<10000x128xf32, #tpu.memory_space<hbm>> -> memref<10000x128xf32, #tpu.memory_space<hbm>>
    tpu.wait_indirect_dma semaphore(%arg22 : memref<!tpu.dma_semaphore, #tpu.memory_space<semaphore_mem>>) src(%dma_wait3A_138 : memref<10000x128xf32, #tpu.memory_space<hbm>>) dst(%arg13 : memref<40x128xf32, #tpu.memory_space<vmem>>)
    %dma_wait3A_139 = tpu.memref_slice %arg5[%mul3A_2] : memref<320000xi32, #tpu.memory_space<hbm>> -> memref<40xi32, #tpu.memory_space<hbm>>
    %dma_wait3A_140 = tpu.memref_slice %arg5[%mul3A_2] : memref<320000xi32, #tpu.memory_space<hbm>> -> memref<40xi32, #tpu.memory_space<hbm>>
    tpu.wait_dma2 semaphore(%arg28 : memref<!tpu.dma_semaphore, #tpu.memory_space<semaphore_mem>>) src(%dma_wait3A_140 : memref<40xi32, #tpu.memory_space<hbm>>) dst(%arg16 : memref<40xi32, #tpu.memory_space<vmem>>)
    %parallel_loop3A_141 = arith.constant 0 : i32
    %parallel_loop3A_142 = arith.constant 40 : i32
    %parallel_loop3A_143 = arith.constant 1 : i32
    scf.for %parallel_loop3A_238 = %parallel_loop3A_141 to %parallel_loop3A_142 step %parallel_loop3A_143  : i32 {
      %parallel_loop3A_239 = arith.index_cast %parallel_loop3A_238 : i32 to index
      %parallel_loop3A_240 = arith.constant 0 : index
      %parallel_loop3A_241 = tpu.vector_load %arg13[%parallel_loop3A_239, %parallel_loop3A_240] {strides = array<i32>} : memref<40x128xf32, #tpu.memory_space<vmem>>, vector<1x16xf32>,
      %parallel_loop3A_242 = vector.shape_cast %parallel_loop3A_241 : vector<1x16xf32> to vector<16xf32>
      %parallel_loop3A_243 = arith.index_cast %parallel_loop3A_238 : i32 to index
      %parallel_loop3A_244 = arith.constant 0 : index
      %parallel_loop3A_245 = tpu.vector_load %arg10[%parallel_loop3A_243, %parallel_loop3A_244] {strides = array<i32>} : memref<40x128xf32, #tpu.memory_space<vmem>>, vector<1x16xf32>,
      %parallel_loop3A_246 = vector.shape_cast %parallel_loop3A_245 : vector<1x16xf32> to vector<16xf32>
      %parallel_loop3A_247 = arith.addf %parallel_loop3A_242, %parallel_loop3A_246 : vector<16xf32>
      %parallel_loop3A_248 = arith.constant 0.000000e+00 : f32
      %parallel_loop3A_249 = vector.broadcast %parallel_loop3A_248 : f32 to vector<16xf32>
      %parallel_loop3A_250 = arith.maximumf %parallel_loop3A_247, %parallel_loop3A_249 : vector<16xf32>
      %parallel_loop3A_251 = arith.index_cast %parallel_loop3A_238 : i32 to index
      %parallel_loop3A_252 = arith.constant 0 : index
      %parallel_loop3A_253 = tpu.vector_load %arg10[%parallel_loop3A_251, %parallel_loop3A_252] {strides = array<i32>} : memref<40x128xf32, #tpu.memory_space<vmem>>, vector<1x16xf32>,
      %parallel_loop3A_254 = vector.shape_cast %parallel_loop3A_253 : vector<1x16xf32> to vector<16xf32>
      %parallel_loop3A_255 = vector.shape_cast %parallel_loop3A_250 : vector<16xf32> to vector<1x16xf32>
      tpu.vector_store %arg10[%parallel_loop3A_251, %parallel_loop3A_252], %parallel_loop3A_255 {strides = array<i32>} : memref<40x128xf32, #tpu.memory_space<vmem>>, vector<1x16xf32>,
      %parallel_loop3A_256 = arith.index_cast %parallel_loop3A_238 : i32 to index
      %parallel_loop3A_257 = arith.constant 16 : index
      %parallel_loop3A_258 = tpu.vector_load %arg13[%parallel_loop3A_256, %parallel_loop3A_257] {strides = array<i32>} : memref<40x128xf32, #tpu.memory_space<vmem>>, vector<1x16xf32>,
      %parallel_loop3A_259 = vector.shape_cast %parallel_loop3A_258 : vector<1x16xf32> to vector<16xf32>
      %parallel_loop3A_260 = arith.index_cast %parallel_loop3A_238 : i32 to index
      %parallel_loop3A_261 = arith.constant 16 : index
      %parallel_loop3A_262 = tpu.vector_load %arg10[%parallel_loop3A_260, %parallel_loop3A_261] {strides = array<i32>} : memref<40x128xf32, #tpu.memory_space<vmem>>, vector<1x16xf32>,
      %parallel_loop3A_263 = vector.shape_cast %parallel_loop3A_262 : vector<1x16xf32> to vector<16xf32>
      %parallel_loop3A_264 = arith.addf %parallel_loop3A_259, %parallel_loop3A_263 : vector<16xf32>
      %parallel_loop3A_265 = arith.constant 0.000000e+00 : f32
      %parallel_loop3A_266 = vector.broadcast %parallel_loop3A_265 : f32 to vector<16xf32>
      %parallel_loop3A_267 = arith.maximumf %parallel_loop3A_264, %parallel_loop3A_266 : vector<16xf32>
      %parallel_loop3A_268 = arith.index_cast %parallel_loop3A_238 : i32 to index
      %parallel_loop3A_269 = arith.constant 16 : index
      %parallel_loop3A_270 = tpu.vector_load %arg10[%parallel_loop3A_268, %parallel_loop3A_269] {strides = array<i32>} : memref<40x128xf32, #tpu.memory_space<vmem>>, vector<1x16xf32>,
      %parallel_loop3A_271 = vector.shape_cast %parallel_loop3A_270 : vector<1x16xf32> to vector<16xf32>
      %parallel_loop3A_272 = vector.shape_cast %parallel_loop3A_267 : vector<16xf32> to vector<1x16xf32>
      tpu.vector_store %arg10[%parallel_loop3A_268, %parallel_loop3A_269], %parallel_loop3A_272 {strides = array<i32>} : memref<40x128xf32, #tpu.memory_space<vmem>>, vector<1x16xf32>,
      %parallel_loop3A_273 = arith.index_cast %parallel_loop3A_238 : i32 to index
      %parallel_loop3A_274 = arith.constant 32 : index
      %parallel_loop3A_275 = tpu.vector_load %arg13[%parallel_loop3A_273, %parallel_loop3A_274] {strides = array<i32>} : memref<40x128xf32, #tpu.memory_space<vmem>>, vector<1x16xf32>,
      %parallel_loop3A_276 = vector.shape_cast %parallel_loop3A_275 : vector<1x16xf32> to vector<16xf32>
      %parallel_loop3A_277 = arith.index_cast %parallel_loop3A_238 : i32 to index
      %parallel_loop3A_278 = arith.constant 32 : index
      %parallel_loop3A_279 = tpu.vector_load %arg10[%parallel_loop3A_277, %parallel_loop3A_278] {strides = array<i32>} : memref<40x128xf32, #tpu.memory_space<vmem>>, vector<1x16xf32>,
      %parallel_loop3A_280 = vector.shape_cast %parallel_loop3A_279 : vector<1x16xf32> to vector<16xf32>
      %parallel_loop3A_281 = arith.addf %parallel_loop3A_276, %parallel_loop3A_280 : vector<16xf32>
      %parallel_loop3A_282 = arith.constant 0.000000e+00 : f32
      %parallel_loop3A_283 = vector.broadcast %parallel_loop3A_282 : f32 to vector<16xf32>
      %parallel_loop3A_284 = arith.maximumf %parallel_loop3A_281, %parallel_loop3A_283 : vector<16xf32>
      %parallel_loop3A_285 = arith.index_cast %parallel_loop3A_238 : i32 to index
      %parallel_loop3A_286 = arith.constant 32 : index
      %parallel_loop3A_287 = tpu.vector_load %arg10[%parallel_loop3A_285, %parallel_loop3A_286] {strides = array<i32>} : memref<40x128xf32, #tpu.memory_space<vmem>>, vector<1x16xf32>,
      %parallel_loop3A_288 = vector.shape_cast %parallel_loop3A_287 : vector<1x16xf32> to vector<16xf32>
      %parallel_loop3A_289 = vector.shape_cast %parallel_loop3A_284 : vector<16xf32> to vector<1x16xf32>
      tpu.vector_store %arg10[%parallel_loop3A_285, %parallel_loop3A_286], %parallel_loop3A_289 {strides = array<i32>} : memref<40x128xf32, #tpu.memory_space<vmem>>, vector<1x16xf32>,
      %parallel_loop3A_290 = arith.index_cast %parallel_loop3A_238 : i32 to index
      %parallel_loop3A_291 = arith.constant 48 : index
      %parallel_loop3A_292 = tpu.vector_load %arg13[%parallel_loop3A_290, %parallel_loop3A_291] {strides = array<i32>} : memref<40x128xf32, #tpu.memory_space<vmem>>, vector<1x16xf32>,
      %parallel_loop3A_293 = vector.shape_cast %parallel_loop3A_292 : vector<1x16xf32> to vector<16xf32>
      %parallel_loop3A_294 = arith.index_cast %parallel_loop3A_238 : i32 to index
      %parallel_loop3A_295 = arith.constant 48 : index
      %parallel_loop3A_296 = tpu.vector_load %arg10[%parallel_loop3A_294, %parallel_loop3A_295] {strides = array<i32>} : memref<40x128xf32, #tpu.memory_space<vmem>>, vector<1x16xf32>,
      %parallel_loop3A_297 = vector.shape_cast %parallel_loop3A_296 : vector<1x16xf32> to vector<16xf32>
      %parallel_loop3A_298 = arith.addf %parallel_loop3A_293, %parallel_loop3A_297 : vector<16xf32>
      %parallel_loop3A_299 = arith.constant 0.000000e+00 : f32
      %parallel_loop3A_300 = vector.broadcast %parallel_loop3A_299 : f32 to vector<16xf32>
      %parallel_loop3A_301 = arith.maximumf %parallel_loop3A_298, %parallel_loop3A_300 : vector<16xf32>
      %parallel_loop3A_302 = arith.index_cast %parallel_loop3A_238 : i32 to index
      %parallel_loop3A_303 = arith.constant 48 : index
      %parallel_loop3A_304 = tpu.vector_load %arg10[%parallel_loop3A_302, %parallel_loop3A_303] {strides = array<i32>} : memref<40x128xf32, #tpu.memory_space<vmem>>, vector<1x16xf32>,
      %parallel_loop3A_305 = vector.shape_cast %parallel_loop3A_304 : vector<1x16xf32> to vector<16xf32>
      %parallel_loop3A_306 = vector.shape_cast %parallel_loop3A_301 : vector<16xf32> to vector<1x16xf32>
      tpu.vector_store %arg10[%parallel_loop3A_302, %parallel_loop3A_303], %parallel_loop3A_306 {strides = array<i32>} : memref<40x128xf32, #tpu.memory_space<vmem>>, vector<1x16xf32>,
      %parallel_loop3A_307 = arith.index_cast %parallel_loop3A_238 : i32 to index
      %parallel_loop3A_308 = arith.constant 64 : index
      %parallel_loop3A_309 = tpu.vector_load %arg13[%parallel_loop3A_307, %parallel_loop3A_308] {strides = array<i32>} : memref<40x128xf32, #tpu.memory_space<vmem>>, vector<1x16xf32>,
      %parallel_loop3A_310 = vector.shape_cast %parallel_loop3A_309 : vector<1x16xf32> to vector<16xf32>
      %parallel_loop3A_311 = arith.index_cast %parallel_loop3A_238 : i32 to index
      %parallel_loop3A_312 = arith.constant 64 : index
      %parallel_loop3A_313 = tpu.vector_load %arg10[%parallel_loop3A_311, %parallel_loop3A_312] {strides = array<i32>} : memref<40x128xf32, #tpu.memory_space<vmem>>, vector<1x16xf32>,
      %parallel_loop3A_314 = vector.shape_cast %parallel_loop3A_313 : vector<1x16xf32> to vector<16xf32>
      %parallel_loop3A_315 = arith.addf %parallel_loop3A_310, %parallel_loop3A_314 : vector<16xf32>
      %parallel_loop3A_316 = arith.constant 0.000000e+00 : f32
      %parallel_loop3A_317 = vector.broadcast %parallel_loop3A_316 : f32 to vector<16xf32>
      %parallel_loop3A_318 = arith.maximumf %parallel_loop3A_315, %parallel_loop3A_317 : vector<16xf32>
      %parallel_loop3A_319 = arith.index_cast %parallel_loop3A_238 : i32 to index
      %parallel_loop3A_320 = arith.constant 64 : index
      %parallel_loop3A_321 = tpu.vector_load %arg10[%parallel_loop3A_319, %parallel_loop3A_320] {strides = array<i32>} : memref<40x128xf32, #tpu.memory_space<vmem>>, vector<1x16xf32>,
      %parallel_loop3A_322 = vector.shape_cast %parallel_loop3A_321 : vector<1x16xf32> to vector<16xf32>
      %parallel_loop3A_323 = vector.shape_cast %parallel_loop3A_318 : vector<16xf32> to vector<1x16xf32>
      tpu.vector_store %arg10[%parallel_loop3A_319, %parallel_loop3A_320], %parallel_loop3A_323 {strides = array<i32>} : memref<40x128xf32, #tpu.memory_space<vmem>>, vector<1x16xf32>,
      %parallel_loop3A_324 = arith.index_cast %parallel_loop3A_238 : i32 to index
      %parallel_loop3A_325 = arith.constant 80 : index
      %parallel_loop3A_326 = tpu.vector_load %arg13[%parallel_loop3A_324, %parallel_loop3A_325] {strides = array<i32>} : memref<40x128xf32, #tpu.memory_space<vmem>>, vector<1x16xf32>,
      %parallel_loop3A_327 = vector.shape_cast %parallel_loop3A_326 : vector<1x16xf32> to vector<16xf32>
      %parallel_loop3A_328 = arith.index_cast %parallel_loop3A_238 : i32 to index
      %parallel_loop3A_329 = arith.constant 80 : index
      %parallel_loop3A_330 = tpu.vector_load %arg10[%parallel_loop3A_328, %parallel_loop3A_329] {strides = array<i32>} : memref<40x128xf32, #tpu.memory_space<vmem>>, vector<1x16xf32>,
      %parallel_loop3A_331 = vector.shape_cast %parallel_loop3A_330 : vector<1x16xf32> to vector<16xf32>
      %parallel_loop3A_332 = arith.addf %parallel_loop3A_327, %parallel_loop3A_331 : vector<16xf32>
      %parallel_loop3A_333 = arith.constant 0.000000e+00 : f32
      %parallel_loop3A_334 = vector.broadcast %parallel_loop3A_333 : f32 to vector<16xf32>
      %parallel_loop3A_335 = arith.maximumf %parallel_loop3A_332, %parallel_loop3A_334 : vector<16xf32>
      %parallel_loop3A_336 = arith.index_cast %parallel_loop3A_238 : i32 to index
      %parallel_loop3A_337 = arith.constant 80 : index
      %parallel_loop3A_338 = tpu.vector_load %arg10[%parallel_loop3A_336, %parallel_loop3A_337] {strides = array<i32>} : memref<40x128xf32, #tpu.memory_space<vmem>>, vector<1x16xf32>,
      %parallel_loop3A_339 = vector.shape_cast %parallel_loop3A_338 : vector<1x16xf32> to vector<16xf32>
      %parallel_loop3A_340 = vector.shape_cast %parallel_loop3A_335 : vector<16xf32> to vector<1x16xf32>
      tpu.vector_store %arg10[%parallel_loop3A_336, %parallel_loop3A_337], %parallel_loop3A_340 {strides = array<i32>} : memref<40x128xf32, #tpu.memory_space<vmem>>, vector<1x16xf32>,
      %parallel_loop3A_341 = arith.index_cast %parallel_loop3A_238 : i32 to index
      %parallel_loop3A_342 = arith.constant 96 : index
      %parallel_loop3A_343 = tpu.vector_load %arg13[%parallel_loop3A_341, %parallel_loop3A_342] {strides = array<i32>} : memref<40x128xf32, #tpu.memory_space<vmem>>, vector<1x16xf32>,
      %parallel_loop3A_344 = vector.shape_cast %parallel_loop3A_343 : vector<1x16xf32> to vector<16xf32>
      %parallel_loop3A_345 = arith.index_cast %parallel_loop3A_238 : i32 to index
      %parallel_loop3A_346 = arith.constant 96 : index
      %parallel_loop3A_347 = tpu.vector_load %arg10[%parallel_loop3A_345, %parallel_loop3A_346] {strides = array<i32>} : memref<40x128xf32, #tpu.memory_space<vmem>>, vector<1x16xf32>,
      %parallel_loop3A_348 = vector.shape_cast %parallel_loop3A_347 : vector<1x16xf32> to vector<16xf32>
      %parallel_loop3A_349 = arith.addf %parallel_loop3A_344, %parallel_loop3A_348 : vector<16xf32>
      %parallel_loop3A_350 = arith.constant 0.000000e+00 : f32
      %parallel_loop3A_351 = vector.broadcast %parallel_loop3A_350 : f32 to vector<16xf32>
      %parallel_loop3A_352 = arith.maximumf %parallel_loop3A_349, %parallel_loop3A_351 : vector<16xf32>
      %parallel_loop3A_353 = arith.index_cast %parallel_loop3A_238 : i32 to index
      %parallel_loop3A_354 = arith.constant 96 : index
      %parallel_loop3A_355 = tpu.vector_load %arg10[%parallel_loop3A_353, %parallel_loop3A_354] {strides = array<i32>} : memref<40x128xf32, #tpu.memory_space<vmem>>, vector<1x16xf32>,
      %parallel_loop3A_356 = vector.shape_cast %parallel_loop3A_355 : vector<1x16xf32> to vector<16xf32>
      %parallel_loop3A_357 = vector.shape_cast %parallel_loop3A_352 : vector<16xf32> to vector<1x16xf32>
      tpu.vector_store %arg10[%parallel_loop3A_353, %parallel_loop3A_354], %parallel_loop3A_357 {strides = array<i32>} : memref<40x128xf32, #tpu.memory_space<vmem>>, vector<1x16xf32>,
      %parallel_loop3A_358 = arith.index_cast %parallel_loop3A_238 : i32 to index
      %parallel_loop3A_359 = arith.constant 112 : index
      %parallel_loop3A_360 = tpu.vector_load %arg13[%parallel_loop3A_358, %parallel_loop3A_359] {strides = array<i32>} : memref<40x128xf32, #tpu.memory_space<vmem>>, vector<1x16xf32>,
      %parallel_loop3A_361 = vector.shape_cast %parallel_loop3A_360 : vector<1x16xf32> to vector<16xf32>
      %parallel_loop3A_362 = arith.index_cast %parallel_loop3A_238 : i32 to index
      %parallel_loop3A_363 = arith.constant 112 : index
      %parallel_loop3A_364 = tpu.vector_load %arg10[%parallel_loop3A_362, %parallel_loop3A_363] {strides = array<i32>} : memref<40x128xf32, #tpu.memory_space<vmem>>, vector<1x16xf32>,
      %parallel_loop3A_365 = vector.shape_cast %parallel_loop3A_364 : vector<1x16xf32> to vector<16xf32>
      %parallel_loop3A_366 = arith.addf %parallel_loop3A_361, %parallel_loop3A_365 : vector<16xf32>
      %parallel_loop3A_367 = arith.constant 0.000000e+00 : f32
      %parallel_loop3A_368 = vector.broadcast %parallel_loop3A_367 : f32 to vector<16xf32>
      %parallel_loop3A_369 = arith.maximumf %parallel_loop3A_366, %parallel_loop3A_368 : vector<16xf32>
      %parallel_loop3A_370 = arith.index_cast %parallel_loop3A_238 : i32 to index
      %parallel_loop3A_371 = arith.constant 112 : index
      %parallel_loop3A_372 = tpu.vector_load %arg10[%parallel_loop3A_370, %parallel_loop3A_371] {strides = array<i32>} : memref<40x128xf32, #tpu.memory_space<vmem>>, vector<1x16xf32>,
      %parallel_loop3A_373 = vector.shape_cast %parallel_loop3A_372 : vector<1x16xf32> to vector<16xf32>
      %parallel_loop3A_374 = vector.shape_cast %parallel_loop3A_369 : vector<16xf32> to vector<1x16xf32>
      tpu.vector_store %arg10[%parallel_loop3A_370, %parallel_loop3A_371], %parallel_loop3A_374 {strides = array<i32>} : memref<40x128xf32, #tpu.memory_space<vmem>>, vector<1x16xf32>,
    } {sc.loop_unroll_factor = 4 : i64, sc.parallel_access}
    %dma_wait3A_144 = arith.constant 0 : i32
    %dma_wait3A_145 = arith.constant 0 : i32
    %dma_wait3A_146 = tpu.memref_slice %arg7[%dma_wait3A_144, %dma_wait3A_145] : memref<10240x128xf32, #tpu.memory_space<vmem_shared>> -> memref<10240x128xf32, #tpu.memory_space<vmem_shared>>
    tpu.wait_indirect_dma semaphore(%arg24 : memref<!tpu.dma_semaphore, #tpu.memory_space<semaphore_mem>>) src(%arg9 : memref<40x128xf32, #tpu.memory_space<vmem>>) dst(%dma_wait3A_146 : memref<10240x128xf32, #tpu.memory_space<vmem_shared>>)
    %dma_start3A_147 = arith.constant 0 : i32
    %dma_start3A_148 = arith.constant 0 : i32
    %dma_start3A_149 = tpu.memref_slice %arg7[%dma_start3A_147, %dma_start3A_148] : memref<10240x128xf32, #tpu.memory_space<vmem_shared>> -> memref<10240x128xf32, #tpu.memory_space<vmem_shared>>
    tpu.enqueue_indirect_dma source(%arg10 : memref<40x128xf32, #tpu.memory_space<vmem>>) target(%dma_start3A_149 : memref<10240x128xf32, #tpu.memory_space<vmem_shared>>) offsets(%arg16 : memref<40xi32, #tpu.memory_space<vmem>>) semaphore(%arg25 : memref<!tpu.dma_semaphore, #tpu.memory_space<semaphore_mem>>) {add = true}
    %dma_wait3A_150 = arith.constant 0 : i32
    %dma_wait3A_151 = arith.constant 0 : i32
    %dma_wait3A_152 = tpu.memref_slice %arg7[%dma_wait3A_150, %dma_wait3A_151] : memref<10240x128xf32, #tpu.memory_space<vmem_shared>> -> memref<10240x128xf32, #tpu.memory_space<vmem_shared>>
    tpu.wait_indirect_dma semaphore(%arg25 : memref<!tpu.dma_semaphore, #tpu.memory_space<semaphore_mem>>) src(%arg10 : memref<40x128xf32, #tpu.memory_space<vmem>>) dst(%dma_wait3A_152 : memref<10240x128xf32, #tpu.memory_space<vmem_shared>>)
    %add3A_153 = arith.constant 5000 : i32
    %add3A_154 = arith.addi %mul3A_2, %add3A_153 : i32
    "tpu.region"() ({
      %run_scoped3A = tpu.sem_alloc : memref<!tpu.dma_semaphore, #tpu.memory_space<semaphore_mem>>
      %dma_start3A_238 = tpu.memref_slice %arg4[%add3A_154] : memref<320000xi32, #tpu.memory_space<hbm>> -> memref<5000xi32, #tpu.memory_space<hbm>>
      %dma_start3A_239 = tpu.memref_slice %arg4[%add3A_154] : memref<320000xi32, #tpu.memory_space<hbm>> -> memref<5000xi32, #tpu.memory_space<hbm>>
      tpu.enqueue_dma source(%dma_start3A_239 : memref<5000xi32, #tpu.memory_space<hbm>>) target(%arg8 : memref<5000xi32, #tpu.memory_space<vmem>>) target_semaphore(%run_scoped3A : memref<!tpu.dma_semaphore, #tpu.memory_space<semaphore_mem>>)
      %dma_wait3A_240 = tpu.memref_slice %arg4[%add3A_154] : memref<320000xi32, #tpu.memory_space<hbm>> -> memref<5000xi32, #tpu.memory_space<hbm>>
      %dma_wait3A_241 = tpu.memref_slice %arg4[%add3A_154] : memref<320000xi32, #tpu.memory_space<hbm>> -> memref<5000xi32, #tpu.memory_space<hbm>>
      tpu.wait_dma2 semaphore(%run_scoped3A : memref<!tpu.dma_semaphore, #tpu.memory_space<semaphore_mem>>) src(%dma_wait3A_241 : memref<5000xi32, #tpu.memory_space<hbm>>) dst(%arg8 : memref<5000xi32, #tpu.memory_space<vmem>>)
      tpu.yield
    }) : () -> ()
    %add3A_155 = arith.constant 0 : i32
    %add3A_156 = arith.addi %add3A_154, %add3A_155 : i32
    %dma_start3A_157 = arith.constant 0 : i32
    %dma_start3A_158 = tpu.memref_slice %arg3[%add3A_156, %dma_start3A_157] : memref<320000x128xf32, #tpu.memory_space<hbm>> -> memref<40x128xf32, #tpu.memory_space<hbm>>
    %dma_start3A_159 = arith.constant 0 : i32
    %dma_start3A_160 = tpu.memref_slice %arg3[%add3A_156, %dma_start3A_159] : memref<320000x128xf32, #tpu.memory_space<hbm>> -> memref<40x128xf32, #tpu.memory_space<hbm>>
    tpu.enqueue_dma source(%dma_start3A_160 : memref<40x128xf32, #tpu.memory_space<hbm>>) target(%arg9 : memref<40x128xf32, #tpu.memory_space<vmem>>) target_semaphore(%arg18 : memref<!tpu.dma_semaphore, #tpu.memory_space<semaphore_mem>>)
    %dma_start3A_161 = arith.constant 0 : i32
    %dma_start3A_162 = tpu.memref_slice %arg8[%dma_start3A_161] : memref<5000xi32, #tpu.memory_space<vmem>> -> memref<40xi32, #tpu.memory_space<vmem>>
    %dma_start3A_163 = arith.constant 0 : i32
    %dma_start3A_164 = arith.constant 0 : i32
    %dma_start3A_165 = tpu.memref_slice %arg2[%dma_start3A_163, %dma_start3A_164] : memref<10000x128xf32, #tpu.memory_space<hbm>> -> memref<10000x128xf32, #tpu.memory_space<hbm>>
    tpu.enqueue_indirect_dma source(%dma_start3A_165 : memref<10000x128xf32, #tpu.memory_space<hbm>>) target(%arg12 : memref<40x128xf32, #tpu.memory_space<vmem>>) offsets(%dma_start3A_162 : memref<40xi32, #tpu.memory_space<vmem>>) semaphore(%arg21 : memref<!tpu.dma_semaphore, #tpu.memory_space<semaphore_mem>>)
    %add3A_166 = arith.constant 0 : i32
    %add3A_167 = arith.addi %add3A_154, %add3A_166 : i32
    %dma_start3A_168 = tpu.memref_slice %arg5[%add3A_167] : memref<320000xi32, #tpu.memory_space<hbm>> -> memref<40xi32, #tpu.memory_space<hbm>>
    %dma_start3A_169 = tpu.memref_slice %arg5[%add3A_167] : memref<320000xi32, #tpu.memory_space<hbm>> -> memref<40xi32, #tpu.memory_space<hbm>>
    tpu.enqueue_dma source(%dma_start3A_169 : memref<40xi32, #tpu.memory_space<hbm>>) target(%arg15 : memref<40xi32, #tpu.memory_space<vmem>>) target_semaphore(%arg27 : memref<!tpu.dma_semaphore, #tpu.memory_space<semaphore_mem>>)
    %add3A_170 = arith.constant 40 : i32
    %add3A_171 = arith.addi %add3A_154, %add3A_170 : i32
    %dma_start3A_172 = arith.constant 0 : i32
    %dma_start3A_173 = tpu.memref_slice %arg3[%add3A_171, %dma_start3A_172] : memref<320000x128xf32, #tpu.memory_space<hbm>> -> memref<40x128xf32, #tpu.memory_space<hbm>>
    %dma_start3A_174 = arith.constant 0 : i32
    %dma_start3A_175 = tpu.memref_slice %arg3[%add3A_171, %dma_start3A_174] : memref<320000x128xf32, #tpu.memory_space<hbm>> -> memref<40x128xf32, #tpu.memory_space<hbm>>
    tpu.enqueue_dma source(%dma_start3A_175 : memref<40x128xf32, #tpu.memory_space<hbm>>) target(%arg10 : memref<40x128xf32, #tpu.memory_space<vmem>>) target_semaphore(%arg19 : memref<!tpu.dma_semaphore, #tpu.memory_space<semaphore_mem>>)
    %dma_start3A_176 = arith.constant 40 : i32
    %dma_start3A_177 = tpu.memref_slice %arg8[%dma_start3A_176] : memref<5000xi32, #tpu.memory_space<vmem>> -> memref<40xi32, #tpu.memory_space<vmem>>
    %dma_start3A_178 = arith.constant 0 : i32
    %dma_start3A_179 = arith.constant 0 : i32
    %dma_start3A_180 = tpu.memref_slice %arg2[%dma_start3A_178, %dma_start3A_179] : memref<10000x128xf32, #tpu.memory_space<hbm>> -> memref<10000x128xf32, #tpu.memory_space<hbm>>
    tpu.enqueue_indirect_dma source(%dma_start3A_180 : memref<10000x128xf32, #tpu.memory_space<hbm>>) target(%arg13 : memref<40x128xf32, #tpu.memory_space<vmem>>) offsets(%dma_start3A_177 : memref<40xi32, #tpu.memory_space<vmem>>) semaphore(%arg22 : memref<!tpu.dma_semaphore, #tpu.memory_space<semaphore_mem>>)
    %add3A_181 = arith.constant 40 : i32
    %add3A_182 = arith.addi %add3A_154, %add3A_181 : i32
    %dma_start3A_183 = tpu.memref_slice %arg5[%add3A_182] : memref<320000xi32, #tpu.memory_space<hbm>> -> memref<40xi32, #tpu.memory_space<hbm>>
    %dma_start3A_184 = tpu.memref_slice %arg5[%add3A_182] : memref<320000xi32, #tpu.memory_space<hbm>> -> memref<40xi32, #tpu.memory_space<hbm>>
    tpu.enqueue_dma source(%dma_start3A_184 : memref<40xi32, #tpu.memory_space<hbm>>) target(%arg16 : memref<40xi32, #tpu.memory_space<vmem>>) target_semaphore(%arg28 : memref<!tpu.dma_semaphore, #tpu.memory_space<semaphore_mem>>)
    %scan3A_185 = arith.constant 0 : i32
    %scan3A_186 = arith.constant 0 : i32
    %scan3A_187 = arith.constant 41 : i32
    %scan3A_188 = arith.addi %scan3A_186, %scan3A_187 : i32
    %scan3A_189 = arith.constant 1 : i32
    %scan3A_190 = scf.for %scan3A_238 = %scan3A_186 to %scan3A_188 step %scan3A_189 iter_args(%scan3A_239 = %scan3A_185) -> (i32)  : i32 {
      %mul3A_240 = arith.constant 3 : i32
      %mul3A_241 = arith.muli %mul3A_240, %scan3A_238 : i32
      %dma_wait3A_242 = arith.constant 0 : i32
      %dma_wait3A_243 = tpu.memref_slice %arg3[%mul3A_2, %dma_wait3A_242] : memref<320000x128xf32, #tpu.memory_space<hbm>> -> memref<40x128xf32, #tpu.memory_space<hbm>>
      %dma_wait3A_244 = arith.constant 0 : i32
      %dma_wait3A_245 = tpu.memref_slice %arg3[%mul3A_2, %dma_wait3A_244] : memref<320000x128xf32, #tpu.memory_space<hbm>> -> memref<40x128xf32, #tpu.memory_space<hbm>>
      tpu.wait_dma2 semaphore(%arg18 : memref<!tpu.dma_semaphore, #tpu.memory_space<semaphore_mem>>) src(%dma_wait3A_245 : memref<40x128xf32, #tpu.memory_space<hbm>>) dst(%arg9 : memref<40x128xf32, #tpu.memory_space<vmem>>)
      %dma_wait3A_246 = arith.constant 0 : i32
      %dma_wait3A_247 = tpu.memref_slice %arg8[%dma_wait3A_246] : memref<5000xi32, #tpu.memory_space<vmem>> -> memref<40xi32, #tpu.memory_space<vmem>>
      %dma_wait3A_248 = arith.constant 0 : i32
      %dma_wait3A_249 = arith.constant 0 : i32
      %dma_wait3A_250 = tpu.memref_slice %arg2[%dma_wait3A_248, %dma_wait3A_249] : memref<10000x128xf32, #tpu.memory_space<hbm>> -> memref<10000x128xf32, #tpu.memory_space<hbm>>
      tpu.wait_indirect_dma semaphore(%arg21 : memref<!tpu.dma_semaphore, #tpu.memory_space<semaphore_mem>>) src(%dma_wait3A_250 : memref<10000x128xf32, #tpu.memory_space<hbm>>) dst(%arg12 : memref<40x128xf32, #tpu.memory_space<vmem>>)
      %dma_wait3A_251 = tpu.memref_slice %arg5[%mul3A_2] : memref<320000xi32, #tpu.memory_space<hbm>> -> memref<40xi32, #tpu.memory_space<hbm>>
      %dma_wait3A_252 = tpu.memref_slice %arg5[%mul3A_2] : memref<320000xi32, #tpu.memory_space<hbm>> -> memref<40xi32, #tpu.memory_space<hbm>>
      tpu.wait_dma2 semaphore(%arg27 : memref<!tpu.dma_semaphore, #tpu.memory_space<semaphore_mem>>) src(%dma_wait3A_252 : memref<40xi32, #tpu.memory_space<hbm>>) dst(%arg15 : memref<40xi32, #tpu.memory_space<vmem>>)
      %parallel_loop3A_253 = arith.constant 0 : i32
      %parallel_loop3A_254 = arith.constant 40 : i32
      %parallel_loop3A_255 = arith.constant 1 : i32
      scf.for %parallel_loop3A_366 = %parallel_loop3A_253 to %parallel_loop3A_254 step %parallel_loop3A_255  : i32 {
        %parallel_loop3A_367 = arith.index_cast %parallel_loop3A_366 : i32 to index
        %parallel_loop3A_368 = arith.constant 0 : index
        %parallel_loop3A_369 = tpu.vector_load %arg12[%parallel_loop3A_367, %parallel_loop3A_368] {strides = array<i32>} : memref<40x128xf32, #tpu.memory_space<vmem>>, vector<1x16xf32>,
        %parallel_loop3A_370 = vector.shape_cast %parallel_loop3A_369 : vector<1x16xf32> to vector<16xf32>
        %parallel_loop3A_371 = arith.index_cast %parallel_loop3A_366 : i32 to index
        %parallel_loop3A_372 = arith.constant 0 : index
        %parallel_loop3A_373 = tpu.vector_load %arg9[%parallel_loop3A_371, %parallel_loop3A_372] {strides = array<i32>} : memref<40x128xf32, #tpu.memory_space<vmem>>, vector<1x16xf32>,
        %parallel_loop3A_374 = vector.shape_cast %parallel_loop3A_373 : vector<1x16xf32> to vector<16xf32>
        %parallel_loop3A_375 = arith.addf %parallel_loop3A_370, %parallel_loop3A_374 : vector<16xf32>
        %parallel_loop3A_376 = arith.constant 0.000000e+00 : f32
        %parallel_loop3A_377 = vector.broadcast %parallel_loop3A_376 : f32 to vector<16xf32>
        %parallel_loop3A_378 = arith.maximumf %parallel_loop3A_375, %parallel_loop3A_377 : vector<16xf32>
        %parallel_loop3A_379 = arith.index_cast %parallel_loop3A_366 : i32 to index
        %parallel_loop3A_380 = arith.constant 0 : index
        %parallel_loop3A_381 = tpu.vector_load %arg9[%parallel_loop3A_379, %parallel_loop3A_380] {strides = array<i32>} : memref<40x128xf32, #tpu.memory_space<vmem>>, vector<1x16xf32>,
        %parallel_loop3A_382 = vector.shape_cast %parallel_loop3A_381 : vector<1x16xf32> to vector<16xf32>
        %parallel_loop3A_383 = vector.shape_cast %parallel_loop3A_378 : vector<16xf32> to vector<1x16xf32>
        tpu.vector_store %arg9[%parallel_loop3A_379, %parallel_loop3A_380], %parallel_loop3A_383 {strides = array<i32>} : memref<40x128xf32, #tpu.memory_space<vmem>>, vector<1x16xf32>,
        %parallel_loop3A_384 = arith.index_cast %parallel_loop3A_366 : i32 to index
        %parallel_loop3A_385 = arith.constant 16 : index
        %parallel_loop3A_386 = tpu.vector_load %arg12[%parallel_loop3A_384, %parallel_loop3A_385] {strides = array<i32>} : memref<40x128xf32, #tpu.memory_space<vmem>>, vector<1x16xf32>,
        %parallel_loop3A_387 = vector.shape_cast %parallel_loop3A_386 : vector<1x16xf32> to vector<16xf32>
        %parallel_loop3A_388 = arith.index_cast %parallel_loop3A_366 : i32 to index
        %parallel_loop3A_389 = arith.constant 16 : index
        %parallel_loop3A_390 = tpu.vector_load %arg9[%parallel_loop3A_388, %parallel_loop3A_389] {strides = array<i32>} : memref<40x128xf32, #tpu.memory_space<vmem>>, vector<1x16xf32>,
        %parallel_loop3A_391 = vector.shape_cast %parallel_loop3A_390 : vector<1x16xf32> to vector<16xf32>
        %parallel_loop3A_392 = arith.addf %parallel_loop3A_387, %parallel_loop3A_391 : vector<16xf32>
        %parallel_loop3A_393 = arith.constant 0.000000e+00 : f32
        %parallel_loop3A_394 = vector.broadcast %parallel_loop3A_393 : f32 to vector<16xf32>
        %parallel_loop3A_395 = arith.maximumf %parallel_loop3A_392, %parallel_loop3A_394 : vector<16xf32>
        %parallel_loop3A_396 = arith.index_cast %parallel_loop3A_366 : i32 to index
        %parallel_loop3A_397 = arith.constant 16 : index
        %parallel_loop3A_398 = tpu.vector_load %arg9[%parallel_loop3A_396, %parallel_loop3A_397] {strides = array<i32>} : memref<40x128xf32, #tpu.memory_space<vmem>>, vector<1x16xf32>,
        %parallel_loop3A_399 = vector.shape_cast %parallel_loop3A_398 : vector<1x16xf32> to vector<16xf32>
        %parallel_loop3A_400 = vector.shape_cast %parallel_loop3A_395 : vector<16xf32> to vector<1x16xf32>
        tpu.vector_store %arg9[%parallel_loop3A_396, %parallel_loop3A_397], %parallel_loop3A_400 {strides = array<i32>} : memref<40x128xf32, #tpu.memory_space<vmem>>, vector<1x16xf32>,
        %parallel_loop3A_401 = arith.index_cast %parallel_loop3A_366 : i32 to index
        %parallel_loop3A_402 = arith.constant 32 : index
        %parallel_loop3A_403 = tpu.vector_load %arg12[%parallel_loop3A_401, %parallel_loop3A_402] {strides = array<i32>} : memref<40x128xf32, #tpu.memory_space<vmem>>, vector<1x16xf32>,
        %parallel_loop3A_404 = vector.shape_cast %parallel_loop3A_403 : vector<1x16xf32> to vector<16xf32>
        %parallel_loop3A_405 = arith.index_cast %parallel_loop3A_366 : i32 to index
        %parallel_loop3A_406 = arith.constant 32 : index
        %parallel_loop3A_407 = tpu.vector_load %arg9[%parallel_loop3A_405, %parallel_loop3A_406] {strides = array<i32>} : memref<40x128xf32, #tpu.memory_space<vmem>>, vector<1x16xf32>,
        %parallel_loop3A_408 = vector.shape_cast %parallel_loop3A_407 : vector<1x16xf32> to vector<16xf32>
        %parallel_loop3A_409 = arith.addf %parallel_loop3A_404, %parallel_loop3A_408 : vector<16xf32>
        %parallel_loop3A_410 = arith.constant 0.000000e+00 : f32
        %parallel_loop3A_411 = vector.broadcast %parallel_loop3A_410 : f32 to vector<16xf32>
        %parallel_loop3A_412 = arith.maximumf %parallel_loop3A_409, %parallel_loop3A_411 : vector<16xf32>
        %parallel_loop3A_413 = arith.index_cast %parallel_loop3A_366 : i32 to index
        %parallel_loop3A_414 = arith.constant 32 : index
        %parallel_loop3A_415 = tpu.vector_load %arg9[%parallel_loop3A_413, %parallel_loop3A_414] {strides = array<i32>} : memref<40x128xf32, #tpu.memory_space<vmem>>, vector<1x16xf32>,
        %parallel_loop3A_416 = vector.shape_cast %parallel_loop3A_415 : vector<1x16xf32> to vector<16xf32>
        %parallel_loop3A_417 = vector.shape_cast %parallel_loop3A_412 : vector<16xf32> to vector<1x16xf32>
        tpu.vector_store %arg9[%parallel_loop3A_413, %parallel_loop3A_414], %parallel_loop3A_417 {strides = array<i32>} : memref<40x128xf32, #tpu.memory_space<vmem>>, vector<1x16xf32>,
        %parallel_loop3A_418 = arith.index_cast %parallel_loop3A_366 : i32 to index
        %parallel_loop3A_419 = arith.constant 48 : index
        %parallel_loop3A_420 = tpu.vector_load %arg12[%parallel_loop3A_418, %parallel_loop3A_419] {strides = array<i32>} : memref<40x128xf32, #tpu.memory_space<vmem>>, vector<1x16xf32>,
        %parallel_loop3A_421 = vector.shape_cast %parallel_loop3A_420 : vector<1x16xf32> to vector<16xf32>
        %parallel_loop3A_422 = arith.index_cast %parallel_loop3A_366 : i32 to index
        %parallel_loop3A_423 = arith.constant 48 : index
        %parallel_loop3A_424 = tpu.vector_load %arg9[%parallel_loop3A_422, %parallel_loop3A_423] {strides = array<i32>} : memref<40x128xf32, #tpu.memory_space<vmem>>, vector<1x16xf32>,
        %parallel_loop3A_425 = vector.shape_cast %parallel_loop3A_424 : vector<1x16xf32> to vector<16xf32>
        %parallel_loop3A_426 = arith.addf %parallel_loop3A_421, %parallel_loop3A_425 : vector<16xf32>
        %parallel_loop3A_427 = arith.constant 0.000000e+00 : f32
        %parallel_loop3A_428 = vector.broadcast %parallel_loop3A_427 : f32 to vector<16xf32>
        %parallel_loop3A_429 = arith.maximumf %parallel_loop3A_426, %parallel_loop3A_428 : vector<16xf32>
        %parallel_loop3A_430 = arith.index_cast %parallel_loop3A_366 : i32 to index
        %parallel_loop3A_431 = arith.constant 48 : index
        %parallel_loop3A_432 = tpu.vector_load %arg9[%parallel_loop3A_430, %parallel_loop3A_431] {strides = array<i32>} : memref<40x128xf32, #tpu.memory_space<vmem>>, vector<1x16xf32>,
        %parallel_loop3A_433 = vector.shape_cast %parallel_loop3A_432 : vector<1x16xf32> to vector<16xf32>
        %parallel_loop3A_434 = vector.shape_cast %parallel_loop3A_429 : vector<16xf32> to vector<1x16xf32>
        tpu.vector_store %arg9[%parallel_loop3A_430, %parallel_loop3A_431], %parallel_loop3A_434 {strides = array<i32>} : memref<40x128xf32, #tpu.memory_space<vmem>>, vector<1x16xf32>,
        %parallel_loop3A_435 = arith.index_cast %parallel_loop3A_366 : i32 to index
        %parallel_loop3A_436 = arith.constant 64 : index
        %parallel_loop3A_437 = tpu.vector_load %arg12[%parallel_loop3A_435, %parallel_loop3A_436] {strides = array<i32>} : memref<40x128xf32, #tpu.memory_space<vmem>>, vector<1x16xf32>,
        %parallel_loop3A_438 = vector.shape_cast %parallel_loop3A_437 : vector<1x16xf32> to vector<16xf32>
        %parallel_loop3A_439 = arith.index_cast %parallel_loop3A_366 : i32 to index
        %parallel_loop3A_440 = arith.constant 64 : index
        %parallel_loop3A_441 = tpu.vector_load %arg9[%parallel_loop3A_439, %parallel_loop3A_440] {strides = array<i32>} : memref<40x128xf32, #tpu.memory_space<vmem>>, vector<1x16xf32>,
        %parallel_loop3A_442 = vector.shape_cast %parallel_loop3A_441 : vector<1x16xf32> to vector<16xf32>
        %parallel_loop3A_443 = arith.addf %parallel_loop3A_438, %parallel_loop3A_442 : vector<16xf32>
        %parallel_loop3A_444 = arith.constant 0.000000e+00 : f32
        %parallel_loop3A_445 = vector.broadcast %parallel_loop3A_444 : f32 to vector<16xf32>
        %parallel_loop3A_446 = arith.maximumf %parallel_loop3A_443, %parallel_loop3A_445 : vector<16xf32>
        %parallel_loop3A_447 = arith.index_cast %parallel_loop3A_366 : i32 to index
        %parallel_loop3A_448 = arith.constant 64 : index
        %parallel_loop3A_449 = tpu.vector_load %arg9[%parallel_loop3A_447, %parallel_loop3A_448] {strides = array<i32>} : memref<40x128xf32, #tpu.memory_space<vmem>>, vector<1x16xf32>,
        %parallel_loop3A_450 = vector.shape_cast %parallel_loop3A_449 : vector<1x16xf32> to vector<16xf32>
        %parallel_loop3A_451 = vector.shape_cast %parallel_loop3A_446 : vector<16xf32> to vector<1x16xf32>
        tpu.vector_store %arg9[%parallel_loop3A_447, %parallel_loop3A_448], %parallel_loop3A_451 {strides = array<i32>} : memref<40x128xf32, #tpu.memory_space<vmem>>, vector<1x16xf32>,
        %parallel_loop3A_452 = arith.index_cast %parallel_loop3A_366 : i32 to index
        %parallel_loop3A_453 = arith.constant 80 : index
        %parallel_loop3A_454 = tpu.vector_load %arg12[%parallel_loop3A_452, %parallel_loop3A_453] {strides = array<i32>} : memref<40x128xf32, #tpu.memory_space<vmem>>, vector<1x16xf32>,
        %parallel_loop3A_455 = vector.shape_cast %parallel_loop3A_454 : vector<1x16xf32> to vector<16xf32>
        %parallel_loop3A_456 = arith.index_cast %parallel_loop3A_366 : i32 to index
        %parallel_loop3A_457 = arith.constant 80 : index
        %parallel_loop3A_458 = tpu.vector_load %arg9[%parallel_loop3A_456, %parallel_loop3A_457] {strides = array<i32>} : memref<40x128xf32, #tpu.memory_space<vmem>>, vector<1x16xf32>,
        %parallel_loop3A_459 = vector.shape_cast %parallel_loop3A_458 : vector<1x16xf32> to vector<16xf32>
        %parallel_loop3A_460 = arith.addf %parallel_loop3A_455, %parallel_loop3A_459 : vector<16xf32>
        %parallel_loop3A_461 = arith.constant 0.000000e+00 : f32
        %parallel_loop3A_462 = vector.broadcast %parallel_loop3A_461 : f32 to vector<16xf32>
        %parallel_loop3A_463 = arith.maximumf %parallel_loop3A_460, %parallel_loop3A_462 : vector<16xf32>
        %parallel_loop3A_464 = arith.index_cast %parallel_loop3A_366 : i32 to index
        %parallel_loop3A_465 = arith.constant 80 : index
        %parallel_loop3A_466 = tpu.vector_load %arg9[%parallel_loop3A_464, %parallel_loop3A_465] {strides = array<i32>} : memref<40x128xf32, #tpu.memory_space<vmem>>, vector<1x16xf32>,
        %parallel_loop3A_467 = vector.shape_cast %parallel_loop3A_466 : vector<1x16xf32> to vector<16xf32>
        %parallel_loop3A_468 = vector.shape_cast %parallel_loop3A_463 : vector<16xf32> to vector<1x16xf32>
        tpu.vector_store %arg9[%parallel_loop3A_464, %parallel_loop3A_465], %parallel_loop3A_468 {strides = array<i32>} : memref<40x128xf32, #tpu.memory_space<vmem>>, vector<1x16xf32>,
        %parallel_loop3A_469 = arith.index_cast %parallel_loop3A_366 : i32 to index
        %parallel_loop3A_470 = arith.constant 96 : index
        %parallel_loop3A_471 = tpu.vector_load %arg12[%parallel_loop3A_469, %parallel_loop3A_470] {strides = array<i32>} : memref<40x128xf32, #tpu.memory_space<vmem>>, vector<1x16xf32>,
        %parallel_loop3A_472 = vector.shape_cast %parallel_loop3A_471 : vector<1x16xf32> to vector<16xf32>
        %parallel_loop3A_473 = arith.index_cast %parallel_loop3A_366 : i32 to index
        %parallel_loop3A_474 = arith.constant 96 : index
        %parallel_loop3A_475 = tpu.vector_load %arg9[%parallel_loop3A_473, %parallel_loop3A_474] {strides = array<i32>} : memref<40x128xf32, #tpu.memory_space<vmem>>, vector<1x16xf32>,
        %parallel_loop3A_476 = vector.shape_cast %parallel_loop3A_475 : vector<1x16xf32> to vector<16xf32>
        %parallel_loop3A_477 = arith.addf %parallel_loop3A_472, %parallel_loop3A_476 : vector<16xf32>
        %parallel_loop3A_478 = arith.constant 0.000000e+00 : f32
        %parallel_loop3A_479 = vector.broadcast %parallel_loop3A_478 : f32 to vector<16xf32>
        %parallel_loop3A_480 = arith.maximumf %parallel_loop3A_477, %parallel_loop3A_479 : vector<16xf32>
        %parallel_loop3A_481 = arith.index_cast %parallel_loop3A_366 : i32 to index
        %parallel_loop3A_482 = arith.constant 96 : index
        %parallel_loop3A_483 = tpu.vector_load %arg9[%parallel_loop3A_481, %parallel_loop3A_482] {strides = array<i32>} : memref<40x128xf32, #tpu.memory_space<vmem>>, vector<1x16xf32>,
        %parallel_loop3A_484 = vector.shape_cast %parallel_loop3A_483 : vector<1x16xf32> to vector<16xf32>
        %parallel_loop3A_485 = vector.shape_cast %parallel_loop3A_480 : vector<16xf32> to vector<1x16xf32>
        tpu.vector_store %arg9[%parallel_loop3A_481, %parallel_loop3A_482], %parallel_loop3A_485 {strides = array<i32>} : memref<40x128xf32, #tpu.memory_space<vmem>>, vector<1x16xf32>,
        %parallel_loop3A_486 = arith.index_cast %parallel_loop3A_366 : i32 to index
        %parallel_loop3A_487 = arith.constant 112 : index
        %parallel_loop3A_488 = tpu.vector_load %arg12[%parallel_loop3A_486, %parallel_loop3A_487] {strides = array<i32>} : memref<40x128xf32, #tpu.memory_space<vmem>>, vector<1x16xf32>,
        %parallel_loop3A_489 = vector.shape_cast %parallel_loop3A_488 : vector<1x16xf32> to vector<16xf32>
        %parallel_loop3A_490 = arith.index_cast %parallel_loop3A_366 : i32 to index
        %parallel_loop3A_491 = arith.constant 112 : index
        %parallel_loop3A_492 = tpu.vector_load %arg9[%parallel_loop3A_490, %parallel_loop3A_491] {strides = array<i32>} : memref<40x128xf32, #tpu.memory_space<vmem>>, vector<1x16xf32>,
        %parallel_loop3A_493 = vector.shape_cast %parallel_loop3A_492 : vector<1x16xf32> to vector<16xf32>
        %parallel_loop3A_494 = arith.addf %parallel_loop3A_489, %parallel_loop3A_493 : vector<16xf32>
        %parallel_loop3A_495 = arith.constant 0.000000e+00 : f32
        %parallel_loop3A_496 = vector.broadcast %parallel_loop3A_495 : f32 to vector<16xf32>
        %parallel_loop3A_497 = arith.maximumf %parallel_loop3A_494, %parallel_loop3A_496 : vector<16xf32>
        %parallel_loop3A_498 = arith.index_cast %parallel_loop3A_366 : i32 to index
        %parallel_loop3A_499 = arith.constant 112 : index
        %parallel_loop3A_500 = tpu.vector_load %arg9[%parallel_loop3A_498, %parallel_loop3A_499] {strides = array<i32>} : memref<40x128xf32, #tpu.memory_space<vmem>>, vector<1x16xf32>,
        %parallel_loop3A_501 = vector.shape_cast %parallel_loop3A_500 : vector<1x16xf32> to vector<16xf32>
        %parallel_loop3A_502 = vector.shape_cast %parallel_loop3A_497 : vector<16xf32> to vector<1x16xf32>
        tpu.vector_store %arg9[%parallel_loop3A_498, %parallel_loop3A_499], %parallel_loop3A_502 {strides = array<i32>} : memref<40x128xf32, #tpu.memory_space<vmem>>, vector<1x16xf32>,
      } {sc.loop_unroll_factor = 4 : i64, sc.parallel_access}
      %ge3A = arith.constant 1 : i32
      %ge3A_256 = arith.cmpi sge, %mul3A_241, %ge3A : i32
      %convert_element_type3A = arith.extui %ge3A_256 : i1 to i32
      %cond3A = arith.constant 0 : i32
      %cond3A_257 = arith.cmpi ne, %convert_element_type3A, %cond3A : i32
      scf.if %cond3A_257 {
        %dma_wait3A_366 = arith.constant 0 : i32
        %dma_wait3A_367 = arith.constant 0 : i32
        %dma_wait3A_368 = tpu.memref_slice %arg7[%dma_wait3A_366, %dma_wait3A_367] : memref<10240x128xf32, #tpu.memory_space<vmem_shared>> -> memref<10240x128xf32, #tpu.memory_space<vmem_shared>>
        tpu.wait_indirect_dma semaphore(%arg26 : memref<!tpu.dma_semaphore, #tpu.memory_space<semaphore_mem>>) src(%arg11 : memref<40x128xf32, #tpu.memory_space<vmem>>) dst(%dma_wait3A_368 : memref<10240x128xf32, #tpu.memory_space<vmem_shared>>)
      } else {
      }
      %add3A_258 = arith.constant 2 : i32
      %add3A_259 = arith.addi %mul3A_241, %add3A_258 : i32
      %mul3A_260 = arith.constant 40 : i32
      %mul3A_261 = arith.muli %add3A_259, %mul3A_260 : i32
      %add3A_262 = arith.addi %add3A_154, %mul3A_261 : i32
      %dma_start3A_263 = arith.constant 0 : i32
      %dma_start3A_264 = tpu.memref_slice %arg3[%add3A_262, %dma_start3A_263] : memref<320000x128xf32, #tpu.memory_space<hbm>> -> memref<40x128xf32, #tpu.memory_space<hbm>>
      %dma_start3A_265 = arith.constant 0 : i32
      %dma_start3A_266 = tpu.memref_slice %arg3[%add3A_262, %dma_start3A_265] : memref<320000x128xf32, #tpu.memory_space<hbm>> -> memref<40x128xf32, #tpu.memory_space<hbm>>
      tpu.enqueue_dma source(%dma_start3A_266 : memref<40x128xf32, #tpu.memory_space<hbm>>) target(%arg11 : memref<40x128xf32, #tpu.memory_space<vmem>>) target_semaphore(%arg20 : memref<!tpu.dma_semaphore, #tpu.memory_space<semaphore_mem>>)
      %mul3A_267 = arith.constant 40 : i32
      %mul3A_268 = arith.muli %add3A_259, %mul3A_267 : i32
      %dma_start3A_269 = tpu.memref_slice %arg8[%mul3A_268] : memref<5000xi32, #tpu.memory_space<vmem>> -> memref<40xi32, #tpu.memory_space<vmem>>
      %dma_start3A_270 = arith.constant 0 : i32
      %dma_start3A_271 = arith.constant 0 : i32
      %dma_start3A_272 = tpu.memref_slice %arg2[%dma_start3A_270, %dma_start3A_271] : memref<10000x128xf32, #tpu.memory_space<hbm>> -> memref<10000x128xf32, #tpu.memory_space<hbm>>
      tpu.enqueue_indirect_dma source(%dma_start3A_272 : memref<10000x128xf32, #tpu.memory_space<hbm>>) target(%arg14 : memref<40x128xf32, #tpu.memory_space<vmem>>) offsets(%dma_start3A_269 : memref<40xi32, #tpu.memory_space<vmem>>) semaphore(%arg23 : memref<!tpu.dma_semaphore, #tpu.memory_space<semaphore_mem>>)
      %mul3A_273 = arith.constant 40 : i32
      %mul3A_274 = arith.muli %add3A_259, %mul3A_273 : i32
      %add3A_275 = arith.addi %add3A_154, %mul3A_274 : i32
      %dma_start3A_276 = tpu.memref_slice %arg5[%add3A_275] : memref<320000xi32, #tpu.memory_space<hbm>> -> memref<40xi32, #tpu.memory_space<hbm>>
      %dma_start3A_277 = tpu.memref_slice %arg5[%add3A_275] : memref<320000xi32, #tpu.memory_space<hbm>> -> memref<40xi32, #tpu.memory_space<hbm>>
      tpu.enqueue_dma source(%dma_start3A_277 : memref<40xi32, #tpu.memory_space<hbm>>) target(%arg17 : memref<40xi32, #tpu.memory_space<vmem>>) target_semaphore(%arg29 : memref<!tpu.dma_semaphore, #tpu.memory_space<semaphore_mem>>)
      %dma_start3A_278 = arith.constant 0 : i32
      %dma_start3A_279 = arith.constant 0 : i32
      %dma_start3A_280 = tpu.memref_slice %arg7[%dma_start3A_278, %dma_start3A_279] : memref<10240x128xf32, #tpu.memory_space<vmem_shared>> -> memref<10240x128xf32, #tpu.memory_space<vmem_shared>>
      tpu.enqueue_indirect_dma source(%arg9 : memref<40x128xf32, #tpu.memory_space<vmem>>) target(%dma_start3A_280 : memref<10240x128xf32, #tpu.memory_space<vmem_shared>>) offsets(%arg15 : memref<40xi32, #tpu.memory_space<vmem>>) semaphore(%arg24 : memref<!tpu.dma_semaphore, #tpu.memory_space<semaphore_mem>>) {add = true}
      %add3A_281 = arith.constant 1 : i32
      %add3A_282 = arith.addi %mul3A_241, %add3A_281 : i32
      %dma_wait3A_283 = arith.constant 0 : i32
      %dma_wait3A_284 = tpu.memref_slice %arg3[%mul3A_2, %dma_wait3A_283] : memref<320000x128xf32, #tpu.memory_space<hbm>> -> memref<40x128xf32, #tpu.memory_space<hbm>>
      %dma_wait3A_285 = arith.constant 0 : i32
      %dma_wait3A_286 = tpu.memref_slice %arg3[%mul3A_2, %dma_wait3A_285] : memref<320000x128xf32, #tpu.memory_space<hbm>> -> memref<40x128xf32, #tpu.memory_space<hbm>>
      tpu.wait_dma2 semaphore(%arg19 : memref<!tpu.dma_semaphore, #tpu.memory_space<semaphore_mem>>) src(%dma_wait3A_286 : memref<40x128xf32, #tpu.memory_space<hbm>>) dst(%arg10 : memref<40x128xf32, #tpu.memory_space<vmem>>)
      %dma_wait3A_287 = arith.constant 0 : i32
      %dma_wait3A_288 = tpu.memref_slice %arg8[%dma_wait3A_287] : memref<5000xi32, #tpu.memory_space<vmem>> -> memref<40xi32, #tpu.memory_space<vmem>>
      %dma_wait3A_289 = arith.constant 0 : i32
      %dma_wait3A_290 = arith.constant 0 : i32
      %dma_wait3A_291 = tpu.memref_slice %arg2[%dma_wait3A_289, %dma_wait3A_290] : memref<10000x128xf32, #tpu.memory_space<hbm>> -> memref<10000x128xf32, #tpu.memory_space<hbm>>
      tpu.wait_indirect_dma semaphore(%arg22 : memref<!tpu.dma_semaphore, #tpu.memory_space<semaphore_mem>>) src(%dma_wait3A_291 : memref<10000x128xf32, #tpu.memory_space<hbm>>) dst(%arg13 : memref<40x128xf32, #tpu.memory_space<vmem>>)
      %dma_wait3A_292 = tpu.memref_slice %arg5[%mul3A_2] : memref<320000xi32, #tpu.memory_space<hbm>> -> memref<40xi32, #tpu.memory_space<hbm>>
      %dma_wait3A_293 = tpu.memref_slice %arg5[%mul3A_2] : memref<320000xi32, #tpu.memory_space<hbm>> -> memref<40xi32, #tpu.memory_space<hbm>>
      tpu.wait_dma2 semaphore(%arg28 : memref<!tpu.dma_semaphore, #tpu.memory_space<semaphore_mem>>) src(%dma_wait3A_293 : memref<40xi32, #tpu.memory_space<hbm>>) dst(%arg16 : memref<40xi32, #tpu.memory_space<vmem>>)
      %parallel_loop3A_294 = arith.constant 0 : i32
      %parallel_loop3A_295 = arith.constant 40 : i32
      %parallel_loop3A_296 = arith.constant 1 : i32
      scf.for %parallel_loop3A_366 = %parallel_loop3A_294 to %parallel_loop3A_295 step %parallel_loop3A_296  : i32 {
        %parallel_loop3A_367 = arith.index_cast %parallel_loop3A_366 : i32 to index
        %parallel_loop3A_368 = arith.constant 0 : index
        %parallel_loop3A_369 = tpu.vector_load %arg13[%parallel_loop3A_367, %parallel_loop3A_368] {strides = array<i32>} : memref<40x128xf32, #tpu.memory_space<vmem>>, vector<1x16xf32>,
        %parallel_loop3A_370 = vector.shape_cast %parallel_loop3A_369 : vector<1x16xf32> to vector<16xf32>
        %parallel_loop3A_371 = arith.index_cast %parallel_loop3A_366 : i32 to index
        %parallel_loop3A_372 = arith.constant 0 : index
        %parallel_loop3A_373 = tpu.vector_load %arg10[%parallel_loop3A_371, %parallel_loop3A_372] {strides = array<i32>} : memref<40x128xf32, #tpu.memory_space<vmem>>, vector<1x16xf32>,
        %parallel_loop3A_374 = vector.shape_cast %parallel_loop3A_373 : vector<1x16xf32> to vector<16xf32>
        %parallel_loop3A_375 = arith.addf %parallel_loop3A_370, %parallel_loop3A_374 : vector<16xf32>
        %parallel_loop3A_376 = arith.constant 0.000000e+00 : f32
        %parallel_loop3A_377 = vector.broadcast %parallel_loop3A_376 : f32 to vector<16xf32>
        %parallel_loop3A_378 = arith.maximumf %parallel_loop3A_375, %parallel_loop3A_377 : vector<16xf32>
        %parallel_loop3A_379 = arith.index_cast %parallel_loop3A_366 : i32 to index
        %parallel_loop3A_380 = arith.constant 0 : index
        %parallel_loop3A_381 = tpu.vector_load %arg10[%parallel_loop3A_379, %parallel_loop3A_380] {strides = array<i32>} : memref<40x128xf32, #tpu.memory_space<vmem>>, vector<1x16xf32>,
        %parallel_loop3A_382 = vector.shape_cast %parallel_loop3A_381 : vector<1x16xf32> to vector<16xf32>
        %parallel_loop3A_383 = vector.shape_cast %parallel_loop3A_378 : vector<16xf32> to vector<1x16xf32>
        tpu.vector_store %arg10[%parallel_loop3A_379, %parallel_loop3A_380], %parallel_loop3A_383 {strides = array<i32>} : memref<40x128xf32, #tpu.memory_space<vmem>>, vector<1x16xf32>,
        %parallel_loop3A_384 = arith.index_cast %parallel_loop3A_366 : i32 to index
        %parallel_loop3A_385 = arith.constant 16 : index
        %parallel_loop3A_386 = tpu.vector_load %arg13[%parallel_loop3A_384, %parallel_loop3A_385] {strides = array<i32>} : memref<40x128xf32, #tpu.memory_space<vmem>>, vector<1x16xf32>,
        %parallel_loop3A_387 = vector.shape_cast %parallel_loop3A_386 : vector<1x16xf32> to vector<16xf32>
        %parallel_loop3A_388 = arith.index_cast %parallel_loop3A_366 : i32 to index
        %parallel_loop3A_389 = arith.constant 16 : index
        %parallel_loop3A_390 = tpu.vector_load %arg10[%parallel_loop3A_388, %parallel_loop3A_389] {strides = array<i32>} : memref<40x128xf32, #tpu.memory_space<vmem>>, vector<1x16xf32>,
        %parallel_loop3A_391 = vector.shape_cast %parallel_loop3A_390 : vector<1x16xf32> to vector<16xf32>
        %parallel_loop3A_392 = arith.addf %parallel_loop3A_387, %parallel_loop3A_391 : vector<16xf32>
        %parallel_loop3A_393 = arith.constant 0.000000e+00 : f32
        %parallel_loop3A_394 = vector.broadcast %parallel_loop3A_393 : f32 to vector<16xf32>
        %parallel_loop3A_395 = arith.maximumf %parallel_loop3A_392, %parallel_loop3A_394 : vector<16xf32>
        %parallel_loop3A_396 = arith.index_cast %parallel_loop3A_366 : i32 to index
        %parallel_loop3A_397 = arith.constant 16 : index
        %parallel_loop3A_398 = tpu.vector_load %arg10[%parallel_loop3A_396, %parallel_loop3A_397] {strides = array<i32>} : memref<40x128xf32, #tpu.memory_space<vmem>>, vector<1x16xf32>,
        %parallel_loop3A_399 = vector.shape_cast %parallel_loop3A_398 : vector<1x16xf32> to vector<16xf32>
        %parallel_loop3A_400 = vector.shape_cast %parallel_loop3A_395 : vector<16xf32> to vector<1x16xf32>
        tpu.vector_store %arg10[%parallel_loop3A_396, %parallel_loop3A_397], %parallel_loop3A_400 {strides = array<i32>} : memref<40x128xf32, #tpu.memory_space<vmem>>, vector<1x16xf32>,
        %parallel_loop3A_401 = arith.index_cast %parallel_loop3A_366 : i32 to index
        %parallel_loop3A_402 = arith.constant 32 : index
        %parallel_loop3A_403 = tpu.vector_load %arg13[%parallel_loop3A_401, %parallel_loop3A_402] {strides = array<i32>} : memref<40x128xf32, #tpu.memory_space<vmem>>, vector<1x16xf32>,
        %parallel_loop3A_404 = vector.shape_cast %parallel_loop3A_403 : vector<1x16xf32> to vector<16xf32>
        %parallel_loop3A_405 = arith.index_cast %parallel_loop3A_366 : i32 to index
        %parallel_loop3A_406 = arith.constant 32 : index
        %parallel_loop3A_407 = tpu.vector_load %arg10[%parallel_loop3A_405, %parallel_loop3A_406] {strides = array<i32>} : memref<40x128xf32, #tpu.memory_space<vmem>>, vector<1x16xf32>,
        %parallel_loop3A_408 = vector.shape_cast %parallel_loop3A_407 : vector<1x16xf32> to vector<16xf32>
        %parallel_loop3A_409 = arith.addf %parallel_loop3A_404, %parallel_loop3A_408 : vector<16xf32>
        %parallel_loop3A_410 = arith.constant 0.000000e+00 : f32
        %parallel_loop3A_411 = vector.broadcast %parallel_loop3A_410 : f32 to vector<16xf32>
        %parallel_loop3A_412 = arith.maximumf %parallel_loop3A_409, %parallel_loop3A_411 : vector<16xf32>
        %parallel_loop3A_413 = arith.index_cast %parallel_loop3A_366 : i32 to index
        %parallel_loop3A_414 = arith.constant 32 : index
        %parallel_loop3A_415 = tpu.vector_load %arg10[%parallel_loop3A_413, %parallel_loop3A_414] {strides = array<i32>} : memref<40x128xf32, #tpu.memory_space<vmem>>, vector<1x16xf32>,
        %parallel_loop3A_416 = vector.shape_cast %parallel_loop3A_415 : vector<1x16xf32> to vector<16xf32>
        %parallel_loop3A_417 = vector.shape_cast %parallel_loop3A_412 : vector<16xf32> to vector<1x16xf32>
        tpu.vector_store %arg10[%parallel_loop3A_413, %parallel_loop3A_414], %parallel_loop3A_417 {strides = array<i32>} : memref<40x128xf32, #tpu.memory_space<vmem>>, vector<1x16xf32>,
        %parallel_loop3A_418 = arith.index_cast %parallel_loop3A_366 : i32 to index
        %parallel_loop3A_419 = arith.constant 48 : index
        %parallel_loop3A_420 = tpu.vector_load %arg13[%parallel_loop3A_418, %parallel_loop3A_419] {strides = array<i32>} : memref<40x128xf32, #tpu.memory_space<vmem>>, vector<1x16xf32>,
        %parallel_loop3A_421 = vector.shape_cast %parallel_loop3A_420 : vector<1x16xf32> to vector<16xf32>
        %parallel_loop3A_422 = arith.index_cast %parallel_loop3A_366 : i32 to index
        %parallel_loop3A_423 = arith.constant 48 : index
        %parallel_loop3A_424 = tpu.vector_load %arg10[%parallel_loop3A_422, %parallel_loop3A_423] {strides = array<i32>} : memref<40x128xf32, #tpu.memory_space<vmem>>, vector<1x16xf32>,
        %parallel_loop3A_425 = vector.shape_cast %parallel_loop3A_424 : vector<1x16xf32> to vector<16xf32>
        %parallel_loop3A_426 = arith.addf %parallel_loop3A_421, %parallel_loop3A_425 : vector<16xf32>
        %parallel_loop3A_427 = arith.constant 0.000000e+00 : f32
        %parallel_loop3A_428 = vector.broadcast %parallel_loop3A_427 : f32 to vector<16xf32>
        %parallel_loop3A_429 = arith.maximumf %parallel_loop3A_426, %parallel_loop3A_428 : vector<16xf32>
        %parallel_loop3A_430 = arith.index_cast %parallel_loop3A_366 : i32 to index
        %parallel_loop3A_431 = arith.constant 48 : index
        %parallel_loop3A_432 = tpu.vector_load %arg10[%parallel_loop3A_430, %parallel_loop3A_431] {strides = array<i32>} : memref<40x128xf32, #tpu.memory_space<vmem>>, vector<1x16xf32>,
        %parallel_loop3A_433 = vector.shape_cast %parallel_loop3A_432 : vector<1x16xf32> to vector<16xf32>
        %parallel_loop3A_434 = vector.shape_cast %parallel_loop3A_429 : vector<16xf32> to vector<1x16xf32>
        tpu.vector_store %arg10[%parallel_loop3A_430, %parallel_loop3A_431], %parallel_loop3A_434 {strides = array<i32>} : memref<40x128xf32, #tpu.memory_space<vmem>>, vector<1x16xf32>,
        %parallel_loop3A_435 = arith.index_cast %parallel_loop3A_366 : i32 to index
        %parallel_loop3A_436 = arith.constant 64 : index
        %parallel_loop3A_437 = tpu.vector_load %arg13[%parallel_loop3A_435, %parallel_loop3A_436] {strides = array<i32>} : memref<40x128xf32, #tpu.memory_space<vmem>>, vector<1x16xf32>,
        %parallel_loop3A_438 = vector.shape_cast %parallel_loop3A_437 : vector<1x16xf32> to vector<16xf32>
        %parallel_loop3A_439 = arith.index_cast %parallel_loop3A_366 : i32 to index
        %parallel_loop3A_440 = arith.constant 64 : index
        %parallel_loop3A_441 = tpu.vector_load %arg10[%parallel_loop3A_439, %parallel_loop3A_440] {strides = array<i32>} : memref<40x128xf32, #tpu.memory_space<vmem>>, vector<1x16xf32>,
        %parallel_loop3A_442 = vector.shape_cast %parallel_loop3A_441 : vector<1x16xf32> to vector<16xf32>
        %parallel_loop3A_443 = arith.addf %parallel_loop3A_438, %parallel_loop3A_442 : vector<16xf32>
        %parallel_loop3A_444 = arith.constant 0.000000e+00 : f32
        %parallel_loop3A_445 = vector.broadcast %parallel_loop3A_444 : f32 to vector<16xf32>
        %parallel_loop3A_446 = arith.maximumf %parallel_loop3A_443, %parallel_loop3A_445 : vector<16xf32>
        %parallel_loop3A_447 = arith.index_cast %parallel_loop3A_366 : i32 to index
        %parallel_loop3A_448 = arith.constant 64 : index
        %parallel_loop3A_449 = tpu.vector_load %arg10[%parallel_loop3A_447, %parallel_loop3A_448] {strides = array<i32>} : memref<40x128xf32, #tpu.memory_space<vmem>>, vector<1x16xf32>,
        %parallel_loop3A_450 = vector.shape_cast %parallel_loop3A_449 : vector<1x16xf32> to vector<16xf32>
        %parallel_loop3A_451 = vector.shape_cast %parallel_loop3A_446 : vector<16xf32> to vector<1x16xf32>
        tpu.vector_store %arg10[%parallel_loop3A_447, %parallel_loop3A_448], %parallel_loop3A_451 {strides = array<i32>} : memref<40x128xf32, #tpu.memory_space<vmem>>, vector<1x16xf32>,
        %parallel_loop3A_452 = arith.index_cast %parallel_loop3A_366 : i32 to index
        %parallel_loop3A_453 = arith.constant 80 : index
        %parallel_loop3A_454 = tpu.vector_load %arg13[%parallel_loop3A_452, %parallel_loop3A_453] {strides = array<i32>} : memref<40x128xf32, #tpu.memory_space<vmem>>, vector<1x16xf32>,
        %parallel_loop3A_455 = vector.shape_cast %parallel_loop3A_454 : vector<1x16xf32> to vector<16xf32>
        %parallel_loop3A_456 = arith.index_cast %parallel_loop3A_366 : i32 to index
        %parallel_loop3A_457 = arith.constant 80 : index
        %parallel_loop3A_458 = tpu.vector_load %arg10[%parallel_loop3A_456, %parallel_loop3A_457] {strides = array<i32>} : memref<40x128xf32, #tpu.memory_space<vmem>>, vector<1x16xf32>,
        %parallel_loop3A_459 = vector.shape_cast %parallel_loop3A_458 : vector<1x16xf32> to vector<16xf32>
        %parallel_loop3A_460 = arith.addf %parallel_loop3A_455, %parallel_loop3A_459 : vector<16xf32>
        %parallel_loop3A_461 = arith.constant 0.000000e+00 : f32
        %parallel_loop3A_462 = vector.broadcast %parallel_loop3A_461 : f32 to vector<16xf32>
        %parallel_loop3A_463 = arith.maximumf %parallel_loop3A_460, %parallel_loop3A_462 : vector<16xf32>
        %parallel_loop3A_464 = arith.index_cast %parallel_loop3A_366 : i32 to index
        %parallel_loop3A_465 = arith.constant 80 : index
        %parallel_loop3A_466 = tpu.vector_load %arg10[%parallel_loop3A_464, %parallel_loop3A_465] {strides = array<i32>} : memref<40x128xf32, #tpu.memory_space<vmem>>, vector<1x16xf32>,
        %parallel_loop3A_467 = vector.shape_cast %parallel_loop3A_466 : vector<1x16xf32> to vector<16xf32>
        %parallel_loop3A_468 = vector.shape_cast %parallel_loop3A_463 : vector<16xf32> to vector<1x16xf32>
        tpu.vector_store %arg10[%parallel_loop3A_464, %parallel_loop3A_465], %parallel_loop3A_468 {strides = array<i32>} : memref<40x128xf32, #tpu.memory_space<vmem>>, vector<1x16xf32>,
        %parallel_loop3A_469 = arith.index_cast %parallel_loop3A_366 : i32 to index
        %parallel_loop3A_470 = arith.constant 96 : index
        %parallel_loop3A_471 = tpu.vector_load %arg13[%parallel_loop3A_469, %parallel_loop3A_470] {strides = array<i32>} : memref<40x128xf32, #tpu.memory_space<vmem>>, vector<1x16xf32>,
        %parallel_loop3A_472 = vector.shape_cast %parallel_loop3A_471 : vector<1x16xf32> to vector<16xf32>
        %parallel_loop3A_473 = arith.index_cast %parallel_loop3A_366 : i32 to index
        %parallel_loop3A_474 = arith.constant 96 : index
        %parallel_loop3A_475 = tpu.vector_load %arg10[%parallel_loop3A_473, %parallel_loop3A_474] {strides = array<i32>} : memref<40x128xf32, #tpu.memory_space<vmem>>, vector<1x16xf32>,
        %parallel_loop3A_476 = vector.shape_cast %parallel_loop3A_475 : vector<1x16xf32> to vector<16xf32>
        %parallel_loop3A_477 = arith.addf %parallel_loop3A_472, %parallel_loop3A_476 : vector<16xf32>
        %parallel_loop3A_478 = arith.constant 0.000000e+00 : f32
        %parallel_loop3A_479 = vector.broadcast %parallel_loop3A_478 : f32 to vector<16xf32>
        %parallel_loop3A_480 = arith.maximumf %parallel_loop3A_477, %parallel_loop3A_479 : vector<16xf32>
        %parallel_loop3A_481 = arith.index_cast %parallel_loop3A_366 : i32 to index
        %parallel_loop3A_482 = arith.constant 96 : index
        %parallel_loop3A_483 = tpu.vector_load %arg10[%parallel_loop3A_481, %parallel_loop3A_482] {strides = array<i32>} : memref<40x128xf32, #tpu.memory_space<vmem>>, vector<1x16xf32>,
        %parallel_loop3A_484 = vector.shape_cast %parallel_loop3A_483 : vector<1x16xf32> to vector<16xf32>
        %parallel_loop3A_485 = vector.shape_cast %parallel_loop3A_480 : vector<16xf32> to vector<1x16xf32>
        tpu.vector_store %arg10[%parallel_loop3A_481, %parallel_loop3A_482], %parallel_loop3A_485 {strides = array<i32>} : memref<40x128xf32, #tpu.memory_space<vmem>>, vector<1x16xf32>,
        %parallel_loop3A_486 = arith.index_cast %parallel_loop3A_366 : i32 to index
        %parallel_loop3A_487 = arith.constant 112 : index
        %parallel_loop3A_488 = tpu.vector_load %arg13[%parallel_loop3A_486, %parallel_loop3A_487] {strides = array<i32>} : memref<40x128xf32, #tpu.memory_space<vmem>>, vector<1x16xf32>,
        %parallel_loop3A_489 = vector.shape_cast %parallel_loop3A_488 : vector<1x16xf32> to vector<16xf32>
        %parallel_loop3A_490 = arith.index_cast %parallel_loop3A_366 : i32 to index
        %parallel_loop3A_491 = arith.constant 112 : index
        %parallel_loop3A_492 = tpu.vector_load %arg10[%parallel_loop3A_490, %parallel_loop3A_491] {strides = array<i32>} : memref<40x128xf32, #tpu.memory_space<vmem>>, vector<1x16xf32>,
        %parallel_loop3A_493 = vector.shape_cast %parallel_loop3A_492 : vector<1x16xf32> to vector<16xf32>
        %parallel_loop3A_494 = arith.addf %parallel_loop3A_489, %parallel_loop3A_493 : vector<16xf32>
        %parallel_loop3A_495 = arith.constant 0.000000e+00 : f32
        %parallel_loop3A_496 = vector.broadcast %parallel_loop3A_495 : f32 to vector<16xf32>
        %parallel_loop3A_497 = arith.maximumf %parallel_loop3A_494, %parallel_loop3A_496 : vector<16xf32>
        %parallel_loop3A_498 = arith.index_cast %parallel_loop3A_366 : i32 to index
        %parallel_loop3A_499 = arith.constant 112 : index
        %parallel_loop3A_500 = tpu.vector_load %arg10[%parallel_loop3A_498, %parallel_loop3A_499] {strides = array<i32>} : memref<40x128xf32, #tpu.memory_space<vmem>>, vector<1x16xf32>,
        %parallel_loop3A_501 = vector.shape_cast %parallel_loop3A_500 : vector<1x16xf32> to vector<16xf32>
        %parallel_loop3A_502 = vector.shape_cast %parallel_loop3A_497 : vector<16xf32> to vector<1x16xf32>
        tpu.vector_store %arg10[%parallel_loop3A_498, %parallel_loop3A_499], %parallel_loop3A_502 {strides = array<i32>} : memref<40x128xf32, #tpu.memory_space<vmem>>, vector<1x16xf32>,
      } {sc.loop_unroll_factor = 4 : i64, sc.parallel_access}
      %dma_wait3A_297 = arith.constant 0 : i32
      %dma_wait3A_298 = arith.constant 0 : i32
      %dma_wait3A_299 = tpu.memref_slice %arg7[%dma_wait3A_297, %dma_wait3A_298] : memref<10240x128xf32, #tpu.memory_space<vmem_shared>> -> memref<10240x128xf32, #tpu.memory_space<vmem_shared>>
      tpu.wait_indirect_dma semaphore(%arg24 : memref<!tpu.dma_semaphore, #tpu.memory_space<semaphore_mem>>) src(%arg9 : memref<40x128xf32, #tpu.memory_space<vmem>>) dst(%dma_wait3A_299 : memref<10240x128xf32, #tpu.memory_space<vmem_shared>>)
      %add3A_300 = arith.constant 2 : i32
      %add3A_301 = arith.addi %add3A_282, %add3A_300 : i32
      %mul3A_302 = arith.constant 40 : i32
      %mul3A_303 = arith.muli %add3A_301, %mul3A_302 : i32
      %add3A_304 = arith.addi %add3A_154, %mul3A_303 : i32
      %dma_start3A_305 = arith.constant 0 : i32
      %dma_start3A_306 = tpu.memref_slice %arg3[%add3A_304, %dma_start3A_305] : memref<320000x128xf32, #tpu.memory_space<hbm>> -> memref<40x128xf32, #tpu.memory_space<hbm>>
      %dma_start3A_307 = arith.constant 0 : i32
      %dma_start3A_308 = tpu.memref_slice %arg3[%add3A_304, %dma_start3A_307] : memref<320000x128xf32, #tpu.memory_space<hbm>> -> memref<40x128xf32, #tpu.memory_space<hbm>>
      tpu.enqueue_dma source(%dma_start3A_308 : memref<40x128xf32, #tpu.memory_space<hbm>>) target(%arg9 : memref<40x128xf32, #tpu.memory_space<vmem>>) target_semaphore(%arg18 : memref<!tpu.dma_semaphore, #tpu.memory_space<semaphore_mem>>)
      %mul3A_309 = arith.constant 40 : i32
      %mul3A_310 = arith.muli %add3A_301, %mul3A_309 : i32
      %dma_start3A_311 = tpu.memref_slice %arg8[%mul3A_310] : memref<5000xi32, #tpu.memory_space<vmem>> -> memref<40xi32, #tpu.memory_space<vmem>>
      %dma_start3A_312 = arith.constant 0 : i32
      %dma_start3A_313 = arith.constant 0 : i32
      %dma_start3A_314 = tpu.memref_slice %arg2[%dma_start3A_312, %dma_start3A_313] : memref<10000x128xf32, #tpu.memory_space<hbm>> -> memref<10000x128xf32, #tpu.memory_space<hbm>>
      tpu.enqueue_indirect_dma source(%dma_start3A_314 : memref<10000x128xf32, #tpu.memory_space<hbm>>) target(%arg12 : memref<40x128xf32, #tpu.memory_space<vmem>>) offsets(%dma_start3A_311 : memref<40xi32, #tpu.memory_space<vmem>>) semaphore(%arg21 : memref<!tpu.dma_semaphore, #tpu.memory_space<semaphore_mem>>)
      %mul3A_315 = arith.constant 40 : i32
      %mul3A_316 = arith.muli %add3A_301, %mul3A_315 : i32
      %add3A_317 = arith.addi %add3A_154, %mul3A_316 : i32
      %dma_start3A_318 = tpu.memref_slice %arg5[%add3A_317] : memref<320000xi32, #tpu.memory_space<hbm>> -> memref<40xi32, #tpu.memory_space<hbm>>
      %dma_start3A_319 = tpu.memref_slice %arg5[%add3A_317] : memref<320000xi32, #tpu.memory_space<hbm>> -> memref<40xi32, #tpu.memory_space<hbm>>
      tpu.enqueue_dma source(%dma_start3A_319 : memref<40xi32, #tpu.memory_space<hbm>>) target(%arg15 : memref<40xi32, #tpu.memory_space<vmem>>) target_semaphore(%arg27 : memref<!tpu.dma_semaphore, #tpu.memory_space<semaphore_mem>>)
      %dma_start3A_320 = arith.constant 0 : i32
      %dma_start3A_321 = arith.constant 0 : i32
      %dma_start3A_322 = tpu.memref_slice %arg7[%dma_start3A_320, %dma_start3A_321] : memref<10240x128xf32, #tpu.memory_space<vmem_shared>> -> memref<10240x128xf32, #tpu.memory_space<vmem_shared>>
      tpu.enqueue_indirect_dma source(%arg10 : memref<40x128xf32, #tpu.memory_space<vmem>>) target(%dma_start3A_322 : memref<10240x128xf32, #tpu.memory_space<vmem_shared>>) offsets(%arg16 : memref<40xi32, #tpu.memory_space<vmem>>) semaphore(%arg25 : memref<!tpu.dma_semaphore, #tpu.memory_space<semaphore_mem>>) {add = true}
      %add3A_323 = arith.constant 2 : i32
      %add3A_324 = arith.addi %mul3A_241, %add3A_323 : i32
      %dma_wait3A_325 = arith.constant 0 : i32
      %dma_wait3A_326 = tpu.memref_slice %arg3[%mul3A_2, %dma_wait3A_325] : memref<320000x128xf32, #tpu.memory_space<hbm>> -> memref<40x128xf32, #tpu.memory_space<hbm>>
      %dma_wait3A_327 = arith.constant 0 : i32
      %dma_wait3A_328 = tpu.memref_slice %arg3[%mul3A_2, %dma_wait3A_327] : memref<320000x128xf32, #tpu.memory_space<hbm>> -> memref<40x128xf32, #tpu.memory_space<hbm>>
      tpu.wait_dma2 semaphore(%arg20 : memref<!tpu.dma_semaphore, #tpu.memory_space<semaphore_mem>>) src(%dma_wait3A_328 : memref<40x128xf32, #tpu.memory_space<hbm>>) dst(%arg11 : memref<40x128xf32, #tpu.memory_space<vmem>>)
      %dma_wait3A_329 = arith.constant 0 : i32
      %dma_wait3A_330 = tpu.memref_slice %arg8[%dma_wait3A_329] : memref<5000xi32, #tpu.memory_space<vmem>> -> memref<40xi32, #tpu.memory_space<vmem>>
      %dma_wait3A_331 = arith.constant 0 : i32
      %dma_wait3A_332 = arith.constant 0 : i32
      %dma_wait3A_333 = tpu.memref_slice %arg2[%dma_wait3A_331, %dma_wait3A_332] : memref<10000x128xf32, #tpu.memory_space<hbm>> -> memref<10000x128xf32, #tpu.memory_space<hbm>>
      tpu.wait_indirect_dma semaphore(%arg23 : memref<!tpu.dma_semaphore, #tpu.memory_space<semaphore_mem>>) src(%dma_wait3A_333 : memref<10000x128xf32, #tpu.memory_space<hbm>>) dst(%arg14 : memref<40x128xf32, #tpu.memory_space<vmem>>)
      %dma_wait3A_334 = tpu.memref_slice %arg5[%mul3A_2] : memref<320000xi32, #tpu.memory_space<hbm>> -> memref<40xi32, #tpu.memory_space<hbm>>
      %dma_wait3A_335 = tpu.memref_slice %arg5[%mul3A_2] : memref<320000xi32, #tpu.memory_space<hbm>> -> memref<40xi32, #tpu.memory_space<hbm>>
      tpu.wait_dma2 semaphore(%arg29 : memref<!tpu.dma_semaphore, #tpu.memory_space<semaphore_mem>>) src(%dma_wait3A_335 : memref<40xi32, #tpu.memory_space<hbm>>) dst(%arg17 : memref<40xi32, #tpu.memory_space<vmem>>)
      %parallel_loop3A_336 = arith.constant 0 : i32
      %parallel_loop3A_337 = arith.constant 40 : i32
      %parallel_loop3A_338 = arith.constant 1 : i32
      scf.for %parallel_loop3A_366 = %parallel_loop3A_336 to %parallel_loop3A_337 step %parallel_loop3A_338  : i32 {
        %parallel_loop3A_367 = arith.index_cast %parallel_loop3A_366 : i32 to index
        %parallel_loop3A_368 = arith.constant 0 : index
        %parallel_loop3A_369 = tpu.vector_load %arg14[%parallel_loop3A_367, %parallel_loop3A_368] {strides = array<i32>} : memref<40x128xf32, #tpu.memory_space<vmem>>, vector<1x16xf32>,
        %parallel_loop3A_370 = vector.shape_cast %parallel_loop3A_369 : vector<1x16xf32> to vector<16xf32>
        %parallel_loop3A_371 = arith.index_cast %parallel_loop3A_366 : i32 to index
        %parallel_loop3A_372 = arith.constant 0 : index
        %parallel_loop3A_373 = tpu.vector_load %arg11[%parallel_loop3A_371, %parallel_loop3A_372] {strides = array<i32>} : memref<40x128xf32, #tpu.memory_space<vmem>>, vector<1x16xf32>,
        %parallel_loop3A_374 = vector.shape_cast %parallel_loop3A_373 : vector<1x16xf32> to vector<16xf32>
        %parallel_loop3A_375 = arith.addf %parallel_loop3A_370, %parallel_loop3A_374 : vector<16xf32>
        %parallel_loop3A_376 = arith.constant 0.000000e+00 : f32
        %parallel_loop3A_377 = vector.broadcast %parallel_loop3A_376 : f32 to vector<16xf32>
        %parallel_loop3A_378 = arith.maximumf %parallel_loop3A_375, %parallel_loop3A_377 : vector<16xf32>
        %parallel_loop3A_379 = arith.index_cast %parallel_loop3A_366 : i32 to index
        %parallel_loop3A_380 = arith.constant 0 : index
        %parallel_loop3A_381 = tpu.vector_load %arg11[%parallel_loop3A_379, %parallel_loop3A_380] {strides = array<i32>} : memref<40x128xf32, #tpu.memory_space<vmem>>, vector<1x16xf32>,
        %parallel_loop3A_382 = vector.shape_cast %parallel_loop3A_381 : vector<1x16xf32> to vector<16xf32>
        %parallel_loop3A_383 = vector.shape_cast %parallel_loop3A_378 : vector<16xf32> to vector<1x16xf32>
        tpu.vector_store %arg11[%parallel_loop3A_379, %parallel_loop3A_380], %parallel_loop3A_383 {strides = array<i32>} : memref<40x128xf32, #tpu.memory_space<vmem>>, vector<1x16xf32>,
        %parallel_loop3A_384 = arith.index_cast %parallel_loop3A_366 : i32 to index
        %parallel_loop3A_385 = arith.constant 16 : index
        %parallel_loop3A_386 = tpu.vector_load %arg14[%parallel_loop3A_384, %parallel_loop3A_385] {strides = array<i32>} : memref<40x128xf32, #tpu.memory_space<vmem>>, vector<1x16xf32>,
        %parallel_loop3A_387 = vector.shape_cast %parallel_loop3A_386 : vector<1x16xf32> to vector<16xf32>
        %parallel_loop3A_388 = arith.index_cast %parallel_loop3A_366 : i32 to index
        %parallel_loop3A_389 = arith.constant 16 : index
        %parallel_loop3A_390 = tpu.vector_load %arg11[%parallel_loop3A_388, %parallel_loop3A_389] {strides = array<i32>} : memref<40x128xf32, #tpu.memory_space<vmem>>, vector<1x16xf32>,
        %parallel_loop3A_391 = vector.shape_cast %parallel_loop3A_390 : vector<1x16xf32> to vector<16xf32>
        %parallel_loop3A_392 = arith.addf %parallel_loop3A_387, %parallel_loop3A_391 : vector<16xf32>
        %parallel_loop3A_393 = arith.constant 0.000000e+00 : f32
        %parallel_loop3A_394 = vector.broadcast %parallel_loop3A_393 : f32 to vector<16xf32>
        %parallel_loop3A_395 = arith.maximumf %parallel_loop3A_392, %parallel_loop3A_394 : vector<16xf32>
        %parallel_loop3A_396 = arith.index_cast %parallel_loop3A_366 : i32 to index
        %parallel_loop3A_397 = arith.constant 16 : index
        %parallel_loop3A_398 = tpu.vector_load %arg11[%parallel_loop3A_396, %parallel_loop3A_397] {strides = array<i32>} : memref<40x128xf32, #tpu.memory_space<vmem>>, vector<1x16xf32>,
        %parallel_loop3A_399 = vector.shape_cast %parallel_loop3A_398 : vector<1x16xf32> to vector<16xf32>
        %parallel_loop3A_400 = vector.shape_cast %parallel_loop3A_395 : vector<16xf32> to vector<1x16xf32>
        tpu.vector_store %arg11[%parallel_loop3A_396, %parallel_loop3A_397], %parallel_loop3A_400 {strides = array<i32>} : memref<40x128xf32, #tpu.memory_space<vmem>>, vector<1x16xf32>,
        %parallel_loop3A_401 = arith.index_cast %parallel_loop3A_366 : i32 to index
        %parallel_loop3A_402 = arith.constant 32 : index
        %parallel_loop3A_403 = tpu.vector_load %arg14[%parallel_loop3A_401, %parallel_loop3A_402] {strides = array<i32>} : memref<40x128xf32, #tpu.memory_space<vmem>>, vector<1x16xf32>,
        %parallel_loop3A_404 = vector.shape_cast %parallel_loop3A_403 : vector<1x16xf32> to vector<16xf32>
        %parallel_loop3A_405 = arith.index_cast %parallel_loop3A_366 : i32 to index
        %parallel_loop3A_406 = arith.constant 32 : index
        %parallel_loop3A_407 = tpu.vector_load %arg11[%parallel_loop3A_405, %parallel_loop3A_406] {strides = array<i32>} : memref<40x128xf32, #tpu.memory_space<vmem>>, vector<1x16xf32>,
        %parallel_loop3A_408 = vector.shape_cast %parallel_loop3A_407 : vector<1x16xf32> to vector<16xf32>
        %parallel_loop3A_409 = arith.addf %parallel_loop3A_404, %parallel_loop3A_408 : vector<16xf32>
        %parallel_loop3A_410 = arith.constant 0.000000e+00 : f32
        %parallel_loop3A_411 = vector.broadcast %parallel_loop3A_410 : f32 to vector<16xf32>
        %parallel_loop3A_412 = arith.maximumf %parallel_loop3A_409, %parallel_loop3A_411 : vector<16xf32>
        %parallel_loop3A_413 = arith.index_cast %parallel_loop3A_366 : i32 to index
        %parallel_loop3A_414 = arith.constant 32 : index
        %parallel_loop3A_415 = tpu.vector_load %arg11[%parallel_loop3A_413, %parallel_loop3A_414] {strides = array<i32>} : memref<40x128xf32, #tpu.memory_space<vmem>>, vector<1x16xf32>,
        %parallel_loop3A_416 = vector.shape_cast %parallel_loop3A_415 : vector<1x16xf32> to vector<16xf32>
        %parallel_loop3A_417 = vector.shape_cast %parallel_loop3A_412 : vector<16xf32> to vector<1x16xf32>
        tpu.vector_store %arg11[%parallel_loop3A_413, %parallel_loop3A_414], %parallel_loop3A_417 {strides = array<i32>} : memref<40x128xf32, #tpu.memory_space<vmem>>, vector<1x16xf32>,
        %parallel_loop3A_418 = arith.index_cast %parallel_loop3A_366 : i32 to index
        %parallel_loop3A_419 = arith.constant 48 : index
        %parallel_loop3A_420 = tpu.vector_load %arg14[%parallel_loop3A_418, %parallel_loop3A_419] {strides = array<i32>} : memref<40x128xf32, #tpu.memory_space<vmem>>, vector<1x16xf32>,
        %parallel_loop3A_421 = vector.shape_cast %parallel_loop3A_420 : vector<1x16xf32> to vector<16xf32>
        %parallel_loop3A_422 = arith.index_cast %parallel_loop3A_366 : i32 to index
        %parallel_loop3A_423 = arith.constant 48 : index
        %parallel_loop3A_424 = tpu.vector_load %arg11[%parallel_loop3A_422, %parallel_loop3A_423] {strides = array<i32>} : memref<40x128xf32, #tpu.memory_space<vmem>>, vector<1x16xf32>,
        %parallel_loop3A_425 = vector.shape_cast %parallel_loop3A_424 : vector<1x16xf32> to vector<16xf32>
        %parallel_loop3A_426 = arith.addf %parallel_loop3A_421, %parallel_loop3A_425 : vector<16xf32>
        %parallel_loop3A_427 = arith.constant 0.000000e+00 : f32
        %parallel_loop3A_428 = vector.broadcast %parallel_loop3A_427 : f32 to vector<16xf32>
        %parallel_loop3A_429 = arith.maximumf %parallel_loop3A_426, %parallel_loop3A_428 : vector<16xf32>
        %parallel_loop3A_430 = arith.index_cast %parallel_loop3A_366 : i32 to index
        %parallel_loop3A_431 = arith.constant 48 : index
        %parallel_loop3A_432 = tpu.vector_load %arg11[%parallel_loop3A_430, %parallel_loop3A_431] {strides = array<i32>} : memref<40x128xf32, #tpu.memory_space<vmem>>, vector<1x16xf32>,
        %parallel_loop3A_433 = vector.shape_cast %parallel_loop3A_432 : vector<1x16xf32> to vector<16xf32>
        %parallel_loop3A_434 = vector.shape_cast %parallel_loop3A_429 : vector<16xf32> to vector<1x16xf32>
        tpu.vector_store %arg11[%parallel_loop3A_430, %parallel_loop3A_431], %parallel_loop3A_434 {strides = array<i32>} : memref<40x128xf32, #tpu.memory_space<vmem>>, vector<1x16xf32>,
        %parallel_loop3A_435 = arith.index_cast %parallel_loop3A_366 : i32 to index
        %parallel_loop3A_436 = arith.constant 64 : index
        %parallel_loop3A_437 = tpu.vector_load %arg14[%parallel_loop3A_435, %parallel_loop3A_436] {strides = array<i32>} : memref<40x128xf32, #tpu.memory_space<vmem>>, vector<1x16xf32>,
        %parallel_loop3A_438 = vector.shape_cast %parallel_loop3A_437 : vector<1x16xf32> to vector<16xf32>
        %parallel_loop3A_439 = arith.index_cast %parallel_loop3A_366 : i32 to index
        %parallel_loop3A_440 = arith.constant 64 : index
        %parallel_loop3A_441 = tpu.vector_load %arg11[%parallel_loop3A_439, %parallel_loop3A_440] {strides = array<i32>} : memref<40x128xf32, #tpu.memory_space<vmem>>, vector<1x16xf32>,
        %parallel_loop3A_442 = vector.shape_cast %parallel_loop3A_441 : vector<1x16xf32> to vector<16xf32>
        %parallel_loop3A_443 = arith.addf %parallel_loop3A_438, %parallel_loop3A_442 : vector<16xf32>
        %parallel_loop3A_444 = arith.constant 0.000000e+00 : f32
        %parallel_loop3A_445 = vector.broadcast %parallel_loop3A_444 : f32 to vector<16xf32>
        %parallel_loop3A_446 = arith.maximumf %parallel_loop3A_443, %parallel_loop3A_445 : vector<16xf32>
        %parallel_loop3A_447 = arith.index_cast %parallel_loop3A_366 : i32 to index
        %parallel_loop3A_448 = arith.constant 64 : index
        %parallel_loop3A_449 = tpu.vector_load %arg11[%parallel_loop3A_447, %parallel_loop3A_448] {strides = array<i32>} : memref<40x128xf32, #tpu.memory_space<vmem>>, vector<1x16xf32>,
        %parallel_loop3A_450 = vector.shape_cast %parallel_loop3A_449 : vector<1x16xf32> to vector<16xf32>
        %parallel_loop3A_451 = vector.shape_cast %parallel_loop3A_446 : vector<16xf32> to vector<1x16xf32>
        tpu.vector_store %arg11[%parallel_loop3A_447, %parallel_loop3A_448], %parallel_loop3A_451 {strides = array<i32>} : memref<40x128xf32, #tpu.memory_space<vmem>>, vector<1x16xf32>,
        %parallel_loop3A_452 = arith.index_cast %parallel_loop3A_366 : i32 to index
        %parallel_loop3A_453 = arith.constant 80 : index
        %parallel_loop3A_454 = tpu.vector_load %arg14[%parallel_loop3A_452, %parallel_loop3A_453] {strides = array<i32>} : memref<40x128xf32, #tpu.memory_space<vmem>>, vector<1x16xf32>,
        %parallel_loop3A_455 = vector.shape_cast %parallel_loop3A_454 : vector<1x16xf32> to vector<16xf32>
        %parallel_loop3A_456 = arith.index_cast %parallel_loop3A_366 : i32 to index
        %parallel_loop3A_457 = arith.constant 80 : index
        %parallel_loop3A_458 = tpu.vector_load %arg11[%parallel_loop3A_456, %parallel_loop3A_457] {strides = array<i32>} : memref<40x128xf32, #tpu.memory_space<vmem>>, vector<1x16xf32>,
        %parallel_loop3A_459 = vector.shape_cast %parallel_loop3A_458 : vector<1x16xf32> to vector<16xf32>
        %parallel_loop3A_460 = arith.addf %parallel_loop3A_455, %parallel_loop3A_459 : vector<16xf32>
        %parallel_loop3A_461 = arith.constant 0.000000e+00 : f32
        %parallel_loop3A_462 = vector.broadcast %parallel_loop3A_461 : f32 to vector<16xf32>
        %parallel_loop3A_463 = arith.maximumf %parallel_loop3A_460, %parallel_loop3A_462 : vector<16xf32>
        %parallel_loop3A_464 = arith.index_cast %parallel_loop3A_366 : i32 to index
        %parallel_loop3A_465 = arith.constant 80 : index
        %parallel_loop3A_466 = tpu.vector_load %arg11[%parallel_loop3A_464, %parallel_loop3A_465] {strides = array<i32>} : memref<40x128xf32, #tpu.memory_space<vmem>>, vector<1x16xf32>,
        %parallel_loop3A_467 = vector.shape_cast %parallel_loop3A_466 : vector<1x16xf32> to vector<16xf32>
        %parallel_loop3A_468 = vector.shape_cast %parallel_loop3A_463 : vector<16xf32> to vector<1x16xf32>
        tpu.vector_store %arg11[%parallel_loop3A_464, %parallel_loop3A_465], %parallel_loop3A_468 {strides = array<i32>} : memref<40x128xf32, #tpu.memory_space<vmem>>, vector<1x16xf32>,
        %parallel_loop3A_469 = arith.index_cast %parallel_loop3A_366 : i32 to index
        %parallel_loop3A_470 = arith.constant 96 : index
        %parallel_loop3A_471 = tpu.vector_load %arg14[%parallel_loop3A_469, %parallel_loop3A_470] {strides = array<i32>} : memref<40x128xf32, #tpu.memory_space<vmem>>, vector<1x16xf32>,
        %parallel_loop3A_472 = vector.shape_cast %parallel_loop3A_471 : vector<1x16xf32> to vector<16xf32>
        %parallel_loop3A_473 = arith.index_cast %parallel_loop3A_366 : i32 to index
        %parallel_loop3A_474 = arith.constant 96 : index
        %parallel_loop3A_475 = tpu.vector_load %arg11[%parallel_loop3A_473, %parallel_loop3A_474] {strides = array<i32>} : memref<40x128xf32, #tpu.memory_space<vmem>>, vector<1x16xf32>,
        %parallel_loop3A_476 = vector.shape_cast %parallel_loop3A_475 : vector<1x16xf32> to vector<16xf32>
        %parallel_loop3A_477 = arith.addf %parallel_loop3A_472, %parallel_loop3A_476 : vector<16xf32>
        %parallel_loop3A_478 = arith.constant 0.000000e+00 : f32
        %parallel_loop3A_479 = vector.broadcast %parallel_loop3A_478 : f32 to vector<16xf32>
        %parallel_loop3A_480 = arith.maximumf %parallel_loop3A_477, %parallel_loop3A_479 : vector<16xf32>
        %parallel_loop3A_481 = arith.index_cast %parallel_loop3A_366 : i32 to index
        %parallel_loop3A_482 = arith.constant 96 : index
        %parallel_loop3A_483 = tpu.vector_load %arg11[%parallel_loop3A_481, %parallel_loop3A_482] {strides = array<i32>} : memref<40x128xf32, #tpu.memory_space<vmem>>, vector<1x16xf32>,
        %parallel_loop3A_484 = vector.shape_cast %parallel_loop3A_483 : vector<1x16xf32> to vector<16xf32>
        %parallel_loop3A_485 = vector.shape_cast %parallel_loop3A_480 : vector<16xf32> to vector<1x16xf32>
        tpu.vector_store %arg11[%parallel_loop3A_481, %parallel_loop3A_482], %parallel_loop3A_485 {strides = array<i32>} : memref<40x128xf32, #tpu.memory_space<vmem>>, vector<1x16xf32>,
        %parallel_loop3A_486 = arith.index_cast %parallel_loop3A_366 : i32 to index
        %parallel_loop3A_487 = arith.constant 112 : index
        %parallel_loop3A_488 = tpu.vector_load %arg14[%parallel_loop3A_486, %parallel_loop3A_487] {strides = array<i32>} : memref<40x128xf32, #tpu.memory_space<vmem>>, vector<1x16xf32>,
        %parallel_loop3A_489 = vector.shape_cast %parallel_loop3A_488 : vector<1x16xf32> to vector<16xf32>
        %parallel_loop3A_490 = arith.index_cast %parallel_loop3A_366 : i32 to index
        %parallel_loop3A_491 = arith.constant 112 : index
        %parallel_loop3A_492 = tpu.vector_load %arg11[%parallel_loop3A_490, %parallel_loop3A_491] {strides = array<i32>} : memref<40x128xf32, #tpu.memory_space<vmem>>, vector<1x16xf32>,
        %parallel_loop3A_493 = vector.shape_cast %parallel_loop3A_492 : vector<1x16xf32> to vector<16xf32>
        %parallel_loop3A_494 = arith.addf %parallel_loop3A_489, %parallel_loop3A_493 : vector<16xf32>
        %parallel_loop3A_495 = arith.constant 0.000000e+00 : f32
        %parallel_loop3A_496 = vector.broadcast %parallel_loop3A_495 : f32 to vector<16xf32>
        %parallel_loop3A_497 = arith.maximumf %parallel_loop3A_494, %parallel_loop3A_496 : vector<16xf32>
        %parallel_loop3A_498 = arith.index_cast %parallel_loop3A_366 : i32 to index
        %parallel_loop3A_499 = arith.constant 112 : index
        %parallel_loop3A_500 = tpu.vector_load %arg11[%parallel_loop3A_498, %parallel_loop3A_499] {strides = array<i32>} : memref<40x128xf32, #tpu.memory_space<vmem>>, vector<1x16xf32>,
        %parallel_loop3A_501 = vector.shape_cast %parallel_loop3A_500 : vector<1x16xf32> to vector<16xf32>
        %parallel_loop3A_502 = vector.shape_cast %parallel_loop3A_497 : vector<16xf32> to vector<1x16xf32>
        tpu.vector_store %arg11[%parallel_loop3A_498, %parallel_loop3A_499], %parallel_loop3A_502 {strides = array<i32>} : memref<40x128xf32, #tpu.memory_space<vmem>>, vector<1x16xf32>,
      } {sc.loop_unroll_factor = 4 : i64, sc.parallel_access}
      %dma_wait3A_339 = arith.constant 0 : i32
      %dma_wait3A_340 = arith.constant 0 : i32
      %dma_wait3A_341 = tpu.memref_slice %arg7[%dma_wait3A_339, %dma_wait3A_340] : memref<10240x128xf32, #tpu.memory_space<vmem_shared>> -> memref<10240x128xf32, #tpu.memory_space<vmem_shared>>
      tpu.wait_indirect_dma semaphore(%arg25 : memref<!tpu.dma_semaphore, #tpu.memory_space<semaphore_mem>>) src(%arg10 : memref<40x128xf32, #tpu.memory_space<vmem>>) dst(%dma_wait3A_341 : memref<10240x128xf32, #tpu.memory_space<vmem_shared>>)
      %add3A_342 = arith.constant 2 : i32
      %add3A_343 = arith.addi %add3A_324, %add3A_342 : i32
      %mul3A_344 = arith.constant 40 : i32
      %mul3A_345 = arith.muli %add3A_343, %mul3A_344 : i32
      %add3A_346 = arith.addi %add3A_154, %mul3A_345 : i32
      %dma_start3A_347 = arith.constant 0 : i32
      %dma_start3A_348 = tpu.memref_slice %arg3[%add3A_346, %dma_start3A_347] : memref<320000x128xf32, #tpu.memory_space<hbm>> -> memref<40x128xf32, #tpu.memory_space<hbm>>
      %dma_start3A_349 = arith.constant 0 : i32
      %dma_start3A_350 = tpu.memref_slice %arg3[%add3A_346, %dma_start3A_349] : memref<320000x128xf32, #tpu.memory_space<hbm>> -> memref<40x128xf32, #tpu.memory_space<hbm>>
      tpu.enqueue_dma source(%dma_start3A_350 : memref<40x128xf32, #tpu.memory_space<hbm>>) target(%arg10 : memref<40x128xf32, #tpu.memory_space<vmem>>) target_semaphore(%arg19 : memref<!tpu.dma_semaphore, #tpu.memory_space<semaphore_mem>>)
      %mul3A_351 = arith.constant 40 : i32
      %mul3A_352 = arith.muli %add3A_343, %mul3A_351 : i32
      %dma_start3A_353 = tpu.memref_slice %arg8[%mul3A_352] : memref<5000xi32, #tpu.memory_space<vmem>> -> memref<40xi32, #tpu.memory_space<vmem>>
      %dma_start3A_354 = arith.constant 0 : i32
      %dma_start3A_355 = arith.constant 0 : i32
      %dma_start3A_356 = tpu.memref_slice %arg2[%dma_start3A_354, %dma_start3A_355] : memref<10000x128xf32, #tpu.memory_space<hbm>> -> memref<10000x128xf32, #tpu.memory_space<hbm>>
      tpu.enqueue_indirect_dma source(%dma_start3A_356 : memref<10000x128xf32, #tpu.memory_space<hbm>>) target(%arg13 : memref<40x128xf32, #tpu.memory_space<vmem>>) offsets(%dma_start3A_353 : memref<40xi32, #tpu.memory_space<vmem>>) semaphore(%arg22 : memref<!tpu.dma_semaphore, #tpu.memory_space<semaphore_mem>>)
      %mul3A_357 = arith.constant 40 : i32
      %mul3A_358 = arith.muli %add3A_343, %mul3A_357 : i32
      %add3A_359 = arith.addi %add3A_154, %mul3A_358 : i32
      %dma_start3A_360 = tpu.memref_slice %arg5[%add3A_359] : memref<320000xi32, #tpu.memory_space<hbm>> -> memref<40xi32, #tpu.memory_space<hbm>>
      %dma_start3A_361 = tpu.memref_slice %arg5[%add3A_359] : memref<320000xi32, #tpu.memory_space<hbm>> -> memref<40xi32, #tpu.memory_space<hbm>>
      tpu.enqueue_dma source(%dma_start3A_361 : memref<40xi32, #tpu.memory_space<hbm>>) target(%arg16 : memref<40xi32, #tpu.memory_space<vmem>>) target_semaphore(%arg28 : memref<!tpu.dma_semaphore, #tpu.memory_space<semaphore_mem>>)
      %dma_start3A_362 = arith.constant 0 : i32
      %dma_start3A_363 = arith.constant 0 : i32
      %dma_start3A_364 = tpu.memref_slice %arg7[%dma_start3A_362, %dma_start3A_363] : memref<10240x128xf32, #tpu.memory_space<vmem_shared>> -> memref<10240x128xf32, #tpu.memory_space<vmem_shared>>
      tpu.enqueue_indirect_dma source(%arg11 : memref<40x128xf32, #tpu.memory_space<vmem>>) target(%dma_start3A_364 : memref<10240x128xf32, #tpu.memory_space<vmem_shared>>) offsets(%arg17 : memref<40xi32, #tpu.memory_space<vmem>>) semaphore(%arg26 : memref<!tpu.dma_semaphore, #tpu.memory_space<semaphore_mem>>) {add = true}
      %scan3A_365 = arith.constant 0 : i32
      scf.yield %scan3A_365 : i32
    }
    %scan3A_191 = arith.constant 41 : i32
    %dma_wait3A_192 = arith.constant 0 : i32
    %dma_wait3A_193 = tpu.memref_slice %arg3[%mul3A_2, %dma_wait3A_192] : memref<320000x128xf32, #tpu.memory_space<hbm>> -> memref<40x128xf32, #tpu.memory_space<hbm>>
    %dma_wait3A_194 = arith.constant 0 : i32
    %dma_wait3A_195 = tpu.memref_slice %arg3[%mul3A_2, %dma_wait3A_194] : memref<320000x128xf32, #tpu.memory_space<hbm>> -> memref<40x128xf32, #tpu.memory_space<hbm>>
    tpu.wait_dma2 semaphore(%arg18 : memref<!tpu.dma_semaphore, #tpu.memory_space<semaphore_mem>>) src(%dma_wait3A_195 : memref<40x128xf32, #tpu.memory_space<hbm>>) dst(%arg9 : memref<40x128xf32, #tpu.memory_space<vmem>>)
    %dma_wait3A_196 = arith.constant 0 : i32
    %dma_wait3A_197 = tpu.memref_slice %arg8[%dma_wait3A_196] : memref<5000xi32, #tpu.memory_space<vmem>> -> memref<40xi32, #tpu.memory_space<vmem>>
    %dma_wait3A_198 = arith.constant 0 : i32
    %dma_wait3A_199 = arith.constant 0 : i32
    %dma_wait3A_200 = tpu.memref_slice %arg2[%dma_wait3A_198, %dma_wait3A_199] : memref<10000x128xf32, #tpu.memory_space<hbm>> -> memref<10000x128xf32, #tpu.memory_space<hbm>>
    tpu.wait_indirect_dma semaphore(%arg21 : memref<!tpu.dma_semaphore, #tpu.memory_space<semaphore_mem>>) src(%dma_wait3A_200 : memref<10000x128xf32, #tpu.memory_space<hbm>>) dst(%arg12 : memref<40x128xf32, #tpu.memory_space<vmem>>)
    %dma_wait3A_201 = tpu.memref_slice %arg5[%mul3A_2] : memref<320000xi32, #tpu.memory_space<hbm>> -> memref<40xi32, #tpu.memory_space<hbm>>
    %dma_wait3A_202 = tpu.memref_slice %arg5[%mul3A_2] : memref<320000xi32, #tpu.memory_space<hbm>> -> memref<40xi32, #tpu.memory_space<hbm>>
    tpu.wait_dma2 semaphore(%arg27 : memref<!tpu.dma_semaphore, #tpu.memory_space<semaphore_mem>>) src(%dma_wait3A_202 : memref<40xi32, #tpu.memory_space<hbm>>) dst(%arg15 : memref<40xi32, #tpu.memory_space<vmem>>)
    %parallel_loop3A_203 = arith.constant 0 : i32
    %parallel_loop3A_204 = arith.constant 40 : i32
    %parallel_loop3A_205 = arith.constant 1 : i32
    scf.for %parallel_loop3A_238 = %parallel_loop3A_203 to %parallel_loop3A_204 step %parallel_loop3A_205  : i32 {
      %parallel_loop3A_239 = arith.index_cast %parallel_loop3A_238 : i32 to index
      %parallel_loop3A_240 = arith.constant 0 : index
      %parallel_loop3A_241 = tpu.vector_load %arg12[%parallel_loop3A_239, %parallel_loop3A_240] {strides = array<i32>} : memref<40x128xf32, #tpu.memory_space<vmem>>, vector<1x16xf32>,
      %parallel_loop3A_242 = vector.shape_cast %parallel_loop3A_241 : vector<1x16xf32> to vector<16xf32>
      %parallel_loop3A_243 = arith.index_cast %parallel_loop3A_238 : i32 to index
      %parallel_loop3A_244 = arith.constant 0 : index
      %parallel_loop3A_245 = tpu.vector_load %arg9[%parallel_loop3A_243, %parallel_loop3A_244] {strides = array<i32>} : memref<40x128xf32, #tpu.memory_space<vmem>>, vector<1x16xf32>,
      %parallel_loop3A_246 = vector.shape_cast %parallel_loop3A_245 : vector<1x16xf32> to vector<16xf32>
      %parallel_loop3A_247 = arith.addf %parallel_loop3A_242, %parallel_loop3A_246 : vector<16xf32>
      %parallel_loop3A_248 = arith.constant 0.000000e+00 : f32
      %parallel_loop3A_249 = vector.broadcast %parallel_loop3A_248 : f32 to vector<16xf32>
      %parallel_loop3A_250 = arith.maximumf %parallel_loop3A_247, %parallel_loop3A_249 : vector<16xf32>
      %parallel_loop3A_251 = arith.index_cast %parallel_loop3A_238 : i32 to index
      %parallel_loop3A_252 = arith.constant 0 : index
      %parallel_loop3A_253 = tpu.vector_load %arg9[%parallel_loop3A_251, %parallel_loop3A_252] {strides = array<i32>} : memref<40x128xf32, #tpu.memory_space<vmem>>, vector<1x16xf32>,
      %parallel_loop3A_254 = vector.shape_cast %parallel_loop3A_253 : vector<1x16xf32> to vector<16xf32>
      %parallel_loop3A_255 = vector.shape_cast %parallel_loop3A_250 : vector<16xf32> to vector<1x16xf32>
      tpu.vector_store %arg9[%parallel_loop3A_251, %parallel_loop3A_252], %parallel_loop3A_255 {strides = array<i32>} : memref<40x128xf32, #tpu.memory_space<vmem>>, vector<1x16xf32>,
      %parallel_loop3A_256 = arith.index_cast %parallel_loop3A_238 : i32 to index
      %parallel_loop3A_257 = arith.constant 16 : index
      %parallel_loop3A_258 = tpu.vector_load %arg12[%parallel_loop3A_256, %parallel_loop3A_257] {strides = array<i32>} : memref<40x128xf32, #tpu.memory_space<vmem>>, vector<1x16xf32>,
      %parallel_loop3A_259 = vector.shape_cast %parallel_loop3A_258 : vector<1x16xf32> to vector<16xf32>
      %parallel_loop3A_260 = arith.index_cast %parallel_loop3A_238 : i32 to index
      %parallel_loop3A_261 = arith.constant 16 : index
      %parallel_loop3A_262 = tpu.vector_load %arg9[%parallel_loop3A_260, %parallel_loop3A_261] {strides = array<i32>} : memref<40x128xf32, #tpu.memory_space<vmem>>, vector<1x16xf32>,
      %parallel_loop3A_263 = vector.shape_cast %parallel_loop3A_262 : vector<1x16xf32> to vector<16xf32>
      %parallel_loop3A_264 = arith.addf %parallel_loop3A_259, %parallel_loop3A_263 : vector<16xf32>
      %parallel_loop3A_265 = arith.constant 0.000000e+00 : f32
      %parallel_loop3A_266 = vector.broadcast %parallel_loop3A_265 : f32 to vector<16xf32>
      %parallel_loop3A_267 = arith.maximumf %parallel_loop3A_264, %parallel_loop3A_266 : vector<16xf32>
      %parallel_loop3A_268 = arith.index_cast %parallel_loop3A_238 : i32 to index
      %parallel_loop3A_269 = arith.constant 16 : index
      %parallel_loop3A_270 = tpu.vector_load %arg9[%parallel_loop3A_268, %parallel_loop3A_269] {strides = array<i32>} : memref<40x128xf32, #tpu.memory_space<vmem>>, vector<1x16xf32>,
      %parallel_loop3A_271 = vector.shape_cast %parallel_loop3A_270 : vector<1x16xf32> to vector<16xf32>
      %parallel_loop3A_272 = vector.shape_cast %parallel_loop3A_267 : vector<16xf32> to vector<1x16xf32>
      tpu.vector_store %arg9[%parallel_loop3A_268, %parallel_loop3A_269], %parallel_loop3A_272 {strides = array<i32>} : memref<40x128xf32, #tpu.memory_space<vmem>>, vector<1x16xf32>,
      %parallel_loop3A_273 = arith.index_cast %parallel_loop3A_238 : i32 to index
      %parallel_loop3A_274 = arith.constant 32 : index
      %parallel_loop3A_275 = tpu.vector_load %arg12[%parallel_loop3A_273, %parallel_loop3A_274] {strides = array<i32>} : memref<40x128xf32, #tpu.memory_space<vmem>>, vector<1x16xf32>,
      %parallel_loop3A_276 = vector.shape_cast %parallel_loop3A_275 : vector<1x16xf32> to vector<16xf32>
      %parallel_loop3A_277 = arith.index_cast %parallel_loop3A_238 : i32 to index
      %parallel_loop3A_278 = arith.constant 32 : index
      %parallel_loop3A_279 = tpu.vector_load %arg9[%parallel_loop3A_277, %parallel_loop3A_278] {strides = array<i32>} : memref<40x128xf32, #tpu.memory_space<vmem>>, vector<1x16xf32>,
      %parallel_loop3A_280 = vector.shape_cast %parallel_loop3A_279 : vector<1x16xf32> to vector<16xf32>
      %parallel_loop3A_281 = arith.addf %parallel_loop3A_276, %parallel_loop3A_280 : vector<16xf32>
      %parallel_loop3A_282 = arith.constant 0.000000e+00 : f32
      %parallel_loop3A_283 = vector.broadcast %parallel_loop3A_282 : f32 to vector<16xf32>
      %parallel_loop3A_284 = arith.maximumf %parallel_loop3A_281, %parallel_loop3A_283 : vector<16xf32>
      %parallel_loop3A_285 = arith.index_cast %parallel_loop3A_238 : i32 to index
      %parallel_loop3A_286 = arith.constant 32 : index
      %parallel_loop3A_287 = tpu.vector_load %arg9[%parallel_loop3A_285, %parallel_loop3A_286] {strides = array<i32>} : memref<40x128xf32, #tpu.memory_space<vmem>>, vector<1x16xf32>,
      %parallel_loop3A_288 = vector.shape_cast %parallel_loop3A_287 : vector<1x16xf32> to vector<16xf32>
      %parallel_loop3A_289 = vector.shape_cast %parallel_loop3A_284 : vector<16xf32> to vector<1x16xf32>
      tpu.vector_store %arg9[%parallel_loop3A_285, %parallel_loop3A_286], %parallel_loop3A_289 {strides = array<i32>} : memref<40x128xf32, #tpu.memory_space<vmem>>, vector<1x16xf32>,
      %parallel_loop3A_290 = arith.index_cast %parallel_loop3A_238 : i32 to index
      %parallel_loop3A_291 = arith.constant 48 : index
      %parallel_loop3A_292 = tpu.vector_load %arg12[%parallel_loop3A_290, %parallel_loop3A_291] {strides = array<i32>} : memref<40x128xf32, #tpu.memory_space<vmem>>, vector<1x16xf32>,
      %parallel_loop3A_293 = vector.shape_cast %parallel_loop3A_292 : vector<1x16xf32> to vector<16xf32>
      %parallel_loop3A_294 = arith.index_cast %parallel_loop3A_238 : i32 to index
      %parallel_loop3A_295 = arith.constant 48 : index
      %parallel_loop3A_296 = tpu.vector_load %arg9[%parallel_loop3A_294, %parallel_loop3A_295] {strides = array<i32>} : memref<40x128xf32, #tpu.memory_space<vmem>>, vector<1x16xf32>,
      %parallel_loop3A_297 = vector.shape_cast %parallel_loop3A_296 : vector<1x16xf32> to vector<16xf32>
      %parallel_loop3A_298 = arith.addf %parallel_loop3A_293, %parallel_loop3A_297 : vector<16xf32>
      %parallel_loop3A_299 = arith.constant 0.000000e+00 : f32
      %parallel_loop3A_300 = vector.broadcast %parallel_loop3A_299 : f32 to vector<16xf32>
      %parallel_loop3A_301 = arith.maximumf %parallel_loop3A_298, %parallel_loop3A_300 : vector<16xf32>
      %parallel_loop3A_302 = arith.index_cast %parallel_loop3A_238 : i32 to index
      %parallel_loop3A_303 = arith.constant 48 : index
      %parallel_loop3A_304 = tpu.vector_load %arg9[%parallel_loop3A_302, %parallel_loop3A_303] {strides = array<i32>} : memref<40x128xf32, #tpu.memory_space<vmem>>, vector<1x16xf32>,
      %parallel_loop3A_305 = vector.shape_cast %parallel_loop3A_304 : vector<1x16xf32> to vector<16xf32>
      %parallel_loop3A_306 = vector.shape_cast %parallel_loop3A_301 : vector<16xf32> to vector<1x16xf32>
      tpu.vector_store %arg9[%parallel_loop3A_302, %parallel_loop3A_303], %parallel_loop3A_306 {strides = array<i32>} : memref<40x128xf32, #tpu.memory_space<vmem>>, vector<1x16xf32>,
      %parallel_loop3A_307 = arith.index_cast %parallel_loop3A_238 : i32 to index
      %parallel_loop3A_308 = arith.constant 64 : index
      %parallel_loop3A_309 = tpu.vector_load %arg12[%parallel_loop3A_307, %parallel_loop3A_308] {strides = array<i32>} : memref<40x128xf32, #tpu.memory_space<vmem>>, vector<1x16xf32>,
      %parallel_loop3A_310 = vector.shape_cast %parallel_loop3A_309 : vector<1x16xf32> to vector<16xf32>
      %parallel_loop3A_311 = arith.index_cast %parallel_loop3A_238 : i32 to index
      %parallel_loop3A_312 = arith.constant 64 : index
      %parallel_loop3A_313 = tpu.vector_load %arg9[%parallel_loop3A_311, %parallel_loop3A_312] {strides = array<i32>} : memref<40x128xf32, #tpu.memory_space<vmem>>, vector<1x16xf32>,
      %parallel_loop3A_314 = vector.shape_cast %parallel_loop3A_313 : vector<1x16xf32> to vector<16xf32>
      %parallel_loop3A_315 = arith.addf %parallel_loop3A_310, %parallel_loop3A_314 : vector<16xf32>
      %parallel_loop3A_316 = arith.constant 0.000000e+00 : f32
      %parallel_loop3A_317 = vector.broadcast %parallel_loop3A_316 : f32 to vector<16xf32>
      %parallel_loop3A_318 = arith.maximumf %parallel_loop3A_315, %parallel_loop3A_317 : vector<16xf32>
      %parallel_loop3A_319 = arith.index_cast %parallel_loop3A_238 : i32 to index
      %parallel_loop3A_320 = arith.constant 64 : index
      %parallel_loop3A_321 = tpu.vector_load %arg9[%parallel_loop3A_319, %parallel_loop3A_320] {strides = array<i32>} : memref<40x128xf32, #tpu.memory_space<vmem>>, vector<1x16xf32>,
      %parallel_loop3A_322 = vector.shape_cast %parallel_loop3A_321 : vector<1x16xf32> to vector<16xf32>
      %parallel_loop3A_323 = vector.shape_cast %parallel_loop3A_318 : vector<16xf32> to vector<1x16xf32>
      tpu.vector_store %arg9[%parallel_loop3A_319, %parallel_loop3A_320], %parallel_loop3A_323 {strides = array<i32>} : memref<40x128xf32, #tpu.memory_space<vmem>>, vector<1x16xf32>,
      %parallel_loop3A_324 = arith.index_cast %parallel_loop3A_238 : i32 to index
      %parallel_loop3A_325 = arith.constant 80 : index
      %parallel_loop3A_326 = tpu.vector_load %arg12[%parallel_loop3A_324, %parallel_loop3A_325] {strides = array<i32>} : memref<40x128xf32, #tpu.memory_space<vmem>>, vector<1x16xf32>,
      %parallel_loop3A_327 = vector.shape_cast %parallel_loop3A_326 : vector<1x16xf32> to vector<16xf32>
      %parallel_loop3A_328 = arith.index_cast %parallel_loop3A_238 : i32 to index
      %parallel_loop3A_329 = arith.constant 80 : index
      %parallel_loop3A_330 = tpu.vector_load %arg9[%parallel_loop3A_328, %parallel_loop3A_329] {strides = array<i32>} : memref<40x128xf32, #tpu.memory_space<vmem>>, vector<1x16xf32>,
      %parallel_loop3A_331 = vector.shape_cast %parallel_loop3A_330 : vector<1x16xf32> to vector<16xf32>
      %parallel_loop3A_332 = arith.addf %parallel_loop3A_327, %parallel_loop3A_331 : vector<16xf32>
      %parallel_loop3A_333 = arith.constant 0.000000e+00 : f32
      %parallel_loop3A_334 = vector.broadcast %parallel_loop3A_333 : f32 to vector<16xf32>
      %parallel_loop3A_335 = arith.maximumf %parallel_loop3A_332, %parallel_loop3A_334 : vector<16xf32>
      %parallel_loop3A_336 = arith.index_cast %parallel_loop3A_238 : i32 to index
      %parallel_loop3A_337 = arith.constant 80 : index
      %parallel_loop3A_338 = tpu.vector_load %arg9[%parallel_loop3A_336, %parallel_loop3A_337] {strides = array<i32>} : memref<40x128xf32, #tpu.memory_space<vmem>>, vector<1x16xf32>,
      %parallel_loop3A_339 = vector.shape_cast %parallel_loop3A_338 : vector<1x16xf32> to vector<16xf32>
      %parallel_loop3A_340 = vector.shape_cast %parallel_loop3A_335 : vector<16xf32> to vector<1x16xf32>
      tpu.vector_store %arg9[%parallel_loop3A_336, %parallel_loop3A_337], %parallel_loop3A_340 {strides = array<i32>} : memref<40x128xf32, #tpu.memory_space<vmem>>, vector<1x16xf32>,
      %parallel_loop3A_341 = arith.index_cast %parallel_loop3A_238 : i32 to index
      %parallel_loop3A_342 = arith.constant 96 : index
      %parallel_loop3A_343 = tpu.vector_load %arg12[%parallel_loop3A_341, %parallel_loop3A_342] {strides = array<i32>} : memref<40x128xf32, #tpu.memory_space<vmem>>, vector<1x16xf32>,
      %parallel_loop3A_344 = vector.shape_cast %parallel_loop3A_343 : vector<1x16xf32> to vector<16xf32>
      %parallel_loop3A_345 = arith.index_cast %parallel_loop3A_238 : i32 to index
      %parallel_loop3A_346 = arith.constant 96 : index
      %parallel_loop3A_347 = tpu.vector_load %arg9[%parallel_loop3A_345, %parallel_loop3A_346] {strides = array<i32>} : memref<40x128xf32, #tpu.memory_space<vmem>>, vector<1x16xf32>,
      %parallel_loop3A_348 = vector.shape_cast %parallel_loop3A_347 : vector<1x16xf32> to vector<16xf32>
      %parallel_loop3A_349 = arith.addf %parallel_loop3A_344, %parallel_loop3A_348 : vector<16xf32>
      %parallel_loop3A_350 = arith.constant 0.000000e+00 : f32
      %parallel_loop3A_351 = vector.broadcast %parallel_loop3A_350 : f32 to vector<16xf32>
      %parallel_loop3A_352 = arith.maximumf %parallel_loop3A_349, %parallel_loop3A_351 : vector<16xf32>
      %parallel_loop3A_353 = arith.index_cast %parallel_loop3A_238 : i32 to index
      %parallel_loop3A_354 = arith.constant 96 : index
      %parallel_loop3A_355 = tpu.vector_load %arg9[%parallel_loop3A_353, %parallel_loop3A_354] {strides = array<i32>} : memref<40x128xf32, #tpu.memory_space<vmem>>, vector<1x16xf32>,
      %parallel_loop3A_356 = vector.shape_cast %parallel_loop3A_355 : vector<1x16xf32> to vector<16xf32>
      %parallel_loop3A_357 = vector.shape_cast %parallel_loop3A_352 : vector<16xf32> to vector<1x16xf32>
      tpu.vector_store %arg9[%parallel_loop3A_353, %parallel_loop3A_354], %parallel_loop3A_357 {strides = array<i32>} : memref<40x128xf32, #tpu.memory_space<vmem>>, vector<1x16xf32>,
      %parallel_loop3A_358 = arith.index_cast %parallel_loop3A_238 : i32 to index
      %parallel_loop3A_359 = arith.constant 112 : index
      %parallel_loop3A_360 = tpu.vector_load %arg12[%parallel_loop3A_358, %parallel_loop3A_359] {strides = array<i32>} : memref<40x128xf32, #tpu.memory_space<vmem>>, vector<1x16xf32>,
      %parallel_loop3A_361 = vector.shape_cast %parallel_loop3A_360 : vector<1x16xf32> to vector<16xf32>
      %parallel_loop3A_362 = arith.index_cast %parallel_loop3A_238 : i32 to index
      %parallel_loop3A_363 = arith.constant 112 : index
      %parallel_loop3A_364 = tpu.vector_load %arg9[%parallel_loop3A_362, %parallel_loop3A_363] {strides = array<i32>} : memref<40x128xf32, #tpu.memory_space<vmem>>, vector<1x16xf32>,
      %parallel_loop3A_365 = vector.shape_cast %parallel_loop3A_364 : vector<1x16xf32> to vector<16xf32>
      %parallel_loop3A_366 = arith.addf %parallel_loop3A_361, %parallel_loop3A_365 : vector<16xf32>
      %parallel_loop3A_367 = arith.constant 0.000000e+00 : f32
      %parallel_loop3A_368 = vector.broadcast %parallel_loop3A_367 : f32 to vector<16xf32>
      %parallel_loop3A_369 = arith.maximumf %parallel_loop3A_366, %parallel_loop3A_368 : vector<16xf32>
      %parallel_loop3A_370 = arith.index_cast %parallel_loop3A_238 : i32 to index
      %parallel_loop3A_371 = arith.constant 112 : index
      %parallel_loop3A_372 = tpu.vector_load %arg9[%parallel_loop3A_370, %parallel_loop3A_371] {strides = array<i32>} : memref<40x128xf32, #tpu.memory_space<vmem>>, vector<1x16xf32>,
      %parallel_loop3A_373 = vector.shape_cast %parallel_loop3A_372 : vector<1x16xf32> to vector<16xf32>
      %parallel_loop3A_374 = vector.shape_cast %parallel_loop3A_369 : vector<16xf32> to vector<1x16xf32>
      tpu.vector_store %arg9[%parallel_loop3A_370, %parallel_loop3A_371], %parallel_loop3A_374 {strides = array<i32>} : memref<40x128xf32, #tpu.memory_space<vmem>>, vector<1x16xf32>,
    } {sc.loop_unroll_factor = 4 : i64, sc.parallel_access}
    %dma_wait3A_206 = arith.constant 0 : i32
    %dma_wait3A_207 = arith.constant 0 : i32
    %dma_wait3A_208 = tpu.memref_slice %arg7[%dma_wait3A_206, %dma_wait3A_207] : memref<10240x128xf32, #tpu.memory_space<vmem_shared>> -> memref<10240x128xf32, #tpu.memory_space<vmem_shared>>
    tpu.wait_indirect_dma semaphore(%arg26 : memref<!tpu.dma_semaphore, #tpu.memory_space<semaphore_mem>>) src(%arg11 : memref<40x128xf32, #tpu.memory_space<vmem>>) dst(%dma_wait3A_208 : memref<10240x128xf32, #tpu.memory_space<vmem_shared>>)
    %dma_start3A_209 = arith.constant 0 : i32
    %dma_start3A_210 = arith.constant 0 : i32
    %dma_start3A_211 = tpu.memref_slice %arg7[%dma_start3A_209, %dma_start3A_210] : memref<10240x128xf32, #tpu.memory_space<vmem_shared>> -> memref<10240x128xf32, #tpu.memory_space<vmem_shared>>
    tpu.enqueue_indirect_dma source(%arg9 : memref<40x128xf32, #tpu.memory_space<vmem>>) target(%dma_start3A_211 : memref<10240x128xf32, #tpu.memory_space<vmem_shared>>) offsets(%arg15 : memref<40xi32, #tpu.memory_space<vmem>>) semaphore(%arg24 : memref<!tpu.dma_semaphore, #tpu.memory_space<semaphore_mem>>) {add = true}
    %dma_wait3A_212 = arith.constant 0 : i32
    %dma_wait3A_213 = tpu.memref_slice %arg3[%mul3A_2, %dma_wait3A_212] : memref<320000x128xf32, #tpu.memory_space<hbm>> -> memref<40x128xf32, #tpu.memory_space<hbm>>
    %dma_wait3A_214 = arith.constant 0 : i32
    %dma_wait3A_215 = tpu.memref_slice %arg3[%mul3A_2, %dma_wait3A_214] : memref<320000x128xf32, #tpu.memory_space<hbm>> -> memref<40x128xf32, #tpu.memory_space<hbm>>
    tpu.wait_dma2 semaphore(%arg19 : memref<!tpu.dma_semaphore, #tpu.memory_space<semaphore_mem>>) src(%dma_wait3A_215 : memref<40x128xf32, #tpu.memory_space<hbm>>) dst(%arg10 : memref<40x128xf32, #tpu.memory_space<vmem>>)
    %dma_wait3A_216 = arith.constant 0 : i32
    %dma_wait3A_217 = tpu.memref_slice %arg8[%dma_wait3A_216] : memref<5000xi32, #tpu.memory_space<vmem>> -> memref<40xi32, #tpu.memory_space<vmem>>
    %dma_wait3A_218 = arith.constant 0 : i32
    %dma_wait3A_219 = arith.constant 0 : i32
    %dma_wait3A_220 = tpu.memref_slice %arg2[%dma_wait3A_218, %dma_wait3A_219] : memref<10000x128xf32, #tpu.memory_space<hbm>> -> memref<10000x128xf32, #tpu.memory_space<hbm>>
    tpu.wait_indirect_dma semaphore(%arg22 : memref<!tpu.dma_semaphore, #tpu.memory_space<semaphore_mem>>) src(%dma_wait3A_220 : memref<10000x128xf32, #tpu.memory_space<hbm>>) dst(%arg13 : memref<40x128xf32, #tpu.memory_space<vmem>>)
    %dma_wait3A_221 = tpu.memref_slice %arg5[%mul3A_2] : memref<320000xi32, #tpu.memory_space<hbm>> -> memref<40xi32, #tpu.memory_space<hbm>>
    %dma_wait3A_222 = tpu.memref_slice %arg5[%mul3A_2] : memref<320000xi32, #tpu.memory_space<hbm>> -> memref<40xi32, #tpu.memory_space<hbm>>
    tpu.wait_dma2 semaphore(%arg28 : memref<!tpu.dma_semaphore, #tpu.memory_space<semaphore_mem>>) src(%dma_wait3A_222 : memref<40xi32, #tpu.memory_space<hbm>>) dst(%arg16 : memref<40xi32, #tpu.memory_space<vmem>>)
    %parallel_loop3A_223 = arith.constant 0 : i32
    %parallel_loop3A_224 = arith.constant 40 : i32
    %parallel_loop3A_225 = arith.constant 1 : i32
    scf.for %parallel_loop3A_238 = %parallel_loop3A_223 to %parallel_loop3A_224 step %parallel_loop3A_225  : i32 {
      %parallel_loop3A_239 = arith.index_cast %parallel_loop3A_238 : i32 to index
      %parallel_loop3A_240 = arith.constant 0 : index
      %parallel_loop3A_241 = tpu.vector_load %arg13[%parallel_loop3A_239, %parallel_loop3A_240] {strides = array<i32>} : memref<40x128xf32, #tpu.memory_space<vmem>>, vector<1x16xf32>,
      %parallel_loop3A_242 = vector.shape_cast %parallel_loop3A_241 : vector<1x16xf32> to vector<16xf32>
      %parallel_loop3A_243 = arith.index_cast %parallel_loop3A_238 : i32 to index
      %parallel_loop3A_244 = arith.constant 0 : index
      %parallel_loop3A_245 = tpu.vector_load %arg10[%parallel_loop3A_243, %parallel_loop3A_244] {strides = array<i32>} : memref<40x128xf32, #tpu.memory_space<vmem>>, vector<1x16xf32>,
      %parallel_loop3A_246 = vector.shape_cast %parallel_loop3A_245 : vector<1x16xf32> to vector<16xf32>
      %parallel_loop3A_247 = arith.addf %parallel_loop3A_242, %parallel_loop3A_246 : vector<16xf32>
      %parallel_loop3A_248 = arith.constant 0.000000e+00 : f32
      %parallel_loop3A_249 = vector.broadcast %parallel_loop3A_248 : f32 to vector<16xf32>
      %parallel_loop3A_250 = arith.maximumf %parallel_loop3A_247, %parallel_loop3A_249 : vector<16xf32>
      %parallel_loop3A_251 = arith.index_cast %parallel_loop3A_238 : i32 to index
      %parallel_loop3A_252 = arith.constant 0 : index
      %parallel_loop3A_253 = tpu.vector_load %arg10[%parallel_loop3A_251, %parallel_loop3A_252] {strides = array<i32>} : memref<40x128xf32, #tpu.memory_space<vmem>>, vector<1x16xf32>,
      %parallel_loop3A_254 = vector.shape_cast %parallel_loop3A_253 : vector<1x16xf32> to vector<16xf32>
      %parallel_loop3A_255 = vector.shape_cast %parallel_loop3A_250 : vector<16xf32> to vector<1x16xf32>
      tpu.vector_store %arg10[%parallel_loop3A_251, %parallel_loop3A_252], %parallel_loop3A_255 {strides = array<i32>} : memref<40x128xf32, #tpu.memory_space<vmem>>, vector<1x16xf32>,
      %parallel_loop3A_256 = arith.index_cast %parallel_loop3A_238 : i32 to index
      %parallel_loop3A_257 = arith.constant 16 : index
      %parallel_loop3A_258 = tpu.vector_load %arg13[%parallel_loop3A_256, %parallel_loop3A_257] {strides = array<i32>} : memref<40x128xf32, #tpu.memory_space<vmem>>, vector<1x16xf32>,
      %parallel_loop3A_259 = vector.shape_cast %parallel_loop3A_258 : vector<1x16xf32> to vector<16xf32>
      %parallel_loop3A_260 = arith.index_cast %parallel_loop3A_238 : i32 to index
      %parallel_loop3A_261 = arith.constant 16 : index
      %parallel_loop3A_262 = tpu.vector_load %arg10[%parallel_loop3A_260, %parallel_loop3A_261] {strides = array<i32>} : memref<40x128xf32, #tpu.memory_space<vmem>>, vector<1x16xf32>,
      %parallel_loop3A_263 = vector.shape_cast %parallel_loop3A_262 : vector<1x16xf32> to vector<16xf32>
      %parallel_loop3A_264 = arith.addf %parallel_loop3A_259, %parallel_loop3A_263 : vector<16xf32>
      %parallel_loop3A_265 = arith.constant 0.000000e+00 : f32
      %parallel_loop3A_266 = vector.broadcast %parallel_loop3A_265 : f32 to vector<16xf32>
      %parallel_loop3A_267 = arith.maximumf %parallel_loop3A_264, %parallel_loop3A_266 : vector<16xf32>
      %parallel_loop3A_268 = arith.index_cast %parallel_loop3A_238 : i32 to index
      %parallel_loop3A_269 = arith.constant 16 : index
      %parallel_loop3A_270 = tpu.vector_load %arg10[%parallel_loop3A_268, %parallel_loop3A_269] {strides = array<i32>} : memref<40x128xf32, #tpu.memory_space<vmem>>, vector<1x16xf32>,
      %parallel_loop3A_271 = vector.shape_cast %parallel_loop3A_270 : vector<1x16xf32> to vector<16xf32>
      %parallel_loop3A_272 = vector.shape_cast %parallel_loop3A_267 : vector<16xf32> to vector<1x16xf32>
      tpu.vector_store %arg10[%parallel_loop3A_268, %parallel_loop3A_269], %parallel_loop3A_272 {strides = array<i32>} : memref<40x128xf32, #tpu.memory_space<vmem>>, vector<1x16xf32>,
      %parallel_loop3A_273 = arith.index_cast %parallel_loop3A_238 : i32 to index
      %parallel_loop3A_274 = arith.constant 32 : index
      %parallel_loop3A_275 = tpu.vector_load %arg13[%parallel_loop3A_273, %parallel_loop3A_274] {strides = array<i32>} : memref<40x128xf32, #tpu.memory_space<vmem>>, vector<1x16xf32>,
      %parallel_loop3A_276 = vector.shape_cast %parallel_loop3A_275 : vector<1x16xf32> to vector<16xf32>
      %parallel_loop3A_277 = arith.index_cast %parallel_loop3A_238 : i32 to index
      %parallel_loop3A_278 = arith.constant 32 : index
      %parallel_loop3A_279 = tpu.vector_load %arg10[%parallel_loop3A_277, %parallel_loop3A_278] {strides = array<i32>} : memref<40x128xf32, #tpu.memory_space<vmem>>, vector<1x16xf32>,
      %parallel_loop3A_280 = vector.shape_cast %parallel_loop3A_279 : vector<1x16xf32> to vector<16xf32>
      %parallel_loop3A_281 = arith.addf %parallel_loop3A_276, %parallel_loop3A_280 : vector<16xf32>
      %parallel_loop3A_282 = arith.constant 0.000000e+00 : f32
      %parallel_loop3A_283 = vector.broadcast %parallel_loop3A_282 : f32 to vector<16xf32>
      %parallel_loop3A_284 = arith.maximumf %parallel_loop3A_281, %parallel_loop3A_283 : vector<16xf32>
      %parallel_loop3A_285 = arith.index_cast %parallel_loop3A_238 : i32 to index
      %parallel_loop3A_286 = arith.constant 32 : index
      %parallel_loop3A_287 = tpu.vector_load %arg10[%parallel_loop3A_285, %parallel_loop3A_286] {strides = array<i32>} : memref<40x128xf32, #tpu.memory_space<vmem>>, vector<1x16xf32>,
      %parallel_loop3A_288 = vector.shape_cast %parallel_loop3A_287 : vector<1x16xf32> to vector<16xf32>
      %parallel_loop3A_289 = vector.shape_cast %parallel_loop3A_284 : vector<16xf32> to vector<1x16xf32>
      tpu.vector_store %arg10[%parallel_loop3A_285, %parallel_loop3A_286], %parallel_loop3A_289 {strides = array<i32>} : memref<40x128xf32, #tpu.memory_space<vmem>>, vector<1x16xf32>,
      %parallel_loop3A_290 = arith.index_cast %parallel_loop3A_238 : i32 to index
      %parallel_loop3A_291 = arith.constant 48 : index
      %parallel_loop3A_292 = tpu.vector_load %arg13[%parallel_loop3A_290, %parallel_loop3A_291] {strides = array<i32>} : memref<40x128xf32, #tpu.memory_space<vmem>>, vector<1x16xf32>,
      %parallel_loop3A_293 = vector.shape_cast %parallel_loop3A_292 : vector<1x16xf32> to vector<16xf32>
      %parallel_loop3A_294 = arith.index_cast %parallel_loop3A_238 : i32 to index
      %parallel_loop3A_295 = arith.constant 48 : index
      %parallel_loop3A_296 = tpu.vector_load %arg10[%parallel_loop3A_294, %parallel_loop3A_295] {strides = array<i32>} : memref<40x128xf32, #tpu.memory_space<vmem>>, vector<1x16xf32>,
      %parallel_loop3A_297 = vector.shape_cast %parallel_loop3A_296 : vector<1x16xf32> to vector<16xf32>
      %parallel_loop3A_298 = arith.addf %parallel_loop3A_293, %parallel_loop3A_297 : vector<16xf32>
      %parallel_loop3A_299 = arith.constant 0.000000e+00 : f32
      %parallel_loop3A_300 = vector.broadcast %parallel_loop3A_299 : f32 to vector<16xf32>
      %parallel_loop3A_301 = arith.maximumf %parallel_loop3A_298, %parallel_loop3A_300 : vector<16xf32>
      %parallel_loop3A_302 = arith.index_cast %parallel_loop3A_238 : i32 to index
      %parallel_loop3A_303 = arith.constant 48 : index
      %parallel_loop3A_304 = tpu.vector_load %arg10[%parallel_loop3A_302, %parallel_loop3A_303] {strides = array<i32>} : memref<40x128xf32, #tpu.memory_space<vmem>>, vector<1x16xf32>,
      %parallel_loop3A_305 = vector.shape_cast %parallel_loop3A_304 : vector<1x16xf32> to vector<16xf32>
      %parallel_loop3A_306 = vector.shape_cast %parallel_loop3A_301 : vector<16xf32> to vector<1x16xf32>
      tpu.vector_store %arg10[%parallel_loop3A_302, %parallel_loop3A_303], %parallel_loop3A_306 {strides = array<i32>} : memref<40x128xf32, #tpu.memory_space<vmem>>, vector<1x16xf32>,
      %parallel_loop3A_307 = arith.index_cast %parallel_loop3A_238 : i32 to index
      %parallel_loop3A_308 = arith.constant 64 : index
      %parallel_loop3A_309 = tpu.vector_load %arg13[%parallel_loop3A_307, %parallel_loop3A_308] {strides = array<i32>} : memref<40x128xf32, #tpu.memory_space<vmem>>, vector<1x16xf32>,
      %parallel_loop3A_310 = vector.shape_cast %parallel_loop3A_309 : vector<1x16xf32> to vector<16xf32>
      %parallel_loop3A_311 = arith.index_cast %parallel_loop3A_238 : i32 to index
      %parallel_loop3A_312 = arith.constant 64 : index
      %parallel_loop3A_313 = tpu.vector_load %arg10[%parallel_loop3A_311, %parallel_loop3A_312] {strides = array<i32>} : memref<40x128xf32, #tpu.memory_space<vmem>>, vector<1x16xf32>,
      %parallel_loop3A_314 = vector.shape_cast %parallel_loop3A_313 : vector<1x16xf32> to vector<16xf32>
      %parallel_loop3A_315 = arith.addf %parallel_loop3A_310, %parallel_loop3A_314 : vector<16xf32>
      %parallel_loop3A_316 = arith.constant 0.000000e+00 : f32
      %parallel_loop3A_317 = vector.broadcast %parallel_loop3A_316 : f32 to vector<16xf32>
      %parallel_loop3A_318 = arith.maximumf %parallel_loop3A_315, %parallel_loop3A_317 : vector<16xf32>
      %parallel_loop3A_319 = arith.index_cast %parallel_loop3A_238 : i32 to index
      %parallel_loop3A_320 = arith.constant 64 : index
      %parallel_loop3A_321 = tpu.vector_load %arg10[%parallel_loop3A_319, %parallel_loop3A_320] {strides = array<i32>} : memref<40x128xf32, #tpu.memory_space<vmem>>, vector<1x16xf32>,
      %parallel_loop3A_322 = vector.shape_cast %parallel_loop3A_321 : vector<1x16xf32> to vector<16xf32>
      %parallel_loop3A_323 = vector.shape_cast %parallel_loop3A_318 : vector<16xf32> to vector<1x16xf32>
      tpu.vector_store %arg10[%parallel_loop3A_319, %parallel_loop3A_320], %parallel_loop3A_323 {strides = array<i32>} : memref<40x128xf32, #tpu.memory_space<vmem>>, vector<1x16xf32>,
      %parallel_loop3A_324 = arith.index_cast %parallel_loop3A_238 : i32 to index
      %parallel_loop3A_325 = arith.constant 80 : index
      %parallel_loop3A_326 = tpu.vector_load %arg13[%parallel_loop3A_324, %parallel_loop3A_325] {strides = array<i32>} : memref<40x128xf32, #tpu.memory_space<vmem>>, vector<1x16xf32>,
      %parallel_loop3A_327 = vector.shape_cast %parallel_loop3A_326 : vector<1x16xf32> to vector<16xf32>
      %parallel_loop3A_328 = arith.index_cast %parallel_loop3A_238 : i32 to index
      %parallel_loop3A_329 = arith.constant 80 : index
      %parallel_loop3A_330 = tpu.vector_load %arg10[%parallel_loop3A_328, %parallel_loop3A_329] {strides = array<i32>} : memref<40x128xf32, #tpu.memory_space<vmem>>, vector<1x16xf32>,
      %parallel_loop3A_331 = vector.shape_cast %parallel_loop3A_330 : vector<1x16xf32> to vector<16xf32>
      %parallel_loop3A_332 = arith.addf %parallel_loop3A_327, %parallel_loop3A_331 : vector<16xf32>
      %parallel_loop3A_333 = arith.constant 0.000000e+00 : f32
      %parallel_loop3A_334 = vector.broadcast %parallel_loop3A_333 : f32 to vector<16xf32>
      %parallel_loop3A_335 = arith.maximumf %parallel_loop3A_332, %parallel_loop3A_334 : vector<16xf32>
      %parallel_loop3A_336 = arith.index_cast %parallel_loop3A_238 : i32 to index
      %parallel_loop3A_337 = arith.constant 80 : index
      %parallel_loop3A_338 = tpu.vector_load %arg10[%parallel_loop3A_336, %parallel_loop3A_337] {strides = array<i32>} : memref<40x128xf32, #tpu.memory_space<vmem>>, vector<1x16xf32>,
      %parallel_loop3A_339 = vector.shape_cast %parallel_loop3A_338 : vector<1x16xf32> to vector<16xf32>
      %parallel_loop3A_340 = vector.shape_cast %parallel_loop3A_335 : vector<16xf32> to vector<1x16xf32>
      tpu.vector_store %arg10[%parallel_loop3A_336, %parallel_loop3A_337], %parallel_loop3A_340 {strides = array<i32>} : memref<40x128xf32, #tpu.memory_space<vmem>>, vector<1x16xf32>,
      %parallel_loop3A_341 = arith.index_cast %parallel_loop3A_238 : i32 to index
      %parallel_loop3A_342 = arith.constant 96 : index
      %parallel_loop3A_343 = tpu.vector_load %arg13[%parallel_loop3A_341, %parallel_loop3A_342] {strides = array<i32>} : memref<40x128xf32, #tpu.memory_space<vmem>>, vector<1x16xf32>,
      %parallel_loop3A_344 = vector.shape_cast %parallel_loop3A_343 : vector<1x16xf32> to vector<16xf32>
      %parallel_loop3A_345 = arith.index_cast %parallel_loop3A_238 : i32 to index
      %parallel_loop3A_346 = arith.constant 96 : index
      %parallel_loop3A_347 = tpu.vector_load %arg10[%parallel_loop3A_345, %parallel_loop3A_346] {strides = array<i32>} : memref<40x128xf32, #tpu.memory_space<vmem>>, vector<1x16xf32>,
      %parallel_loop3A_348 = vector.shape_cast %parallel_loop3A_347 : vector<1x16xf32> to vector<16xf32>
      %parallel_loop3A_349 = arith.addf %parallel_loop3A_344, %parallel_loop3A_348 : vector<16xf32>
      %parallel_loop3A_350 = arith.constant 0.000000e+00 : f32
      %parallel_loop3A_351 = vector.broadcast %parallel_loop3A_350 : f32 to vector<16xf32>
      %parallel_loop3A_352 = arith.maximumf %parallel_loop3A_349, %parallel_loop3A_351 : vector<16xf32>
      %parallel_loop3A_353 = arith.index_cast %parallel_loop3A_238 : i32 to index
      %parallel_loop3A_354 = arith.constant 96 : index
      %parallel_loop3A_355 = tpu.vector_load %arg10[%parallel_loop3A_353, %parallel_loop3A_354] {strides = array<i32>} : memref<40x128xf32, #tpu.memory_space<vmem>>, vector<1x16xf32>,
      %parallel_loop3A_356 = vector.shape_cast %parallel_loop3A_355 : vector<1x16xf32> to vector<16xf32>
      %parallel_loop3A_357 = vector.shape_cast %parallel_loop3A_352 : vector<16xf32> to vector<1x16xf32>
      tpu.vector_store %arg10[%parallel_loop3A_353, %parallel_loop3A_354], %parallel_loop3A_357 {strides = array<i32>} : memref<40x128xf32, #tpu.memory_space<vmem>>, vector<1x16xf32>,
      %parallel_loop3A_358 = arith.index_cast %parallel_loop3A_238 : i32 to index
      %parallel_loop3A_359 = arith.constant 112 : index
      %parallel_loop3A_360 = tpu.vector_load %arg13[%parallel_loop3A_358, %parallel_loop3A_359] {strides = array<i32>} : memref<40x128xf32, #tpu.memory_space<vmem>>, vector<1x16xf32>,
      %parallel_loop3A_361 = vector.shape_cast %parallel_loop3A_360 : vector<1x16xf32> to vector<16xf32>
      %parallel_loop3A_362 = arith.index_cast %parallel_loop3A_238 : i32 to index
      %parallel_loop3A_363 = arith.constant 112 : index
      %parallel_loop3A_364 = tpu.vector_load %arg10[%parallel_loop3A_362, %parallel_loop3A_363] {strides = array<i32>} : memref<40x128xf32, #tpu.memory_space<vmem>>, vector<1x16xf32>,
      %parallel_loop3A_365 = vector.shape_cast %parallel_loop3A_364 : vector<1x16xf32> to vector<16xf32>
      %parallel_loop3A_366 = arith.addf %parallel_loop3A_361, %parallel_loop3A_365 : vector<16xf32>
      %parallel_loop3A_367 = arith.constant 0.000000e+00 : f32
      %parallel_loop3A_368 = vector.broadcast %parallel_loop3A_367 : f32 to vector<16xf32>
      %parallel_loop3A_369 = arith.maximumf %parallel_loop3A_366, %parallel_loop3A_368 : vector<16xf32>
      %parallel_loop3A_370 = arith.index_cast %parallel_loop3A_238 : i32 to index
      %parallel_loop3A_371 = arith.constant 112 : index
      %parallel_loop3A_372 = tpu.vector_load %arg10[%parallel_loop3A_370, %parallel_loop3A_371] {strides = array<i32>} : memref<40x128xf32, #tpu.memory_space<vmem>>, vector<1x16xf32>,
      %parallel_loop3A_373 = vector.shape_cast %parallel_loop3A_372 : vector<1x16xf32> to vector<16xf32>
      %parallel_loop3A_374 = vector.shape_cast %parallel_loop3A_369 : vector<16xf32> to vector<1x16xf32>
      tpu.vector_store %arg10[%parallel_loop3A_370, %parallel_loop3A_371], %parallel_loop3A_374 {strides = array<i32>} : memref<40x128xf32, #tpu.memory_space<vmem>>, vector<1x16xf32>,
    } {sc.loop_unroll_factor = 4 : i64, sc.parallel_access}
    %dma_wait3A_226 = arith.constant 0 : i32
    %dma_wait3A_227 = arith.constant 0 : i32
    %dma_wait3A_228 = tpu.memref_slice %arg7[%dma_wait3A_226, %dma_wait3A_227] : memref<10240x128xf32, #tpu.memory_space<vmem_shared>> -> memref<10240x128xf32, #tpu.memory_space<vmem_shared>>
    tpu.wait_indirect_dma semaphore(%arg24 : memref<!tpu.dma_semaphore, #tpu.memory_space<semaphore_mem>>) src(%arg9 : memref<40x128xf32, #tpu.memory_space<vmem>>) dst(%dma_wait3A_228 : memref<10240x128xf32, #tpu.memory_space<vmem_shared>>)
    %dma_start3A_229 = arith.constant 0 : i32
    %dma_start3A_230 = arith.constant 0 : i32
    %dma_start3A_231 = tpu.memref_slice %arg7[%dma_start3A_229, %dma_start3A_230] : memref<10240x128xf32, #tpu.memory_space<vmem_shared>> -> memref<10240x128xf32, #tpu.memory_space<vmem_shared>>
    tpu.enqueue_indirect_dma source(%arg10 : memref<40x128xf32, #tpu.memory_space<vmem>>) target(%dma_start3A_231 : memref<10240x128xf32, #tpu.memory_space<vmem_shared>>) offsets(%arg16 : memref<40xi32, #tpu.memory_space<vmem>>) semaphore(%arg25 : memref<!tpu.dma_semaphore, #tpu.memory_space<semaphore_mem>>) {add = true}
    %dma_wait3A_232 = arith.constant 0 : i32
    %dma_wait3A_233 = arith.constant 0 : i32
    %dma_wait3A_234 = tpu.memref_slice %arg7[%dma_wait3A_232, %dma_wait3A_233] : memref<10240x128xf32, #tpu.memory_space<vmem_shared>> -> memref<10240x128xf32, #tpu.memory_space<vmem_shared>>
    tpu.wait_indirect_dma semaphore(%arg25 : memref<!tpu.dma_semaphore, #tpu.memory_space<semaphore_mem>>) src(%arg10 : memref<40x128xf32, #tpu.memory_space<vmem>>) dst(%dma_wait3A_234 : memref<10240x128xf32, #tpu.memory_space<vmem_shared>>)
    %barrier3A_235 = arith.constant 0 : index
    tpu.barrier barrier_id(%barrier3A_235)
    %mul3A_236 = arith.constant 640 : i32
    %mul3A_237 = arith.muli %arg1, %mul3A_236 : i32
    "tpu.region"() ({
      %run_scoped3A = tpu.sem_alloc : memref<!tpu.dma_semaphore, #tpu.memory_space<semaphore_mem>>
      %dma_start3A_238 = arith.constant 0 : i32
      %dma_start3A_239 = tpu.memref_slice %arg6[%arg0, %mul3A_237, %dma_start3A_238] : memref<2x10240x128xf32, #tpu.memory_space<hbm>> -> memref<1x640x128xf32, #tpu.memory_space<hbm>>
      %dma_start3A_240 = tpu.memref_squeeze %dma_start3A_239 : memref<1x640x128xf32, #tpu.memory_space<hbm>> -> memref<640x128xf32, #tpu.memory_space<hbm>>
      %dma_start3A_241 = arith.constant 0 : i32
      %dma_start3A_242 = tpu.memref_slice %arg7[%mul3A_237, %dma_start3A_241] : memref<10240x128xf32, #tpu.memory_space<vmem_shared>> -> memref<640x128xf32, #tpu.memory_space<vmem_shared>>
      tpu.enqueue_dma source(%dma_start3A_242 : memref<640x128xf32, #tpu.memory_space<vmem_shared>>) target(%dma_start3A_240 : memref<640x128xf32, #tpu.memory_space<hbm>>) target_semaphore(%run_scoped3A : memref<!tpu.dma_semaphore, #tpu.memory_space<semaphore_mem>>)
      %dma_wait3A_243 = arith.constant 0 : i32
      %dma_wait3A_244 = tpu.memref_slice %arg6[%arg0, %mul3A_237, %dma_wait3A_243] : memref<2x10240x128xf32, #tpu.memory_space<hbm>> -> memref<1x640x128xf32, #tpu.memory_space<hbm>>
      %dma_wait3A_245 = tpu.memref_squeeze %dma_wait3A_244 : memref<1x640x128xf32, #tpu.memory_space<hbm>> -> memref<640x128xf32, #tpu.memory_space<hbm>>
      %dma_wait3A_246 = arith.constant 0 : i32
      %dma_wait3A_247 = tpu.memref_slice %arg7[%mul3A_237, %dma_wait3A_246] : memref<10240x128xf32, #tpu.memory_space<vmem_shared>> -> memref<640x128xf32, #tpu.memory_space<vmem_shared>>
      tpu.wait_dma2 semaphore(%run_scoped3A : memref<!tpu.dma_semaphore, #tpu.memory_space<semaphore_mem>>) src(%dma_wait3A_247 : memref<640x128xf32, #tpu.memory_space<vmem_shared>>) dst(%dma_wait3A_245 : memref<640x128xf32, #tpu.memory_space<hbm>>)
      tpu.yield
    }) : () -> ()
    return
  }
}

module attributes {stable_mosaic.version = 14 : i64} {
  func.func @_emb_body(%arg0: i32, %arg1: memref<16x16000xf32, #tpu.memory_space<vmem>>, %arg2: memref<16x128xf32, #tpu.memory_space<vmem>>, %arg3: memref<1x128xf32, #tpu.memory_space<vmem>>, %arg4: memref<16000x128xf32, #tpu.memory_space<vmem>>) attributes {dimension_semantics = [#tpu.dimension_semantics<arbitrary>], iteration_bounds = array<i64: 20>, scalar_prefetch = 0 : i64, scratch_operands = 0 : i64, tpu.core_type = #tpu.core_type<tc>, window_params = [{transform_indices = @transform_0, window_bounds = array<i64: 16, 16000>}, {pipeline_mode = #tpu.pipeline_mode<synchronous>, transform_indices = @transform_1, window_bounds = array<i64: 16, 128>}, {pipeline_mode = #tpu.pipeline_mode<synchronous>, transform_indices = @transform_2, window_bounds = array<i64: 1, 128>}, {transform_indices = @transform_3, window_bounds = array<i64: 16000, 128>}]} {
    %get3A = arith.constant 0 : index
    %get3A_0 = arith.constant 0 : index
    %get3A_1 = vector.load %arg1[%get3A, %get3A_0] : memref<16x16000xf32, #tpu.memory_space<vmem>>, vector<16x16000xf32>
    %get3A_2 = arith.constant 0 : index
    %get3A_3 = arith.constant 0 : index
    %get3A_4 = vector.load %arg2[%get3A_2, %get3A_3] : memref<16x128xf32, #tpu.memory_space<vmem>>, vector<16x128xf32>
    %dot_general3A = arith.constant dense<0.000000e+00> : vector<16000x128xf32>
    %dot_general3A_5 = tpu.matmul %get3A_1, %get3A_4, %dot_general3A {dimension_numbers = #tpu.dot_dimension_numbers<[0], [0], [1], [1], [0, 1, 1, 1], [], []>, transpose_lhs_hint = false} : vector<16x16000xf32>, vector<16x128xf32>, vector<16000x128xf32> -> vector<16000x128xf32>
    %get3A_6 = arith.constant 0 : index
    %get3A_7 = arith.constant 0 : index
    %get3A_8 = vector.load %arg3[%get3A_6, %get3A_7] : memref<1x128xf32, #tpu.memory_space<vmem>>, vector<1x128xf32>
    %add3A = vector.broadcast %get3A_8 : vector<1x128xf32> to vector<16000x128xf32>
    %add3A_9 = arith.addf %dot_general3A_5, %add3A : vector<16000x128xf32>
    %swap3A = arith.constant 0 : index
    %swap3A_10 = arith.constant 0 : index
    %swap3A_11 = vector.load %arg4[%swap3A, %swap3A_10] : memref<16000x128xf32, #tpu.memory_space<vmem>>, vector<16000x128xf32>
    tpu.vector_store %arg4[%swap3A, %swap3A_10], %add3A_9 {strides = array<i32>} : memref<16000x128xf32, #tpu.memory_space<vmem>>, vector<16000x128xf32>,
    return
  }
  func.func @transform_0(%arg0: i32) -> (i32, i32) {
    %c0_i32 = arith.constant 0 : i32
    %c0_i32_0 = arith.constant 0 : i32
    return %c0_i32, %arg0 : i32, i32
  }
  func.func @transform_1(%arg0: i32) -> (i32, i32) {
    %c0_i32 = arith.constant 0 : i32
    %c0_i32_0 = arith.constant 0 : i32
    %c0_i32_1 = arith.constant 0 : i32
    return %c0_i32, %c0_i32_0 : i32, i32
  }
  func.func @transform_2(%arg0: i32) -> (i32, i32) {
    %c0_i32 = arith.constant 0 : i32
    %c0_i32_0 = arith.constant 0 : i32
    %c0_i32_1 = arith.constant 0 : i32
    return %c0_i32, %c0_i32_0 : i32, i32
  }
  func.func @transform_3(%arg0: i32) -> (i32, i32) {
    %c0_i32 = arith.constant 0 : i32
    %c0_i32_0 = arith.constant 0 : i32
    return %arg0, %c0_i32 : i32, i32
  }
}

module attributes {stable_mosaic.version = 14 : i64} {
  func.func @_node_body(%arg0: i32, %arg1: memref<2000x128xf32, #tpu.memory_space<vmem>>, %arg2: memref<2000x128xf32, #tpu.memory_space<vmem>>, %arg3: memref<2000x128xf32, #tpu.memory_space<vmem>>, %arg4: memref<1x1x2000xi32, #tpu.memory_space<vmem>>, %arg5: memref<128x128xf32, #tpu.memory_space<vmem>>, %arg6: memref<1x128xf32, #tpu.memory_space<vmem>>, %arg7: memref<128x2xf32, #tpu.memory_space<vmem>>, %arg8: memref<1x2xf32, #tpu.memory_space<vmem>>, %arg9: memref<128x2xf32, #tpu.memory_space<vmem>>, %arg10: memref<128x128xf32, #tpu.memory_space<vmem>>, %arg11: memref<128x128xf32, #tpu.memory_space<vmem>>) attributes {dimension_semantics = [#tpu.dimension_semantics<arbitrary>], iteration_bounds = array<i64: 5>, scalar_prefetch = 0 : i64, scratch_operands = 2 : i64, tpu.core_type = #tpu.core_type<tc>, window_params = [{transform_indices = @transform_0, window_bounds = array<i64: 2000, 128>}, {transform_indices = @transform_1, window_bounds = array<i64: 2000, 128>}, {transform_indices = @transform_2, window_bounds = array<i64: 2000, 128>}, {transform_indices = @transform_3, window_bounds = array<i64: 1, 1, 2000>}, {pipeline_mode = #tpu.pipeline_mode<synchronous>, transform_indices = @transform_4, window_bounds = array<i64: 128, 128>}, {pipeline_mode = #tpu.pipeline_mode<synchronous>, transform_indices = @transform_5, window_bounds = array<i64: 1, 128>}, {pipeline_mode = #tpu.pipeline_mode<synchronous>, transform_indices = @transform_6, window_bounds = array<i64: 128, 2>}, {pipeline_mode = #tpu.pipeline_mode<synchronous>, transform_indices = @transform_7, window_bounds = array<i64: 1, 2>}, {pipeline_mode = #tpu.pipeline_mode<synchronous>, transform_indices = @transform_8, window_bounds = array<i64: 128, 2>}]} {
    %eq3A = arith.constant 0 : i32
    %eq3A_0 = arith.cmpi eq, %arg0, %eq3A : i32
    %convert_element_type3A = arith.extui %eq3A_0 : i1 to i32
    %cond3A = arith.constant 0 : i32
    %cond3A_1 = arith.cmpi ne, %convert_element_type3A, %cond3A : i32
    scf.if %cond3A_1 {
      %broadcast_in_dim3A_56 = arith.constant 0.000000e+00 : f32
      %broadcast_in_dim3A_57 = vector.broadcast %broadcast_in_dim3A_56 : f32 to vector<128x128xf32>
      %swap3A_58 = arith.constant 0 : index
      %swap3A_59 = arith.constant 0 : index
      %swap3A_60 = vector.load %arg10[%swap3A_58, %swap3A_59] : memref<128x128xf32, #tpu.memory_space<vmem>>, vector<128x128xf32>
      tpu.vector_store %arg10[%swap3A_58, %swap3A_59], %broadcast_in_dim3A_57 {strides = array<i32>} : memref<128x128xf32, #tpu.memory_space<vmem>>, vector<128x128xf32>,
      %broadcast_in_dim3A_61 = arith.constant 0.000000e+00 : f32
      %broadcast_in_dim3A_62 = vector.broadcast %broadcast_in_dim3A_61 : f32 to vector<128x128xf32>
      %swap3A_63 = arith.constant 0 : index
      %swap3A_64 = arith.constant 0 : index
      %swap3A_65 = vector.load %arg11[%swap3A_63, %swap3A_64] : memref<128x128xf32, #tpu.memory_space<vmem>>, vector<128x128xf32>
      tpu.vector_store %arg11[%swap3A_63, %swap3A_64], %broadcast_in_dim3A_62 {strides = array<i32>} : memref<128x128xf32, #tpu.memory_space<vmem>>, vector<128x128xf32>,
    } else {
    }
    %get3A = arith.constant 0 : index
    %get3A_2 = arith.constant 0 : index
    %get3A_3 = vector.load %arg1[%get3A, %get3A_2] : memref<2000x128xf32, #tpu.memory_space<vmem>>, vector<2000x128xf32>
    %get3A_4 = arith.constant 0 : index
    %get3A_5 = arith.constant 0 : index
    %get3A_6 = vector.load %arg2[%get3A_4, %get3A_5] : memref<2000x128xf32, #tpu.memory_space<vmem>>, vector<2000x128xf32>
    %add3A = arith.addf %get3A_3, %get3A_6 : vector<2000x128xf32>
    %get3A_7 = arith.constant 0 : index
    %get3A_8 = arith.constant 0 : index
    %get3A_9 = vector.load %arg3[%get3A_7, %get3A_8] : memref<2000x128xf32, #tpu.memory_space<vmem>>, vector<2000x128xf32>
    %add3A_10 = arith.addf %add3A, %get3A_9 : vector<2000x128xf32>
    %get3A_11 = arith.constant 0 : index
    %get3A_12 = arith.constant 0 : index
    %get3A_13 = vector.load %arg5[%get3A_11, %get3A_12] : memref<128x128xf32, #tpu.memory_space<vmem>>, vector<128x128xf32>
    %dot_general3A = arith.constant dense<0.000000e+00> : vector<2000x128xf32>
    %dot_general3A_14 = tpu.matmul %add3A_10, %get3A_13, %dot_general3A {dimension_numbers = #tpu.dot_dimension_numbers<[1], [0], [0], [1], [0, 0, 1, 1], [], []>, precision = #tpu.contract_precision<fp32>, transpose_lhs_hint = false} : vector<2000x128xf32>, vector<128x128xf32>, vector<2000x128xf32> -> vector<2000x128xf32>
    %get3A_15 = arith.constant 0 : index
    %get3A_16 = arith.constant 0 : index
    %get3A_17 = vector.load %arg6[%get3A_15, %get3A_16] : memref<1x128xf32, #tpu.memory_space<vmem>>, vector<1x128xf32>
    %add3A_18 = vector.broadcast %get3A_17 : vector<1x128xf32> to vector<2000x128xf32>
    %add3A_19 = arith.addf %dot_general3A_14, %add3A_18 : vector<2000x128xf32>
    %max3A = arith.constant 0.000000e+00 : f32
    %max3A_20 = vector.broadcast %max3A : f32 to vector<2000x128xf32>
    %max3A_21 = arith.maximumf %add3A_19, %max3A_20 : vector<2000x128xf32>
    %get3A_22 = arith.constant 0 : index
    %get3A_23 = arith.constant 0 : index
    %get3A_24 = arith.constant 0 : index
    %get3A_25 = vector.load %arg4[%get3A_22, %get3A_23, %get3A_24] : memref<1x1x2000xi32, #tpu.memory_space<vmem>>, vector<1x1x2000xi32>
    %get3A_26 = vector.shape_cast %get3A_25 : vector<1x1x2000xi32> to vector<2000xi32>
    %iota3A = tpu.iota {dimensions = array<i32: 1>} : vector<2000x128xi32>
    %broadcast_in_dim3A = vector.shape_cast %get3A_26 : vector<2000xi32> to vector<2000x1xi32>
    %eq3A_27 = vector.broadcast %broadcast_in_dim3A : vector<2000x1xi32> to vector<2000x128xi32>
    %eq3A_28 = arith.cmpi eq, %eq3A_27, %iota3A : vector<2000x128xi32>
    %jit3A = arith.constant 1.000000e+00 : f32
    %jit3A_29 = arith.constant 0.000000e+00 : f32
    %broadcast_in_dim3A_30 = vector.broadcast %jit3A : f32 to vector<2000x128xf32>
    %broadcast_in_dim3A_31 = vector.broadcast %jit3A_29 : f32 to vector<2000x128xf32>
    %select_n3A = arith.select %eq3A_28, %broadcast_in_dim3A_30, %broadcast_in_dim3A_31 : vector<2000x128xi1>, vector<2000x128xf32>
    %get3A_32 = arith.constant 0 : index
    %get3A_33 = arith.constant 0 : index
    %get3A_34 = vector.load %arg10[%get3A_32, %get3A_33] : memref<128x128xf32, #tpu.memory_space<vmem>>, vector<128x128xf32>
    %dot_general3A_35 = arith.constant dense<0.000000e+00> : vector<128x128xf32>
    %dot_general3A_36 = tpu.matmul %select_n3A, %max3A_21, %dot_general3A_35 {dimension_numbers = #tpu.dot_dimension_numbers<[0], [0], [1], [1], [0, 1, 1, 1], [], []>, precision = #tpu.contract_precision<fp32>, transpose_lhs_hint = false} : vector<2000x128xf32>, vector<2000x128xf32>, vector<128x128xf32> -> vector<128x128xf32>
    %add3A_37 = arith.addf %get3A_34, %dot_general3A_36 : vector<128x128xf32>
    %swap3A = arith.constant 0 : index
    %swap3A_38 = arith.constant 0 : index
    %swap3A_39 = vector.load %arg10[%swap3A, %swap3A_38] : memref<128x128xf32, #tpu.memory_space<vmem>>, vector<128x128xf32>
    tpu.vector_store %arg10[%swap3A, %swap3A_38], %add3A_37 {strides = array<i32>} : memref<128x128xf32, #tpu.memory_space<vmem>>, vector<128x128xf32>,
    %get3A_40 = arith.constant 0 : index
    %get3A_41 = arith.constant 0 : index
    %get3A_42 = vector.load %arg11[%get3A_40, %get3A_41] : memref<128x128xf32, #tpu.memory_space<vmem>>, vector<128x128xf32>
    %broadcast_in_dim3A_43 = arith.constant 1.000000e+00 : f32
    %broadcast_in_dim3A_44 = vector.broadcast %broadcast_in_dim3A_43 : f32 to vector<2000x128xf32>
    %dot_general3A_45 = arith.constant dense<0.000000e+00> : vector<128x128xf32>
    %dot_general3A_46 = tpu.matmul %select_n3A, %broadcast_in_dim3A_44, %dot_general3A_45 {dimension_numbers = #tpu.dot_dimension_numbers<[0], [0], [1], [1], [0, 1, 1, 1], [], []>, transpose_lhs_hint = false} : vector<2000x128xf32>, vector<2000x128xf32>, vector<128x128xf32> -> vector<128x128xf32>
    %add3A_47 = arith.addf %get3A_42, %dot_general3A_46 : vector<128x128xf32>
    %swap3A_48 = arith.constant 0 : index
    %swap3A_49 = arith.constant 0 : index
    %swap3A_50 = vector.load %arg11[%swap3A_48, %swap3A_49] : memref<128x128xf32, #tpu.memory_space<vmem>>, vector<128x128xf32>
    tpu.vector_store %arg11[%swap3A_48, %swap3A_49], %add3A_47 {strides = array<i32>} : memref<128x128xf32, #tpu.memory_space<vmem>>, vector<128x128xf32>,
    %eq3A_51 = arith.constant 4 : i32
    %eq3A_52 = arith.cmpi eq, %arg0, %eq3A_51 : i32
    %convert_element_type3A_53 = arith.extui %eq3A_52 : i1 to i32
    %cond3A_54 = arith.constant 0 : i32
    %cond3A_55 = arith.cmpi ne, %convert_element_type3A_53, %cond3A_54 : i32
    scf.if %cond3A_55 {
      %get3A_56 = arith.constant 0 : index
      %get3A_57 = arith.constant 0 : index
      %get3A_58 = vector.load %arg11[%get3A_56, %get3A_57] : memref<128x128xf32, #tpu.memory_space<vmem>>, vector<128x128xf32>
      %max3A_59 = arith.constant 1.000000e+00 : f32
      %max3A_60 = vector.broadcast %max3A_59 : f32 to vector<128x128xf32>
      %max3A_61 = arith.maximumf %get3A_58, %max3A_60 : vector<128x128xf32>
      %get3A_62 = arith.constant 0 : index
      %get3A_63 = arith.constant 0 : index
      %get3A_64 = vector.load %arg10[%get3A_62, %get3A_63] : memref<128x128xf32, #tpu.memory_space<vmem>>, vector<128x128xf32>
      %get3A_65 = arith.constant 0 : index
      %get3A_66 = arith.constant 0 : index
      %get3A_67 = vector.load %arg7[%get3A_65, %get3A_66] : memref<128x2xf32, #tpu.memory_space<vmem>>, vector<128x2xf32>
      %dot_general3A_68 = arith.constant dense<0.000000e+00> : vector<128x2xf32>
      %dot_general3A_69 = tpu.matmul %get3A_64, %get3A_67, %dot_general3A_68 {dimension_numbers = #tpu.dot_dimension_numbers<[1], [0], [0], [1], [0, 0, 1, 1], [], []>, precision = #tpu.contract_precision<fp32>, transpose_lhs_hint = false} : vector<128x128xf32>, vector<128x2xf32>, vector<128x2xf32> -> vector<128x2xf32>
      %slice3A = vector.extract_strided_slice %max3A_61 {offsets = [0, 0], sizes = [128, 2], strides = [1, 1]} : vector<128x128xf32> to vector<128x2xf32>
      %div3A = arith.divf %dot_general3A_69, %slice3A : vector<128x2xf32>
      %get3A_70 = arith.constant 0 : index
      %get3A_71 = arith.constant 0 : index
      %get3A_72 = vector.load %arg8[%get3A_70, %get3A_71] : memref<1x2xf32, #tpu.memory_space<vmem>>, vector<1x2xf32>
      %add3A_73 = vector.broadcast %get3A_72 : vector<1x2xf32> to vector<128x2xf32>
      %add3A_74 = arith.addf %div3A, %add3A_73 : vector<128x2xf32>
      %swap3A_75 = arith.constant 0 : index
      %swap3A_76 = arith.constant 0 : index
      %swap3A_77 = vector.load %arg9[%swap3A_75, %swap3A_76] : memref<128x2xf32, #tpu.memory_space<vmem>>, vector<128x2xf32>
      tpu.vector_store %arg9[%swap3A_75, %swap3A_76], %add3A_74 {strides = array<i32>} : memref<128x2xf32, #tpu.memory_space<vmem>>, vector<128x2xf32>,
    } else {
    }
    return
  }
  func.func @transform_0(%arg0: i32) -> (i32, i32) {
    %c0_i32 = arith.constant 0 : i32
    %c0_i32_0 = arith.constant 0 : i32
    return %arg0, %c0_i32 : i32, i32
  }
  func.func @transform_1(%arg0: i32) -> (i32, i32) {
    %c0_i32 = arith.constant 0 : i32
    %c0_i32_0 = arith.constant 0 : i32
    return %arg0, %c0_i32 : i32, i32
  }
  func.func @transform_2(%arg0: i32) -> (i32, i32) {
    %c0_i32 = arith.constant 0 : i32
    %c0_i32_0 = arith.constant 0 : i32
    return %arg0, %c0_i32 : i32, i32
  }
  func.func @transform_3(%arg0: i32) -> (i32, i32, i32) {
    %c0_i32 = arith.constant 0 : i32
    %c0_i32_0 = arith.constant 0 : i32
    %c0_i32_1 = arith.constant 0 : i32
    return %arg0, %c0_i32, %c0_i32_0 : i32, i32, i32
  }
  func.func @transform_4(%arg0: i32) -> (i32, i32) {
    %c0_i32 = arith.constant 0 : i32
    %c0_i32_0 = arith.constant 0 : i32
    %c0_i32_1 = arith.constant 0 : i32
    return %c0_i32, %c0_i32_0 : i32, i32
  }
  func.func @transform_5(%arg0: i32) -> (i32, i32) {
    %c0_i32 = arith.constant 0 : i32
    %c0_i32_0 = arith.constant 0 : i32
    %c0_i32_1 = arith.constant 0 : i32
    return %c0_i32, %c0_i32_0 : i32, i32
  }
  func.func @transform_6(%arg0: i32) -> (i32, i32) {
    %c0_i32 = arith.constant 0 : i32
    %c0_i32_0 = arith.constant 0 : i32
    %c0_i32_1 = arith.constant 0 : i32
    return %c0_i32, %c0_i32_0 : i32, i32
  }
  func.func @transform_7(%arg0: i32) -> (i32, i32) {
    %c0_i32 = arith.constant 0 : i32
    %c0_i32_0 = arith.constant 0 : i32
    %c0_i32_1 = arith.constant 0 : i32
    return %c0_i32, %c0_i32_0 : i32, i32
  }
  func.func @transform_8(%arg0: i32) -> (i32, i32) {
    %c0_i32 = arith.constant 0 : i32
    %c0_i32_0 = arith.constant 0 : i32
    %c0_i32_1 = arith.constant 0 : i32
    return %c0_i32, %c0_i32_0 : i32, i32
  }
}

</mosaic_0001>

<sc_bundles>
// kernel: kernel.5.cloned.1.call-start
scs
__scs_entry_jumppad:
0x0: {  	(pc) =	sbr.rel $0x88, $3  }
0x1: {  	(tag) =	ssettag $0x0;
	lr =	simm.s32 $0x1  }
0x2: {  	[smem:$0x3F97] =	sst lr;
	_ =	strace $0xD0000000  }
0x3: {  	_ = 	snop  }
0x4: {  	_ = 	snop  }
0x5: {  	_ = 	snop  }
0x6: {  	_ = 	snop  }
0x7: {  	_ = 	snop  }
__scs_overlays_trampoline_lowered:
0x8: {  	[smem:$0x3FA6] =	sst s0  }
0x9: {  	[smem:$0x3FA7] =	sst s1  }
0xa: {  	[smem:$0x3FA8] =	sst s2  }
0xb: {  	[smem:$0x3FA9] =	sst s3  }
0xc: {  	[smem:$0x3FAA] =	sst s4  }
0xd: {  	[smem:$0x3FAB] =	sst s5  }
0xe: {  	[smem:$0x3FAC] =	sst s6  }
0xf: {  	[smem:$0x3FAD] =	sst s7  }
0x10: {  	[smem:$0x3FAE] =	sst s8  }
0x11: {  	[smem:$0x3FAF] =	sst s9;
	s0 =	simm.s32 @!p0 $0x0  }
0x12: {  	s1 =	sld [smem:$0x3F95];
	s0 =	simm.s32 @p0 $0x1  }
0x13: {  	[smem:$0x3FB0] =	sst s0;
	s0 =	simm.s32 @!p1 $0x0  }
0x14: {  	s2 =	sld [smem:$0x3F94];
	s0 =	simm.s32 @p1 $0x1  }
0x15: {  	[smem:$0x3FB1] =	sst s0;
	s0 =	simm.s32 @!p2 $0x0  }
0x16: {  	s3 =	sld [smem:$0x3FDB];
	s0 =	simm.s32 @p2 $0x1  }
0x17: {  	s4 =	simm.s32 $0x1BF5;
	[smem:$0x3FB3] =	sst s0  }
0x18: {  	s0 =	sld [smem:$0x3F96];
	_ =	swait.ge [sflag:s4], $0x0  }
0x19: {  	s7 =	sld [smem:$0x3F97]  }
0x1a: {  	s8 =	sadd.s32 $0xFFFFE003, lr  }
0x1b: {  	s9 =	sadd.s32 $0xFFFFFEF7, lr;
	s5 =	simm.s32 $0xFFFFFFFF;
	p2 =	slt.u32 s8, $0xFFFFF086  }
0x1c: {  	p1 =	slt.u32 s9, $0xF7A;
	s5 =	simm.s32 @!p2 $0x0  }
0x1d: {  	s5 =	simm.s32 @p1 $0x1;
	p0 =	seq.s32 s7, s2  }
0x1e: {  	s7 =	smul.u32 @!p0 $0xF7A, s2;
	p2 =	seq.s32 @!p0 s5, $0x0  }
0x1f: {  	s9 =	smul.u32 $0xF7A, s1;
	s8 =	simm.s32 @!p0 $0x1BF5;
	p2 =	por !p2, p0  }
0x20: {  	[sflag:s8] =	ssyncset.s32 @!p0 $0xFFFFF086;
	s6 =	sadd.s32 @!p0 s3, s7;
	s7 =	simm.s32 @!p0 $0x108  }
0x21: {  	s3 =	sadd.s32 s3, s9;
	s6 =	sadd.s32 @!p0 $0x88, s6;
	s7 =	simm.s32 @p2 $0x1082  }
0x22: {  	[simem:s7], [sflag:s8] =	dma.local @!p0 [hbm:s6], $0xF7A  }
0x23: {  	s9 =	sor.u32 $0xD0000000, s2;
	s6 =	simm.s32 $0x108;
	_ =	swait.ge @!p0 [sflag:s8], $0x0  }
0x24: {  	s3 =	sadd.s32 $0x88, s3;
	s6 =	simm.s32 @!p1 $0x1082;
	[sflag:s4] =	ssyncset.s32 $0xFFFFF086  }
0x25: {  	[simem:s6], [sflag:s4] =	dma.local [hbm:s3], $0xF7A  }
0x26: {  	[smem:$0x3F97] =	sst s1;
	(tag) =	ssettag s2;
	_ =	strace s9  }
0x27: {  	s1 =	sld [smem:$0x3FA7]  }
0x28: {  	s2 =	sld [smem:$0x3FA8]  }
0x29: {  	s4 =	sld [smem:$0x3FAA]  }
0x2a: {  	p0 =	seq.s32 s5, $0x0;
	s5 =	sld [smem:$0x3FAB]  }
0x2b: {  	s6 =	sld [smem:$0x3FAC]  }
0x2c: {  	s7 =	sld [smem:$0x3FAD]  }
0x2d: {  	s3 =	simm.s32 $0x108;
	s8 =	sld [smem:$0x3FAE]  }
0x2e: {  	s3 =	simm.s32 @!p0 $0x1082;
	s9 =	sld [smem:$0x3FAF]  }
0x2f: {  	lr =	sadd.s32 s0, s3;
	s0 =	sld [smem:$0x3FA6]  }
0x30: {  	s3 =	sld [smem:$0x3FA9]  }
0x31: {  	[smem:$0x3FB2] =	sst s10  }
0x32: {  	s10 =	sld [smem:$0x3FB0];
	_ =	sdelay $0x3  }
0x33: {  	p0 =	seq.s32 s10, $0x1;
	s10 =	sld [smem:$0x3FB2];
	_ =	sdelay $0x3  }
0x34: {  	[smem:$0x3FB2] =	sst s10  }
0x35: {  	s10 =	sld [smem:$0x3FB1];
	_ =	sdelay $0x3  }
0x36: {  	p1 =	seq.s32 s10, $0x1;
	s10 =	sld [smem:$0x3FB2];
	_ =	sdelay $0x3  }
0x37: {  	[smem:$0x3FB2] =	sst s10  }
0x38: {  	s10 =	sld [smem:$0x3FB3]  }
0x39: {  	_ = 	snop;
	(pc) =	sbr.ind lr, $3  }
0x3a: {  	_ = 	snop  }
0x3b: {  	_ = 	snop  }
0x3c: {  	p2 =	seq.s32 s10, $0x1;
	s10 =	sld [smem:$0x3FB2]  }
0x3d: {  	_ =	shalt  }
0x3e: {  	_ =	shalt  }
0x3f: {  	_ =	shalt  }
0x40: {  	_ =	shalt  }
0x41: {  	_ =	shalt  }
0x42: {  	_ =	shalt  }
0x43: {  	_ =	shalt  }
0x44: {  	_ =	shalt  }
0x45: {  	_ =	shalt  }
0x46: {  	_ =	shalt  }
0x47: {  	_ =	shalt  }
0x48: {  	_ =	shalt  }
0x49: {  	_ =	shalt  }
0x4a: {  	_ =	shalt  }
0x4b: {  	_ =	shalt  }
0x4c: {  	_ =	shalt  }
0x4d: {  	_ =	shalt  }
0x4e: {  	_ =	shalt  }
0x4f: {  	_ =	shalt  }
0x50: {  	_ =	shalt  }
0x51: {  	_ =	shalt  }
0x52: {  	_ =	shalt  }
0x53: {  	_ =	shalt  }
0x54: {  	_ =	shalt  }
0x55: {  	_ =	shalt  }
0x56: {  	_ =	shalt  }
0x57: {  	_ =	shalt  }
0x58: {  	_ =	shalt  }
0x59: {  	_ =	shalt  }
0x5a: {  	_ =	shalt  }
0x5b: {  	_ =	shalt  }
0x5c: {  	_ =	shalt  }
0x5d: {  	_ =	shalt  }
0x5e: {  	_ =	shalt  }
0x5f: {  	_ =	shalt  }
0x60: {  	_ =	shalt  }
0x61: {  	_ =	shalt  }
0x62: {  	_ =	shalt  }
0x63: {  	_ =	shalt  }
0x64: {  	_ =	shalt  }
0x65: {  	_ =	shalt  }
0x66: {  	_ =	shalt  }
0x67: {  	_ =	shalt  }
0x68: {  	_ =	shalt  }
0x69: {  	_ =	shalt  }
0x6a: {  	_ =	shalt  }
0x6b: {  	_ =	shalt  }
0x6c: {  	_ =	shalt  }
0x6d: {  	_ =	shalt  }
0x6e: {  	_ =	shalt  }
0x6f: {  	_ =	shalt  }
0x70: {  	_ =	shalt  }
0x71: {  	_ =	shalt  }
0x72: {  	_ =	shalt  }
0x73: {  	_ =	shalt  }
0x74: {  	_ =	shalt  }
0x75: {  	_ =	shalt  }
0x76: {  	_ =	shalt  }
0x77: {  	_ =	shalt  }
0x78: {  	_ =	shalt  }
0x79: {  	_ =	shalt  }
0x7a: {  	_ =	shalt  }
0x7b: {  	_ =	shalt  }
0x7c: {  	_ =	shalt  }
0x7d: {  	_ =	shalt  }
0x7e: {  	_ =	shalt  }
0x7f: {  	_ =	shalt  }
0x80: {  	_ =	shalt  }
0x81: {  	_ =	shalt  }
0x82: {  	_ =	shalt  }
0x83: {  	_ =	shalt  }
0x84: {  	_ =	shalt  }
0x85: {  	_ =	shalt  }
0x86: {  	_ =	shalt  }
0x87: {  	_ =	shalt  }
.Lfunc_end0:
.L_simem_size_0:
called_computation_lowered:
.L_overlay_start_0:
0x88: {  	s2 =	sld [smem:$0x3FD9]  }
0x89: {  	s3 =	sld [smem:$0x3FFE];
	_ =	sdelay $0x1  }
0x8a: {  	s1 =	srdreg.scid  }
0x8b: {  	s0 =	sand.u32 $0x1, s1  }
0x8c: {  	s17 =	sshll.u32 s0, $0xA;
	s2 =	sadd.s32 s3, s2  }
0x8d: {  	s2 =	sadd.s32 s2, s17  }
0x8e: {  	[smem:$0x3FBE] =	sst s2  }
0x8f: {  	_ = 	snop  }
0x90: {  	s2 =	sld [smem:$0x3FC9];
	(tm) =	ssettm $0x1  }
0x91: {  	s18 =	sld [smem:$0x3FFB];
	_ =	sdelay $0x3  }
0x92: {  	_ =	strace s18  }
0x93: {  	s3 =	sld [smem:$0x3FFC];
	_ =	sdelay $0x3  }
0x94: {  	_ =	strace s3  }
0x95: {  	s3 =	sld [smem:$0x3FFD];
	_ =	sdelay $0x3  }
0x96: {  	_ =	strace s3  }
0x97: {  	_ =	strace $0x8FFFFFFF  }
0x98: {  	s19 =	sld [smem:$0x3FDB];
	_ =	sdelay $0x1  }
0x99: {  	s4 =	simm.s32 $_scs_section_size  }
0x9a: {  	s5 =	simm.s32 $_size__tile_overlayer_lowered;
	s6 =	simm.s32 $_tile_overlayer_lowered  }
0x9b: {  	s22 =	simm.s32 $0x1BFF;
	s21 =	sshll.u32 s6, $0x1;
	s3 =	sadd.s32 s4, s19  }
0x9c: {  	s7 =	simm.s32 $0x0;
	s20 =	sshll.u32 s5, $0x1;
	s5 =	sadd.s32 s21, s3  }
0x9d: {  	[timem:s7], [sflag:s22] =	dma.local [hbm:s5], s20  }
0x9e: {  	_ =	swait.ge [sflag:s22], s20  }
0x9f: {  	s4 =	ssub.s32 $0x0, s20;
	[sflag:s22] =	ssyncset.done $0x0  }
0xa0: {  	[sflag:s22] =	ssyncadd.s32 s4;
	_ =	sdelay $0x1  }
0xa1: {  	s23 =	simm.s32 $0x1B8B  }
0xa2: {  	_ =	swait.ge [sflag:s23], $0x1  }
0xa3: {  	[sflag:s23] =	ssyncset.done $0x0  }
0xa4: {  	s25 =	simm.s32 $0x1B8E;
	s24 =	sld [smem:$0x3FFE];
	[sflag:s23] =	ssyncadd.s32 $0xFFFFFFFF  }
0xa5: {  	s26 =	simm.s32 $execute0_lowered;
	[smem:$0x3FD2] =	sst s25  }
0xa6: {  	s5 =	sshll.u32 s26, $0x1;
	_ =	strace $0x80000046;
	[dreg:$0x1] =	wrdreg $0xFFFFFFFF  }
0xa7: {  	s28 =	simm.s32 $_size_execute0_lowered;
	s3 =	sadd.s32 s3, s5;
	[dreg:$0x0] =	wrdreg $0x0  }
0xa8: {  	s5 =	sshll.u32 s28, $0x1;
	[dreg:$0x2] =	wrdreg s3  }
0xa9: {  	[dreg:$0x3] =	wrdreg s5  }
0xaa: {  	[dreg:$0x4] =	wrdreg $0xC0  }
0xab: {  	_ =	task [dreg:s7], $0x5FFFF  }
0xac: {  	[dreg:$0x1] =	wrdreg $0xFFFFFFFF  }
0xad: {  	[dreg:$0x0] =	wrdreg $0x60  }
0xae: {  	[dreg:$0x2] =	wrdreg s2  }
0xaf: {  	[dreg:$0x3] =	wrdreg s24  }
0xb0: {  	[dreg:$0x4] =	wrdreg $0x0  }
0xb1: {  	[dreg:$0x5] =	wrdreg $0x9  }
0xb2: {  	_ =	task.clear_ibuf [dreg:s7], $0x6FFFF;
	_ =	strace $0x90000046  }
0xb3: {  	s29 =	simm.s32 $0x9;
	_ =	strace $0x80000048  }
0xb4: {  	_ =	swait.ge [sflag:s29], $0x1  }
0xb5: {  	[sflag:s29] =	ssyncadd.s32 $0xFFFFFFFF  }
0xb6: {  	_ =	strace $0x90000048  }
0xb7: {  	_ =	sfence  }
0xb8: {  	s30 =	sld [smem:$0x0];
	_ =	sdelay $0x2  }
0xb9: {  	s31 =	sshll.u32 s1, $0xD;
	s1 =	sshrl.u32 s1, $0x2  }
0xba: {  	s3 =	sand.u32 $0x4000, s31;
	s1 =	sadd.s32 s1, s30  }
0xbb: {  	s0 =	sor.u32 s3, s0;
	s1 =	sshll.u32 s1, $0x11  }
0xbc: {  	s0 =	sor.u32 s1, s0  }
0xbd: {  	s0 =	sadd.s32 $0x8F2B, s0  }
0xbe: {  	[sflag:s0] =	ssyncadd.remote.s32 $0x1  }
0xbf: {  	_ =	sfence.sel $0xFFFF  }
0xc0: {  	[dreg:$0x0] =	wrdreg $0xFFFFFFFF;
	(pc) =	sbr.abs _section_cstart, $3  }
0xc1: {  	[dreg:$0x1] =	wrdreg $0xFFFFFFFF  }
0xc2: {  	_ =	task.clear_ibuf [dreg:s7], $0x2FFFF;
	_ =	strace $0x9FFFFFFF  }
0xc3: {  	(tm) =	ssettm $0x7FFFFFFF  }
tec
execute0_lowered:
.L_overlay_start_1:
0x0: {  	(tag) =	ssettag $0x1  }
0x1: {  	s1 =	rddreg [dreg:$0x0]  }
0x2: {  	s0 =	rddreg [dreg:$0x1]  }
0x3: {  	s2 =	rddreg [dreg:$0x2];
	s3 =	srdreg.scid  }
0x4: {  	s4 =	simm.s32 $0x0;
	s11 =	stileid.u32;
	s3 =	sand.u32 $0x1, s3  }
0x5: {  	[smem:$0x7FF] =	sst s4;
	s7 =	smul.u32 $0x14000, s11;
	s5 =	sadd.s32 $0x15200, s0  }
0x6: {  	s9 =	sadd.s32 $0xB400, s0;
	s20 =	smul.u32 $0x50000, s11;
	s8 =	sshll.u32 s3, $0x4  }
0x7: {  	s6 =	smul.u32 $0x140000, s3;
	s3 =	ssub.s32 $0x2, s3;
	s8 =	sor.u32 s11, s8  }
0x8: {  	_ =	strace $0x80000047;
	s18 =	sshrl.u32 s3, $0x1;
	s12 =	smul.u32 $0x2710, s8  }
0x9: {  	s6 =	sadd.s32 s7, s6;
	s8 =	smul.u32 $0x27100, s8;
	s3 =	ssub.s32 s3, s18  }
0xa: {  	s7 =	sadd.s32 $0x1600, s0;
	s16 =	smax.u32 s3, $0x1;
	[dreg:$0x4] =	wrdreg s12  }
0xb: {  	s6 =	sshrl.u32 s6, $0x3;
	s8 =	sadd.s32 s5, s8;
	[dreg:$0x16] =	wrdreg s16  }
0xc: {  	s10 =	sshrl.u32 s12, $0x3;
	s25 =	sadd.s32 $0x1388, s12;
	[dreg:$0x6] =	wrdreg s8  }
0xd: {  	s0 =	sadd.s32 s6, s0;
	s19 =	sadd.s32 s9, s10;
	[dreg:$0xd] =	wrdreg s25  }
0xe: {  	s22 =	sadd.s32 $0x28, s12;
	s21 =	sadd.s32 s7, s10;
	[dreg:$0x5] =	wrdreg s19  }
0xf: {  	s6 =	sshrl.u32 s20, $0x2;
	s0 =	sadd.s32 $0x4F7200, s0;
	[dreg:$0x7] =	wrdreg s21  }
0x10: {  	s23 =	sshll.u32 s22, $0x4;
	s13 =	sadd.s32 s6, s2;
	[dreg:$0x15] =	wrdreg s0  }
0x11: {  	s8 =	sshrl.u32 s22, $0x3;
	s10 =	sadd.s32 s5, s23;
	[dreg:$0xa] =	wrdreg s13  }
0x12: {  	s8 =	sadd.s32 s7, s8;
	[dreg:$0x8] =	wrdreg s10  }
0x13: {  	s6 =	sadd.s32 $0x1400, s13;
	[dreg:$0x9] =	wrdreg s8  }
0x14: {  	s24 =	sadd.s32 $0x2800, s13;
	[dreg:$0xb] =	wrdreg s6  }
0x15: {  	s11 =	sadd.s32 $0x13B0, s12;
	s26 =	sadd.s32 $0x3C00, s13;
	[dreg:$0xc] =	wrdreg s24  }
0x16: {  	s12 =	sshll.u32 s11, $0x4;
	s28 =	sadd.s32 $0x5000, s13;
	[dreg:$0xe] =	wrdreg s26  }
0x17: {  	s14 =	sadd.s32 s5, s12;
	[dreg:$0xf] =	wrdreg s28  }
0x18: {  	s29 =	simm.s32 $0x1CD00;
	s17 =	sadd.s32 $0x6400, s13;
	[dreg:$0x13] =	wrdreg s14  }
0x19: {  	s30 =	simm.s32 $0x2;
	s18 =	sadd.s32 $0x7800, s13;
	[dreg:$0x17] =	wrdreg s17  }
0x1a: {  	s31 =	simm.s32 $0x5;
	s19 =	sadd.s32 $0x8C00, s13;
	[dreg:$0x18] =	wrdreg s18  }
0x1b: {  	s3 =	simm.s32 $0x7;
	s20 =	sadd.s32 $0xA000, s13;
	[dreg:$0x19] =	wrdreg s19  }
0x1c: {  	s21 =	sadd.s32 $0xB400, s13;
	s22 =	sadd.s32 $0xC800, s13;
	[dreg:$0x1a] =	wrdreg s20  }
0x1d: {  	s23 =	sadd.s32 $0xDC00, s13;
	s0 =	simm.s32 $0xB;
	[dreg:$0x1b] =	wrdreg s21  }
0x1e: {  	s12 =	simm.s32 $0x0;
	s10 =	sshrl.u32 s25, $0x3;
	[dreg:$0x1c] =	wrdreg s22  }
0x1f: {  	s8 =	sshll.u32 s25, $0x4;
	[dreg:$0x1d] =	wrdreg s23;
	s24 =	sadd.s32 $0xF000, s13  }
0x20: {  	s25 =	sadd.s32 $0x10400, s13;
	s26 =	sadd.s32 $0x11800, s13;
	s28 =	sadd.s32 $0x12C00, s13  }
0x21: {  	s14 =	simm.s32 $0xD;
	s17 =	simm.s32 $0x28;
	[dreg:$0x1e] =	wrdreg s24  }
0x22: {  	s19 =	simm.s32 $0x1CC00;
	s20 =	simm.s32 $0x16800;
	[dreg:$0x1f] =	wrdreg s25  }
0x23: {  	s22 =	simm.s32 $0x1CC80;
	s23 =	simm.s32 $0x17C00;
	[smem:$0x7FC] =	sst s26  }
0x24: {  	s9 =	sadd.s32 s9, s10;
	s8 =	sadd.s32 s5, s8;
	[smem:$0x7FD] =	sst s28  }
0x25: {  	s6 =	sadd.s32 s7, s10;
	s24 =	simm.s32 $0x1;
	[dreg:$0x10] =	wrdreg s9  }
0x26: {  	s25 =	simm.s32 $0x4;
	s26 =	simm.s32 $0xA;
	[dreg:$0x11] =	wrdreg s8  }
0x27: {  	s10 =	simm.s32 $0xC;
	s9 =	sshrl.u32 s11, $0x3;
	[dreg:$0x12] =	wrdreg s6  }
0x28: {  	s8 =	simm.s32 $0x3;
	s11 =	simm.s32 $0x8;
	s15 =	sadd.s32 s7, s9  }
0x29: {  	v0 =	vimm.f32 $0.0e+00;
	s9 =	simm.s32 $0x6;
	[dreg:$0x14] =	wrdreg s15;
	s15 =	simm.s32 $0x15400  }
.LBB2_1:
0x2a: {  	[smem:$0x7FB] =	sst s12  }
0x2b: {  	s6 =	rddreg [dreg:$0x5];
	s18 =	simm.s32 $0x14000  }
0x2c: {  	[tilespmem:s18], [sflag:$0xD] =	stream.linear.gather [hbm4b:s6+s4], $0x1388, $0x38;
	[tilespmem:$0x1CD80] =	vst v63  }
0x2d: {  	_ =	swait.ge [sflag:s14], $0x1388  }
0x2e: {  	[sflag:s14] =	ssyncset.done $0x0  }
0x2f: {  	s21 =	rddreg [dreg:$0x6];
	[sflag:s14] =	ssyncadd.s32 $0xFFFFEC78  }
0x30: {  	[tilespmem:s15], [sflag:$0x1] =	stream.linear.gather [hbm4b:s21+s4], $0x1400, $0x38;
	[tilespmem:$0x1CD80] =	vst v63  }
0x31: {  	s28 =	simm.s32 $0x19000  }
0x32: {  	[tilespmem:s28], [sflag:$0x4] =	stream.indirect.gather [hbm4b:s1+s17], $0x80, s18, s17, $0xb8;
	[tilespmem:$0x1CD80] =	vst v63  }
0x33: {  	s12 =	rddreg [dreg:$0x7]  }
0x34: {  	[tilespmem:s19], [sflag:$0xA] =	stream.linear.gather [hbm4b:s12+s4], $0x28, $0x38;
	[tilespmem:$0x1CD80] =	vst v63  }
0x35: {  	s16 =	rddreg [dreg:$0x8]  }
0x36: {  	[tilespmem:s20], [sflag:$0x2] =	stream.linear.gather [hbm4b:s16+s4], $0x1400, $0x38;
	[tilespmem:$0x1CD80] =	vst v63  }
0x37: {  	s21 =	simm.s32 $0x1A400;
	s18 =	simm.s32 $0x14028  }
0x38: {  	[tilespmem:s21], [sflag:$0x5] =	stream.indirect.gather [hbm4b:s1+s17], $0x80, s18, s17, $0xb8;
	[tilespmem:$0x1CD80] =	vst v63  }
0x39: {  	s6 =	simm.s32 $0x0;
	s28 =	rddreg [dreg:$0x9];
	s12 =	simm.s32 $0x200  }
0x3a: {  	[tilespmem:s22], [sflag:$0xB] =	stream.linear.gather [hbm4b:s28+s4], $0x28, $0x38;
	[tilespmem:$0x1CD80] =	vst v63  }
.LBB2_2:
0x3b: {  	p0 =	sne.s32 s12, $0x4E00;
	[tilespmem:s6+$0x17C70] =	vst v0  }
0x3c: {  	[tilespmem:s6+$0x17C00] =	vst v0  }
0x3d: {  	[tilespmem:s6+$0x17C10] =	vst v0  }
.Ltmp0:
0x3e: {  	[tilespmem:s6+$0x17C20] =	vst v0;
	(pc) =	sbr.rel @p0 .LBB2_2-.Ltmp0, $4  }
0x3f: {  	[tilespmem:s6+$0x17C30] =	vst v0  }
0x40: {  	[tilespmem:s6+$0x17C40] =	vst v0  }
0x41: {  	[tilespmem:s6+$0x17C50] =	vst v0  }
0x42: {  	[tilespmem:s6+$0x17C60] =	vst v0;
	s6 =	sshra.s32 s12, $0x2;
	s12 =	sadd.s32 $0x200, s12  }
0x43: {  	[tilespmem:s6+$0x17C70] =	vst v0  }
0x44: {  	[tilespmem:s6+$0x17C00] =	vst v0  }
0x45: {  	[tilespmem:s6+$0x17C10] =	vst v0  }
0x46: {  	[tilespmem:s6+$0x17C20] =	vst v0  }
0x47: {  	[tilespmem:s6+$0x17C30] =	vst v0  }
0x48: {  	[tilespmem:s6+$0x17C40] =	vst v0  }
0x49: {  	[tilespmem:s6+$0x17C50] =	vst v0  }
0x4a: {  	[tilespmem:s6+$0x17C60] =	vst v0  }
0x4b: {  	[spmem:s13] =	stream.linear.scatter [tilespmem:s23], [sflag:$0xD], $0x1400, $0x38;
	[tilespmem:$0x1CD80] =	vst v63  }
0x4c: {  	_ =	swait.ge [sflag:s14], $0x1400  }
0x4d: {  	[sflag:s14] =	ssyncset.done $0x0  }
0x4e: {  	s18 =	rddreg [dreg:$0xb];
	[sflag:s14] =	ssyncadd.s32 $0xFFFFEC00  }
0x4f: {  	[spmem:s18] =	stream.linear.scatter [tilespmem:s23], [sflag:$0xD], $0x1400, $0x38;
	[tilespmem:$0x1CD80] =	vst v63  }
0x50: {  	_ =	swait.ge [sflag:s14], $0x1400  }
0x51: {  	[sflag:s14] =	ssyncset.done $0x0  }
0x52: {  	s21 =	rddreg [dreg:$0xc];
	[sflag:s14] =	ssyncadd.s32 $0xFFFFEC00  }
0x53: {  	[spmem:s21] =	stream.linear.scatter [tilespmem:s23], [sflag:$0xD], $0x1400, $0x38;
	[tilespmem:$0x1CD80] =	vst v63  }
0x54: {  	_ =	swait.ge [sflag:s14], $0x1400  }
0x55: {  	[sflag:s14] =	ssyncset.done $0x0  }
0x56: {  	s28 =	rddreg [dreg:$0xe];
	[sflag:s14] =	ssyncadd.s32 $0xFFFFEC00  }
0x57: {  	[spmem:s28] =	stream.linear.scatter [tilespmem:s23], [sflag:$0xD], $0x1400, $0x38;
	[tilespmem:$0x1CD80] =	vst v63  }
0x58: {  	_ =	swait.ge [sflag:s14], $0x1400  }
0x59: {  	[sflag:s14] =	ssyncset.done $0x0  }
0x5a: {  	s12 =	rddreg [dreg:$0xf];
	[sflag:s14] =	ssyncadd.s32 $0xFFFFEC00  }
0x5b: {  	[spmem:s12] =	stream.linear.scatter [tilespmem:s23], [sflag:$0xD], $0x1400, $0x38;
	[tilespmem:$0x1CD80] =	vst v63  }
0x5c: {  	_ =	swait.ge [sflag:s14], $0x1400  }
0x5d: {  	[sflag:s14] =	ssyncset.done $0x0  }
0x5e: {  	s13 =	rddreg [dreg:$0x17];
	[sflag:s14] =	ssyncadd.s32 $0xFFFFEC00  }
0x5f: {  	[spmem:s13] =	stream.linear.scatter [tilespmem:s23], [sflag:$0xD], $0x1400, $0x38;
	[tilespmem:$0x1CD80] =	vst v63  }
0x60: {  	_ =	swait.ge [sflag:s14], $0x1400  }
0x61: {  	[sflag:s14] =	ssyncset.done $0x0  }
0x62: {  	s16 =	rddreg [dreg:$0x18];
	[sflag:s14] =	ssyncadd.s32 $0xFFFFEC00  }
0x63: {  	[spmem:s16] =	stream.linear.scatter [tilespmem:s23], [sflag:$0xD], $0x1400, $0x38;
	[tilespmem:$0x1CD80] =	vst v63  }
0x64: {  	_ =	swait.ge [sflag:s14], $0x1400  }
0x65: {  	[sflag:s14] =	ssyncset.done $0x0  }
0x66: {  	s18 =	rddreg [dreg:$0x19];
	[sflag:s14] =	ssyncadd.s32 $0xFFFFEC00  }
0x67: {  	[spmem:s18] =	stream.linear.scatter [tilespmem:s23], [sflag:$0xD], $0x1400, $0x38;
	[tilespmem:$0x1CD80] =	vst v63  }
0x68: {  	_ =	swait.ge [sflag:s14], $0x1400  }
0x69: {  	[sflag:s14] =	ssyncset.done $0x0  }
0x6a: {  	s21 =	rddreg [dreg:$0x1a];
	[sflag:s14] =	ssyncadd.s32 $0xFFFFEC00  }
0x6b: {  	[spmem:s21] =	stream.linear.scatter [tilespmem:s23], [sflag:$0xD], $0x1400, $0x38;
	[tilespmem:$0x1CD80] =	vst v63  }
0x6c: {  	_ =	swait.ge [sflag:s14], $0x1400  }
0x6d: {  	[sflag:s14] =	ssyncset.done $0x0  }
0x6e: {  	s28 =	rddreg [dreg:$0x1b];
	[sflag:s14] =	ssyncadd.s32 $0xFFFFEC00  }
0x6f: {  	[spmem:s28] =	stream.linear.scatter [tilespmem:s23], [sflag:$0xD], $0x1400, $0x38;
	[tilespmem:$0x1CD80] =	vst v63  }
0x70: {  	_ =	swait.ge [sflag:s14], $0x1400  }
0x71: {  	[sflag:s14] =	ssyncset.done $0x0  }
0x72: {  	s12 =	rddreg [dreg:$0x1c];
	[sflag:s14] =	ssyncadd.s32 $0xFFFFEC00  }
0x73: {  	[spmem:s12] =	stream.linear.scatter [tilespmem:s23], [sflag:$0xD], $0x1400, $0x38;
	[tilespmem:$0x1CD80] =	vst v63  }
0x74: {  	_ =	swait.ge [sflag:s14], $0x1400  }
0x75: {  	[sflag:s14] =	ssyncset.done $0x0  }
0x76: {  	s13 =	rddreg [dreg:$0x1d];
	[sflag:s14] =	ssyncadd.s32 $0xFFFFEC00  }
0x77: {  	[spmem:s13] =	stream.linear.scatter [tilespmem:s23], [sflag:$0xD], $0x1400, $0x38;
	[tilespmem:$0x1CD80] =	vst v63  }
0x78: {  	_ =	swait.ge [sflag:s14], $0x1400  }
0x79: {  	[sflag:s14] =	ssyncset.done $0x0  }
0x7a: {  	s16 =	rddreg [dreg:$0x1e];
	[sflag:s14] =	ssyncadd.s32 $0xFFFFEC00  }
0x7b: {  	[spmem:s16] =	stream.linear.scatter [tilespmem:s23], [sflag:$0xD], $0x1400, $0x38;
	[tilespmem:$0x1CD80] =	vst v63  }
0x7c: {  	_ =	swait.ge [sflag:s14], $0x1400  }
0x7d: {  	[sflag:s14] =	ssyncset.done $0x0  }
0x7e: {  	s18 =	rddreg [dreg:$0x1f];
	[sflag:s14] =	ssyncadd.s32 $0xFFFFEC00  }
0x7f: {  	[spmem:s18] =	stream.linear.scatter [tilespmem:s23], [sflag:$0xD], $0x1400, $0x38;
	[tilespmem:$0x1CD80] =	vst v63  }
0x80: {  	_ =	swait.ge [sflag:s14], $0x1400  }
0x81: {  	s21 =	sld [smem:$0x7FC]  }
0x82: {  	[sflag:s14] =	ssyncset.done $0x0  }
0x83: {  	[sflag:s14] =	ssyncadd.s32 $0xFFFFEC00  }
0x84: {  	[spmem:s21] =	stream.linear.scatter [tilespmem:s23], [sflag:$0xD], $0x1400, $0x38;
	[tilespmem:$0x1CD80] =	vst v63  }
0x85: {  	_ =	swait.ge [sflag:s14], $0x1400  }
0x86: {  	s28 =	sld [smem:$0x7FD]  }
0x87: {  	[sflag:s14] =	ssyncset.done $0x0  }
0x88: {  	[sflag:s14] =	ssyncadd.s32 $0xFFFFEC00  }
0x89: {  	[spmem:s28] =	stream.linear.scatter [tilespmem:s23], [sflag:$0xD], $0x1400, $0x38;
	[tilespmem:$0x1CD80] =	vst v63  }
0x8a: {  	_ =	swait.ge [sflag:s14], $0x1400  }
0x8b: {  	[sflag:s14] =	ssyncset.done $0x0  }
0x8c: {  	[sflag:s14] =	ssyncadd.s32 $0xFFFFEC00  }
0x8d: {  	s12 =	simm.s32 $0x0;
	[bflag:$0x0] =	sbarrier.arrive $0xFFFF  }
.LBB2_4:
0x8e: {  	_ =	swait.ge [sflag:s24], $0x1400  }
0x8f: {  	[sflag:s24] =	ssyncset.done $0x0  }
0x90: {  	[sflag:s24] =	ssyncadd.s32 $0xFFFFEC00  }
0x91: {  	_ =	swait.ge [sflag:s25], $0x1400  }
0x92: {  	[sflag:s25] =	ssyncset.done $0x0  }
0x93: {  	[sflag:s25] =	ssyncadd.s32 $0xFFFFEC00  }
0x94: {  	_ =	swait.ge [sflag:s26], $0x28  }
0x95: {  	[sflag:s26] =	ssyncset.done $0x0  }
0x96: {  	s13 =	simm.s32 $0x19100;
	[sflag:s26] =	ssyncadd.s32 $0xFFFFFFD8  }
0x97: {  	s6 =	simm.s32 $0x15500;
	v1 =	vld [tilespmem:s13+$0x80]  }
0x98: {  	v2 =	vld [tilespmem:s6+$0x80]  }
0x99: {  	v3 =	vld [tilespmem:s6+$0xFFFFFF00]  }
0x9a: {  	v4 =	vld [tilespmem:s13+$0xFFFFFF80]  }
0x9b: {  	v5 =	vld [tilespmem:s6+$0xFFFFFF80]  }
0x9c: {  	v6 =	vld [tilespmem:s6+$0x0]  }
0x9d: {  	v1 =	vadd.f32 v2, v1;
	v2 =	vld [tilespmem:s13+$0x0]  }
0x9e: {  	v7 =	vld [tilespmem:s13+$0xFFFFFF00]  }
0x9f: {  	v1 =	vmax.f32 v1, $0.0e+00  }
0xa0: {  	v4 =	vadd.f32 v5, v4;
	[tilespmem:s6+$0x80] =	vst v1;
	v1 =	vld [tilespmem:s6+$0x90]  }
0xa1: {  	v8 =	vld [tilespmem:s13+$0x90]  }
0xa2: {  	v9 =	vld [tilespmem:s6+$0xFFFFFF90];
	v4 =	vmax.f32 v4, $0.0e+00;
	v2 =	vadd.f32 v6, v2  }
0xa3: {  	v5 =	vld [tilespmem:s6+$0xFFFFFF10];
	v3 =	vadd.f32 v3, v7;
	[tilespmem:s6+$0xFFFFFF80] =	vst v4  }
0xa4: {  	v6 =	vld [tilespmem:s13+$0xFFFFFF90];
	v2 =	vmax.f32 v2, $0.0e+00  }
0xa5: {  	v3 =	vmax.f32 v3, $0.0e+00;
	v4 =	vld [tilespmem:s6+$0x10];
	[tilespmem:s6+$0x0] =	vst v2  }
0xa6: {  	[tilespmem:s6+$0xFFFFFF00] =	vst v3;
	v1 =	vadd.f32 v1, v8;
	v2 =	vld [tilespmem:s13+$0x10]  }
0xa7: {  	v3 =	vld [tilespmem:s13+$0xFFFFFF10]  }
0xa8: {  	v1 =	vmax.f32 v1, $0.0e+00  }
0xa9: {  	v6 =	vadd.f32 v9, v6;
	[tilespmem:s6+$0x90] =	vst v1;
	v1 =	vld [tilespmem:s6+$0xA0]  }
0xaa: {  	v8 =	vld [tilespmem:s13+$0xA0]  }
0xab: {  	v7 =	vld [tilespmem:s6+$0xFFFFFF20];
	v6 =	vmax.f32 v6, $0.0e+00;
	v2 =	vadd.f32 v4, v2  }
0xac: {  	v3 =	vadd.f32 v5, v3;
	v9 =	vld [tilespmem:s6+$0xFFFFFFA0];
	[tilespmem:s6+$0xFFFFFF90] =	vst v6  }
0xad: {  	v5 =	vld [tilespmem:s13+$0xFFFFFFA0];
	v2 =	vmax.f32 v2, $0.0e+00  }
0xae: {  	v3 =	vmax.f32 v3, $0.0e+00;
	v4 =	vld [tilespmem:s6+$0x20];
	[tilespmem:s6+$0x10] =	vst v2  }
0xaf: {  	[tilespmem:s6+$0xFFFFFF10] =	vst v3;
	v1 =	vadd.f32 v1, v8;
	v2 =	vld [tilespmem:s13+$0x20]  }
0xb0: {  	v3 =	vld [tilespmem:s13+$0xFFFFFF20]  }
0xb1: {  	v1 =	vmax.f32 v1, $0.0e+00  }
0xb2: {  	v5 =	vadd.f32 v9, v5;
	[tilespmem:s6+$0xA0] =	vst v1;
	v1 =	vld [tilespmem:s6+$0xB0]  }
0xb3: {  	v8 =	vld [tilespmem:s13+$0xB0]  }
0xb4: {  	v10 =	vld [tilespmem:s6+$0x30];
	v5 =	vmax.f32 v5, $0.0e+00;
	v2 =	vadd.f32 v4, v2  }
0xb5: {  	v3 =	vadd.f32 v7, v3;
	v9 =	vld [tilespmem:s6+$0xFFFFFFB0];
	[tilespmem:s6+$0xFFFFFFA0] =	vst v5  }
0xb6: {  	v4 =	vld [tilespmem:s13+$0xFFFFFFB0];
	v2 =	vmax.f32 v2, $0.0e+00  }
0xb7: {  	v6 =	vld [tilespmem:s6+$0xFFFFFF30];
	[tilespmem:s6+$0x20] =	vst v2;
	v2 =	vmax.f32 v3, $0.0e+00  }
0xb8: {  	v1 =	vadd.f32 v1, v8;
	[tilespmem:s6+$0xFFFFFF20] =	vst v2;
	v2 =	vld [tilespmem:s13+$0x30]  }
0xb9: {  	v7 =	vld [tilespmem:s13+$0xFFFFFF30]  }
0xba: {  	v11 =	vld [tilespmem:s6+$0xFFFFFF40];
	v1 =	vmax.f32 v1, $0.0e+00  }
0xbb: {  	v4 =	vadd.f32 v9, v4;
	[tilespmem:s6+$0xB0] =	vst v1;
	v1 =	vld [tilespmem:s6+$0xC0]  }
0xbc: {  	v8 =	vld [tilespmem:s13+$0xC0]  }
0xbd: {  	v12 =	vld [tilespmem:s6+$0xFFFFFFD0];
	v4 =	vmax.f32 v4, $0.0e+00;
	v2 =	vadd.f32 v10, v2  }
0xbe: {  	v5 =	vld [tilespmem:s6+$0xFFFFFFC0];
	[tilespmem:s6+$0xFFFFFFB0] =	vst v4;
	v6 =	vadd.f32 v6, v7  }
0xbf: {  	v7 =	vld [tilespmem:s13+$0xFFFFFFC0];
	v2 =	vmax.f32 v2, $0.0e+00  }
0xc0: {  	v3 =	vld [tilespmem:s6+$0x40];
	[tilespmem:s6+$0x30] =	vst v2;
	v2 =	vmax.f32 v6, $0.0e+00  }
0xc1: {  	v1 =	vadd.f32 v1, v8;
	v6 =	vld [tilespmem:s13+$0x40];
	[tilespmem:s6+$0xFFFFFF30] =	vst v2  }
0xc2: {  	v2 =	vld [tilespmem:s13+$0xFFFFFF40]  }
0xc3: {  	v9 =	vld [tilespmem:s6+$0xFFFFFF50];
	v1 =	vmax.f32 v1, $0.0e+00  }
0xc4: {  	[tilespmem:s6+$0xC0] =	vst v1;
	v1 =	vadd.f32 v5, v7;
	v7 =	vld [tilespmem:s6+$0xD0]  }
0xc5: {  	v8 =	vld [tilespmem:s13+$0xD0]  }
0xc6: {  	v4 =	vld [tilespmem:s6+$0xFFFFFF60];
	v1 =	vmax.f32 v1, $0.0e+00;
	v3 =	vadd.f32 v3, v6  }
0xc7: {  	v10 =	vld [tilespmem:s6+$0x50];
	[tilespmem:s6+$0xFFFFFFC0] =	vst v1;
	v1 =	vadd.f32 v11, v2  }
0xc8: {  	v2 =	vld [tilespmem:s13+$0xFFFFFFD0];
	v3 =	vmax.f32 v3, $0.0e+00  }
0xc9: {  	v5 =	vld [tilespmem:s6+$0xFFFFFFE0];
	[tilespmem:s6+$0x40] =	vst v3;
	v1 =	vmax.f32 v1, $0.0e+00  }
0xca: {  	v3 =	vld [tilespmem:s13+$0x50];
	v7 =	vadd.f32 v7, v8;
	[tilespmem:s6+$0xFFFFFF40] =	vst v1  }
0xcb: {  	v1 =	vld [tilespmem:s13+$0xFFFFFF50]  }
0xcc: {  	v6 =	vld [tilespmem:s6+$0x60];
	v7 =	vmax.f32 v7, $0.0e+00  }
0xcd: {  	v2 =	vadd.f32 v12, v2;
	[tilespmem:s6+$0xD0] =	vst v7;
	v7 =	vld [tilespmem:s6+$0xE0]  }
0xce: {  	v11 =	vld [tilespmem:s13+$0xE0]  }
0xcf: {  	v2 =	vmax.f32 v2, $0.0e+00;
	v8 =	vadd.f32 v10, v3;
	v3 =	vld [tilespmem:s6+$0xFFFFFF70]  }
0xd0: {  	[tilespmem:s6+$0xFFFFFFD0] =	vst v2;
	v1 =	vadd.f32 v9, v1;
	v2 =	vld [tilespmem:s6+$0xFFFFFFF0]  }
0xd1: {  	v9 =	vmax.f32 v8, $0.0e+00;
	v8 =	vld [tilespmem:s13+$0xFFFFFFE0]  }
0xd2: {  	[tilespmem:s6+$0x50] =	vst v9;
	v9 =	vmax.f32 v1, $0.0e+00;
	v1 =	vld [tilespmem:s6+$0x70]  }
0xd3: {  	[tilespmem:s6+$0xFFFFFF50] =	vst v9;
	v9 =	vld [tilespmem:s13+$0x60];
	v7 =	vadd.f32 v7, v11  }
0xd4: {  	v10 =	vld [tilespmem:s13+$0xFFFFFF60]  }
0xd5: {  	s16 =	simm.s32 $0x0;
	s18 =	simm.s32 $0x19300;
	s14 =	simm.s32 $0x15500;
	v11 =	vmax.f32 v7, $0.0e+00;
	v7 =	vld [tilespmem:s6+$0xF0]  }
.LBB2_5:
0xd6: {  	v12 =	vld [tilespmem:s18+$0x80];
	v5 =	vadd.f32 v5, v8;
	[tilespmem:s6+$0xE0] =	vst v11  }
0xd7: {  	s6 =	sadd.s32 $0x200, s6;
	v8 =	vld [tilespmem:s13+$0xF0]  }
0xd8: {  	s16 =	sadd.s32 $0x4, s16;
	v11 =	vld [tilespmem:s6+$0x80];
	v5 =	vmax.f32 v5, $0.0e+00;
	v6 =	vadd.f32 v6, v9  }
0xd9: {  	p0 =	slt.u32 s16, $0x24;
	v9 =	vld [tilespmem:s6+$0xFFFFFF00];
	v4 =	vadd.f32 v4, v10;
	[tilespmem:s14+$0xFFFFFFE0] =	vst v5  }
0xda: {  	v5 =	vld [tilespmem:s18+$0xFFFFFF80];
	v6 =	vmax.f32 v6, $0.0e+00  }
0xdb: {  	v10 =	vld [tilespmem:s6+$0xFFFFFF80];
	v4 =	vmax.f32 v4, $0.0e+00;
	[tilespmem:s14+$0x60] =	vst v6  }
0xdc: {  	v6 =	vld [tilespmem:s18+$0x0];
	[tilespmem:s14+$0xFFFFFF60] =	vst v4;
	v4 =	vadd.f32 v7, v8  }
0xdd: {  	v7 =	vld [tilespmem:s6+$0x0];
	v8 =	vadd.f32 v11, v12  }
0xde: {  	v11 =	vld [tilespmem:s18+$0xFFFFFF00];
	v4 =	vmax.f32 v4, $0.0e+00  }
0xdf: {  	v12 =	vld [tilespmem:s6+$0xFFFFFF10];
	v8 =	vmax.f32 v8, $0.0e+00;
	[tilespmem:s14+$0xF0] =	vst v4  }
0xe0: {  	v4 =	vadd.f32 v10, v5;
	[tilespmem:s6+$0x80] =	vst v8;
	v5 =	vld [tilespmem:s6+$0x90]  }
0xe1: {  	v8 =	vld [tilespmem:s18+$0x90]  }
0xe2: {  	v4 =	vmax.f32 v4, $0.0e+00;
	v10 =	vld [tilespmem:s6+$0xFFFFFF90];
	v6 =	vadd.f32 v7, v6  }
0xe3: {  	v7 =	vadd.f32 v9, v11;
	[tilespmem:s6+$0xFFFFFF80] =	vst v4;
	v4 =	vld [tilespmem:s6+$0x10]  }
0xe4: {  	v9 =	vld [tilespmem:s18+$0xFFFFFF90];
	v6 =	vmax.f32 v6, $0.0e+00  }
0xe5: {  	v7 =	vmax.f32 v7, $0.0e+00;
	v11 =	vld [tilespmem:s6+$0xFFFFFF20];
	[tilespmem:s6+$0x0] =	vst v6  }
0xe6: {  	[tilespmem:s6+$0xFFFFFF00] =	vst v7;
	v6 =	vld [tilespmem:s18+$0x10];
	v5 =	vadd.f32 v5, v8  }
0xe7: {  	v7 =	vld [tilespmem:s18+$0xFFFFFF10]  }
0xe8: {  	v8 =	vld [tilespmem:s6+$0xFFFFFFA0];
	v5 =	vmax.f32 v5, $0.0e+00  }
0xe9: {  	v9 =	vadd.f32 v10, v9;
	[tilespmem:s6+$0x90] =	vst v5;
	v5 =	vld [tilespmem:s6+$0xA0]  }
0xea: {  	v10 =	vld [tilespmem:s18+$0xA0]  }
0xeb: {  	v9 =	vmax.f32 v9, $0.0e+00;
	v4 =	vadd.f32 v4, v6;
	v6 =	vld [tilespmem:s6+$0x20]  }
0xec: {  	v7 =	vadd.f32 v12, v7;
	v12 =	vld [tilespmem:s6+$0xFFFFFF30];
	[tilespmem:s6+$0xFFFFFF90] =	vst v9  }
0xed: {  	v9 =	vld [tilespmem:s18+$0xFFFFFFA0];
	v4 =	vmax.f32 v4, $0.0e+00  }
0xee: {  	v7 =	vmax.f32 v7, $0.0e+00;
	v13 =	vld [tilespmem:s6+$0xFFFFFFB0];
	[tilespmem:s6+$0x10] =	vst v4  }
0xef: {  	[tilespmem:s6+$0xFFFFFF10] =	vst v7;
	v4 =	vld [tilespmem:s18+$0x20];
	v5 =	vadd.f32 v5, v10  }
0xf0: {  	v7 =	vld [tilespmem:s18+$0xFFFFFF20]  }
0xf1: {  	v10 =	vld [tilespmem:s6+$0x30];
	v5 =	vmax.f32 v5, $0.0e+00  }
0xf2: {  	v8 =	vadd.f32 v8, v9;
	[tilespmem:s6+$0xA0] =	vst v5;
	v5 =	vld [tilespmem:s6+$0xB0]  }
0xf3: {  	v9 =	vld [tilespmem:s18+$0xB0]  }
0xf4: {  	v14 =	vld [tilespmem:s6+$0xFFFFFF40];
	v8 =	vmax.f32 v8, $0.0e+00;
	v4 =	vadd.f32 v6, v4  }
0xf5: {  	v6 =	vadd.f32 v11, v7;
	[tilespmem:s6+$0xFFFFFFA0] =	vst v8;
	v7 =	vld [tilespmem:s6+$0xFFFFFFC0]  }
0xf6: {  	v8 =	vld [tilespmem:s18+$0xFFFFFFB0];
	v4 =	vmax.f32 v4, $0.0e+00  }
0xf7: {  	v6 =	vmax.f32 v6, $0.0e+00;
	[tilespmem:s6+$0x20] =	vst v4;
	v11 =	vld [tilespmem:s6+$0x40]  }
0xf8: {  	[tilespmem:s6+$0xFFFFFF20] =	vst v6;
	v4 =	vld [tilespmem:s18+$0x30];
	v5 =	vadd.f32 v5, v9  }
0xf9: {  	v6 =	vld [tilespmem:s18+$0xFFFFFF30]  }
0xfa: {  	v9 =	vld [tilespmem:s6+$0xFFFFFF50];
	v5 =	vmax.f32 v5, $0.0e+00  }
0xfb: {  	v8 =	vadd.f32 v13, v8;
	[tilespmem:s6+$0xB0] =	vst v5;
	v5 =	vld [tilespmem:s6+$0xC0]  }
0xfc: {  	v13 =	vld [tilespmem:s18+$0xC0]  }
0xfd: {  	v8 =	vmax.f32 v8, $0.0e+00;
	v15 =	vld [tilespmem:s6+$0xFFFFFFD0];
	v4 =	vadd.f32 v10, v4  }
0xfe: {  	v6 =	vadd.f32 v12, v6;
	[tilespmem:s6+$0xFFFFFFB0] =	vst v8;
	v8 =	vld [tilespmem:s6+$0x50]  }
0xff: {  	v10 =	vld [tilespmem:s18+$0xFFFFFFC0];
	v12 =	vmax.f32 v4, $0.0e+00  }
0x100: {  	v6 =	vmax.f32 v6, $0.0e+00;
	v4 =	vld [tilespmem:s6+$0xFFFFFF60];
	[tilespmem:s6+$0x30] =	vst v12  }
0x101: {  	[tilespmem:s6+$0xFFFFFF30] =	vst v6;
	v6 =	vld [tilespmem:s18+$0x40];
	v12 =	vadd.f32 v5, v13  }
0x102: {  	v13 =	vld [tilespmem:s18+$0xFFFFFF40]  }
0x103: {  	v5 =	vld [tilespmem:s6+$0xFFFFFFE0];
	v12 =	vmax.f32 v12, $0.0e+00  }
0x104: {  	v7 =	vadd.f32 v7, v10;
	[tilespmem:s6+$0xC0] =	vst v12;
	v10 =	vld [tilespmem:s6+$0xD0]  }
0x105: {  	v12 =	vld [tilespmem:s18+$0xD0]  }
0x106: {  	v7 =	vmax.f32 v7, $0.0e+00;
	v11 =	vadd.f32 v11, v6;
	v6 =	vld [tilespmem:s6+$0x60]  }
0x107: {  	v13 =	vadd.f32 v14, v13;
	[tilespmem:s6+$0xFFFFFFC0] =	vst v7;
	v7 =	vld [tilespmem:s13+$0xFFFFFF70]  }
0x108: {  	v14 =	vld [tilespmem:s18+$0xFFFFFFD0];
	v11 =	vmax.f32 v11, $0.0e+00  }
0x109: {  	v13 =	vmax.f32 v13, $0.0e+00;
	[tilespmem:s6+$0x40] =	vst v11;
	v11 =	vld [tilespmem:s13+$0xFFFFFFF0]  }
0x10a: {  	[tilespmem:s6+$0xFFFFFF40] =	vst v13;
	v13 =	vld [tilespmem:s18+$0x50];
	v10 =	vadd.f32 v10, v12  }
0x10b: {  	v12 =	vld [tilespmem:s18+$0xFFFFFF50]  }
0x10c: {  	v10 =	vmax.f32 v10, $0.0e+00;
	v3 =	vadd.f32 v3, v7;
	v7 =	vld [tilespmem:s13+$0x70];
	s13 =	smov.u32 s18  }
0x10d: {  	v14 =	vadd.f32 v15, v14;
	[tilespmem:s6+$0xD0] =	vst v10;
	v10 =	vld [tilespmem:s6+$0xE0]  }
0x10e: {  	v15 =	vld [tilespmem:s18+$0xE0];
	v16 =	vmax.f32 v3, $0.0e+00;
	v11 =	vadd.f32 v2, v11  }
0x10f: {  	v3 =	vld [tilespmem:s6+$0xFFFFFF70];
	v2 =	vmax.f32 v14, $0.0e+00;
	v13 =	vadd.f32 v8, v13;
	[tilespmem:s14+$0xFFFFFF70] =	vst v16  }
0x110: {  	v9 =	vadd.f32 v9, v12;
	[tilespmem:s6+$0xFFFFFFD0] =	vst v2;
	v2 =	vld [tilespmem:s6+$0xFFFFFFF0];
	v11 =	vmax.f32 v11, $0.0e+00  }
.Ltmp1:
0x111: {  	v8 =	vld [tilespmem:s18+$0xFFFFFFE0];
	v12 =	vmax.f32 v13, $0.0e+00;
	[tilespmem:s14+$0xFFFFFFF0] =	vst v11;
	v7 =	vadd.f32 v1, v7;
	(pc) =	sbr.rel @p0 .LBB2_5-.Ltmp1, $4  }
0x112: {  	v9 =	vmax.f32 v9, $0.0e+00;
	[tilespmem:s6+$0x50] =	vst v12;
	v1 =	vld [tilespmem:s6+$0x70]  }
0x113: {  	[tilespmem:s6+$0xFFFFFF50] =	vst v9;
	v9 =	vld [tilespmem:s18+$0x60];
	v11 =	vadd.f32 v10, v15;
	v7 =	vmax.f32 v7, $0.0e+00  }
0x114: {  	v10 =	vld [tilespmem:s18+$0xFFFFFF60];
	[tilespmem:s14+$0x70] =	vst v7;
	s14 =	smov.u32 s6  }
0x115: {  	s18 =	sadd.s32 $0x200, s18;
	v11 =	vmax.f32 v11, $0.0e+00;
	v7 =	vld [tilespmem:s6+$0xF0]  }
0x116: {  	_ =	sdelay $0x2  }
0x117: {  	v4 =	vadd.f32 v4, v10  }
0x118: {  	v5 =	vadd.f32 v5, v8  }
0x119: {  	[tilespmem:s6+$0xE0] =	vst v11;
	v6 =	vadd.f32 v6, v9;
	v4 =	vmax.f32 v4, $0.0e+00  }
0x11a: {  	v8 =	vld [tilespmem:s13+$0xF0];
	v5 =	vmax.f32 v5, $0.0e+00;
	[tilespmem:s14+$0xFFFFFF60] =	vst v4  }
0x11b: {  	[tilespmem:s14+$0xFFFFFFE0] =	vst v5;
	v4 =	vmax.f32 v6, $0.0e+00;
	v5 =	vld [tilespmem:s13+$0xFFFFFF70]  }
0x11c: {  	[tilespmem:s14+$0x60] =	vst v4;
	v4 =	vld [tilespmem:s13+$0xFFFFFFF0]  }
0x11d: {  	v6 =	vld [tilespmem:s13+$0x70];
	_ =	sdelay $0x1  }
0x11e: {  	v7 =	vadd.f32 v7, v8  }
0x11f: {  	v3 =	vadd.f32 v3, v5  }
0x120: {  	v5 =	vmax.f32 v7, $0.0e+00;
	v2 =	vadd.f32 v2, v4  }
0x121: {  	[tilespmem:s14+$0xF0] =	vst v5;
	v1 =	vadd.f32 v1, v6;
	v3 =	vmax.f32 v3, $0.0e+00  }
0x122: {  	v2 =	vmax.f32 v2, $0.0e+00;
	[tilespmem:s14+$0xFFFFFF70] =	vst v3  }
0x123: {  	[tilespmem:s14+$0xFFFFFFF0] =	vst v2;
	v1 =	vmax.f32 v1, $0.0e+00  }
0x124: {  	s13 =	smul.u32 $0x78, s12;
	[tilespmem:s14+$0x70] =	vst v1  }
0x125: {  	p0 =	seq.s32 s12, $0x0;
	s14 =	rddreg [dreg:$0x4]  }
0x126: {  	s6 =	simm.s32 @!p0 $0x9;
	s14 =	sadd.s32 s14, s13  }
0x127: {  	_ =	swait.ge @!p0 [sflag:s6], $0x1400;
	s16 =	sadd.s32 $0x50, s14  }
0x128: {  	[sflag:s6] =	ssyncset.done @!p0 $0x0;
	s18 =	sshll.u32 s16, $0x4  }
0x129: {  	[sflag:s6] =	ssyncadd.s32 @!p0 $0xFFFFEC00;
	s21 =	sadd.s32 s5, s18  }
0x12a: {  	[tilespmem:s23], [sflag:$0x3] =	stream.linear.gather [hbm4b:s21+s4], $0x1400, $0x38;
	[tilespmem:$0x1CD80] =	vst v63  }
0x12b: {  	s18 =	sadd.s32 $0x14050, s13;
	s21 =	simm.s32 $0x1B800  }
0x12c: {  	[tilespmem:s21], [sflag:$0x6] =	stream.indirect.gather [hbm4b:s1+s17], $0x80, s18, s17, $0xb8;
	[tilespmem:$0x1CD80] =	vst v63  }
0x12d: {  	s21 =	sshrl.u32 s16, $0x3  }
0x12e: {  	s6 =	sadd.s32 s7, s21  }
0x12f: {  	[tilespmem:s29], [sflag:$0xC] =	stream.linear.gather [hbm4b:s6+s4], $0x28, $0x38;
	[tilespmem:$0x1CD80] =	vst v63  }
0x130: {  	_ = 	snop  }
0x131: {  	[spmem:s2] =	stream.indirect.scatter.add.f32 [tilespmem:s15], [sflag:$0x7], $0x80, s19, s17, $0xb8;
	[tilespmem:$0x1CD80] =	vst v63  }
0x132: {  	_ =	swait.ge [sflag:s30], $0x1400  }
0x133: {  	[sflag:s30] =	ssyncset.done $0x0  }
0x134: {  	[sflag:s30] =	ssyncadd.s32 $0xFFFFEC00  }
0x135: {  	_ =	swait.ge [sflag:s31], $0x1400  }
0x136: {  	[sflag:s31] =	ssyncset.done $0x0  }
0x137: {  	[sflag:s31] =	ssyncadd.s32 $0xFFFFEC00  }
0x138: {  	_ =	swait.ge [sflag:s0], $0x28  }
0x139: {  	[sflag:s0] =	ssyncset.done $0x0  }
0x13a: {  	s6 =	simm.s32 $0x1A500;
	[sflag:s0] =	ssyncadd.s32 $0xFFFFFFD8  }
0x13b: {  	s16 =	simm.s32 $0x16900;
	v1 =	vld [tilespmem:s6+$0x80]  }
0x13c: {  	v2 =	vld [tilespmem:s16+$0x80]  }
0x13d: {  	v3 =	vld [tilespmem:s16+$0xFFFFFF00]  }
0x13e: {  	v4 =	vld [tilespmem:s6+$0xFFFFFF80]  }
0x13f: {  	v5 =	vld [tilespmem:s16+$0xFFFFFF80]  }
0x140: {  	v6 =	vld [tilespmem:s16+$0x0]  }
0x141: {  	v1 =	vadd.f32 v2, v1;
	v2 =	vld [tilespmem:s6+$0x0]  }
0x142: {  	v7 =	vld [tilespmem:s6+$0xFFFFFF00]  }
0x143: {  	v1 =	vmax.f32 v1, $0.0e+00  }
0x144: {  	v4 =	vadd.f32 v5, v4;
	[tilespmem:s16+$0x80] =	vst v1;
	v1 =	vld [tilespmem:s16+$0x90]  }
0x145: {  	v8 =	vld [tilespmem:s6+$0x90]  }
0x146: {  	v9 =	vld [tilespmem:s16+$0xFFFFFF90];
	v4 =	vmax.f32 v4, $0.0e+00;
	v2 =	vadd.f32 v6, v2  }
0x147: {  	v5 =	vld [tilespmem:s16+$0xFFFFFF10];
	v3 =	vadd.f32 v3, v7;
	[tilespmem:s16+$0xFFFFFF80] =	vst v4  }
0x148: {  	v6 =	vld [tilespmem:s6+$0xFFFFFF90];
	v2 =	vmax.f32 v2, $0.0e+00  }
0x149: {  	v3 =	vmax.f32 v3, $0.0e+00;
	v4 =	vld [tilespmem:s16+$0x10];
	[tilespmem:s16+$0x0] =	vst v2  }
0x14a: {  	[tilespmem:s16+$0xFFFFFF00] =	vst v3;
	v1 =	vadd.f32 v1, v8;
	v2 =	vld [tilespmem:s6+$0x10]  }
0x14b: {  	v3 =	vld [tilespmem:s6+$0xFFFFFF10]  }
0x14c: {  	v1 =	vmax.f32 v1, $0.0e+00  }
0x14d: {  	v6 =	vadd.f32 v9, v6;
	[tilespmem:s16+$0x90] =	vst v1;
	v1 =	vld [tilespmem:s16+$0xA0]  }
0x14e: {  	v8 =	vld [tilespmem:s6+$0xA0]  }
0x14f: {  	v7 =	vld [tilespmem:s16+$0xFFFFFF20];
	v6 =	vmax.f32 v6, $0.0e+00;
	v2 =	vadd.f32 v4, v2  }
0x150: {  	v3 =	vadd.f32 v5, v3;
	v9 =	vld [tilespmem:s16+$0xFFFFFFA0];
	[tilespmem:s16+$0xFFFFFF90] =	vst v6  }
0x151: {  	v5 =	vld [tilespmem:s6+$0xFFFFFFA0];
	v2 =	vmax.f32 v2, $0.0e+00  }
0x152: {  	v3 =	vmax.f32 v3, $0.0e+00;
	v4 =	vld [tilespmem:s16+$0x20];
	[tilespmem:s16+$0x10] =	vst v2  }
0x153: {  	[tilespmem:s16+$0xFFFFFF10] =	vst v3;
	v1 =	vadd.f32 v1, v8;
	v2 =	vld [tilespmem:s6+$0x20]  }
0x154: {  	v3 =	vld [tilespmem:s6+$0xFFFFFF20]  }
0x155: {  	v1 =	vmax.f32 v1, $0.0e+00  }
0x156: {  	v5 =	vadd.f32 v9, v5;
	[tilespmem:s16+$0xA0] =	vst v1;
	v1 =	vld [tilespmem:s16+$0xB0]  }
0x157: {  	v8 =	vld [tilespmem:s6+$0xB0]  }
0x158: {  	v10 =	vld [tilespmem:s16+$0x30];
	v5 =	vmax.f32 v5, $0.0e+00;
	v2 =	vadd.f32 v4, v2  }
0x159: {  	v3 =	vadd.f32 v7, v3;
	v9 =	vld [tilespmem:s16+$0xFFFFFFB0];
	[tilespmem:s16+$0xFFFFFFA0] =	vst v5  }
0x15a: {  	v4 =	vld [tilespmem:s6+$0xFFFFFFB0];
	v2 =	vmax.f32 v2, $0.0e+00  }
0x15b: {  	v6 =	vld [tilespmem:s16+$0xFFFFFF30];
	[tilespmem:s16+$0x20] =	vst v2;
	v2 =	vmax.f32 v3, $0.0e+00  }
0x15c: {  	v1 =	vadd.f32 v1, v8;
	[tilespmem:s16+$0xFFFFFF20] =	vst v2;
	v2 =	vld [tilespmem:s6+$0x30]  }
0x15d: {  	v7 =	vld [tilespmem:s6+$0xFFFFFF30]  }
0x15e: {  	v11 =	vld [tilespmem:s16+$0xFFFFFF40];
	v1 =	vmax.f32 v1, $0.0e+00  }
0x15f: {  	v4 =	vadd.f32 v9, v4;
	[tilespmem:s16+$0xB0] =	vst v1;
	v1 =	vld [tilespmem:s16+$0xC0]  }
0x160: {  	v8 =	vld [tilespmem:s6+$0xC0]  }
0x161: {  	v12 =	vld [tilespmem:s16+$0xFFFFFFD0];
	v4 =	vmax.f32 v4, $0.0e+00;
	v2 =	vadd.f32 v10, v2  }
0x162: {  	v5 =	vld [tilespmem:s16+$0xFFFFFFC0];
	[tilespmem:s16+$0xFFFFFFB0] =	vst v4;
	v6 =	vadd.f32 v6, v7  }
0x163: {  	v7 =	vld [tilespmem:s6+$0xFFFFFFC0];
	v2 =	vmax.f32 v2, $0.0e+00  }
0x164: {  	v3 =	vld [tilespmem:s16+$0x40];
	[tilespmem:s16+$0x30] =	vst v2;
	v2 =	vmax.f32 v6, $0.0e+00  }
0x165: {  	v1 =	vadd.f32 v1, v8;
	v6 =	vld [tilespmem:s6+$0x40];
	[tilespmem:s16+$0xFFFFFF30] =	vst v2  }
0x166: {  	v2 =	vld [tilespmem:s6+$0xFFFFFF40]  }
0x167: {  	v9 =	vld [tilespmem:s16+$0xFFFFFF50];
	v1 =	vmax.f32 v1, $0.0e+00  }
0x168: {  	[tilespmem:s16+$0xC0] =	vst v1;
	v1 =	vadd.f32 v5, v7;
	v7 =	vld [tilespmem:s16+$0xD0]  }
0x169: {  	v8 =	vld [tilespmem:s6+$0xD0]  }
0x16a: {  	v4 =	vld [tilespmem:s16+$0xFFFFFF60];
	v1 =	vmax.f32 v1, $0.0e+00;
	v3 =	vadd.f32 v3, v6  }
0x16b: {  	v10 =	vld [tilespmem:s16+$0x50];
	[tilespmem:s16+$0xFFFFFFC0] =	vst v1;
	v1 =	vadd.f32 v11, v2  }
0x16c: {  	v2 =	vld [tilespmem:s6+$0xFFFFFFD0];
	v3 =	vmax.f32 v3, $0.0e+00  }
0x16d: {  	v5 =	vld [tilespmem:s16+$0xFFFFFFE0];
	[tilespmem:s16+$0x40] =	vst v3;
	v1 =	vmax.f32 v1, $0.0e+00  }
0x16e: {  	v3 =	vld [tilespmem:s6+$0x50];
	v7 =	vadd.f32 v7, v8;
	[tilespmem:s16+$0xFFFFFF40] =	vst v1  }
0x16f: {  	v1 =	vld [tilespmem:s6+$0xFFFFFF50]  }
0x170: {  	v6 =	vld [tilespmem:s16+$0x60];
	v7 =	vmax.f32 v7, $0.0e+00  }
0x171: {  	v2 =	vadd.f32 v12, v2;
	[tilespmem:s16+$0xD0] =	vst v7;
	v7 =	vld [tilespmem:s16+$0xE0]  }
0x172: {  	v11 =	vld [tilespmem:s6+$0xE0]  }
0x173: {  	v2 =	vmax.f32 v2, $0.0e+00;
	v8 =	vadd.f32 v10, v3;
	v3 =	vld [tilespmem:s16+$0xFFFFFF70]  }
0x174: {  	[tilespmem:s16+$0xFFFFFFD0] =	vst v2;
	v1 =	vadd.f32 v9, v1;
	v2 =	vld [tilespmem:s16+$0xFFFFFFF0]  }
0x175: {  	v9 =	vmax.f32 v8, $0.0e+00;
	v8 =	vld [tilespmem:s6+$0xFFFFFFE0]  }
0x176: {  	[tilespmem:s16+$0x50] =	vst v9;
	v9 =	vmax.f32 v1, $0.0e+00;
	v1 =	vld [tilespmem:s16+$0x70]  }
0x177: {  	[tilespmem:s16+$0xFFFFFF50] =	vst v9;
	v9 =	vld [tilespmem:s6+$0x60];
	v7 =	vadd.f32 v7, v11  }
0x178: {  	v10 =	vld [tilespmem:s6+$0xFFFFFF60]  }
0x179: {  	s28 =	simm.s32 $0x16900;
	s18 =	simm.s32 $0x0;
	s21 =	simm.s32 $0x1A700;
	v11 =	vmax.f32 v7, $0.0e+00;
	v7 =	vld [tilespmem:s16+$0xF0]  }
.LBB2_7:
0x17a: {  	v12 =	vld [tilespmem:s21+$0x80];
	v5 =	vadd.f32 v5, v8;
	[tilespmem:s16+$0xE0] =	vst v11  }
0x17b: {  	s16 =	sadd.s32 $0x200, s16;
	v8 =	vld [tilespmem:s6+$0xF0]  }
0x17c: {  	s18 =	sadd.s32 $0x4, s18;
	v11 =	vld [tilespmem:s16+$0x80];
	v5 =	vmax.f32 v5, $0.0e+00;
	v6 =	vadd.f32 v6, v9  }
0x17d: {  	p0 =	slt.u32 s18, $0x24;
	v9 =	vld [tilespmem:s16+$0xFFFFFF00];
	v4 =	vadd.f32 v4, v10;
	[tilespmem:s28+$0xFFFFFFE0] =	vst v5  }
0x17e: {  	v5 =	vld [tilespmem:s21+$0xFFFFFF80];
	v6 =	vmax.f32 v6, $0.0e+00  }
0x17f: {  	v10 =	vld [tilespmem:s16+$0xFFFFFF80];
	v4 =	vmax.f32 v4, $0.0e+00;
	[tilespmem:s28+$0x60] =	vst v6  }
0x180: {  	v6 =	vld [tilespmem:s21+$0x0];
	[tilespmem:s28+$0xFFFFFF60] =	vst v4;
	v4 =	vadd.f32 v7, v8  }
0x181: {  	v7 =	vld [tilespmem:s16+$0x0];
	v8 =	vadd.f32 v11, v12  }
0x182: {  	v11 =	vld [tilespmem:s21+$0xFFFFFF00];
	v4 =	vmax.f32 v4, $0.0e+00  }
0x183: {  	v12 =	vld [tilespmem:s16+$0xFFFFFF10];
	v8 =	vmax.f32 v8, $0.0e+00;
	[tilespmem:s28+$0xF0] =	vst v4  }
0x184: {  	v4 =	vadd.f32 v10, v5;
	[tilespmem:s16+$0x80] =	vst v8;
	v5 =	vld [tilespmem:s16+$0x90]  }
0x185: {  	v8 =	vld [tilespmem:s21+$0x90]  }
0x186: {  	v4 =	vmax.f32 v4, $0.0e+00;
	v10 =	vld [tilespmem:s16+$0xFFFFFF90];
	v6 =	vadd.f32 v7, v6  }
0x187: {  	v7 =	vadd.f32 v9, v11;
	[tilespmem:s16+$0xFFFFFF80] =	vst v4;
	v4 =	vld [tilespmem:s16+$0x10]  }
0x188: {  	v9 =	vld [tilespmem:s21+$0xFFFFFF90];
	v6 =	vmax.f32 v6, $0.0e+00  }
0x189: {  	v7 =	vmax.f32 v7, $0.0e+00;
	v11 =	vld [tilespmem:s16+$0xFFFFFF20];
	[tilespmem:s16+$0x0] =	vst v6  }
0x18a: {  	[tilespmem:s16+$0xFFFFFF00] =	vst v7;
	v6 =	vld [tilespmem:s21+$0x10];
	v5 =	vadd.f32 v5, v8  }
0x18b: {  	v7 =	vld [tilespmem:s21+$0xFFFFFF10]  }
0x18c: {  	v8 =	vld [tilespmem:s16+$0xFFFFFFA0];
	v5 =	vmax.f32 v5, $0.0e+00  }
0x18d: {  	v9 =	vadd.f32 v10, v9;
	[tilespmem:s16+$0x90] =	vst v5;
	v5 =	vld [tilespmem:s16+$0xA0]  }
0x18e: {  	v10 =	vld [tilespmem:s21+$0xA0]  }
0x18f: {  	v9 =	vmax.f32 v9, $0.0e+00;
	v4 =	vadd.f32 v4, v6;
	v6 =	vld [tilespmem:s16+$0x20]  }
0x190: {  	v7 =	vadd.f32 v12, v7;
	v12 =	vld [tilespmem:s16+$0xFFFFFF30];
	[tilespmem:s16+$0xFFFFFF90] =	vst v9  }
0x191: {  	v9 =	vld [tilespmem:s21+$0xFFFFFFA0];
	v4 =	vmax.f32 v4, $0.0e+00  }
0x192: {  	v7 =	vmax.f32 v7, $0.0e+00;
	v13 =	vld [tilespmem:s16+$0xFFFFFFB0];
	[tilespmem:s16+$0x10] =	vst v4  }
0x193: {  	[tilespmem:s16+$0xFFFFFF10] =	vst v7;
	v4 =	vld [tilespmem:s21+$0x20];
	v5 =	vadd.f32 v5, v10  }
0x194: {  	v7 =	vld [tilespmem:s21+$0xFFFFFF20]  }
0x195: {  	v10 =	vld [tilespmem:s16+$0x30];
	v5 =	vmax.f32 v5, $0.0e+00  }
0x196: {  	v8 =	vadd.f32 v8, v9;
	[tilespmem:s16+$0xA0] =	vst v5;
	v5 =	vld [tilespmem:s16+$0xB0]  }
0x197: {  	v9 =	vld [tilespmem:s21+$0xB0]  }
0x198: {  	v14 =	vld [tilespmem:s16+$0xFFFFFF40];
	v8 =	vmax.f32 v8, $0.0e+00;
	v4 =	vadd.f32 v6, v4  }
0x199: {  	v6 =	vadd.f32 v11, v7;
	[tilespmem:s16+$0xFFFFFFA0] =	vst v8;
	v7 =	vld [tilespmem:s16+$0xFFFFFFC0]  }
0x19a: {  	v8 =	vld [tilespmem:s21+$0xFFFFFFB0];
	v4 =	vmax.f32 v4, $0.0e+00  }
0x19b: {  	v6 =	vmax.f32 v6, $0.0e+00;
	[tilespmem:s16+$0x20] =	vst v4;
	v11 =	vld [tilespmem:s16+$0x40]  }
0x19c: {  	[tilespmem:s16+$0xFFFFFF20] =	vst v6;
	v4 =	vld [tilespmem:s21+$0x30];
	v5 =	vadd.f32 v5, v9  }
0x19d: {  	v6 =	vld [tilespmem:s21+$0xFFFFFF30]  }
0x19e: {  	v9 =	vld [tilespmem:s16+$0xFFFFFF50];
	v5 =	vmax.f32 v5, $0.0e+00  }
0x19f: {  	v8 =	vadd.f32 v13, v8;
	[tilespmem:s16+$0xB0] =	vst v5;
	v5 =	vld [tilespmem:s16+$0xC0]  }
0x1a0: {  	v13 =	vld [tilespmem:s21+$0xC0]  }
0x1a1: {  	v8 =	vmax.f32 v8, $0.0e+00;
	v15 =	vld [tilespmem:s16+$0xFFFFFFD0];
	v4 =	vadd.f32 v10, v4  }
0x1a2: {  	v6 =	vadd.f32 v12, v6;
	[tilespmem:s16+$0xFFFFFFB0] =	vst v8;
	v8 =	vld [tilespmem:s16+$0x50]  }
0x1a3: {  	v10 =	vld [tilespmem:s21+$0xFFFFFFC0];
	v12 =	vmax.f32 v4, $0.0e+00  }
0x1a4: {  	v6 =	vmax.f32 v6, $0.0e+00;
	v4 =	vld [tilespmem:s16+$0xFFFFFF60];
	[tilespmem:s16+$0x30] =	vst v12  }
0x1a5: {  	[tilespmem:s16+$0xFFFFFF30] =	vst v6;
	v6 =	vld [tilespmem:s21+$0x40];
	v12 =	vadd.f32 v5, v13  }
0x1a6: {  	v13 =	vld [tilespmem:s21+$0xFFFFFF40]  }
0x1a7: {  	v5 =	vld [tilespmem:s16+$0xFFFFFFE0];
	v12 =	vmax.f32 v12, $0.0e+00  }
0x1a8: {  	v7 =	vadd.f32 v7, v10;
	[tilespmem:s16+$0xC0] =	vst v12;
	v10 =	vld [tilespmem:s16+$0xD0]  }
0x1a9: {  	v12 =	vld [tilespmem:s21+$0xD0]  }
0x1aa: {  	v7 =	vmax.f32 v7, $0.0e+00;
	v11 =	vadd.f32 v11, v6;
	v6 =	vld [tilespmem:s16+$0x60]  }
0x1ab: {  	v13 =	vadd.f32 v14, v13;
	[tilespmem:s16+$0xFFFFFFC0] =	vst v7;
	v7 =	vld [tilespmem:s6+$0xFFFFFF70]  }
0x1ac: {  	v14 =	vld [tilespmem:s21+$0xFFFFFFD0];
	v11 =	vmax.f32 v11, $0.0e+00  }
0x1ad: {  	v13 =	vmax.f32 v13, $0.0e+00;
	[tilespmem:s16+$0x40] =	vst v11;
	v11 =	vld [tilespmem:s6+$0xFFFFFFF0]  }
0x1ae: {  	[tilespmem:s16+$0xFFFFFF40] =	vst v13;
	v13 =	vld [tilespmem:s21+$0x50];
	v10 =	vadd.f32 v10, v12  }
0x1af: {  	v12 =	vld [tilespmem:s21+$0xFFFFFF50]  }
0x1b0: {  	v10 =	vmax.f32 v10, $0.0e+00;
	v3 =	vadd.f32 v3, v7;
	v7 =	vld [tilespmem:s6+$0x70];
	s6 =	smov.u32 s21  }
0x1b1: {  	v14 =	vadd.f32 v15, v14;
	[tilespmem:s16+$0xD0] =	vst v10;
	v10 =	vld [tilespmem:s16+$0xE0]  }
0x1b2: {  	v15 =	vld [tilespmem:s21+$0xE0];
	v16 =	vmax.f32 v3, $0.0e+00;
	v11 =	vadd.f32 v2, v11  }
0x1b3: {  	v3 =	vld [tilespmem:s16+$0xFFFFFF70];
	v2 =	vmax.f32 v14, $0.0e+00;
	v13 =	vadd.f32 v8, v13;
	[tilespmem:s28+$0xFFFFFF70] =	vst v16  }
0x1b4: {  	v9 =	vadd.f32 v9, v12;
	[tilespmem:s16+$0xFFFFFFD0] =	vst v2;
	v2 =	vld [tilespmem:s16+$0xFFFFFFF0];
	v11 =	vmax.f32 v11, $0.0e+00  }
.Ltmp2:
0x1b5: {  	v8 =	vld [tilespmem:s21+$0xFFFFFFE0];
	v12 =	vmax.f32 v13, $0.0e+00;
	[tilespmem:s28+$0xFFFFFFF0] =	vst v11;
	v7 =	vadd.f32 v1, v7;
	(pc) =	sbr.rel @p0 .LBB2_7-.Ltmp2, $4  }
0x1b6: {  	v9 =	vmax.f32 v9, $0.0e+00;
	[tilespmem:s16+$0x50] =	vst v12;
	v1 =	vld [tilespmem:s16+$0x70]  }
0x1b7: {  	[tilespmem:s16+$0xFFFFFF50] =	vst v9;
	v9 =	vld [tilespmem:s21+$0x60];
	v11 =	vadd.f32 v10, v15;
	v7 =	vmax.f32 v7, $0.0e+00  }
0x1b8: {  	v10 =	vld [tilespmem:s21+$0xFFFFFF60];
	[tilespmem:s28+$0x70] =	vst v7;
	s28 =	smov.u32 s16  }
0x1b9: {  	s21 =	sadd.s32 $0x200, s21;
	v11 =	vmax.f32 v11, $0.0e+00;
	v7 =	vld [tilespmem:s16+$0xF0]  }
0x1ba: {  	_ =	sdelay $0x2  }
0x1bb: {  	v4 =	vadd.f32 v4, v10  }
0x1bc: {  	v5 =	vadd.f32 v5, v8  }
0x1bd: {  	[tilespmem:s16+$0xE0] =	vst v11;
	v6 =	vadd.f32 v6, v9;
	v4 =	vmax.f32 v4, $0.0e+00  }
0x1be: {  	v8 =	vld [tilespmem:s6+$0xF0];
	v5 =	vmax.f32 v5, $0.0e+00;
	[tilespmem:s28+$0xFFFFFF60] =	vst v4  }
0x1bf: {  	[tilespmem:s28+$0xFFFFFFE0] =	vst v5;
	v4 =	vmax.f32 v6, $0.0e+00;
	v5 =	vld [tilespmem:s6+$0xFFFFFF70]  }
0x1c0: {  	[tilespmem:s28+$0x60] =	vst v4;
	v4 =	vld [tilespmem:s6+$0xFFFFFFF0]  }
0x1c1: {  	v6 =	vld [tilespmem:s6+$0x70];
	_ =	sdelay $0x1  }
0x1c2: {  	v7 =	vadd.f32 v7, v8  }
0x1c3: {  	v3 =	vadd.f32 v3, v5  }
0x1c4: {  	v5 =	vmax.f32 v7, $0.0e+00;
	v2 =	vadd.f32 v2, v4  }
0x1c5: {  	[tilespmem:s28+$0xF0] =	vst v5;
	v1 =	vadd.f32 v1, v6;
	v3 =	vmax.f32 v3, $0.0e+00  }
0x1c6: {  	v2 =	vmax.f32 v2, $0.0e+00;
	[tilespmem:s28+$0xFFFFFF70] =	vst v3  }
0x1c7: {  	[tilespmem:s28+$0xFFFFFFF0] =	vst v2;
	v1 =	vmax.f32 v1, $0.0e+00  }
0x1c8: {  	[tilespmem:s28+$0x70] =	vst v1  }
0x1c9: {  	s6 =	sadd.s32 $0x78, s14;
	_ =	swait.ge [sflag:s3], $0x1400  }
0x1ca: {  	s18 =	sshll.u32 s6, $0x4;
	[sflag:s3] =	ssyncset.done $0x0  }
0x1cb: {  	s16 =	sadd.s32 s5, s18;
	[sflag:s3] =	ssyncadd.s32 $0xFFFFEC00  }
0x1cc: {  	[tilespmem:s15], [sflag:$0x1] =	stream.linear.gather [hbm4b:s16+s4], $0x1400, $0x38;
	[tilespmem:$0x1CD80] =	vst v63  }
0x1cd: {  	s21 =	sadd.s32 $0x14078, s13;
	s6 =	sshrl.u32 s6, $0x3;
	s18 =	simm.s32 $0x19000  }
0x1ce: {  	[tilespmem:s18], [sflag:$0x4] =	stream.indirect.gather [hbm4b:s1+s17], $0x80, s21, s17, $0xb8;
	[tilespmem:$0x1CD80] =	vst v63  }
0x1cf: {  	s6 =	sadd.s32 s7, s6  }
0x1d0: {  	[tilespmem:s19], [sflag:$0xA] =	stream.linear.gather [hbm4b:s6+s4], $0x28, $0x38;
	[tilespmem:$0x1CD80] =	vst v63  }
0x1d1: {  	_ = 	snop  }
0x1d2: {  	[spmem:s2] =	stream.indirect.scatter.add.f32 [tilespmem:s20], [sflag:$0x8], $0x80, s22, s17, $0xb8;
	[tilespmem:$0x1CD80] =	vst v63  }
0x1d3: {  	_ =	swait.ge [sflag:s8], $0x1400  }
0x1d4: {  	[sflag:s8] =	ssyncset.done $0x0  }
0x1d5: {  	[sflag:s8] =	ssyncadd.s32 $0xFFFFEC00  }
0x1d6: {  	_ =	swait.ge [sflag:s9], $0x1400  }
0x1d7: {  	[sflag:s9] =	ssyncset.done $0x0  }
0x1d8: {  	[sflag:s9] =	ssyncadd.s32 $0xFFFFEC00  }
0x1d9: {  	_ =	swait.ge [sflag:s10], $0x28  }
0x1da: {  	[sflag:s10] =	ssyncset.done $0x0  }
0x1db: {  	s6 =	simm.s32 $0x1B900;
	[sflag:s10] =	ssyncadd.s32 $0xFFFFFFD8  }
0x1dc: {  	s16 =	simm.s32 $0x17D00;
	v1 =	vld [tilespmem:s6+$0x80]  }
0x1dd: {  	v2 =	vld [tilespmem:s16+$0x80]  }
0x1de: {  	v3 =	vld [tilespmem:s16+$0xFFFFFF00]  }
0x1df: {  	v4 =	vld [tilespmem:s6+$0xFFFFFF80]  }
0x1e0: {  	v5 =	vld [tilespmem:s16+$0xFFFFFF80]  }
0x1e1: {  	v6 =	vld [tilespmem:s16+$0x0]  }
0x1e2: {  	v1 =	vadd.f32 v2, v1;
	v2 =	vld [tilespmem:s6+$0x0]  }
0x1e3: {  	v7 =	vld [tilespmem:s6+$0xFFFFFF00]  }
0x1e4: {  	v1 =	vmax.f32 v1, $0.0e+00  }
0x1e5: {  	v4 =	vadd.f32 v5, v4;
	[tilespmem:s16+$0x80] =	vst v1;
	v1 =	vld [tilespmem:s16+$0x90]  }
0x1e6: {  	v8 =	vld [tilespmem:s6+$0x90]  }
0x1e7: {  	v9 =	vld [tilespmem:s16+$0xFFFFFF90];
	v4 =	vmax.f32 v4, $0.0e+00;
	v2 =	vadd.f32 v6, v2  }
0x1e8: {  	v5 =	vld [tilespmem:s16+$0xFFFFFF10];
	v3 =	vadd.f32 v3, v7;
	[tilespmem:s16+$0xFFFFFF80] =	vst v4  }
0x1e9: {  	v6 =	vld [tilespmem:s6+$0xFFFFFF90];
	v2 =	vmax.f32 v2, $0.0e+00  }
0x1ea: {  	v3 =	vmax.f32 v3, $0.0e+00;
	v4 =	vld [tilespmem:s16+$0x10];
	[tilespmem:s16+$0x0] =	vst v2  }
0x1eb: {  	[tilespmem:s16+$0xFFFFFF00] =	vst v3;
	v1 =	vadd.f32 v1, v8;
	v2 =	vld [tilespmem:s6+$0x10]  }
0x1ec: {  	v3 =	vld [tilespmem:s6+$0xFFFFFF10]  }
0x1ed: {  	v1 =	vmax.f32 v1, $0.0e+00  }
0x1ee: {  	v6 =	vadd.f32 v9, v6;
	[tilespmem:s16+$0x90] =	vst v1;
	v1 =	vld [tilespmem:s16+$0xA0]  }
0x1ef: {  	v8 =	vld [tilespmem:s6+$0xA0]  }
0x1f0: {  	v7 =	vld [tilespmem:s16+$0xFFFFFF20];
	v6 =	vmax.f32 v6, $0.0e+00;
	v2 =	vadd.f32 v4, v2  }
0x1f1: {  	v3 =	vadd.f32 v5, v3;
	v9 =	vld [tilespmem:s16+$0xFFFFFFA0];
	[tilespmem:s16+$0xFFFFFF90] =	vst v6  }
0x1f2: {  	v5 =	vld [tilespmem:s6+$0xFFFFFFA0];
	v2 =	vmax.f32 v2, $0.0e+00  }
0x1f3: {  	v3 =	vmax.f32 v3, $0.0e+00;
	v4 =	vld [tilespmem:s16+$0x20];
	[tilespmem:s16+$0x10] =	vst v2  }
0x1f4: {  	[tilespmem:s16+$0xFFFFFF10] =	vst v3;
	v1 =	vadd.f32 v1, v8;
	v2 =	vld [tilespmem:s6+$0x20]  }
0x1f5: {  	v3 =	vld [tilespmem:s6+$0xFFFFFF20]  }
0x1f6: {  	v1 =	vmax.f32 v1, $0.0e+00  }
0x1f7: {  	v5 =	vadd.f32 v9, v5;
	[tilespmem:s16+$0xA0] =	vst v1;
	v1 =	vld [tilespmem:s16+$0xB0]  }
0x1f8: {  	v8 =	vld [tilespmem:s6+$0xB0]  }
0x1f9: {  	v10 =	vld [tilespmem:s16+$0x30];
	v5 =	vmax.f32 v5, $0.0e+00;
	v2 =	vadd.f32 v4, v2  }
0x1fa: {  	v3 =	vadd.f32 v7, v3;
	v9 =	vld [tilespmem:s16+$0xFFFFFFB0];
	[tilespmem:s16+$0xFFFFFFA0] =	vst v5  }
0x1fb: {  	v4 =	vld [tilespmem:s6+$0xFFFFFFB0];
	v2 =	vmax.f32 v2, $0.0e+00  }
0x1fc: {  	v6 =	vld [tilespmem:s16+$0xFFFFFF30];
	[tilespmem:s16+$0x20] =	vst v2;
	v2 =	vmax.f32 v3, $0.0e+00  }
0x1fd: {  	v1 =	vadd.f32 v1, v8;
	[tilespmem:s16+$0xFFFFFF20] =	vst v2;
	v2 =	vld [tilespmem:s6+$0x30]  }
0x1fe: {  	v7 =	vld [tilespmem:s6+$0xFFFFFF30]  }
0x1ff: {  	v11 =	vld [tilespmem:s16+$0xFFFFFF40];
	v1 =	vmax.f32 v1, $0.0e+00  }
0x200: {  	v4 =	vadd.f32 v9, v4;
	[tilespmem:s16+$0xB0] =	vst v1;
	v1 =	vld [tilespmem:s16+$0xC0]  }
0x201: {  	v8 =	vld [tilespmem:s6+$0xC0]  }
0x202: {  	v12 =	vld [tilespmem:s16+$0xFFFFFFD0];
	v4 =	vmax.f32 v4, $0.0e+00;
	v2 =	vadd.f32 v10, v2  }
0x203: {  	v5 =	vld [tilespmem:s16+$0xFFFFFFC0];
	[tilespmem:s16+$0xFFFFFFB0] =	vst v4;
	v6 =	vadd.f32 v6, v7  }
0x204: {  	v7 =	vld [tilespmem:s6+$0xFFFFFFC0];
	v2 =	vmax.f32 v2, $0.0e+00  }
0x205: {  	v3 =	vld [tilespmem:s16+$0x40];
	[tilespmem:s16+$0x30] =	vst v2;
	v2 =	vmax.f32 v6, $0.0e+00  }
0x206: {  	v1 =	vadd.f32 v1, v8;
	v6 =	vld [tilespmem:s6+$0x40];
	[tilespmem:s16+$0xFFFFFF30] =	vst v2  }
0x207: {  	v2 =	vld [tilespmem:s6+$0xFFFFFF40]  }
0x208: {  	v9 =	vld [tilespmem:s16+$0xFFFFFF50];
	v1 =	vmax.f32 v1, $0.0e+00  }
0x209: {  	[tilespmem:s16+$0xC0] =	vst v1;
	v1 =	vadd.f32 v5, v7;
	v7 =	vld [tilespmem:s16+$0xD0]  }
0x20a: {  	v8 =	vld [tilespmem:s6+$0xD0]  }
0x20b: {  	v4 =	vld [tilespmem:s16+$0xFFFFFF60];
	v1 =	vmax.f32 v1, $0.0e+00;
	v3 =	vadd.f32 v3, v6  }
0x20c: {  	v10 =	vld [tilespmem:s16+$0x50];
	[tilespmem:s16+$0xFFFFFFC0] =	vst v1;
	v1 =	vadd.f32 v11, v2  }
0x20d: {  	v2 =	vld [tilespmem:s6+$0xFFFFFFD0];
	v3 =	vmax.f32 v3, $0.0e+00  }
0x20e: {  	v5 =	vld [tilespmem:s16+$0xFFFFFFE0];
	[tilespmem:s16+$0x40] =	vst v3;
	v1 =	vmax.f32 v1, $0.0e+00  }
0x20f: {  	v3 =	vld [tilespmem:s6+$0x50];
	v7 =	vadd.f32 v7, v8;
	[tilespmem:s16+$0xFFFFFF40] =	vst v1  }
0x210: {  	v1 =	vld [tilespmem:s6+$0xFFFFFF50]  }
0x211: {  	v6 =	vld [tilespmem:s16+$0x60];
	v7 =	vmax.f32 v7, $0.0e+00  }
0x212: {  	v2 =	vadd.f32 v12, v2;
	[tilespmem:s16+$0xD0] =	vst v7;
	v7 =	vld [tilespmem:s16+$0xE0]  }
0x213: {  	v11 =	vld [tilespmem:s6+$0xE0]  }
0x214: {  	v2 =	vmax.f32 v2, $0.0e+00;
	v8 =	vadd.f32 v10, v3;
	v3 =	vld [tilespmem:s16+$0xFFFFFF70]  }
0x215: {  	[tilespmem:s16+$0xFFFFFFD0] =	vst v2;
	v1 =	vadd.f32 v9, v1;
	v2 =	vld [tilespmem:s16+$0xFFFFFFF0]  }
0x216: {  	v9 =	vmax.f32 v8, $0.0e+00;
	v8 =	vld [tilespmem:s6+$0xFFFFFFE0]  }
0x217: {  	[tilespmem:s16+$0x50] =	vst v9;
	v9 =	vmax.f32 v1, $0.0e+00;
	v1 =	vld [tilespmem:s16+$0x70]  }
0x218: {  	[tilespmem:s16+$0xFFFFFF50] =	vst v9;
	v9 =	vld [tilespmem:s6+$0x60];
	v7 =	vadd.f32 v7, v11  }
0x219: {  	v10 =	vld [tilespmem:s6+$0xFFFFFF60]  }
0x21a: {  	s28 =	simm.s32 $0x17D00;
	s18 =	simm.s32 $0x0;
	s21 =	simm.s32 $0x1BB00;
	v11 =	vmax.f32 v7, $0.0e+00;
	v7 =	vld [tilespmem:s16+$0xF0]  }
.LBB2_9:
0x21b: {  	v12 =	vld [tilespmem:s21+$0x80];
	v5 =	vadd.f32 v5, v8;
	[tilespmem:s16+$0xE0] =	vst v11  }
0x21c: {  	s16 =	sadd.s32 $0x200, s16;
	v8 =	vld [tilespmem:s6+$0xF0]  }
0x21d: {  	s18 =	sadd.s32 $0x4, s18;
	v11 =	vld [tilespmem:s16+$0x80];
	v5 =	vmax.f32 v5, $0.0e+00;
	v6 =	vadd.f32 v6, v9  }
0x21e: {  	p0 =	slt.u32 s18, $0x24;
	v9 =	vld [tilespmem:s16+$0xFFFFFF00];
	v4 =	vadd.f32 v4, v10;
	[tilespmem:s28+$0xFFFFFFE0] =	vst v5  }
0x21f: {  	v5 =	vld [tilespmem:s21+$0xFFFFFF80];
	v6 =	vmax.f32 v6, $0.0e+00  }
0x220: {  	v10 =	vld [tilespmem:s16+$0xFFFFFF80];
	v4 =	vmax.f32 v4, $0.0e+00;
	[tilespmem:s28+$0x60] =	vst v6  }
0x221: {  	v6 =	vld [tilespmem:s21+$0x0];
	[tilespmem:s28+$0xFFFFFF60] =	vst v4;
	v4 =	vadd.f32 v7, v8  }
0x222: {  	v7 =	vld [tilespmem:s16+$0x0];
	v8 =	vadd.f32 v11, v12  }
0x223: {  	v11 =	vld [tilespmem:s21+$0xFFFFFF00];
	v4 =	vmax.f32 v4, $0.0e+00  }
0x224: {  	v12 =	vld [tilespmem:s16+$0xFFFFFF10];
	v8 =	vmax.f32 v8, $0.0e+00;
	[tilespmem:s28+$0xF0] =	vst v4  }
0x225: {  	v4 =	vadd.f32 v10, v5;
	[tilespmem:s16+$0x80] =	vst v8;
	v5 =	vld [tilespmem:s16+$0x90]  }
0x226: {  	v8 =	vld [tilespmem:s21+$0x90]  }
0x227: {  	v4 =	vmax.f32 v4, $0.0e+00;
	v10 =	vld [tilespmem:s16+$0xFFFFFF90];
	v6 =	vadd.f32 v7, v6  }
0x228: {  	v7 =	vadd.f32 v9, v11;
	[tilespmem:s16+$0xFFFFFF80] =	vst v4;
	v4 =	vld [tilespmem:s16+$0x10]  }
0x229: {  	v9 =	vld [tilespmem:s21+$0xFFFFFF90];
	v6 =	vmax.f32 v6, $0.0e+00  }
0x22a: {  	v7 =	vmax.f32 v7, $0.0e+00;
	v11 =	vld [tilespmem:s16+$0xFFFFFF20];
	[tilespmem:s16+$0x0] =	vst v6  }
0x22b: {  	[tilespmem:s16+$0xFFFFFF00] =	vst v7;
	v6 =	vld [tilespmem:s21+$0x10];
	v5 =	vadd.f32 v5, v8  }
0x22c: {  	v7 =	vld [tilespmem:s21+$0xFFFFFF10]  }
0x22d: {  	v8 =	vld [tilespmem:s16+$0xFFFFFFA0];
	v5 =	vmax.f32 v5, $0.0e+00  }
0x22e: {  	v9 =	vadd.f32 v10, v9;
	[tilespmem:s16+$0x90] =	vst v5;
	v5 =	vld [tilespmem:s16+$0xA0]  }
0x22f: {  	v10 =	vld [tilespmem:s21+$0xA0]  }
0x230: {  	v9 =	vmax.f32 v9, $0.0e+00;
	v4 =	vadd.f32 v4, v6;
	v6 =	vld [tilespmem:s16+$0x20]  }
0x231: {  	v7 =	vadd.f32 v12, v7;
	v12 =	vld [tilespmem:s16+$0xFFFFFF30];
	[tilespmem:s16+$0xFFFFFF90] =	vst v9  }
0x232: {  	v9 =	vld [tilespmem:s21+$0xFFFFFFA0];
	v4 =	vmax.f32 v4, $0.0e+00  }
0x233: {  	v7 =	vmax.f32 v7, $0.0e+00;
	v13 =	vld [tilespmem:s16+$0xFFFFFFB0];
	[tilespmem:s16+$0x10] =	vst v4  }
0x234: {  	[tilespmem:s16+$0xFFFFFF10] =	vst v7;
	v4 =	vld [tilespmem:s21+$0x20];
	v5 =	vadd.f32 v5, v10  }
0x235: {  	v7 =	vld [tilespmem:s21+$0xFFFFFF20]  }
0x236: {  	v10 =	vld [tilespmem:s16+$0x30];
	v5 =	vmax.f32 v5, $0.0e+00  }
0x237: {  	v8 =	vadd.f32 v8, v9;
	[tilespmem:s16+$0xA0] =	vst v5;
	v5 =	vld [tilespmem:s16+$0xB0]  }
0x238: {  	v9 =	vld [tilespmem:s21+$0xB0]  }
0x239: {  	v14 =	vld [tilespmem:s16+$0xFFFFFF40];
	v8 =	vmax.f32 v8, $0.0e+00;
	v4 =	vadd.f32 v6, v4  }
0x23a: {  	v6 =	vadd.f32 v11, v7;
	[tilespmem:s16+$0xFFFFFFA0] =	vst v8;
	v7 =	vld [tilespmem:s16+$0xFFFFFFC0]  }
0x23b: {  	v8 =	vld [tilespmem:s21+$0xFFFFFFB0];
	v4 =	vmax.f32 v4, $0.0e+00  }
0x23c: {  	v6 =	vmax.f32 v6, $0.0e+00;
	[tilespmem:s16+$0x20] =	vst v4;
	v11 =	vld [tilespmem:s16+$0x40]  }
0x23d: {  	[tilespmem:s16+$0xFFFFFF20] =	vst v6;
	v4 =	vld [tilespmem:s21+$0x30];
	v5 =	vadd.f32 v5, v9  }
0x23e: {  	v6 =	vld [tilespmem:s21+$0xFFFFFF30]  }
0x23f: {  	v9 =	vld [tilespmem:s16+$0xFFFFFF50];
	v5 =	vmax.f32 v5, $0.0e+00  }
0x240: {  	v8 =	vadd.f32 v13, v8;
	[tilespmem:s16+$0xB0] =	vst v5;
	v5 =	vld [tilespmem:s16+$0xC0]  }
0x241: {  	v13 =	vld [tilespmem:s21+$0xC0]  }
0x242: {  	v8 =	vmax.f32 v8, $0.0e+00;
	v15 =	vld [tilespmem:s16+$0xFFFFFFD0];
	v4 =	vadd.f32 v10, v4  }
0x243: {  	v6 =	vadd.f32 v12, v6;
	[tilespmem:s16+$0xFFFFFFB0] =	vst v8;
	v8 =	vld [tilespmem:s16+$0x50]  }
0x244: {  	v10 =	vld [tilespmem:s21+$0xFFFFFFC0];
	v12 =	vmax.f32 v4, $0.0e+00  }
0x245: {  	v6 =	vmax.f32 v6, $0.0e+00;
	v4 =	vld [tilespmem:s16+$0xFFFFFF60];
	[tilespmem:s16+$0x30] =	vst v12  }
0x246: {  	[tilespmem:s16+$0xFFFFFF30] =	vst v6;
	v6 =	vld [tilespmem:s21+$0x40];
	v12 =	vadd.f32 v5, v13  }
0x247: {  	v13 =	vld [tilespmem:s21+$0xFFFFFF40]  }
0x248: {  	v5 =	vld [tilespmem:s16+$0xFFFFFFE0];
	v12 =	vmax.f32 v12, $0.0e+00  }
0x249: {  	v7 =	vadd.f32 v7, v10;
	[tilespmem:s16+$0xC0] =	vst v12;
	v10 =	vld [tilespmem:s16+$0xD0]  }
0x24a: {  	v12 =	vld [tilespmem:s21+$0xD0]  }
0x24b: {  	v7 =	vmax.f32 v7, $0.0e+00;
	v11 =	vadd.f32 v11, v6;
	v6 =	vld [tilespmem:s16+$0x60]  }
0x24c: {  	v13 =	vadd.f32 v14, v13;
	[tilespmem:s16+$0xFFFFFFC0] =	vst v7;
	v7 =	vld [tilespmem:s6+$0xFFFFFF70]  }
0x24d: {  	v14 =	vld [tilespmem:s21+$0xFFFFFFD0];
	v11 =	vmax.f32 v11, $0.0e+00  }
0x24e: {  	v13 =	vmax.f32 v13, $0.0e+00;
	[tilespmem:s16+$0x40] =	vst v11;
	v11 =	vld [tilespmem:s6+$0xFFFFFFF0]  }
0x24f: {  	[tilespmem:s16+$0xFFFFFF40] =	vst v13;
	v13 =	vld [tilespmem:s21+$0x50];
	v10 =	vadd.f32 v10, v12  }
0x250: {  	v12 =	vld [tilespmem:s21+$0xFFFFFF50]  }
0x251: {  	v10 =	vmax.f32 v10, $0.0e+00;
	v3 =	vadd.f32 v3, v7;
	v7 =	vld [tilespmem:s6+$0x70];
	s6 =	smov.u32 s21  }
0x252: {  	v14 =	vadd.f32 v15, v14;
	[tilespmem:s16+$0xD0] =	vst v10;
	v10 =	vld [tilespmem:s16+$0xE0]  }
0x253: {  	v15 =	vld [tilespmem:s21+$0xE0];
	v16 =	vmax.f32 v3, $0.0e+00;
	v11 =	vadd.f32 v2, v11  }
0x254: {  	v3 =	vld [tilespmem:s16+$0xFFFFFF70];
	v2 =	vmax.f32 v14, $0.0e+00;
	v13 =	vadd.f32 v8, v13;
	[tilespmem:s28+$0xFFFFFF70] =	vst v16  }
0x255: {  	v9 =	vadd.f32 v9, v12;
	[tilespmem:s16+$0xFFFFFFD0] =	vst v2;
	v2 =	vld [tilespmem:s16+$0xFFFFFFF0];
	v11 =	vmax.f32 v11, $0.0e+00  }
.Ltmp3:
0x256: {  	v8 =	vld [tilespmem:s21+$0xFFFFFFE0];
	v12 =	vmax.f32 v13, $0.0e+00;
	[tilespmem:s28+$0xFFFFFFF0] =	vst v11;
	v7 =	vadd.f32 v1, v7;
	(pc) =	sbr.rel @p0 .LBB2_9-.Ltmp3, $4  }
0x257: {  	v9 =	vmax.f32 v9, $0.0e+00;
	[tilespmem:s16+$0x50] =	vst v12;
	v1 =	vld [tilespmem:s16+$0x70]  }
0x258: {  	[tilespmem:s16+$0xFFFFFF50] =	vst v9;
	v9 =	vld [tilespmem:s21+$0x60];
	v11 =	vadd.f32 v10, v15;
	v7 =	vmax.f32 v7, $0.0e+00  }
0x259: {  	v10 =	vld [tilespmem:s21+$0xFFFFFF60];
	[tilespmem:s28+$0x70] =	vst v7;
	s28 =	smov.u32 s16  }
0x25a: {  	s21 =	sadd.s32 $0x200, s21;
	v11 =	vmax.f32 v11, $0.0e+00;
	v7 =	vld [tilespmem:s16+$0xF0]  }
0x25b: {  	_ = 	snop  }
0x25c: {  	v5 =	vadd.f32 v5, v8  }
0x25d: {  	v6 =	vadd.f32 v6, v9  }
0x25e: {  	[tilespmem:s16+$0xE0] =	vst v11;
	v5 =	vmax.f32 v5, $0.0e+00;
	v4 =	vadd.f32 v4, v10  }
0x25f: {  	v58 =	vld [tilespmem:s6+$0xF0];
	[tilespmem:s28+$0xFFFFFFE0] =	vst v5;
	v59 =	vmax.f32 v6, $0.0e+00  }
0x260: {  	v61 =	vld [tilespmem:s6+$0xFFFFFFF0];
	v4 =	vmax.f32 v4, $0.0e+00;
	[tilespmem:s28+$0x60] =	vst v59  }
0x261: {  	[tilespmem:s28+$0xFFFFFF60] =	vst v4;
	v62 =	vld [tilespmem:s6+$0x70]  }
0x262: {  	v60 =	vld [tilespmem:s6+$0xFFFFFF70];
	_ =	sdelay $0x1  }
0x263: {  	v7 =	vadd.f32 v7, v58  }
0x264: {  	v2 =	vadd.f32 v2, v61  }
0x265: {  	v63 =	vmax.f32 v7, $0.0e+00;
	v1 =	vadd.f32 v1, v62  }
0x266: {  	[tilespmem:s28+$0xF0] =	vst v63;
	v2 =	vmax.f32 v2, $0.0e+00;
	v3 =	vadd.f32 v3, v60  }
0x267: {  	[tilespmem:s28+$0xFFFFFFF0] =	vst v2;
	v1 =	vmax.f32 v1, $0.0e+00  }
0x268: {  	v3 =	vmax.f32 v3, $0.0e+00;
	[tilespmem:s28+$0x70] =	vst v1  }
0x269: {  	[tilespmem:s28+$0xFFFFFF70] =	vst v3  }
0x26a: {  	s21 =	sadd.s32 $0xA0, s14;
	_ =	swait.ge [sflag:s11], $0x1400  }
0x26b: {  	s14 =	sshll.u32 s21, $0x4;
	[sflag:s11] =	ssyncset.done $0x0  }
0x26c: {  	s12 =	sadd.s32 $0x1, s12;
	s14 =	sadd.s32 s5, s14;
	[sflag:s11] =	ssyncadd.s32 $0xFFFFEC00  }
0x26d: {  	[tilespmem:s20], [sflag:$0x2] =	stream.linear.gather [hbm4b:s14+s4], $0x1400, $0x38;
	[tilespmem:$0x1CD80] =	vst v63  }
0x26e: {  	s13 =	sadd.s32 $0x140A0, s13;
	p0 =	sne.s32 s12, $0x29;
	s28 =	simm.s32 $0x1A400  }
0x26f: {  	[tilespmem:s28], [sflag:$0x5] =	stream.indirect.gather [hbm4b:s1+s17], $0x80, s13, s17, $0xb8;
	[tilespmem:$0x1CD80] =	vst v63  }
.Ltmp4:
0x270: {  	s6 =	sshrl.u32 s21, $0x3;
	(pc) =	sbr.rel @p0 .LBB2_4-.Ltmp4, $4  }
0x271: {  	s6 =	sadd.s32 s7, s6  }
0x272: {  	[tilespmem:s22], [sflag:$0xB] =	stream.linear.gather [hbm4b:s6+s4], $0x28, $0x38;
	[tilespmem:$0x1CD80] =	vst v63  }
0x273: {  	_ = 	snop  }
0x274: {  	[spmem:s2] =	stream.indirect.scatter.add.f32 [tilespmem:s23], [sflag:$0x9], $0x80, s29, s17, $0xb8;
	[tilespmem:$0x1CD80] =	vst v63  }
0x275: {  	_ =	swait.ge [sflag:s24], $0x1400  }
0x276: {  	[sflag:s24] =	ssyncset.done $0x0  }
0x277: {  	[sflag:s24] =	ssyncadd.s32 $0xFFFFEC00  }
0x278: {  	_ =	swait.ge [sflag:s25], $0x1400  }
0x279: {  	[sflag:s25] =	ssyncset.done $0x0  }
0x27a: {  	[sflag:s25] =	ssyncadd.s32 $0xFFFFEC00  }
0x27b: {  	_ =	swait.ge [sflag:s26], $0x28  }
0x27c: {  	[sflag:s26] =	ssyncset.done $0x0  }
0x27d: {  	s6 =	simm.s32 $0x19100;
	[sflag:s26] =	ssyncadd.s32 $0xFFFFFFD8  }
0x27e: {  	s12 =	simm.s32 $0x15500;
	v1 =	vld [tilespmem:s6+$0x80]  }
0x27f: {  	v2 =	vld [tilespmem:s12+$0x80]  }
0x280: {  	v3 =	vld [tilespmem:s12+$0xFFFFFF00]  }
0x281: {  	v4 =	vld [tilespmem:s6+$0xFFFFFF80]  }
0x282: {  	v5 =	vld [tilespmem:s12+$0xFFFFFF80]  }
0x283: {  	v6 =	vld [tilespmem:s12+$0x0]  }
0x284: {  	v1 =	vadd.f32 v2, v1;
	v2 =	vld [tilespmem:s6+$0x0]  }
0x285: {  	v7 =	vld [tilespmem:s6+$0xFFFFFF00]  }
0x286: {  	v1 =	vmax.f32 v1, $0.0e+00  }
0x287: {  	v4 =	vadd.f32 v5, v4;
	[tilespmem:s12+$0x80] =	vst v1;
	v1 =	vld [tilespmem:s12+$0x90]  }
0x288: {  	v8 =	vld [tilespmem:s6+$0x90]  }
0x289: {  	v9 =	vld [tilespmem:s12+$0xFFFFFF90];
	v4 =	vmax.f32 v4, $0.0e+00;
	v2 =	vadd.f32 v6, v2  }
0x28a: {  	v5 =	vld [tilespmem:s12+$0xFFFFFF10];
	v3 =	vadd.f32 v3, v7;
	[tilespmem:s12+$0xFFFFFF80] =	vst v4  }
0x28b: {  	v6 =	vld [tilespmem:s6+$0xFFFFFF90];
	v2 =	vmax.f32 v2, $0.0e+00  }
0x28c: {  	v3 =	vmax.f32 v3, $0.0e+00;
	v4 =	vld [tilespmem:s12+$0x10];
	[tilespmem:s12+$0x0] =	vst v2  }
0x28d: {  	[tilespmem:s12+$0xFFFFFF00] =	vst v3;
	v1 =	vadd.f32 v1, v8;
	v2 =	vld [tilespmem:s6+$0x10]  }
0x28e: {  	v3 =	vld [tilespmem:s6+$0xFFFFFF10]  }
0x28f: {  	v1 =	vmax.f32 v1, $0.0e+00  }
0x290: {  	v6 =	vadd.f32 v9, v6;
	[tilespmem:s12+$0x90] =	vst v1;
	v1 =	vld [tilespmem:s12+$0xA0]  }
0x291: {  	v8 =	vld [tilespmem:s6+$0xA0]  }
0x292: {  	v7 =	vld [tilespmem:s12+$0xFFFFFF20];
	v6 =	vmax.f32 v6, $0.0e+00;
	v2 =	vadd.f32 v4, v2  }
0x293: {  	v3 =	vadd.f32 v5, v3;
	v9 =	vld [tilespmem:s12+$0xFFFFFFA0];
	[tilespmem:s12+$0xFFFFFF90] =	vst v6  }
0x294: {  	v5 =	vld [tilespmem:s6+$0xFFFFFFA0];
	v2 =	vmax.f32 v2, $0.0e+00  }
0x295: {  	v3 =	vmax.f32 v3, $0.0e+00;
	v4 =	vld [tilespmem:s12+$0x20];
	[tilespmem:s12+$0x10] =	vst v2  }
0x296: {  	[tilespmem:s12+$0xFFFFFF10] =	vst v3;
	v1 =	vadd.f32 v1, v8;
	v2 =	vld [tilespmem:s6+$0x20]  }
0x297: {  	v3 =	vld [tilespmem:s6+$0xFFFFFF20]  }
0x298: {  	v1 =	vmax.f32 v1, $0.0e+00  }
0x299: {  	v5 =	vadd.f32 v9, v5;
	[tilespmem:s12+$0xA0] =	vst v1;
	v1 =	vld [tilespmem:s12+$0xB0]  }
0x29a: {  	v8 =	vld [tilespmem:s6+$0xB0]  }
0x29b: {  	v10 =	vld [tilespmem:s12+$0x30];
	v5 =	vmax.f32 v5, $0.0e+00;
	v2 =	vadd.f32 v4, v2  }
0x29c: {  	v3 =	vadd.f32 v7, v3;
	v9 =	vld [tilespmem:s12+$0xFFFFFFB0];
	[tilespmem:s12+$0xFFFFFFA0] =	vst v5  }
0x29d: {  	v4 =	vld [tilespmem:s6+$0xFFFFFFB0];
	v2 =	vmax.f32 v2, $0.0e+00  }
0x29e: {  	v6 =	vld [tilespmem:s12+$0xFFFFFF30];
	[tilespmem:s12+$0x20] =	vst v2;
	v2 =	vmax.f32 v3, $0.0e+00  }
0x29f: {  	v1 =	vadd.f32 v1, v8;
	[tilespmem:s12+$0xFFFFFF20] =	vst v2;
	v2 =	vld [tilespmem:s6+$0x30]  }
0x2a0: {  	v7 =	vld [tilespmem:s6+$0xFFFFFF30]  }
0x2a1: {  	v11 =	vld [tilespmem:s12+$0xFFFFFF40];
	v1 =	vmax.f32 v1, $0.0e+00  }
0x2a2: {  	v4 =	vadd.f32 v9, v4;
	[tilespmem:s12+$0xB0] =	vst v1;
	v1 =	vld [tilespmem:s12+$0xC0]  }
0x2a3: {  	v8 =	vld [tilespmem:s6+$0xC0]  }
0x2a4: {  	v12 =	vld [tilespmem:s12+$0xFFFFFFD0];
	v4 =	vmax.f32 v4, $0.0e+00;
	v2 =	vadd.f32 v10, v2  }
0x2a5: {  	v5 =	vld [tilespmem:s12+$0xFFFFFFC0];
	[tilespmem:s12+$0xFFFFFFB0] =	vst v4;
	v6 =	vadd.f32 v6, v7  }
0x2a6: {  	v7 =	vld [tilespmem:s6+$0xFFFFFFC0];
	v2 =	vmax.f32 v2, $0.0e+00  }
0x2a7: {  	v3 =	vld [tilespmem:s12+$0x40];
	[tilespmem:s12+$0x30] =	vst v2;
	v2 =	vmax.f32 v6, $0.0e+00  }
0x2a8: {  	v1 =	vadd.f32 v1, v8;
	v6 =	vld [tilespmem:s6+$0x40];
	[tilespmem:s12+$0xFFFFFF30] =	vst v2  }
0x2a9: {  	v2 =	vld [tilespmem:s6+$0xFFFFFF40]  }
0x2aa: {  	v9 =	vld [tilespmem:s12+$0xFFFFFF50];
	v1 =	vmax.f32 v1, $0.0e+00  }
0x2ab: {  	[tilespmem:s12+$0xC0] =	vst v1;
	v1 =	vadd.f32 v5, v7;
	v7 =	vld [tilespmem:s12+$0xD0]  }
0x2ac: {  	v8 =	vld [tilespmem:s6+$0xD0]  }
0x2ad: {  	v4 =	vld [tilespmem:s12+$0xFFFFFF60];
	v1 =	vmax.f32 v1, $0.0e+00;
	v3 =	vadd.f32 v3, v6  }
0x2ae: {  	v10 =	vld [tilespmem:s12+$0x50];
	[tilespmem:s12+$0xFFFFFFC0] =	vst v1;
	v1 =	vadd.f32 v11, v2  }
0x2af: {  	v2 =	vld [tilespmem:s6+$0xFFFFFFD0];
	v3 =	vmax.f32 v3, $0.0e+00  }
0x2b0: {  	v5 =	vld [tilespmem:s12+$0xFFFFFFE0];
	[tilespmem:s12+$0x40] =	vst v3;
	v1 =	vmax.f32 v1, $0.0e+00  }
0x2b1: {  	v3 =	vld [tilespmem:s6+$0x50];
	v7 =	vadd.f32 v7, v8;
	[tilespmem:s12+$0xFFFFFF40] =	vst v1  }
0x2b2: {  	v1 =	vld [tilespmem:s6+$0xFFFFFF50]  }
0x2b3: {  	v6 =	vld [tilespmem:s12+$0x60];
	v7 =	vmax.f32 v7, $0.0e+00  }
0x2b4: {  	v2 =	vadd.f32 v12, v2;
	[tilespmem:s12+$0xD0] =	vst v7;
	v7 =	vld [tilespmem:s12+$0xE0]  }
0x2b5: {  	v11 =	vld [tilespmem:s6+$0xE0]  }
0x2b6: {  	v2 =	vmax.f32 v2, $0.0e+00;
	v8 =	vadd.f32 v10, v3;
	v3 =	vld [tilespmem:s12+$0xFFFFFF70]  }
0x2b7: {  	[tilespmem:s12+$0xFFFFFFD0] =	vst v2;
	v1 =	vadd.f32 v9, v1;
	v2 =	vld [tilespmem:s12+$0xFFFFFFF0]  }
0x2b8: {  	v9 =	vmax.f32 v8, $0.0e+00;
	v8 =	vld [tilespmem:s6+$0xFFFFFFE0]  }
0x2b9: {  	[tilespmem:s12+$0x50] =	vst v9;
	v9 =	vmax.f32 v1, $0.0e+00;
	v1 =	vld [tilespmem:s12+$0x70]  }
0x2ba: {  	[tilespmem:s12+$0xFFFFFF50] =	vst v9;
	v9 =	vld [tilespmem:s6+$0x60];
	v7 =	vadd.f32 v7, v11  }
0x2bb: {  	v10 =	vld [tilespmem:s6+$0xFFFFFF60]  }
0x2bc: {  	s14 =	simm.s32 $0x0;
	s16 =	simm.s32 $0x19300;
	s13 =	simm.s32 $0x15500;
	v11 =	vmax.f32 v7, $0.0e+00;
	v7 =	vld [tilespmem:s12+$0xF0]  }
.LBB2_12:
0x2bd: {  	v12 =	vld [tilespmem:s16+$0x80];
	v5 =	vadd.f32 v5, v8;
	[tilespmem:s12+$0xE0] =	vst v11  }
0x2be: {  	s12 =	sadd.s32 $0x200, s12;
	v8 =	vld [tilespmem:s6+$0xF0]  }
0x2bf: {  	s14 =	sadd.s32 $0x4, s14;
	v11 =	vld [tilespmem:s12+$0x80];
	v5 =	vmax.f32 v5, $0.0e+00;
	v6 =	vadd.f32 v6, v9  }
0x2c0: {  	p0 =	slt.u32 s14, $0x24;
	v9 =	vld [tilespmem:s12+$0xFFFFFF00];
	v4 =	vadd.f32 v4, v10;
	[tilespmem:s13+$0xFFFFFFE0] =	vst v5  }
0x2c1: {  	v5 =	vld [tilespmem:s16+$0xFFFFFF80];
	v6 =	vmax.f32 v6, $0.0e+00  }
0x2c2: {  	v10 =	vld [tilespmem:s12+$0xFFFFFF80];
	v4 =	vmax.f32 v4, $0.0e+00;
	[tilespmem:s13+$0x60] =	vst v6  }
0x2c3: {  	v6 =	vld [tilespmem:s16+$0x0];
	[tilespmem:s13+$0xFFFFFF60] =	vst v4;
	v4 =	vadd.f32 v7, v8  }
0x2c4: {  	v7 =	vld [tilespmem:s12+$0x0];
	v8 =	vadd.f32 v11, v12  }
0x2c5: {  	v11 =	vld [tilespmem:s16+$0xFFFFFF00];
	v4 =	vmax.f32 v4, $0.0e+00  }
0x2c6: {  	v12 =	vld [tilespmem:s12+$0xFFFFFF10];
	v8 =	vmax.f32 v8, $0.0e+00;
	[tilespmem:s13+$0xF0] =	vst v4  }
0x2c7: {  	v4 =	vadd.f32 v10, v5;
	[tilespmem:s12+$0x80] =	vst v8;
	v5 =	vld [tilespmem:s12+$0x90]  }
0x2c8: {  	v8 =	vld [tilespmem:s16+$0x90]  }
0x2c9: {  	v4 =	vmax.f32 v4, $0.0e+00;
	v10 =	vld [tilespmem:s12+$0xFFFFFF90];
	v6 =	vadd.f32 v7, v6  }
0x2ca: {  	v7 =	vadd.f32 v9, v11;
	[tilespmem:s12+$0xFFFFFF80] =	vst v4;
	v4 =	vld [tilespmem:s12+$0x10]  }
0x2cb: {  	v9 =	vld [tilespmem:s16+$0xFFFFFF90];
	v6 =	vmax.f32 v6, $0.0e+00  }
0x2cc: {  	v7 =	vmax.f32 v7, $0.0e+00;
	v11 =	vld [tilespmem:s12+$0xFFFFFF20];
	[tilespmem:s12+$0x0] =	vst v6  }
0x2cd: {  	[tilespmem:s12+$0xFFFFFF00] =	vst v7;
	v6 =	vld [tilespmem:s16+$0x10];
	v5 =	vadd.f32 v5, v8  }
0x2ce: {  	v7 =	vld [tilespmem:s16+$0xFFFFFF10]  }
0x2cf: {  	v8 =	vld [tilespmem:s12+$0xFFFFFFA0];
	v5 =	vmax.f32 v5, $0.0e+00  }
0x2d0: {  	v9 =	vadd.f32 v10, v9;
	[tilespmem:s12+$0x90] =	vst v5;
	v5 =	vld [tilespmem:s12+$0xA0]  }
0x2d1: {  	v10 =	vld [tilespmem:s16+$0xA0]  }
0x2d2: {  	v9 =	vmax.f32 v9, $0.0e+00;
	v4 =	vadd.f32 v4, v6;
	v6 =	vld [tilespmem:s12+$0x20]  }
0x2d3: {  	v7 =	vadd.f32 v12, v7;
	v12 =	vld [tilespmem:s12+$0xFFFFFF30];
	[tilespmem:s12+$0xFFFFFF90] =	vst v9  }
0x2d4: {  	v9 =	vld [tilespmem:s16+$0xFFFFFFA0];
	v4 =	vmax.f32 v4, $0.0e+00  }
0x2d5: {  	v7 =	vmax.f32 v7, $0.0e+00;
	v13 =	vld [tilespmem:s12+$0xFFFFFFB0];
	[tilespmem:s12+$0x10] =	vst v4  }
0x2d6: {  	[tilespmem:s12+$0xFFFFFF10] =	vst v7;
	v4 =	vld [tilespmem:s16+$0x20];
	v5 =	vadd.f32 v5, v10  }
0x2d7: {  	v7 =	vld [tilespmem:s16+$0xFFFFFF20]  }
0x2d8: {  	v10 =	vld [tilespmem:s12+$0x30];
	v5 =	vmax.f32 v5, $0.0e+00  }
0x2d9: {  	v8 =	vadd.f32 v8, v9;
	[tilespmem:s12+$0xA0] =	vst v5;
	v5 =	vld [tilespmem:s12+$0xB0]  }
0x2da: {  	v9 =	vld [tilespmem:s16+$0xB0]  }
0x2db: {  	v14 =	vld [tilespmem:s12+$0xFFFFFF40];
	v8 =	vmax.f32 v8, $0.0e+00;
	v4 =	vadd.f32 v6, v4  }
0x2dc: {  	v6 =	vadd.f32 v11, v7;
	[tilespmem:s12+$0xFFFFFFA0] =	vst v8;
	v7 =	vld [tilespmem:s12+$0xFFFFFFC0]  }
0x2dd: {  	v8 =	vld [tilespmem:s16+$0xFFFFFFB0];
	v4 =	vmax.f32 v4, $0.0e+00  }
0x2de: {  	v6 =	vmax.f32 v6, $0.0e+00;
	[tilespmem:s12+$0x20] =	vst v4;
	v11 =	vld [tilespmem:s12+$0x40]  }
0x2df: {  	[tilespmem:s12+$0xFFFFFF20] =	vst v6;
	v4 =	vld [tilespmem:s16+$0x30];
	v5 =	vadd.f32 v5, v9  }
0x2e0: {  	v6 =	vld [tilespmem:s16+$0xFFFFFF30]  }
0x2e1: {  	v9 =	vld [tilespmem:s12+$0xFFFFFF50];
	v5 =	vmax.f32 v5, $0.0e+00  }
0x2e2: {  	v8 =	vadd.f32 v13, v8;
	[tilespmem:s12+$0xB0] =	vst v5;
	v5 =	vld [tilespmem:s12+$0xC0]  }
0x2e3: {  	v13 =	vld [tilespmem:s16+$0xC0]  }
0x2e4: {  	v8 =	vmax.f32 v8, $0.0e+00;
	v15 =	vld [tilespmem:s12+$0xFFFFFFD0];
	v4 =	vadd.f32 v10, v4  }
0x2e5: {  	v6 =	vadd.f32 v12, v6;
	[tilespmem:s12+$0xFFFFFFB0] =	vst v8;
	v8 =	vld [tilespmem:s12+$0x50]  }
0x2e6: {  	v10 =	vld [tilespmem:s16+$0xFFFFFFC0];
	v12 =	vmax.f32 v4, $0.0e+00  }
0x2e7: {  	v6 =	vmax.f32 v6, $0.0e+00;
	v4 =	vld [tilespmem:s12+$0xFFFFFF60];
	[tilespmem:s12+$0x30] =	vst v12  }
0x2e8: {  	[tilespmem:s12+$0xFFFFFF30] =	vst v6;
	v6 =	vld [tilespmem:s16+$0x40];
	v12 =	vadd.f32 v5, v13  }
0x2e9: {  	v13 =	vld [tilespmem:s16+$0xFFFFFF40]  }
0x2ea: {  	v5 =	vld [tilespmem:s12+$0xFFFFFFE0];
	v12 =	vmax.f32 v12, $0.0e+00  }
0x2eb: {  	v7 =	vadd.f32 v7, v10;
	[tilespmem:s12+$0xC0] =	vst v12;
	v10 =	vld [tilespmem:s12+$0xD0]  }
0x2ec: {  	v12 =	vld [tilespmem:s16+$0xD0]  }
0x2ed: {  	v7 =	vmax.f32 v7, $0.0e+00;
	v11 =	vadd.f32 v11, v6;
	v6 =	vld [tilespmem:s12+$0x60]  }
0x2ee: {  	v13 =	vadd.f32 v14, v13;
	[tilespmem:s12+$0xFFFFFFC0] =	vst v7;
	v7 =	vld [tilespmem:s6+$0xFFFFFF70]  }
0x2ef: {  	v14 =	vld [tilespmem:s16+$0xFFFFFFD0];
	v11 =	vmax.f32 v11, $0.0e+00  }
0x2f0: {  	v13 =	vmax.f32 v13, $0.0e+00;
	[tilespmem:s12+$0x40] =	vst v11;
	v11 =	vld [tilespmem:s6+$0xFFFFFFF0]  }
0x2f1: {  	[tilespmem:s12+$0xFFFFFF40] =	vst v13;
	v13 =	vld [tilespmem:s16+$0x50];
	v10 =	vadd.f32 v10, v12  }
0x2f2: {  	v12 =	vld [tilespmem:s16+$0xFFFFFF50]  }
0x2f3: {  	v10 =	vmax.f32 v10, $0.0e+00;
	v3 =	vadd.f32 v3, v7;
	v7 =	vld [tilespmem:s6+$0x70];
	s6 =	smov.u32 s16  }
0x2f4: {  	v14 =	vadd.f32 v15, v14;
	[tilespmem:s12+$0xD0] =	vst v10;
	v10 =	vld [tilespmem:s12+$0xE0]  }
0x2f5: {  	v15 =	vld [tilespmem:s16+$0xE0];
	v16 =	vmax.f32 v3, $0.0e+00;
	v11 =	vadd.f32 v2, v11  }
0x2f6: {  	v3 =	vld [tilespmem:s12+$0xFFFFFF70];
	v2 =	vmax.f32 v14, $0.0e+00;
	v13 =	vadd.f32 v8, v13;
	[tilespmem:s13+$0xFFFFFF70] =	vst v16  }
0x2f7: {  	v9 =	vadd.f32 v9, v12;
	[tilespmem:s12+$0xFFFFFFD0] =	vst v2;
	v2 =	vld [tilespmem:s12+$0xFFFFFFF0];
	v11 =	vmax.f32 v11, $0.0e+00  }
.Ltmp5:
0x2f8: {  	v8 =	vld [tilespmem:s16+$0xFFFFFFE0];
	v12 =	vmax.f32 v13, $0.0e+00;
	[tilespmem:s13+$0xFFFFFFF0] =	vst v11;
	v7 =	vadd.f32 v1, v7;
	(pc) =	sbr.rel @p0 .LBB2_12-.Ltmp5, $4  }
0x2f9: {  	v9 =	vmax.f32 v9, $0.0e+00;
	[tilespmem:s12+$0x50] =	vst v12;
	v1 =	vld [tilespmem:s12+$0x70]  }
0x2fa: {  	[tilespmem:s12+$0xFFFFFF50] =	vst v9;
	v9 =	vld [tilespmem:s16+$0x60];
	v11 =	vadd.f32 v10, v15;
	v7 =	vmax.f32 v7, $0.0e+00  }
0x2fb: {  	v10 =	vld [tilespmem:s16+$0xFFFFFF60];
	[tilespmem:s13+$0x70] =	vst v7;
	s13 =	smov.u32 s12  }
0x2fc: {  	s16 =	sadd.s32 $0x200, s16;
	v11 =	vmax.f32 v11, $0.0e+00;
	v7 =	vld [tilespmem:s12+$0xF0]  }
0x2fd: {  	_ =	sdelay $0x2  }
0x2fe: {  	v4 =	vadd.f32 v4, v10  }
0x2ff: {  	v5 =	vadd.f32 v5, v8  }
0x300: {  	[tilespmem:s12+$0xE0] =	vst v11;
	v6 =	vadd.f32 v6, v9;
	v4 =	vmax.f32 v4, $0.0e+00  }
0x301: {  	v8 =	vld [tilespmem:s6+$0xF0];
	v5 =	vmax.f32 v5, $0.0e+00;
	[tilespmem:s13+$0xFFFFFF60] =	vst v4  }
0x302: {  	[tilespmem:s13+$0xFFFFFFE0] =	vst v5;
	v4 =	vmax.f32 v6, $0.0e+00;
	v5 =	vld [tilespmem:s6+$0xFFFFFF70]  }
0x303: {  	[tilespmem:s13+$0x60] =	vst v4;
	v4 =	vld [tilespmem:s6+$0xFFFFFFF0]  }
0x304: {  	v6 =	vld [tilespmem:s6+$0x70];
	_ =	sdelay $0x1  }
0x305: {  	v7 =	vadd.f32 v7, v8  }
0x306: {  	v3 =	vadd.f32 v3, v5  }
0x307: {  	v5 =	vmax.f32 v7, $0.0e+00;
	v2 =	vadd.f32 v2, v4  }
0x308: {  	[tilespmem:s13+$0xF0] =	vst v5;
	v1 =	vadd.f32 v1, v6;
	v3 =	vmax.f32 v3, $0.0e+00  }
0x309: {  	v2 =	vmax.f32 v2, $0.0e+00;
	[tilespmem:s13+$0xFFFFFF70] =	vst v3  }
0x30a: {  	[tilespmem:s13+$0xFFFFFFF0] =	vst v2;
	v1 =	vmax.f32 v1, $0.0e+00  }
0x30b: {  	s28 =	simm.s32 $0x9;
	[tilespmem:s13+$0x70] =	vst v1  }
0x30c: {  	_ =	swait.ge [sflag:s28], $0x1400  }
0x30d: {  	[sflag:s28] =	ssyncset.done $0x0  }
0x30e: {  	[sflag:s28] =	ssyncadd.s32 $0xFFFFEC00  }
0x30f: {  	[spmem:s2] =	stream.indirect.scatter.add.f32 [tilespmem:s15], [sflag:$0x7], $0x80, s19, s17, $0xb8;
	[tilespmem:$0x1CD80] =	vst v63  }
0x310: {  	_ =	swait.ge [sflag:s30], $0x1400  }
0x311: {  	[sflag:s30] =	ssyncset.done $0x0  }
0x312: {  	[sflag:s30] =	ssyncadd.s32 $0xFFFFEC00  }
0x313: {  	_ =	swait.ge [sflag:s31], $0x1400  }
0x314: {  	[sflag:s31] =	ssyncset.done $0x0  }
0x315: {  	[sflag:s31] =	ssyncadd.s32 $0xFFFFEC00  }
0x316: {  	_ =	swait.ge [sflag:s0], $0x28  }
0x317: {  	[sflag:s0] =	ssyncset.done $0x0  }
0x318: {  	s6 =	simm.s32 $0x1A500;
	[sflag:s0] =	ssyncadd.s32 $0xFFFFFFD8  }
0x319: {  	s12 =	simm.s32 $0x16900;
	v1 =	vld [tilespmem:s6+$0x80]  }
0x31a: {  	v2 =	vld [tilespmem:s12+$0x80]  }
0x31b: {  	v3 =	vld [tilespmem:s12+$0xFFFFFF00]  }
0x31c: {  	v4 =	vld [tilespmem:s6+$0xFFFFFF80]  }
0x31d: {  	v5 =	vld [tilespmem:s12+$0xFFFFFF80]  }
0x31e: {  	v6 =	vld [tilespmem:s12+$0x0]  }
0x31f: {  	v1 =	vadd.f32 v2, v1;
	v2 =	vld [tilespmem:s6+$0x0]  }
0x320: {  	v7 =	vld [tilespmem:s6+$0xFFFFFF00]  }
0x321: {  	v1 =	vmax.f32 v1, $0.0e+00  }
0x322: {  	v4 =	vadd.f32 v5, v4;
	[tilespmem:s12+$0x80] =	vst v1;
	v1 =	vld [tilespmem:s12+$0x90]  }
0x323: {  	v8 =	vld [tilespmem:s6+$0x90]  }
0x324: {  	v9 =	vld [tilespmem:s12+$0xFFFFFF90];
	v4 =	vmax.f32 v4, $0.0e+00;
	v2 =	vadd.f32 v6, v2  }
0x325: {  	v5 =	vld [tilespmem:s12+$0xFFFFFF10];
	v3 =	vadd.f32 v3, v7;
	[tilespmem:s12+$0xFFFFFF80] =	vst v4  }
0x326: {  	v6 =	vld [tilespmem:s6+$0xFFFFFF90];
	v2 =	vmax.f32 v2, $0.0e+00  }
0x327: {  	v3 =	vmax.f32 v3, $0.0e+00;
	v4 =	vld [tilespmem:s12+$0x10];
	[tilespmem:s12+$0x0] =	vst v2  }
0x328: {  	[tilespmem:s12+$0xFFFFFF00] =	vst v3;
	v1 =	vadd.f32 v1, v8;
	v2 =	vld [tilespmem:s6+$0x10]  }
0x329: {  	v3 =	vld [tilespmem:s6+$0xFFFFFF10]  }
0x32a: {  	v1 =	vmax.f32 v1, $0.0e+00  }
0x32b: {  	v6 =	vadd.f32 v9, v6;
	[tilespmem:s12+$0x90] =	vst v1;
	v1 =	vld [tilespmem:s12+$0xA0]  }
0x32c: {  	v8 =	vld [tilespmem:s6+$0xA0]  }
0x32d: {  	v7 =	vld [tilespmem:s12+$0xFFFFFF20];
	v6 =	vmax.f32 v6, $0.0e+00;
	v2 =	vadd.f32 v4, v2  }
0x32e: {  	v3 =	vadd.f32 v5, v3;
	v9 =	vld [tilespmem:s12+$0xFFFFFFA0];
	[tilespmem:s12+$0xFFFFFF90] =	vst v6  }
0x32f: {  	v5 =	vld [tilespmem:s6+$0xFFFFFFA0];
	v2 =	vmax.f32 v2, $0.0e+00  }
0x330: {  	v3 =	vmax.f32 v3, $0.0e+00;
	v4 =	vld [tilespmem:s12+$0x20];
	[tilespmem:s12+$0x10] =	vst v2  }
0x331: {  	[tilespmem:s12+$0xFFFFFF10] =	vst v3;
	v1 =	vadd.f32 v1, v8;
	v2 =	vld [tilespmem:s6+$0x20]  }
0x332: {  	v3 =	vld [tilespmem:s6+$0xFFFFFF20]  }
0x333: {  	v1 =	vmax.f32 v1, $0.0e+00  }
0x334: {  	v5 =	vadd.f32 v9, v5;
	[tilespmem:s12+$0xA0] =	vst v1;
	v1 =	vld [tilespmem:s12+$0xB0]  }
0x335: {  	v8 =	vld [tilespmem:s6+$0xB0]  }
0x336: {  	v10 =	vld [tilespmem:s12+$0x30];
	v5 =	vmax.f32 v5, $0.0e+00;
	v2 =	vadd.f32 v4, v2  }
0x337: {  	v3 =	vadd.f32 v7, v3;
	v9 =	vld [tilespmem:s12+$0xFFFFFFB0];
	[tilespmem:s12+$0xFFFFFFA0] =	vst v5  }
0x338: {  	v4 =	vld [tilespmem:s6+$0xFFFFFFB0];
	v2 =	vmax.f32 v2, $0.0e+00  }
0x339: {  	v6 =	vld [tilespmem:s12+$0xFFFFFF30];
	[tilespmem:s12+$0x20] =	vst v2;
	v2 =	vmax.f32 v3, $0.0e+00  }
0x33a: {  	v1 =	vadd.f32 v1, v8;
	[tilespmem:s12+$0xFFFFFF20] =	vst v2;
	v2 =	vld [tilespmem:s6+$0x30]  }
0x33b: {  	v7 =	vld [tilespmem:s6+$0xFFFFFF30]  }
0x33c: {  	v11 =	vld [tilespmem:s12+$0xFFFFFF40];
	v1 =	vmax.f32 v1, $0.0e+00  }
0x33d: {  	v4 =	vadd.f32 v9, v4;
	[tilespmem:s12+$0xB0] =	vst v1;
	v1 =	vld [tilespmem:s12+$0xC0]  }
0x33e: {  	v8 =	vld [tilespmem:s6+$0xC0]  }
0x33f: {  	v12 =	vld [tilespmem:s12+$0xFFFFFFD0];
	v4 =	vmax.f32 v4, $0.0e+00;
	v2 =	vadd.f32 v10, v2  }
0x340: {  	v5 =	vld [tilespmem:s12+$0xFFFFFFC0];
	[tilespmem:s12+$0xFFFFFFB0] =	vst v4;
	v6 =	vadd.f32 v6, v7  }
0x341: {  	v7 =	vld [tilespmem:s6+$0xFFFFFFC0];
	v2 =	vmax.f32 v2, $0.0e+00  }
0x342: {  	v3 =	vld [tilespmem:s12+$0x40];
	[tilespmem:s12+$0x30] =	vst v2;
	v2 =	vmax.f32 v6, $0.0e+00  }
0x343: {  	v1 =	vadd.f32 v1, v8;
	v6 =	vld [tilespmem:s6+$0x40];
	[tilespmem:s12+$0xFFFFFF30] =	vst v2  }
0x344: {  	v2 =	vld [tilespmem:s6+$0xFFFFFF40]  }
0x345: {  	v9 =	vld [tilespmem:s12+$0xFFFFFF50];
	v1 =	vmax.f32 v1, $0.0e+00  }
0x346: {  	[tilespmem:s12+$0xC0] =	vst v1;
	v1 =	vadd.f32 v5, v7;
	v7 =	vld [tilespmem:s12+$0xD0]  }
0x347: {  	v8 =	vld [tilespmem:s6+$0xD0]  }
0x348: {  	v4 =	vld [tilespmem:s12+$0xFFFFFF60];
	v1 =	vmax.f32 v1, $0.0e+00;
	v3 =	vadd.f32 v3, v6  }
0x349: {  	v10 =	vld [tilespmem:s12+$0x50];
	[tilespmem:s12+$0xFFFFFFC0] =	vst v1;
	v1 =	vadd.f32 v11, v2  }
0x34a: {  	v2 =	vld [tilespmem:s6+$0xFFFFFFD0];
	v3 =	vmax.f32 v3, $0.0e+00  }
0x34b: {  	v5 =	vld [tilespmem:s12+$0xFFFFFFE0];
	[tilespmem:s12+$0x40] =	vst v3;
	v1 =	vmax.f32 v1, $0.0e+00  }
0x34c: {  	v3 =	vld [tilespmem:s6+$0x50];
	v7 =	vadd.f32 v7, v8;
	[tilespmem:s12+$0xFFFFFF40] =	vst v1  }
0x34d: {  	v1 =	vld [tilespmem:s6+$0xFFFFFF50]  }
0x34e: {  	v6 =	vld [tilespmem:s12+$0x60];
	v7 =	vmax.f32 v7, $0.0e+00  }
0x34f: {  	v2 =	vadd.f32 v12, v2;
	[tilespmem:s12+$0xD0] =	vst v7;
	v7 =	vld [tilespmem:s12+$0xE0]  }
0x350: {  	v11 =	vld [tilespmem:s6+$0xE0]  }
0x351: {  	v2 =	vmax.f32 v2, $0.0e+00;
	v8 =	vadd.f32 v10, v3;
	v3 =	vld [tilespmem:s12+$0xFFFFFF70]  }
0x352: {  	[tilespmem:s12+$0xFFFFFFD0] =	vst v2;
	v1 =	vadd.f32 v9, v1;
	v2 =	vld [tilespmem:s12+$0xFFFFFFF0]  }
0x353: {  	v9 =	vmax.f32 v8, $0.0e+00;
	v8 =	vld [tilespmem:s6+$0xFFFFFFE0]  }
0x354: {  	[tilespmem:s12+$0x50] =	vst v9;
	v9 =	vmax.f32 v1, $0.0e+00;
	v1 =	vld [tilespmem:s12+$0x70]  }
0x355: {  	[tilespmem:s12+$0xFFFFFF50] =	vst v9;
	v9 =	vld [tilespmem:s6+$0x60];
	v7 =	vadd.f32 v7, v11  }
0x356: {  	v10 =	vld [tilespmem:s6+$0xFFFFFF60]  }
0x357: {  	s14 =	simm.s32 $0x0;
	s16 =	simm.s32 $0x1A700;
	s13 =	simm.s32 $0x16900;
	v11 =	vmax.f32 v7, $0.0e+00;
	v7 =	vld [tilespmem:s12+$0xF0]  }
.LBB2_14:
0x358: {  	v12 =	vld [tilespmem:s16+$0x80];
	v5 =	vadd.f32 v5, v8;
	[tilespmem:s12+$0xE0] =	vst v11  }
0x359: {  	s12 =	sadd.s32 $0x200, s12;
	v8 =	vld [tilespmem:s6+$0xF0]  }
0x35a: {  	s14 =	sadd.s32 $0x4, s14;
	v11 =	vld [tilespmem:s12+$0x80];
	v5 =	vmax.f32 v5, $0.0e+00;
	v6 =	vadd.f32 v6, v9  }
0x35b: {  	p0 =	slt.u32 s14, $0x24;
	v9 =	vld [tilespmem:s12+$0xFFFFFF00];
	v4 =	vadd.f32 v4, v10;
	[tilespmem:s13+$0xFFFFFFE0] =	vst v5  }
0x35c: {  	v5 =	vld [tilespmem:s16+$0xFFFFFF80];
	v6 =	vmax.f32 v6, $0.0e+00  }
0x35d: {  	v10 =	vld [tilespmem:s12+$0xFFFFFF80];
	v4 =	vmax.f32 v4, $0.0e+00;
	[tilespmem:s13+$0x60] =	vst v6  }
0x35e: {  	v6 =	vld [tilespmem:s16+$0x0];
	[tilespmem:s13+$0xFFFFFF60] =	vst v4;
	v4 =	vadd.f32 v7, v8  }
0x35f: {  	v7 =	vld [tilespmem:s12+$0x0];
	v8 =	vadd.f32 v11, v12  }
0x360: {  	v11 =	vld [tilespmem:s16+$0xFFFFFF00];
	v4 =	vmax.f32 v4, $0.0e+00  }
0x361: {  	v12 =	vld [tilespmem:s12+$0xFFFFFF10];
	v8 =	vmax.f32 v8, $0.0e+00;
	[tilespmem:s13+$0xF0] =	vst v4  }
0x362: {  	v4 =	vadd.f32 v10, v5;
	[tilespmem:s12+$0x80] =	vst v8;
	v5 =	vld [tilespmem:s12+$0x90]  }
0x363: {  	v8 =	vld [tilespmem:s16+$0x90]  }
0x364: {  	v4 =	vmax.f32 v4, $0.0e+00;
	v10 =	vld [tilespmem:s12+$0xFFFFFF90];
	v6 =	vadd.f32 v7, v6  }
0x365: {  	v7 =	vadd.f32 v9, v11;
	[tilespmem:s12+$0xFFFFFF80] =	vst v4;
	v4 =	vld [tilespmem:s12+$0x10]  }
0x366: {  	v9 =	vld [tilespmem:s16+$0xFFFFFF90];
	v6 =	vmax.f32 v6, $0.0e+00  }
0x367: {  	v7 =	vmax.f32 v7, $0.0e+00;
	v11 =	vld [tilespmem:s12+$0xFFFFFF20];
	[tilespmem:s12+$0x0] =	vst v6  }
0x368: {  	[tilespmem:s12+$0xFFFFFF00] =	vst v7;
	v6 =	vld [tilespmem:s16+$0x10];
	v5 =	vadd.f32 v5, v8  }
0x369: {  	v7 =	vld [tilespmem:s16+$0xFFFFFF10]  }
0x36a: {  	v8 =	vld [tilespmem:s12+$0xFFFFFFA0];
	v5 =	vmax.f32 v5, $0.0e+00  }
0x36b: {  	v9 =	vadd.f32 v10, v9;
	[tilespmem:s12+$0x90] =	vst v5;
	v5 =	vld [tilespmem:s12+$0xA0]  }
0x36c: {  	v10 =	vld [tilespmem:s16+$0xA0]  }
0x36d: {  	v9 =	vmax.f32 v9, $0.0e+00;
	v4 =	vadd.f32 v4, v6;
	v6 =	vld [tilespmem:s12+$0x20]  }
0x36e: {  	v7 =	vadd.f32 v12, v7;
	v12 =	vld [tilespmem:s12+$0xFFFFFF30];
	[tilespmem:s12+$0xFFFFFF90] =	vst v9  }
0x36f: {  	v9 =	vld [tilespmem:s16+$0xFFFFFFA0];
	v4 =	vmax.f32 v4, $0.0e+00  }
0x370: {  	v7 =	vmax.f32 v7, $0.0e+00;
	v13 =	vld [tilespmem:s12+$0xFFFFFFB0];
	[tilespmem:s12+$0x10] =	vst v4  }
0x371: {  	[tilespmem:s12+$0xFFFFFF10] =	vst v7;
	v4 =	vld [tilespmem:s16+$0x20];
	v5 =	vadd.f32 v5, v10  }
0x372: {  	v7 =	vld [tilespmem:s16+$0xFFFFFF20]  }
0x373: {  	v10 =	vld [tilespmem:s12+$0x30];
	v5 =	vmax.f32 v5, $0.0e+00  }
0x374: {  	v8 =	vadd.f32 v8, v9;
	[tilespmem:s12+$0xA0] =	vst v5;
	v5 =	vld [tilespmem:s12+$0xB0]  }
0x375: {  	v9 =	vld [tilespmem:s16+$0xB0]  }
0x376: {  	v14 =	vld [tilespmem:s12+$0xFFFFFF40];
	v8 =	vmax.f32 v8, $0.0e+00;
	v4 =	vadd.f32 v6, v4  }
0x377: {  	v6 =	vadd.f32 v11, v7;
	[tilespmem:s12+$0xFFFFFFA0] =	vst v8;
	v7 =	vld [tilespmem:s12+$0xFFFFFFC0]  }
0x378: {  	v8 =	vld [tilespmem:s16+$0xFFFFFFB0];
	v4 =	vmax.f32 v4, $0.0e+00  }
0x379: {  	v6 =	vmax.f32 v6, $0.0e+00;
	[tilespmem:s12+$0x20] =	vst v4;
	v11 =	vld [tilespmem:s12+$0x40]  }
0x37a: {  	[tilespmem:s12+$0xFFFFFF20] =	vst v6;
	v4 =	vld [tilespmem:s16+$0x30];
	v5 =	vadd.f32 v5, v9  }
0x37b: {  	v6 =	vld [tilespmem:s16+$0xFFFFFF30]  }
0x37c: {  	v9 =	vld [tilespmem:s12+$0xFFFFFF50];
	v5 =	vmax.f32 v5, $0.0e+00  }
0x37d: {  	v8 =	vadd.f32 v13, v8;
	[tilespmem:s12+$0xB0] =	vst v5;
	v5 =	vld [tilespmem:s12+$0xC0]  }
0x37e: {  	v13 =	vld [tilespmem:s16+$0xC0]  }
0x37f: {  	v8 =	vmax.f32 v8, $0.0e+00;
	v15 =	vld [tilespmem:s12+$0xFFFFFFD0];
	v4 =	vadd.f32 v10, v4  }
0x380: {  	v6 =	vadd.f32 v12, v6;
	[tilespmem:s12+$0xFFFFFFB0] =	vst v8;
	v8 =	vld [tilespmem:s12+$0x50]  }
0x381: {  	v10 =	vld [tilespmem:s16+$0xFFFFFFC0];
	v12 =	vmax.f32 v4, $0.0e+00  }
0x382: {  	v6 =	vmax.f32 v6, $0.0e+00;
	v4 =	vld [tilespmem:s12+$0xFFFFFF60];
	[tilespmem:s12+$0x30] =	vst v12  }
0x383: {  	[tilespmem:s12+$0xFFFFFF30] =	vst v6;
	v6 =	vld [tilespmem:s16+$0x40];
	v12 =	vadd.f32 v5, v13  }
0x384: {  	v13 =	vld [tilespmem:s16+$0xFFFFFF40]  }
0x385: {  	v5 =	vld [tilespmem:s12+$0xFFFFFFE0];
	v12 =	vmax.f32 v12, $0.0e+00  }
0x386: {  	v7 =	vadd.f32 v7, v10;
	[tilespmem:s12+$0xC0] =	vst v12;
	v10 =	vld [tilespmem:s12+$0xD0]  }
0x387: {  	v12 =	vld [tilespmem:s16+$0xD0]  }
0x388: {  	v7 =	vmax.f32 v7, $0.0e+00;
	v11 =	vadd.f32 v11, v6;
	v6 =	vld [tilespmem:s12+$0x60]  }
0x389: {  	v13 =	vadd.f32 v14, v13;
	[tilespmem:s12+$0xFFFFFFC0] =	vst v7;
	v7 =	vld [tilespmem:s6+$0xFFFFFF70]  }
0x38a: {  	v14 =	vld [tilespmem:s16+$0xFFFFFFD0];
	v11 =	vmax.f32 v11, $0.0e+00  }
0x38b: {  	v13 =	vmax.f32 v13, $0.0e+00;
	[tilespmem:s12+$0x40] =	vst v11;
	v11 =	vld [tilespmem:s6+$0xFFFFFFF0]  }
0x38c: {  	[tilespmem:s12+$0xFFFFFF40] =	vst v13;
	v13 =	vld [tilespmem:s16+$0x50];
	v10 =	vadd.f32 v10, v12  }
0x38d: {  	v12 =	vld [tilespmem:s16+$0xFFFFFF50]  }
0x38e: {  	v10 =	vmax.f32 v10, $0.0e+00;
	v3 =	vadd.f32 v3, v7;
	v7 =	vld [tilespmem:s6+$0x70];
	s6 =	smov.u32 s16  }
0x38f: {  	v14 =	vadd.f32 v15, v14;
	[tilespmem:s12+$0xD0] =	vst v10;
	v10 =	vld [tilespmem:s12+$0xE0]  }
0x390: {  	v15 =	vld [tilespmem:s16+$0xE0];
	v16 =	vmax.f32 v3, $0.0e+00;
	v11 =	vadd.f32 v2, v11  }
0x391: {  	v3 =	vld [tilespmem:s12+$0xFFFFFF70];
	v2 =	vmax.f32 v14, $0.0e+00;
	v13 =	vadd.f32 v8, v13;
	[tilespmem:s13+$0xFFFFFF70] =	vst v16  }
0x392: {  	v9 =	vadd.f32 v9, v12;
	[tilespmem:s12+$0xFFFFFFD0] =	vst v2;
	v2 =	vld [tilespmem:s12+$0xFFFFFFF0];
	v11 =	vmax.f32 v11, $0.0e+00  }
.Ltmp6:
0x393: {  	v8 =	vld [tilespmem:s16+$0xFFFFFFE0];
	v12 =	vmax.f32 v13, $0.0e+00;
	[tilespmem:s13+$0xFFFFFFF0] =	vst v11;
	v7 =	vadd.f32 v1, v7;
	(pc) =	sbr.rel @p0 .LBB2_14-.Ltmp6, $4  }
0x394: {  	v9 =	vmax.f32 v9, $0.0e+00;
	[tilespmem:s12+$0x50] =	vst v12;
	v1 =	vld [tilespmem:s12+$0x70]  }
0x395: {  	[tilespmem:s12+$0xFFFFFF50] =	vst v9;
	v9 =	vld [tilespmem:s16+$0x60];
	v11 =	vadd.f32 v10, v15;
	v7 =	vmax.f32 v7, $0.0e+00  }
0x396: {  	v10 =	vld [tilespmem:s16+$0xFFFFFF60];
	[tilespmem:s13+$0x70] =	vst v7;
	s13 =	smov.u32 s12  }
0x397: {  	s16 =	sadd.s32 $0x200, s16;
	v11 =	vmax.f32 v11, $0.0e+00;
	v7 =	vld [tilespmem:s12+$0xF0]  }
0x398: {  	_ = 	snop  }
0x399: {  	v5 =	vadd.f32 v5, v8  }
0x39a: {  	v6 =	vadd.f32 v6, v9  }
0x39b: {  	[tilespmem:s12+$0xE0] =	vst v11;
	v5 =	vmax.f32 v5, $0.0e+00;
	v4 =	vadd.f32 v4, v10  }
0x39c: {  	v58 =	vld [tilespmem:s6+$0xF0];
	[tilespmem:s13+$0xFFFFFFE0] =	vst v5;
	v59 =	vmax.f32 v6, $0.0e+00  }
0x39d: {  	v61 =	vld [tilespmem:s6+$0xFFFFFFF0];
	v4 =	vmax.f32 v4, $0.0e+00;
	[tilespmem:s13+$0x60] =	vst v59  }
0x39e: {  	[tilespmem:s13+$0xFFFFFF60] =	vst v4;
	v62 =	vld [tilespmem:s6+$0x70]  }
0x39f: {  	v60 =	vld [tilespmem:s6+$0xFFFFFF70];
	_ =	sdelay $0x1  }
0x3a0: {  	v7 =	vadd.f32 v7, v58  }
0x3a1: {  	v2 =	vadd.f32 v2, v61  }
0x3a2: {  	v63 =	vmax.f32 v7, $0.0e+00;
	v1 =	vadd.f32 v1, v62  }
0x3a3: {  	[tilespmem:s13+$0xF0] =	vst v63;
	v2 =	vmax.f32 v2, $0.0e+00;
	v3 =	vadd.f32 v3, v60  }
0x3a4: {  	[tilespmem:s13+$0xFFFFFFF0] =	vst v2;
	v1 =	vmax.f32 v1, $0.0e+00  }
0x3a5: {  	v3 =	vmax.f32 v3, $0.0e+00;
	[tilespmem:s13+$0x70] =	vst v1  }
0x3a6: {  	[tilespmem:s13+$0xFFFFFF70] =	vst v3  }
0x3a7: {  	_ =	swait.ge [sflag:s3], $0x1400  }
0x3a8: {  	[sflag:s3] =	ssyncset.done $0x0  }
0x3a9: {  	[sflag:s3] =	ssyncadd.s32 $0xFFFFEC00  }
0x3aa: {  	[spmem:s2] =	stream.indirect.scatter.add.f32 [tilespmem:s20], [sflag:$0x8], $0x80, s22, s17, $0xb8;
	[tilespmem:$0x1CD80] =	vst v63  }
0x3ab: {  	_ =	swait.ge [sflag:s11], $0x1400  }
0x3ac: {  	s12 =	simm.s32 $0x0;
	s16 =	simm.s32 $0x14000;
	[sflag:s11] =	ssyncset.done $0x0  }
0x3ad: {  	s18 =	simm.s32 $0xD;
	s14 =	rddreg [dreg:$0x10];
	[sflag:s11] =	ssyncadd.s32 $0xFFFFEC00  }
0x3ae: {  	[tilespmem:s16], [sflag:$0xD] =	stream.linear.gather [hbm4b:s14+s12], $0x1388, $0x38;
	[tilespmem:$0x1CD80] =	vst v63  }
0x3af: {  	_ =	swait.ge [sflag:s18], $0x1388  }
0x3b0: {  	[sflag:s18] =	ssyncset.done $0x0  }
0x3b1: {  	s21 =	rddreg [dreg:$0x11];
	[sflag:s18] =	ssyncadd.s32 $0xFFFFEC78  }
0x3b2: {  	[tilespmem:s15], [sflag:$0x1] =	stream.linear.gather [hbm4b:s21+s12], $0x1400, $0x38;
	[tilespmem:$0x1CD80] =	vst v63  }
0x3b3: {  	s28 =	simm.s32 $0x19000  }
0x3b4: {  	[tilespmem:s28], [sflag:$0x4] =	stream.indirect.gather [hbm4b:s1+s17], $0x80, s16, s17, $0xb8;
	[tilespmem:$0x1CD80] =	vst v63  }
0x3b5: {  	s14 =	rddreg [dreg:$0x12]  }
0x3b6: {  	[tilespmem:s19], [sflag:$0xA] =	stream.linear.gather [hbm4b:s14+s12], $0x28, $0x38;
	[tilespmem:$0x1CD80] =	vst v63  }
0x3b7: {  	s16 =	rddreg [dreg:$0x13]  }
0x3b8: {  	[tilespmem:s20], [sflag:$0x2] =	stream.linear.gather [hbm4b:s16+s12], $0x1400, $0x38;
	[tilespmem:$0x1CD80] =	vst v63  }
0x3b9: {  	s18 =	simm.s32 $0x14028;
	s21 =	simm.s32 $0x1A400  }
0x3ba: {  	[tilespmem:s21], [sflag:$0x5] =	stream.indirect.gather [hbm4b:s1+s17], $0x80, s18, s17, $0xb8;
	[tilespmem:$0x1CD80] =	vst v63  }
0x3bb: {  	s28 =	rddreg [dreg:$0x14]  }
0x3bc: {  	[tilespmem:s22], [sflag:$0xB] =	stream.linear.gather [hbm4b:s28+s12], $0x28, $0x38;
	[tilespmem:$0x1CD80] =	vst v63  }
.LBB2_16:
0x3bd: {  	_ =	swait.ge [sflag:s24], $0x1400  }
0x3be: {  	[sflag:s24] =	ssyncset.done $0x0  }
0x3bf: {  	[sflag:s24] =	ssyncadd.s32 $0xFFFFEC00  }
0x3c0: {  	_ =	swait.ge [sflag:s25], $0x1400  }
0x3c1: {  	[sflag:s25] =	ssyncset.done $0x0  }
0x3c2: {  	[sflag:s25] =	ssyncadd.s32 $0xFFFFEC00  }
0x3c3: {  	_ =	swait.ge [sflag:s26], $0x28  }
0x3c4: {  	[sflag:s26] =	ssyncset.done $0x0  }
0x3c5: {  	s6 =	simm.s32 $0x19100;
	[sflag:s26] =	ssyncadd.s32 $0xFFFFFFD8  }
0x3c6: {  	s13 =	simm.s32 $0x15500;
	v1 =	vld [tilespmem:s6+$0x80]  }
0x3c7: {  	v2 =	vld [tilespmem:s13+$0x80]  }
0x3c8: {  	v3 =	vld [tilespmem:s13+$0xFFFFFF00]  }
0x3c9: {  	v4 =	vld [tilespmem:s6+$0xFFFFFF80]  }
0x3ca: {  	v5 =	vld [tilespmem:s13+$0xFFFFFF80]  }
0x3cb: {  	v6 =	vld [tilespmem:s13+$0x0]  }
0x3cc: {  	v1 =	vadd.f32 v2, v1;
	v2 =	vld [tilespmem:s6+$0x0]  }
0x3cd: {  	v7 =	vld [tilespmem:s6+$0xFFFFFF00]  }
0x3ce: {  	v1 =	vmax.f32 v1, $0.0e+00  }
0x3cf: {  	v4 =	vadd.f32 v5, v4;
	[tilespmem:s13+$0x80] =	vst v1;
	v1 =	vld [tilespmem:s13+$0x90]  }
0x3d0: {  	v8 =	vld [tilespmem:s6+$0x90]  }
0x3d1: {  	v9 =	vld [tilespmem:s13+$0xFFFFFF90];
	v4 =	vmax.f32 v4, $0.0e+00;
	v2 =	vadd.f32 v6, v2  }
0x3d2: {  	v5 =	vld [tilespmem:s13+$0xFFFFFF10];
	v3 =	vadd.f32 v3, v7;
	[tilespmem:s13+$0xFFFFFF80] =	vst v4  }
0x3d3: {  	v6 =	vld [tilespmem:s6+$0xFFFFFF90];
	v2 =	vmax.f32 v2, $0.0e+00  }
0x3d4: {  	v3 =	vmax.f32 v3, $0.0e+00;
	v4 =	vld [tilespmem:s13+$0x10];
	[tilespmem:s13+$0x0] =	vst v2  }
0x3d5: {  	[tilespmem:s13+$0xFFFFFF00] =	vst v3;
	v1 =	vadd.f32 v1, v8;
	v2 =	vld [tilespmem:s6+$0x10]  }
0x3d6: {  	v3 =	vld [tilespmem:s6+$0xFFFFFF10]  }
0x3d7: {  	v1 =	vmax.f32 v1, $0.0e+00  }
0x3d8: {  	v6 =	vadd.f32 v9, v6;
	[tilespmem:s13+$0x90] =	vst v1;
	v1 =	vld [tilespmem:s13+$0xA0]  }
0x3d9: {  	v8 =	vld [tilespmem:s6+$0xA0]  }
0x3da: {  	v7 =	vld [tilespmem:s13+$0xFFFFFF20];
	v6 =	vmax.f32 v6, $0.0e+00;
	v2 =	vadd.f32 v4, v2  }
0x3db: {  	v3 =	vadd.f32 v5, v3;
	v9 =	vld [tilespmem:s13+$0xFFFFFFA0];
	[tilespmem:s13+$0xFFFFFF90] =	vst v6  }
0x3dc: {  	v5 =	vld [tilespmem:s6+$0xFFFFFFA0];
	v2 =	vmax.f32 v2, $0.0e+00  }
0x3dd: {  	v3 =	vmax.f32 v3, $0.0e+00;
	v4 =	vld [tilespmem:s13+$0x20];
	[tilespmem:s13+$0x10] =	vst v2  }
0x3de: {  	[tilespmem:s13+$0xFFFFFF10] =	vst v3;
	v1 =	vadd.f32 v1, v8;
	v2 =	vld [tilespmem:s6+$0x20]  }
0x3df: {  	v3 =	vld [tilespmem:s6+$0xFFFFFF20]  }
0x3e0: {  	v1 =	vmax.f32 v1, $0.0e+00  }
0x3e1: {  	v5 =	vadd.f32 v9, v5;
	[tilespmem:s13+$0xA0] =	vst v1;
	v1 =	vld [tilespmem:s13+$0xB0]  }
0x3e2: {  	v8 =	vld [tilespmem:s6+$0xB0]  }
0x3e3: {  	v10 =	vld [tilespmem:s13+$0x30];
	v5 =	vmax.f32 v5, $0.0e+00;
	v2 =	vadd.f32 v4, v2  }
0x3e4: {  	v3 =	vadd.f32 v7, v3;
	v9 =	vld [tilespmem:s13+$0xFFFFFFB0];
	[tilespmem:s13+$0xFFFFFFA0] =	vst v5  }
0x3e5: {  	v4 =	vld [tilespmem:s6+$0xFFFFFFB0];
	v2 =	vmax.f32 v2, $0.0e+00  }
0x3e6: {  	v6 =	vld [tilespmem:s13+$0xFFFFFF30];
	[tilespmem:s13+$0x20] =	vst v2;
	v2 =	vmax.f32 v3, $0.0e+00  }
0x3e7: {  	v1 =	vadd.f32 v1, v8;
	[tilespmem:s13+$0xFFFFFF20] =	vst v2;
	v2 =	vld [tilespmem:s6+$0x30]  }
0x3e8: {  	v7 =	vld [tilespmem:s6+$0xFFFFFF30]  }
0x3e9: {  	v11 =	vld [tilespmem:s13+$0xFFFFFF40];
	v1 =	vmax.f32 v1, $0.0e+00  }
0x3ea: {  	v4 =	vadd.f32 v9, v4;
	[tilespmem:s13+$0xB0] =	vst v1;
	v1 =	vld [tilespmem:s13+$0xC0]  }
0x3eb: {  	v8 =	vld [tilespmem:s6+$0xC0]  }
0x3ec: {  	v12 =	vld [tilespmem:s13+$0xFFFFFFD0];
	v4 =	vmax.f32 v4, $0.0e+00;
	v2 =	vadd.f32 v10, v2  }
0x3ed: {  	v5 =	vld [tilespmem:s13+$0xFFFFFFC0];
	[tilespmem:s13+$0xFFFFFFB0] =	vst v4;
	v6 =	vadd.f32 v6, v7  }
0x3ee: {  	v7 =	vld [tilespmem:s6+$0xFFFFFFC0];
	v2 =	vmax.f32 v2, $0.0e+00  }
0x3ef: {  	v3 =	vld [tilespmem:s13+$0x40];
	[tilespmem:s13+$0x30] =	vst v2;
	v2 =	vmax.f32 v6, $0.0e+00  }
0x3f0: {  	v1 =	vadd.f32 v1, v8;
	v6 =	vld [tilespmem:s6+$0x40];
	[tilespmem:s13+$0xFFFFFF30] =	vst v2  }
0x3f1: {  	v2 =	vld [tilespmem:s6+$0xFFFFFF40]  }
0x3f2: {  	v9 =	vld [tilespmem:s13+$0xFFFFFF50];
	v1 =	vmax.f32 v1, $0.0e+00  }
0x3f3: {  	[tilespmem:s13+$0xC0] =	vst v1;
	v1 =	vadd.f32 v5, v7;
	v7 =	vld [tilespmem:s13+$0xD0]  }
0x3f4: {  	v8 =	vld [tilespmem:s6+$0xD0]  }
0x3f5: {  	v4 =	vld [tilespmem:s13+$0xFFFFFF60];
	v1 =	vmax.f32 v1, $0.0e+00;
	v3 =	vadd.f32 v3, v6  }
0x3f6: {  	v10 =	vld [tilespmem:s13+$0x50];
	[tilespmem:s13+$0xFFFFFFC0] =	vst v1;
	v1 =	vadd.f32 v11, v2  }
0x3f7: {  	v2 =	vld [tilespmem:s6+$0xFFFFFFD0];
	v3 =	vmax.f32 v3, $0.0e+00  }
0x3f8: {  	v5 =	vld [tilespmem:s13+$0xFFFFFFE0];
	[tilespmem:s13+$0x40] =	vst v3;
	v1 =	vmax.f32 v1, $0.0e+00  }
0x3f9: {  	v3 =	vld [tilespmem:s6+$0x50];
	v7 =	vadd.f32 v7, v8;
	[tilespmem:s13+$0xFFFFFF40] =	vst v1  }
0x3fa: {  	v1 =	vld [tilespmem:s6+$0xFFFFFF50]  }
0x3fb: {  	v6 =	vld [tilespmem:s13+$0x60];
	v7 =	vmax.f32 v7, $0.0e+00  }
0x3fc: {  	v2 =	vadd.f32 v12, v2;
	[tilespmem:s13+$0xD0] =	vst v7;
	v7 =	vld [tilespmem:s13+$0xE0]  }
0x3fd: {  	v11 =	vld [tilespmem:s6+$0xE0]  }
0x3fe: {  	v2 =	vmax.f32 v2, $0.0e+00;
	v8 =	vadd.f32 v10, v3;
	v3 =	vld [tilespmem:s13+$0xFFFFFF70]  }
0x3ff: {  	[tilespmem:s13+$0xFFFFFFD0] =	vst v2;
	v1 =	vadd.f32 v9, v1;
	v2 =	vld [tilespmem:s13+$0xFFFFFFF0]  }
0x400: {  	v9 =	vmax.f32 v8, $0.0e+00;
	v8 =	vld [tilespmem:s6+$0xFFFFFFE0]  }
0x401: {  	[tilespmem:s13+$0x50] =	vst v9;
	v9 =	vmax.f32 v1, $0.0e+00;
	v1 =	vld [tilespmem:s13+$0x70]  }
0x402: {  	[tilespmem:s13+$0xFFFFFF50] =	vst v9;
	v9 =	vld [tilespmem:s6+$0x60];
	v7 =	vadd.f32 v7, v11  }
0x403: {  	v10 =	vld [tilespmem:s6+$0xFFFFFF60]  }
0x404: {  	s16 =	simm.s32 $0x0;
	s18 =	simm.s32 $0x19300;
	s14 =	simm.s32 $0x15500;
	v11 =	vmax.f32 v7, $0.0e+00;
	v7 =	vld [tilespmem:s13+$0xF0]  }
.LBB2_17:
0x405: {  	v12 =	vld [tilespmem:s18+$0x80];
	v5 =	vadd.f32 v5, v8;
	[tilespmem:s13+$0xE0] =	vst v11  }
0x406: {  	s13 =	sadd.s32 $0x200, s13;
	v8 =	vld [tilespmem:s6+$0xF0]  }
0x407: {  	s16 =	sadd.s32 $0x4, s16;
	v11 =	vld [tilespmem:s13+$0x80];
	v5 =	vmax.f32 v5, $0.0e+00;
	v6 =	vadd.f32 v6, v9  }
0x408: {  	p0 =	slt.u32 s16, $0x24;
	v9 =	vld [tilespmem:s13+$0xFFFFFF00];
	v4 =	vadd.f32 v4, v10;
	[tilespmem:s14+$0xFFFFFFE0] =	vst v5  }
0x409: {  	v5 =	vld [tilespmem:s18+$0xFFFFFF80];
	v6 =	vmax.f32 v6, $0.0e+00  }
0x40a: {  	v10 =	vld [tilespmem:s13+$0xFFFFFF80];
	v4 =	vmax.f32 v4, $0.0e+00;
	[tilespmem:s14+$0x60] =	vst v6  }
0x40b: {  	v6 =	vld [tilespmem:s18+$0x0];
	[tilespmem:s14+$0xFFFFFF60] =	vst v4;
	v4 =	vadd.f32 v7, v8  }
0x40c: {  	v7 =	vld [tilespmem:s13+$0x0];
	v8 =	vadd.f32 v11, v12  }
0x40d: {  	v11 =	vld [tilespmem:s18+$0xFFFFFF00];
	v4 =	vmax.f32 v4, $0.0e+00  }
0x40e: {  	v12 =	vld [tilespmem:s13+$0xFFFFFF10];
	v8 =	vmax.f32 v8, $0.0e+00;
	[tilespmem:s14+$0xF0] =	vst v4  }
0x40f: {  	v4 =	vadd.f32 v10, v5;
	[tilespmem:s13+$0x80] =	vst v8;
	v5 =	vld [tilespmem:s13+$0x90]  }
0x410: {  	v8 =	vld [tilespmem:s18+$0x90]  }
0x411: {  	v4 =	vmax.f32 v4, $0.0e+00;
	v10 =	vld [tilespmem:s13+$0xFFFFFF90];
	v6 =	vadd.f32 v7, v6  }
0x412: {  	v7 =	vadd.f32 v9, v11;
	[tilespmem:s13+$0xFFFFFF80] =	vst v4;
	v4 =	vld [tilespmem:s13+$0x10]  }
0x413: {  	v9 =	vld [tilespmem:s18+$0xFFFFFF90];
	v6 =	vmax.f32 v6, $0.0e+00  }
0x414: {  	v7 =	vmax.f32 v7, $0.0e+00;
	v11 =	vld [tilespmem:s13+$0xFFFFFF20];
	[tilespmem:s13+$0x0] =	vst v6  }
0x415: {  	[tilespmem:s13+$0xFFFFFF00] =	vst v7;
	v6 =	vld [tilespmem:s18+$0x10];
	v5 =	vadd.f32 v5, v8  }
0x416: {  	v7 =	vld [tilespmem:s18+$0xFFFFFF10]  }
0x417: {  	v8 =	vld [tilespmem:s13+$0xFFFFFFA0];
	v5 =	vmax.f32 v5, $0.0e+00  }
0x418: {  	v9 =	vadd.f32 v10, v9;
	[tilespmem:s13+$0x90] =	vst v5;
	v5 =	vld [tilespmem:s13+$0xA0]  }
0x419: {  	v10 =	vld [tilespmem:s18+$0xA0]  }
0x41a: {  	v9 =	vmax.f32 v9, $0.0e+00;
	v4 =	vadd.f32 v4, v6;
	v6 =	vld [tilespmem:s13+$0x20]  }
0x41b: {  	v7 =	vadd.f32 v12, v7;
	v12 =	vld [tilespmem:s13+$0xFFFFFF30];
	[tilespmem:s13+$0xFFFFFF90] =	vst v9  }
0x41c: {  	v9 =	vld [tilespmem:s18+$0xFFFFFFA0];
	v4 =	vmax.f32 v4, $0.0e+00  }
0x41d: {  	v7 =	vmax.f32 v7, $0.0e+00;
	v13 =	vld [tilespmem:s13+$0xFFFFFFB0];
	[tilespmem:s13+$0x10] =	vst v4  }
0x41e: {  	[tilespmem:s13+$0xFFFFFF10] =	vst v7;
	v4 =	vld [tilespmem:s18+$0x20];
	v5 =	vadd.f32 v5, v10  }
0x41f: {  	v7 =	vld [tilespmem:s18+$0xFFFFFF20]  }
0x420: {  	v10 =	vld [tilespmem:s13+$0x30];
	v5 =	vmax.f32 v5, $0.0e+00  }
0x421: {  	v8 =	vadd.f32 v8, v9;
	[tilespmem:s13+$0xA0] =	vst v5;
	v5 =	vld [tilespmem:s13+$0xB0]  }
0x422: {  	v9 =	vld [tilespmem:s18+$0xB0]  }
0x423: {  	v14 =	vld [tilespmem:s13+$0xFFFFFF40];
	v8 =	vmax.f32 v8, $0.0e+00;
	v4 =	vadd.f32 v6, v4  }
0x424: {  	v6 =	vadd.f32 v11, v7;
	[tilespmem:s13+$0xFFFFFFA0] =	vst v8;
	v7 =	vld [tilespmem:s13+$0xFFFFFFC0]  }
0x425: {  	v8 =	vld [tilespmem:s18+$0xFFFFFFB0];
	v4 =	vmax.f32 v4, $0.0e+00  }
0x426: {  	v6 =	vmax.f32 v6, $0.0e+00;
	[tilespmem:s13+$0x20] =	vst v4;
	v11 =	vld [tilespmem:s13+$0x40]  }
0x427: {  	[tilespmem:s13+$0xFFFFFF20] =	vst v6;
	v4 =	vld [tilespmem:s18+$0x30];
	v5 =	vadd.f32 v5, v9  }
0x428: {  	v6 =	vld [tilespmem:s18+$0xFFFFFF30]  }
0x429: {  	v9 =	vld [tilespmem:s13+$0xFFFFFF50];
	v5 =	vmax.f32 v5, $0.0e+00  }
0x42a: {  	v8 =	vadd.f32 v13, v8;
	[tilespmem:s13+$0xB0] =	vst v5;
	v5 =	vld [tilespmem:s13+$0xC0]  }
0x42b: {  	v13 =	vld [tilespmem:s18+$0xC0]  }
0x42c: {  	v8 =	vmax.f32 v8, $0.0e+00;
	v15 =	vld [tilespmem:s13+$0xFFFFFFD0];
	v4 =	vadd.f32 v10, v4  }
0x42d: {  	v6 =	vadd.f32 v12, v6;
	[tilespmem:s13+$0xFFFFFFB0] =	vst v8;
	v8 =	vld [tilespmem:s13+$0x50]  }
0x42e: {  	v10 =	vld [tilespmem:s18+$0xFFFFFFC0];
	v12 =	vmax.f32 v4, $0.0e+00  }
0x42f: {  	v6 =	vmax.f32 v6, $0.0e+00;
	v4 =	vld [tilespmem:s13+$0xFFFFFF60];
	[tilespmem:s13+$0x30] =	vst v12  }
0x430: {  	[tilespmem:s13+$0xFFFFFF30] =	vst v6;
	v6 =	vld [tilespmem:s18+$0x40];
	v12 =	vadd.f32 v5, v13  }
0x431: {  	v13 =	vld [tilespmem:s18+$0xFFFFFF40]  }
0x432: {  	v5 =	vld [tilespmem:s13+$0xFFFFFFE0];
	v12 =	vmax.f32 v12, $0.0e+00  }
0x433: {  	v7 =	vadd.f32 v7, v10;
	[tilespmem:s13+$0xC0] =	vst v12;
	v10 =	vld [tilespmem:s13+$0xD0]  }
0x434: {  	v12 =	vld [tilespmem:s18+$0xD0]  }
0x435: {  	v7 =	vmax.f32 v7, $0.0e+00;
	v11 =	vadd.f32 v11, v6;
	v6 =	vld [tilespmem:s13+$0x60]  }
0x436: {  	v13 =	vadd.f32 v14, v13;
	[tilespmem:s13+$0xFFFFFFC0] =	vst v7;
	v7 =	vld [tilespmem:s6+$0xFFFFFF70]  }
0x437: {  	v14 =	vld [tilespmem:s18+$0xFFFFFFD0];
	v11 =	vmax.f32 v11, $0.0e+00  }
0x438: {  	v13 =	vmax.f32 v13, $0.0e+00;
	[tilespmem:s13+$0x40] =	vst v11;
	v11 =	vld [tilespmem:s6+$0xFFFFFFF0]  }
0x439: {  	[tilespmem:s13+$0xFFFFFF40] =	vst v13;
	v13 =	vld [tilespmem:s18+$0x50];
	v10 =	vadd.f32 v10, v12  }
0x43a: {  	v12 =	vld [tilespmem:s18+$0xFFFFFF50]  }
0x43b: {  	v10 =	vmax.f32 v10, $0.0e+00;
	v3 =	vadd.f32 v3, v7;
	v7 =	vld [tilespmem:s6+$0x70];
	s6 =	smov.u32 s18  }
0x43c: {  	v14 =	vadd.f32 v15, v14;
	[tilespmem:s13+$0xD0] =	vst v10;
	v10 =	vld [tilespmem:s13+$0xE0]  }
0x43d: {  	v15 =	vld [tilespmem:s18+$0xE0];
	v16 =	vmax.f32 v3, $0.0e+00;
	v11 =	vadd.f32 v2, v11  }
0x43e: {  	v3 =	vld [tilespmem:s13+$0xFFFFFF70];
	v2 =	vmax.f32 v14, $0.0e+00;
	v13 =	vadd.f32 v8, v13;
	[tilespmem:s14+$0xFFFFFF70] =	vst v16  }
0x43f: {  	v9 =	vadd.f32 v9, v12;
	[tilespmem:s13+$0xFFFFFFD0] =	vst v2;
	v2 =	vld [tilespmem:s13+$0xFFFFFFF0];
	v11 =	vmax.f32 v11, $0.0e+00  }
.Ltmp7:
0x440: {  	v8 =	vld [tilespmem:s18+$0xFFFFFFE0];
	v12 =	vmax.f32 v13, $0.0e+00;
	[tilespmem:s14+$0xFFFFFFF0] =	vst v11;
	v7 =	vadd.f32 v1, v7;
	(pc) =	sbr.rel @p0 .LBB2_17-.Ltmp7, $4  }
0x441: {  	v9 =	vmax.f32 v9, $0.0e+00;
	[tilespmem:s13+$0x50] =	vst v12;
	v1 =	vld [tilespmem:s13+$0x70]  }
0x442: {  	[tilespmem:s13+$0xFFFFFF50] =	vst v9;
	v9 =	vld [tilespmem:s18+$0x60];
	v11 =	vadd.f32 v10, v15;
	v7 =	vmax.f32 v7, $0.0e+00  }
0x443: {  	v10 =	vld [tilespmem:s18+$0xFFFFFF60];
	[tilespmem:s14+$0x70] =	vst v7;
	s14 =	smov.u32 s13  }
0x444: {  	s18 =	sadd.s32 $0x200, s18;
	v11 =	vmax.f32 v11, $0.0e+00;
	v7 =	vld [tilespmem:s13+$0xF0]  }
0x445: {  	_ =	sdelay $0x2  }
0x446: {  	v4 =	vadd.f32 v4, v10  }
0x447: {  	v5 =	vadd.f32 v5, v8  }
0x448: {  	[tilespmem:s13+$0xE0] =	vst v11;
	v6 =	vadd.f32 v6, v9;
	v4 =	vmax.f32 v4, $0.0e+00  }
0x449: {  	v8 =	vld [tilespmem:s6+$0xF0];
	v5 =	vmax.f32 v5, $0.0e+00;
	[tilespmem:s14+$0xFFFFFF60] =	vst v4  }
0x44a: {  	[tilespmem:s14+$0xFFFFFFE0] =	vst v5;
	v4 =	vmax.f32 v6, $0.0e+00;
	v5 =	vld [tilespmem:s6+$0xFFFFFF70]  }
0x44b: {  	[tilespmem:s14+$0x60] =	vst v4;
	v4 =	vld [tilespmem:s6+$0xFFFFFFF0]  }
0x44c: {  	v6 =	vld [tilespmem:s6+$0x70];
	_ =	sdelay $0x1  }
0x44d: {  	v7 =	vadd.f32 v7, v8  }
0x44e: {  	v3 =	vadd.f32 v3, v5  }
0x44f: {  	v5 =	vmax.f32 v7, $0.0e+00;
	v2 =	vadd.f32 v2, v4  }
0x450: {  	[tilespmem:s14+$0xF0] =	vst v5;
	v1 =	vadd.f32 v1, v6;
	v3 =	vmax.f32 v3, $0.0e+00  }
0x451: {  	v2 =	vmax.f32 v2, $0.0e+00;
	[tilespmem:s14+$0xFFFFFF70] =	vst v3  }
0x452: {  	[tilespmem:s14+$0xFFFFFFF0] =	vst v2;
	v1 =	vmax.f32 v1, $0.0e+00  }
0x453: {  	s13 =	smul.u32 $0x78, s12;
	[tilespmem:s14+$0x70] =	vst v1  }
0x454: {  	p0 =	seq.s32 s12, $0x0;
	s14 =	rddreg [dreg:$0xd]  }
0x455: {  	s6 =	simm.s32 @!p0 $0x9;
	s14 =	sadd.s32 s14, s13  }
0x456: {  	_ =	swait.ge @!p0 [sflag:s6], $0x1400;
	s16 =	sadd.s32 $0x50, s14  }
0x457: {  	[sflag:s6] =	ssyncset.done @!p0 $0x0;
	s18 =	sshll.u32 s16, $0x4  }
0x458: {  	[sflag:s6] =	ssyncadd.s32 @!p0 $0xFFFFEC00;
	s21 =	sadd.s32 s5, s18  }
0x459: {  	[tilespmem:s23], [sflag:$0x3] =	stream.linear.gather [hbm4b:s21+s4], $0x1400, $0x38;
	[tilespmem:$0x1CD80] =	vst v63  }
0x45a: {  	s18 =	sadd.s32 $0x14050, s13;
	s21 =	simm.s32 $0x1B800  }
0x45b: {  	[tilespmem:s21], [sflag:$0x6] =	stream.indirect.gather [hbm4b:s1+s17], $0x80, s18, s17, $0xb8;
	[tilespmem:$0x1CD80] =	vst v63  }
0x45c: {  	s21 =	sshrl.u32 s16, $0x3  }
0x45d: {  	s6 =	sadd.s32 s7, s21  }
0x45e: {  	[tilespmem:s29], [sflag:$0xC] =	stream.linear.gather [hbm4b:s6+s4], $0x28, $0x38;
	[tilespmem:$0x1CD80] =	vst v63  }
0x45f: {  	_ = 	snop  }
0x460: {  	[spmem:s2] =	stream.indirect.scatter.add.f32 [tilespmem:s15], [sflag:$0x7], $0x80, s19, s17, $0xb8;
	[tilespmem:$0x1CD80] =	vst v63  }
0x461: {  	_ =	swait.ge [sflag:s30], $0x1400  }
0x462: {  	[sflag:s30] =	ssyncset.done $0x0  }
0x463: {  	[sflag:s30] =	ssyncadd.s32 $0xFFFFEC00  }
0x464: {  	_ =	swait.ge [sflag:s31], $0x1400  }
0x465: {  	[sflag:s31] =	ssyncset.done $0x0  }
0x466: {  	[sflag:s31] =	ssyncadd.s32 $0xFFFFEC00  }
0x467: {  	_ =	swait.ge [sflag:s0], $0x28  }
0x468: {  	[sflag:s0] =	ssyncset.done $0x0  }
0x469: {  	s6 =	simm.s32 $0x1A500;
	[sflag:s0] =	ssyncadd.s32 $0xFFFFFFD8  }
0x46a: {  	s16 =	simm.s32 $0x16900;
	v1 =	vld [tilespmem:s6+$0x80]  }
0x46b: {  	v2 =	vld [tilespmem:s16+$0x80]  }
0x46c: {  	v3 =	vld [tilespmem:s16+$0xFFFFFF00]  }
0x46d: {  	v4 =	vld [tilespmem:s6+$0xFFFFFF80]  }
0x46e: {  	v5 =	vld [tilespmem:s16+$0xFFFFFF80]  }
0x46f: {  	v6 =	vld [tilespmem:s16+$0x0]  }
0x470: {  	v1 =	vadd.f32 v2, v1;
	v2 =	vld [tilespmem:s6+$0x0]  }
0x471: {  	v7 =	vld [tilespmem:s6+$0xFFFFFF00]  }
0x472: {  	v1 =	vmax.f32 v1, $0.0e+00  }
0x473: {  	v4 =	vadd.f32 v5, v4;
	[tilespmem:s16+$0x80] =	vst v1;
	v1 =	vld [tilespmem:s16+$0x90]  }
0x474: {  	v8 =	vld [tilespmem:s6+$0x90]  }
0x475: {  	v9 =	vld [tilespmem:s16+$0xFFFFFF90];
	v4 =	vmax.f32 v4, $0.0e+00;
	v2 =	vadd.f32 v6, v2  }
0x476: {  	v5 =	vld [tilespmem:s16+$0xFFFFFF10];
	v3 =	vadd.f32 v3, v7;
	[tilespmem:s16+$0xFFFFFF80] =	vst v4  }
0x477: {  	v6 =	vld [tilespmem:s6+$0xFFFFFF90];
	v2 =	vmax.f32 v2, $0.0e+00  }
0x478: {  	v3 =	vmax.f32 v3, $0.0e+00;
	v4 =	vld [tilespmem:s16+$0x10];
	[tilespmem:s16+$0x0] =	vst v2  }
0x479: {  	[tilespmem:s16+$0xFFFFFF00] =	vst v3;
	v1 =	vadd.f32 v1, v8;
	v2 =	vld [tilespmem:s6+$0x10]  }
0x47a: {  	v3 =	vld [tilespmem:s6+$0xFFFFFF10]  }
0x47b: {  	v1 =	vmax.f32 v1, $0.0e+00  }
0x47c: {  	v6 =	vadd.f32 v9, v6;
	[tilespmem:s16+$0x90] =	vst v1;
	v1 =	vld [tilespmem:s16+$0xA0]  }
0x47d: {  	v8 =	vld [tilespmem:s6+$0xA0]  }
0x47e: {  	v7 =	vld [tilespmem:s16+$0xFFFFFF20];
	v6 =	vmax.f32 v6, $0.0e+00;
	v2 =	vadd.f32 v4, v2  }
0x47f: {  	v3 =	vadd.f32 v5, v3;
	v9 =	vld [tilespmem:s16+$0xFFFFFFA0];
	[tilespmem:s16+$0xFFFFFF90] =	vst v6  }
0x480: {  	v5 =	vld [tilespmem:s6+$0xFFFFFFA0];
	v2 =	vmax.f32 v2, $0.0e+00  }
0x481: {  	v3 =	vmax.f32 v3, $0.0e+00;
	v4 =	vld [tilespmem:s16+$0x20];
	[tilespmem:s16+$0x10] =	vst v2  }
0x482: {  	[tilespmem:s16+$0xFFFFFF10] =	vst v3;
	v1 =	vadd.f32 v1, v8;
	v2 =	vld [tilespmem:s6+$0x20]  }
0x483: {  	v3 =	vld [tilespmem:s6+$0xFFFFFF20]  }
0x484: {  	v1 =	vmax.f32 v1, $0.0e+00  }
0x485: {  	v5 =	vadd.f32 v9, v5;
	[tilespmem:s16+$0xA0] =	vst v1;
	v1 =	vld [tilespmem:s16+$0xB0]  }
0x486: {  	v8 =	vld [tilespmem:s6+$0xB0]  }
0x487: {  	v10 =	vld [tilespmem:s16+$0x30];
	v5 =	vmax.f32 v5, $0.0e+00;
	v2 =	vadd.f32 v4, v2  }
0x488: {  	v3 =	vadd.f32 v7, v3;
	v9 =	vld [tilespmem:s16+$0xFFFFFFB0];
	[tilespmem:s16+$0xFFFFFFA0] =	vst v5  }
0x489: {  	v4 =	vld [tilespmem:s6+$0xFFFFFFB0];
	v2 =	vmax.f32 v2, $0.0e+00  }
0x48a: {  	v6 =	vld [tilespmem:s16+$0xFFFFFF30];
	[tilespmem:s16+$0x20] =	vst v2;
	v2 =	vmax.f32 v3, $0.0e+00  }
0x48b: {  	v1 =	vadd.f32 v1, v8;
	[tilespmem:s16+$0xFFFFFF20] =	vst v2;
	v2 =	vld [tilespmem:s6+$0x30]  }
0x48c: {  	v7 =	vld [tilespmem:s6+$0xFFFFFF30]  }
0x48d: {  	v11 =	vld [tilespmem:s16+$0xFFFFFF40];
	v1 =	vmax.f32 v1, $0.0e+00  }
0x48e: {  	v4 =	vadd.f32 v9, v4;
	[tilespmem:s16+$0xB0] =	vst v1;
	v1 =	vld [tilespmem:s16+$0xC0]  }
0x48f: {  	v8 =	vld [tilespmem:s6+$0xC0]  }
0x490: {  	v12 =	vld [tilespmem:s16+$0xFFFFFFD0];
	v4 =	vmax.f32 v4, $0.0e+00;
	v2 =	vadd.f32 v10, v2  }
0x491: {  	v5 =	vld [tilespmem:s16+$0xFFFFFFC0];
	[tilespmem:s16+$0xFFFFFFB0] =	vst v4;
	v6 =	vadd.f32 v6, v7  }
0x492: {  	v7 =	vld [tilespmem:s6+$0xFFFFFFC0];
	v2 =	vmax.f32 v2, $0.0e+00  }
0x493: {  	v3 =	vld [tilespmem:s16+$0x40];
	[tilespmem:s16+$0x30] =	vst v2;
	v2 =	vmax.f32 v6, $0.0e+00  }
0x494: {  	v1 =	vadd.f32 v1, v8;
	v6 =	vld [tilespmem:s6+$0x40];
	[tilespmem:s16+$0xFFFFFF30] =	vst v2  }
0x495: {  	v2 =	vld [tilespmem:s6+$0xFFFFFF40]  }
0x496: {  	v9 =	vld [tilespmem:s16+$0xFFFFFF50];
	v1 =	vmax.f32 v1, $0.0e+00  }
0x497: {  	[tilespmem:s16+$0xC0] =	vst v1;
	v1 =	vadd.f32 v5, v7;
	v7 =	vld [tilespmem:s16+$0xD0]  }
0x498: {  	v8 =	vld [tilespmem:s6+$0xD0]  }
0x499: {  	v4 =	vld [tilespmem:s16+$0xFFFFFF60];
	v1 =	vmax.f32 v1, $0.0e+00;
	v3 =	vadd.f32 v3, v6  }
0x49a: {  	v10 =	vld [tilespmem:s16+$0x50];
	[tilespmem:s16+$0xFFFFFFC0] =	vst v1;
	v1 =	vadd.f32 v11, v2  }
0x49b: {  	v2 =	vld [tilespmem:s6+$0xFFFFFFD0];
	v3 =	vmax.f32 v3, $0.0e+00  }
0x49c: {  	v5 =	vld [tilespmem:s16+$0xFFFFFFE0];
	[tilespmem:s16+$0x40] =	vst v3;
	v1 =	vmax.f32 v1, $0.0e+00  }
0x49d: {  	v3 =	vld [tilespmem:s6+$0x50];
	v7 =	vadd.f32 v7, v8;
	[tilespmem:s16+$0xFFFFFF40] =	vst v1  }
0x49e: {  	v1 =	vld [tilespmem:s6+$0xFFFFFF50]  }
0x49f: {  	v6 =	vld [tilespmem:s16+$0x60];
	v7 =	vmax.f32 v7, $0.0e+00  }
0x4a0: {  	v2 =	vadd.f32 v12, v2;
	[tilespmem:s16+$0xD0] =	vst v7;
	v7 =	vld [tilespmem:s16+$0xE0]  }
0x4a1: {  	v11 =	vld [tilespmem:s6+$0xE0]  }
0x4a2: {  	v2 =	vmax.f32 v2, $0.0e+00;
	v8 =	vadd.f32 v10, v3;
	v3 =	vld [tilespmem:s16+$0xFFFFFF70]  }
0x4a3: {  	[tilespmem:s16+$0xFFFFFFD0] =	vst v2;
	v1 =	vadd.f32 v9, v1;
	v2 =	vld [tilespmem:s16+$0xFFFFFFF0]  }
0x4a4: {  	v9 =	vmax.f32 v8, $0.0e+00;
	v8 =	vld [tilespmem:s6+$0xFFFFFFE0]  }
0x4a5: {  	[tilespmem:s16+$0x50] =	vst v9;
	v9 =	vmax.f32 v1, $0.0e+00;
	v1 =	vld [tilespmem:s16+$0x70]  }
0x4a6: {  	[tilespmem:s16+$0xFFFFFF50] =	vst v9;
	v9 =	vld [tilespmem:s6+$0x60];
	v7 =	vadd.f32 v7, v11  }
0x4a7: {  	v10 =	vld [tilespmem:s6+$0xFFFFFF60]  }
0x4a8: {  	s28 =	simm.s32 $0x16900;
	s18 =	simm.s32 $0x0;
	s21 =	simm.s32 $0x1A700;
	v11 =	vmax.f32 v7, $0.0e+00;
	v7 =	vld [tilespmem:s16+$0xF0]  }
.LBB2_19:
0x4a9: {  	v12 =	vld [tilespmem:s21+$0x80];
	v5 =	vadd.f32 v5, v8;
	[tilespmem:s16+$0xE0] =	vst v11  }
0x4aa: {  	s16 =	sadd.s32 $0x200, s16;
	v8 =	vld [tilespmem:s6+$0xF0]  }
0x4ab: {  	s18 =	sadd.s32 $0x4, s18;
	v11 =	vld [tilespmem:s16+$0x80];
	v5 =	vmax.f32 v5, $0.0e+00;
	v6 =	vadd.f32 v6, v9  }
0x4ac: {  	p0 =	slt.u32 s18, $0x24;
	v9 =	vld [tilespmem:s16+$0xFFFFFF00];
	v4 =	vadd.f32 v4, v10;
	[tilespmem:s28+$0xFFFFFFE0] =	vst v5  }
0x4ad: {  	v5 =	vld [tilespmem:s21+$0xFFFFFF80];
	v6 =	vmax.f32 v6, $0.0e+00  }
0x4ae: {  	v10 =	vld [tilespmem:s16+$0xFFFFFF80];
	v4 =	vmax.f32 v4, $0.0e+00;
	[tilespmem:s28+$0x60] =	vst v6  }
0x4af: {  	v6 =	vld [tilespmem:s21+$0x0];
	[tilespmem:s28+$0xFFFFFF60] =	vst v4;
	v4 =	vadd.f32 v7, v8  }
0x4b0: {  	v7 =	vld [tilespmem:s16+$0x0];
	v8 =	vadd.f32 v11, v12  }
0x4b1: {  	v11 =	vld [tilespmem:s21+$0xFFFFFF00];
	v4 =	vmax.f32 v4, $0.0e+00  }
0x4b2: {  	v12 =	vld [tilespmem:s16+$0xFFFFFF10];
	v8 =	vmax.f32 v8, $0.0e+00;
	[tilespmem:s28+$0xF0] =	vst v4  }
0x4b3: {  	v4 =	vadd.f32 v10, v5;
	[tilespmem:s16+$0x80] =	vst v8;
	v5 =	vld [tilespmem:s16+$0x90]  }
0x4b4: {  	v8 =	vld [tilespmem:s21+$0x90]  }
0x4b5: {  	v4 =	vmax.f32 v4, $0.0e+00;
	v10 =	vld [tilespmem:s16+$0xFFFFFF90];
	v6 =	vadd.f32 v7, v6  }
0x4b6: {  	v7 =	vadd.f32 v9, v11;
	[tilespmem:s16+$0xFFFFFF80] =	vst v4;
	v4 =	vld [tilespmem:s16+$0x10]  }
0x4b7: {  	v9 =	vld [tilespmem:s21+$0xFFFFFF90];
	v6 =	vmax.f32 v6, $0.0e+00  }
0x4b8: {  	v7 =	vmax.f32 v7, $0.0e+00;
	v11 =	vld [tilespmem:s16+$0xFFFFFF20];
	[tilespmem:s16+$0x0] =	vst v6  }
0x4b9: {  	[tilespmem:s16+$0xFFFFFF00] =	vst v7;
	v6 =	vld [tilespmem:s21+$0x10];
	v5 =	vadd.f32 v5, v8  }
0x4ba: {  	v7 =	vld [tilespmem:s21+$0xFFFFFF10]  }
0x4bb: {  	v8 =	vld [tilespmem:s16+$0xFFFFFFA0];
	v5 =	vmax.f32 v5, $0.0e+00  }
0x4bc: {  	v9 =	vadd.f32 v10, v9;
	[tilespmem:s16+$0x90] =	vst v5;
	v5 =	vld [tilespmem:s16+$0xA0]  }
0x4bd: {  	v10 =	vld [tilespmem:s21+$0xA0]  }
0x4be: {  	v9 =	vmax.f32 v9, $0.0e+00;
	v4 =	vadd.f32 v4, v6;
	v6 =	vld [tilespmem:s16+$0x20]  }
0x4bf: {  	v7 =	vadd.f32 v12, v7;
	v12 =	vld [tilespmem:s16+$0xFFFFFF30];
	[tilespmem:s16+$0xFFFFFF90] =	vst v9  }
0x4c0: {  	v9 =	vld [tilespmem:s21+$0xFFFFFFA0];
	v4 =	vmax.f32 v4, $0.0e+00  }
0x4c1: {  	v7 =	vmax.f32 v7, $0.0e+00;
	v13 =	vld [tilespmem:s16+$0xFFFFFFB0];
	[tilespmem:s16+$0x10] =	vst v4  }
0x4c2: {  	[tilespmem:s16+$0xFFFFFF10] =	vst v7;
	v4 =	vld [tilespmem:s21+$0x20];
	v5 =	vadd.f32 v5, v10  }
0x4c3: {  	v7 =	vld [tilespmem:s21+$0xFFFFFF20]  }
0x4c4: {  	v10 =	vld [tilespmem:s16+$0x30];
	v5 =	vmax.f32 v5, $0.0e+00  }
0x4c5: {  	v8 =	vadd.f32 v8, v9;
	[tilespmem:s16+$0xA0] =	vst v5;
	v5 =	vld [tilespmem:s16+$0xB0]  }
0x4c6: {  	v9 =	vld [tilespmem:s21+$0xB0]  }
0x4c7: {  	v14 =	vld [tilespmem:s16+$0xFFFFFF40];
	v8 =	vmax.f32 v8, $0.0e+00;
	v4 =	vadd.f32 v6, v4  }
0x4c8: {  	v6 =	vadd.f32 v11, v7;
	[tilespmem:s16+$0xFFFFFFA0] =	vst v8;
	v7 =	vld [tilespmem:s16+$0xFFFFFFC0]  }
0x4c9: {  	v8 =	vld [tilespmem:s21+$0xFFFFFFB0];
	v4 =	vmax.f32 v4, $0.0e+00  }
0x4ca: {  	v6 =	vmax.f32 v6, $0.0e+00;
	[tilespmem:s16+$0x20] =	vst v4;
	v11 =	vld [tilespmem:s16+$0x40]  }
0x4cb: {  	[tilespmem:s16+$0xFFFFFF20] =	vst v6;
	v4 =	vld [tilespmem:s21+$0x30];
	v5 =	vadd.f32 v5, v9  }
0x4cc: {  	v6 =	vld [tilespmem:s21+$0xFFFFFF30]  }
0x4cd: {  	v9 =	vld [tilespmem:s16+$0xFFFFFF50];
	v5 =	vmax.f32 v5, $0.0e+00  }
0x4ce: {  	v8 =	vadd.f32 v13, v8;
	[tilespmem:s16+$0xB0] =	vst v5;
	v5 =	vld [tilespmem:s16+$0xC0]  }
0x4cf: {  	v13 =	vld [tilespmem:s21+$0xC0]  }
0x4d0: {  	v8 =	vmax.f32 v8, $0.0e+00;
	v15 =	vld [tilespmem:s16+$0xFFFFFFD0];
	v4 =	vadd.f32 v10, v4  }
0x4d1: {  	v6 =	vadd.f32 v12, v6;
	[tilespmem:s16+$0xFFFFFFB0] =	vst v8;
	v8 =	vld [tilespmem:s16+$0x50]  }
0x4d2: {  	v10 =	vld [tilespmem:s21+$0xFFFFFFC0];
	v12 =	vmax.f32 v4, $0.0e+00  }
0x4d3: {  	v6 =	vmax.f32 v6, $0.0e+00;
	v4 =	vld [tilespmem:s16+$0xFFFFFF60];
	[tilespmem:s16+$0x30] =	vst v12  }
0x4d4: {  	[tilespmem:s16+$0xFFFFFF30] =	vst v6;
	v6 =	vld [tilespmem:s21+$0x40];
	v12 =	vadd.f32 v5, v13  }
0x4d5: {  	v13 =	vld [tilespmem:s21+$0xFFFFFF40]  }
0x4d6: {  	v5 =	vld [tilespmem:s16+$0xFFFFFFE0];
	v12 =	vmax.f32 v12, $0.0e+00  }
0x4d7: {  	v7 =	vadd.f32 v7, v10;
	[tilespmem:s16+$0xC0] =	vst v12;
	v10 =	vld [tilespmem:s16+$0xD0]  }
0x4d8: {  	v12 =	vld [tilespmem:s21+$0xD0]  }
0x4d9: {  	v7 =	vmax.f32 v7, $0.0e+00;
	v11 =	vadd.f32 v11, v6;
	v6 =	vld [tilespmem:s16+$0x60]  }
0x4da: {  	v13 =	vadd.f32 v14, v13;
	[tilespmem:s16+$0xFFFFFFC0] =	vst v7;
	v7 =	vld [tilespmem:s6+$0xFFFFFF70]  }
0x4db: {  	v14 =	vld [tilespmem:s21+$0xFFFFFFD0];
	v11 =	vmax.f32 v11, $0.0e+00  }
0x4dc: {  	v13 =	vmax.f32 v13, $0.0e+00;
	[tilespmem:s16+$0x40] =	vst v11;
	v11 =	vld [tilespmem:s6+$0xFFFFFFF0]  }
0x4dd: {  	[tilespmem:s16+$0xFFFFFF40] =	vst v13;
	v13 =	vld [tilespmem:s21+$0x50];
	v10 =	vadd.f32 v10, v12  }
0x4de: {  	v12 =	vld [tilespmem:s21+$0xFFFFFF50]  }
0x4df: {  	v10 =	vmax.f32 v10, $0.0e+00;
	v3 =	vadd.f32 v3, v7;
	v7 =	vld [tilespmem:s6+$0x70];
	s6 =	smov.u32 s21  }
0x4e0: {  	v14 =	vadd.f32 v15, v14;
	[tilespmem:s16+$0xD0] =	vst v10;
	v10 =	vld [tilespmem:s16+$0xE0]  }
0x4e1: {  	v15 =	vld [tilespmem:s21+$0xE0];
	v16 =	vmax.f32 v3, $0.0e+00;
	v11 =	vadd.f32 v2, v11  }
0x4e2: {  	v3 =	vld [tilespmem:s16+$0xFFFFFF70];
	v2 =	vmax.f32 v14, $0.0e+00;
	v13 =	vadd.f32 v8, v13;
	[tilespmem:s28+$0xFFFFFF70] =	vst v16  }
0x4e3: {  	v9 =	vadd.f32 v9, v12;
	[tilespmem:s16+$0xFFFFFFD0] =	vst v2;
	v2 =	vld [tilespmem:s16+$0xFFFFFFF0];
	v11 =	vmax.f32 v11, $0.0e+00  }
.Ltmp8:
0x4e4: {  	v8 =	vld [tilespmem:s21+$0xFFFFFFE0];
	v12 =	vmax.f32 v13, $0.0e+00;
	[tilespmem:s28+$0xFFFFFFF0] =	vst v11;
	v7 =	vadd.f32 v1, v7;
	(pc) =	sbr.rel @p0 .LBB2_19-.Ltmp8, $4  }
0x4e5: {  	v9 =	vmax.f32 v9, $0.0e+00;
	[tilespmem:s16+$0x50] =	vst v12;
	v1 =	vld [tilespmem:s16+$0x70]  }
0x4e6: {  	[tilespmem:s16+$0xFFFFFF50] =	vst v9;
	v9 =	vld [tilespmem:s21+$0x60];
	v11 =	vadd.f32 v10, v15;
	v7 =	vmax.f32 v7, $0.0e+00  }
0x4e7: {  	v10 =	vld [tilespmem:s21+$0xFFFFFF60];
	[tilespmem:s28+$0x70] =	vst v7;
	s28 =	smov.u32 s16  }
0x4e8: {  	s21 =	sadd.s32 $0x200, s21;
	v11 =	vmax.f32 v11, $0.0e+00;
	v7 =	vld [tilespmem:s16+$0xF0]  }
0x4e9: {  	_ =	sdelay $0x2  }
0x4ea: {  	v4 =	vadd.f32 v4, v10  }
0x4eb: {  	v5 =	vadd.f32 v5, v8  }
0x4ec: {  	[tilespmem:s16+$0xE0] =	vst v11;
	v6 =	vadd.f32 v6, v9;
	v4 =	vmax.f32 v4, $0.0e+00  }
0x4ed: {  	v8 =	vld [tilespmem:s6+$0xF0];
	v5 =	vmax.f32 v5, $0.0e+00;
	[tilespmem:s28+$0xFFFFFF60] =	vst v4  }
0x4ee: {  	[tilespmem:s28+$0xFFFFFFE0] =	vst v5;
	v4 =	vmax.f32 v6, $0.0e+00;
	v5 =	vld [tilespmem:s6+$0xFFFFFF70]  }
0x4ef: {  	[tilespmem:s28+$0x60] =	vst v4;
	v4 =	vld [tilespmem:s6+$0xFFFFFFF0]  }
0x4f0: {  	v6 =	vld [tilespmem:s6+$0x70];
	_ =	sdelay $0x1  }
0x4f1: {  	v7 =	vadd.f32 v7, v8  }
0x4f2: {  	v3 =	vadd.f32 v3, v5  }
0x4f3: {  	v5 =	vmax.f32 v7, $0.0e+00;
	v2 =	vadd.f32 v2, v4  }
0x4f4: {  	[tilespmem:s28+$0xF0] =	vst v5;
	v1 =	vadd.f32 v1, v6;
	v3 =	vmax.f32 v3, $0.0e+00  }
0x4f5: {  	v2 =	vmax.f32 v2, $0.0e+00;
	[tilespmem:s28+$0xFFFFFF70] =	vst v3  }
0x4f6: {  	[tilespmem:s28+$0xFFFFFFF0] =	vst v2;
	v1 =	vmax.f32 v1, $0.0e+00  }
0x4f7: {  	[tilespmem:s28+$0x70] =	vst v1  }
0x4f8: {  	s6 =	sadd.s32 $0x78, s14;
	_ =	swait.ge [sflag:s3], $0x1400  }
0x4f9: {  	s18 =	sshll.u32 s6, $0x4;
	[sflag:s3] =	ssyncset.done $0x0  }
0x4fa: {  	s16 =	sadd.s32 s5, s18;
	[sflag:s3] =	ssyncadd.s32 $0xFFFFEC00  }
0x4fb: {  	[tilespmem:s15], [sflag:$0x1] =	stream.linear.gather [hbm4b:s16+s4], $0x1400, $0x38;
	[tilespmem:$0x1CD80] =	vst v63  }
0x4fc: {  	s21 =	sadd.s32 $0x14078, s13;
	s6 =	sshrl.u32 s6, $0x3;
	s18 =	simm.s32 $0x19000  }
0x4fd: {  	[tilespmem:s18], [sflag:$0x4] =	stream.indirect.gather [hbm4b:s1+s17], $0x80, s21, s17, $0xb8;
	[tilespmem:$0x1CD80] =	vst v63  }
0x4fe: {  	s6 =	sadd.s32 s7, s6  }
0x4ff: {  	[tilespmem:s19], [sflag:$0xA] =	stream.linear.gather [hbm4b:s6+s4], $0x28, $0x38;
	[tilespmem:$0x1CD80] =	vst v63  }
0x500: {  	_ = 	snop  }
0x501: {  	[spmem:s2] =	stream.indirect.scatter.add.f32 [tilespmem:s20], [sflag:$0x8], $0x80, s22, s17, $0xb8;
	[tilespmem:$0x1CD80] =	vst v63  }
0x502: {  	_ =	swait.ge [sflag:s8], $0x1400  }
0x503: {  	[sflag:s8] =	ssyncset.done $0x0  }
0x504: {  	[sflag:s8] =	ssyncadd.s32 $0xFFFFEC00  }
0x505: {  	_ =	swait.ge [sflag:s9], $0x1400  }
0x506: {  	[sflag:s9] =	ssyncset.done $0x0  }
0x507: {  	[sflag:s9] =	ssyncadd.s32 $0xFFFFEC00  }
0x508: {  	_ =	swait.ge [sflag:s10], $0x28  }
0x509: {  	[sflag:s10] =	ssyncset.done $0x0  }
0x50a: {  	s6 =	simm.s32 $0x1B900;
	[sflag:s10] =	ssyncadd.s32 $0xFFFFFFD8  }
0x50b: {  	s16 =	simm.s32 $0x17D00;
	v1 =	vld [tilespmem:s6+$0x80]  }
0x50c: {  	v2 =	vld [tilespmem:s16+$0x80]  }
0x50d: {  	v3 =	vld [tilespmem:s16+$0xFFFFFF00]  }
0x50e: {  	v4 =	vld [tilespmem:s6+$0xFFFFFF80]  }
0x50f: {  	v5 =	vld [tilespmem:s16+$0xFFFFFF80]  }
0x510: {  	v6 =	vld [tilespmem:s16+$0x0]  }
0x511: {  	v1 =	vadd.f32 v2, v1;
	v2 =	vld [tilespmem:s6+$0x0]  }
0x512: {  	v7 =	vld [tilespmem:s6+$0xFFFFFF00]  }
0x513: {  	v1 =	vmax.f32 v1, $0.0e+00  }
0x514: {  	v4 =	vadd.f32 v5, v4;
	[tilespmem:s16+$0x80] =	vst v1;
	v1 =	vld [tilespmem:s16+$0x90]  }
0x515: {  	v8 =	vld [tilespmem:s6+$0x90]  }
0x516: {  	v9 =	vld [tilespmem:s16+$0xFFFFFF90];
	v4 =	vmax.f32 v4, $0.0e+00;
	v2 =	vadd.f32 v6, v2  }
0x517: {  	v5 =	vld [tilespmem:s16+$0xFFFFFF10];
	v3 =	vadd.f32 v3, v7;
	[tilespmem:s16+$0xFFFFFF80] =	vst v4  }
0x518: {  	v6 =	vld [tilespmem:s6+$0xFFFFFF90];
	v2 =	vmax.f32 v2, $0.0e+00  }
0x519: {  	v3 =	vmax.f32 v3, $0.0e+00;
	v4 =	vld [tilespmem:s16+$0x10];
	[tilespmem:s16+$0x0] =	vst v2  }
0x51a: {  	[tilespmem:s16+$0xFFFFFF00] =	vst v3;
	v1 =	vadd.f32 v1, v8;
	v2 =	vld [tilespmem:s6+$0x10]  }
0x51b: {  	v3 =	vld [tilespmem:s6+$0xFFFFFF10]  }
0x51c: {  	v1 =	vmax.f32 v1, $0.0e+00  }
0x51d: {  	v6 =	vadd.f32 v9, v6;
	[tilespmem:s16+$0x90] =	vst v1;
	v1 =	vld [tilespmem:s16+$0xA0]  }
0x51e: {  	v8 =	vld [tilespmem:s6+$0xA0]  }
0x51f: {  	v7 =	vld [tilespmem:s16+$0xFFFFFF20];
	v6 =	vmax.f32 v6, $0.0e+00;
	v2 =	vadd.f32 v4, v2  }
0x520: {  	v3 =	vadd.f32 v5, v3;
	v9 =	vld [tilespmem:s16+$0xFFFFFFA0];
	[tilespmem:s16+$0xFFFFFF90] =	vst v6  }
0x521: {  	v5 =	vld [tilespmem:s6+$0xFFFFFFA0];
	v2 =	vmax.f32 v2, $0.0e+00  }
0x522: {  	v3 =	vmax.f32 v3, $0.0e+00;
	v4 =	vld [tilespmem:s16+$0x20];
	[tilespmem:s16+$0x10] =	vst v2  }
0x523: {  	[tilespmem:s16+$0xFFFFFF10] =	vst v3;
	v1 =	vadd.f32 v1, v8;
	v2 =	vld [tilespmem:s6+$0x20]  }
0x524: {  	v3 =	vld [tilespmem:s6+$0xFFFFFF20]  }
0x525: {  	v1 =	vmax.f32 v1, $0.0e+00  }
0x526: {  	v5 =	vadd.f32 v9, v5;
	[tilespmem:s16+$0xA0] =	vst v1;
	v1 =	vld [tilespmem:s16+$0xB0]  }
0x527: {  	v8 =	vld [tilespmem:s6+$0xB0]  }
0x528: {  	v10 =	vld [tilespmem:s16+$0x30];
	v5 =	vmax.f32 v5, $0.0e+00;
	v2 =	vadd.f32 v4, v2  }
0x529: {  	v3 =	vadd.f32 v7, v3;
	v9 =	vld [tilespmem:s16+$0xFFFFFFB0];
	[tilespmem:s16+$0xFFFFFFA0] =	vst v5  }
0x52a: {  	v4 =	vld [tilespmem:s6+$0xFFFFFFB0];
	v2 =	vmax.f32 v2, $0.0e+00  }
0x52b: {  	v6 =	vld [tilespmem:s16+$0xFFFFFF30];
	[tilespmem:s16+$0x20] =	vst v2;
	v2 =	vmax.f32 v3, $0.0e+00  }
0x52c: {  	v1 =	vadd.f32 v1, v8;
	[tilespmem:s16+$0xFFFFFF20] =	vst v2;
	v2 =	vld [tilespmem:s6+$0x30]  }
0x52d: {  	v7 =	vld [tilespmem:s6+$0xFFFFFF30]  }
0x52e: {  	v11 =	vld [tilespmem:s16+$0xFFFFFF40];
	v1 =	vmax.f32 v1, $0.0e+00  }
0x52f: {  	v4 =	vadd.f32 v9, v4;
	[tilespmem:s16+$0xB0] =	vst v1;
	v1 =	vld [tilespmem:s16+$0xC0]  }
0x530: {  	v8 =	vld [tilespmem:s6+$0xC0]  }
0x531: {  	v12 =	vld [tilespmem:s16+$0xFFFFFFD0];
	v4 =	vmax.f32 v4, $0.0e+00;
	v2 =	vadd.f32 v10, v2  }
0x532: {  	v5 =	vld [tilespmem:s16+$0xFFFFFFC0];
	[tilespmem:s16+$0xFFFFFFB0] =	vst v4;
	v6 =	vadd.f32 v6, v7  }
0x533: {  	v7 =	vld [tilespmem:s6+$0xFFFFFFC0];
	v2 =	vmax.f32 v2, $0.0e+00  }
0x534: {  	v3 =	vld [tilespmem:s16+$0x40];
	[tilespmem:s16+$0x30] =	vst v2;
	v2 =	vmax.f32 v6, $0.0e+00  }
0x535: {  	v1 =	vadd.f32 v1, v8;
	v6 =	vld [tilespmem:s6+$0x40];
	[tilespmem:s16+$0xFFFFFF30] =	vst v2  }
0x536: {  	v2 =	vld [tilespmem:s6+$0xFFFFFF40]  }
0x537: {  	v9 =	vld [tilespmem:s16+$0xFFFFFF50];
	v1 =	vmax.f32 v1, $0.0e+00  }
0x538: {  	[tilespmem:s16+$0xC0] =	vst v1;
	v1 =	vadd.f32 v5, v7;
	v7 =	vld [tilespmem:s16+$0xD0]  }
0x539: {  	v8 =	vld [tilespmem:s6+$0xD0]  }
0x53a: {  	v4 =	vld [tilespmem:s16+$0xFFFFFF60];
	v1 =	vmax.f32 v1, $0.0e+00;
	v3 =	vadd.f32 v3, v6  }
0x53b: {  	v10 =	vld [tilespmem:s16+$0x50];
	[tilespmem:s16+$0xFFFFFFC0] =	vst v1;
	v1 =	vadd.f32 v11, v2  }
0x53c: {  	v2 =	vld [tilespmem:s6+$0xFFFFFFD0];
	v3 =	vmax.f32 v3, $0.0e+00  }
0x53d: {  	v5 =	vld [tilespmem:s16+$0xFFFFFFE0];
	[tilespmem:s16+$0x40] =	vst v3;
	v1 =	vmax.f32 v1, $0.0e+00  }
0x53e: {  	v3 =	vld [tilespmem:s6+$0x50];
	v7 =	vadd.f32 v7, v8;
	[tilespmem:s16+$0xFFFFFF40] =	vst v1  }
0x53f: {  	v1 =	vld [tilespmem:s6+$0xFFFFFF50]  }
0x540: {  	v6 =	vld [tilespmem:s16+$0x60];
	v7 =	vmax.f32 v7, $0.0e+00  }
0x541: {  	v2 =	vadd.f32 v12, v2;
	[tilespmem:s16+$0xD0] =	vst v7;
	v7 =	vld [tilespmem:s16+$0xE0]  }
0x542: {  	v11 =	vld [tilespmem:s6+$0xE0]  }
0x543: {  	v2 =	vmax.f32 v2, $0.0e+00;
	v8 =	vadd.f32 v10, v3;
	v3 =	vld [tilespmem:s16+$0xFFFFFF70]  }
0x544: {  	[tilespmem:s16+$0xFFFFFFD0] =	vst v2;
	v1 =	vadd.f32 v9, v1;
	v2 =	vld [tilespmem:s16+$0xFFFFFFF0]  }
0x545: {  	v9 =	vmax.f32 v8, $0.0e+00;
	v8 =	vld [tilespmem:s6+$0xFFFFFFE0]  }
0x546: {  	[tilespmem:s16+$0x50] =	vst v9;
	v9 =	vmax.f32 v1, $0.0e+00;
	v1 =	vld [tilespmem:s16+$0x70]  }
0x547: {  	[tilespmem:s16+$0xFFFFFF50] =	vst v9;
	v9 =	vld [tilespmem:s6+$0x60];
	v7 =	vadd.f32 v7, v11  }
0x548: {  	v10 =	vld [tilespmem:s6+$0xFFFFFF60]  }
0x549: {  	s28 =	simm.s32 $0x17D00;
	s18 =	simm.s32 $0x0;
	s21 =	simm.s32 $0x1BB00;
	v11 =	vmax.f32 v7, $0.0e+00;
	v7 =	vld [tilespmem:s16+$0xF0]  }
.LBB2_21:
0x54a: {  	v12 =	vld [tilespmem:s21+$0x80];
	v5 =	vadd.f32 v5, v8;
	[tilespmem:s16+$0xE0] =	vst v11  }
0x54b: {  	s16 =	sadd.s32 $0x200, s16;
	v8 =	vld [tilespmem:s6+$0xF0]  }
0x54c: {  	s18 =	sadd.s32 $0x4, s18;
	v11 =	vld [tilespmem:s16+$0x80];
	v5 =	vmax.f32 v5, $0.0e+00;
	v6 =	vadd.f32 v6, v9  }
0x54d: {  	p0 =	slt.u32 s18, $0x24;
	v9 =	vld [tilespmem:s16+$0xFFFFFF00];
	v4 =	vadd.f32 v4, v10;
	[tilespmem:s28+$0xFFFFFFE0] =	vst v5  }
0x54e: {  	v5 =	vld [tilespmem:s21+$0xFFFFFF80];
	v6 =	vmax.f32 v6, $0.0e+00  }
0x54f: {  	v10 =	vld [tilespmem:s16+$0xFFFFFF80];
	v4 =	vmax.f32 v4, $0.0e+00;
	[tilespmem:s28+$0x60] =	vst v6  }
0x550: {  	v6 =	vld [tilespmem:s21+$0x0];
	[tilespmem:s28+$0xFFFFFF60] =	vst v4;
	v4 =	vadd.f32 v7, v8  }
0x551: {  	v7 =	vld [tilespmem:s16+$0x0];
	v8 =	vadd.f32 v11, v12  }
0x552: {  	v11 =	vld [tilespmem:s21+$0xFFFFFF00];
	v4 =	vmax.f32 v4, $0.0e+00  }
0x553: {  	v12 =	vld [tilespmem:s16+$0xFFFFFF10];
	v8 =	vmax.f32 v8, $0.0e+00;
	[tilespmem:s28+$0xF0] =	vst v4  }
0x554: {  	v4 =	vadd.f32 v10, v5;
	[tilespmem:s16+$0x80] =	vst v8;
	v5 =	vld [tilespmem:s16+$0x90]  }
0x555: {  	v8 =	vld [tilespmem:s21+$0x90]  }
0x556: {  	v4 =	vmax.f32 v4, $0.0e+00;
	v10 =	vld [tilespmem:s16+$0xFFFFFF90];
	v6 =	vadd.f32 v7, v6  }
0x557: {  	v7 =	vadd.f32 v9, v11;
	[tilespmem:s16+$0xFFFFFF80] =	vst v4;
	v4 =	vld [tilespmem:s16+$0x10]  }
0x558: {  	v9 =	vld [tilespmem:s21+$0xFFFFFF90];
	v6 =	vmax.f32 v6, $0.0e+00  }
0x559: {  	v7 =	vmax.f32 v7, $0.0e+00;
	v11 =	vld [tilespmem:s16+$0xFFFFFF20];
	[tilespmem:s16+$0x0] =	vst v6  }
0x55a: {  	[tilespmem:s16+$0xFFFFFF00] =	vst v7;
	v6 =	vld [tilespmem:s21+$0x10];
	v5 =	vadd.f32 v5, v8  }
0x55b: {  	v7 =	vld [tilespmem:s21+$0xFFFFFF10]  }
0x55c: {  	v8 =	vld [tilespmem:s16+$0xFFFFFFA0];
	v5 =	vmax.f32 v5, $0.0e+00  }
0x55d: {  	v9 =	vadd.f32 v10, v9;
	[tilespmem:s16+$0x90] =	vst v5;
	v5 =	vld [tilespmem:s16+$0xA0]  }
0x55e: {  	v10 =	vld [tilespmem:s21+$0xA0]  }
0x55f: {  	v9 =	vmax.f32 v9, $0.0e+00;
	v4 =	vadd.f32 v4, v6;
	v6 =	vld [tilespmem:s16+$0x20]  }
0x560: {  	v7 =	vadd.f32 v12, v7;
	v12 =	vld [tilespmem:s16+$0xFFFFFF30];
	[tilespmem:s16+$0xFFFFFF90] =	vst v9  }
0x561: {  	v9 =	vld [tilespmem:s21+$0xFFFFFFA0];
	v4 =	vmax.f32 v4, $0.0e+00  }
0x562: {  	v7 =	vmax.f32 v7, $0.0e+00;
	v13 =	vld [tilespmem:s16+$0xFFFFFFB0];
	[tilespmem:s16+$0x10] =	vst v4  }
0x563: {  	[tilespmem:s16+$0xFFFFFF10] =	vst v7;
	v4 =	vld [tilespmem:s21+$0x20];
	v5 =	vadd.f32 v5, v10  }
0x564: {  	v7 =	vld [tilespmem:s21+$0xFFFFFF20]  }
0x565: {  	v10 =	vld [tilespmem:s16+$0x30];
	v5 =	vmax.f32 v5, $0.0e+00  }
0x566: {  	v8 =	vadd.f32 v8, v9;
	[tilespmem:s16+$0xA0] =	vst v5;
	v5 =	vld [tilespmem:s16+$0xB0]  }
0x567: {  	v9 =	vld [tilespmem:s21+$0xB0]  }
0x568: {  	v14 =	vld [tilespmem:s16+$0xFFFFFF40];
	v8 =	vmax.f32 v8, $0.0e+00;
	v4 =	vadd.f32 v6, v4  }
0x569: {  	v6 =	vadd.f32 v11, v7;
	[tilespmem:s16+$0xFFFFFFA0] =	vst v8;
	v7 =	vld [tilespmem:s16+$0xFFFFFFC0]  }
0x56a: {  	v8 =	vld [tilespmem:s21+$0xFFFFFFB0];
	v4 =	vmax.f32 v4, $0.0e+00  }
0x56b: {  	v6 =	vmax.f32 v6, $0.0e+00;
	[tilespmem:s16+$0x20] =	vst v4;
	v11 =	vld [tilespmem:s16+$0x40]  }
0x56c: {  	[tilespmem:s16+$0xFFFFFF20] =	vst v6;
	v4 =	vld [tilespmem:s21+$0x30];
	v5 =	vadd.f32 v5, v9  }
0x56d: {  	v6 =	vld [tilespmem:s21+$0xFFFFFF30]  }
0x56e: {  	v9 =	vld [tilespmem:s16+$0xFFFFFF50];
	v5 =	vmax.f32 v5, $0.0e+00  }
0x56f: {  	v8 =	vadd.f32 v13, v8;
	[tilespmem:s16+$0xB0] =	vst v5;
	v5 =	vld [tilespmem:s16+$0xC0]  }
0x570: {  	v13 =	vld [tilespmem:s21+$0xC0]  }
0x571: {  	v8 =	vmax.f32 v8, $0.0e+00;
	v15 =	vld [tilespmem:s16+$0xFFFFFFD0];
	v4 =	vadd.f32 v10, v4  }
0x572: {  	v6 =	vadd.f32 v12, v6;
	[tilespmem:s16+$0xFFFFFFB0] =	vst v8;
	v8 =	vld [tilespmem:s16+$0x50]  }
0x573: {  	v10 =	vld [tilespmem:s21+$0xFFFFFFC0];
	v12 =	vmax.f32 v4, $0.0e+00  }
0x574: {  	v6 =	vmax.f32 v6, $0.0e+00;
	v4 =	vld [tilespmem:s16+$0xFFFFFF60];
	[tilespmem:s16+$0x30] =	vst v12  }
0x575: {  	[tilespmem:s16+$0xFFFFFF30] =	vst v6;
	v6 =	vld [tilespmem:s21+$0x40];
	v12 =	vadd.f32 v5, v13  }
0x576: {  	v13 =	vld [tilespmem:s21+$0xFFFFFF40]  }
0x577: {  	v5 =	vld [tilespmem:s16+$0xFFFFFFE0];
	v12 =	vmax.f32 v12, $0.0e+00  }
0x578: {  	v7 =	vadd.f32 v7, v10;
	[tilespmem:s16+$0xC0] =	vst v12;
	v10 =	vld [tilespmem:s16+$0xD0]  }
0x579: {  	v12 =	vld [tilespmem:s21+$0xD0]  }
0x57a: {  	v7 =	vmax.f32 v7, $0.0e+00;
	v11 =	vadd.f32 v11, v6;
	v6 =	vld [tilespmem:s16+$0x60]  }
0x57b: {  	v13 =	vadd.f32 v14, v13;
	[tilespmem:s16+$0xFFFFFFC0] =	vst v7;
	v7 =	vld [tilespmem:s6+$0xFFFFFF70]  }
0x57c: {  	v14 =	vld [tilespmem:s21+$0xFFFFFFD0];
	v11 =	vmax.f32 v11, $0.0e+00  }
0x57d: {  	v13 =	vmax.f32 v13, $0.0e+00;
	[tilespmem:s16+$0x40] =	vst v11;
	v11 =	vld [tilespmem:s6+$0xFFFFFFF0]  }
0x57e: {  	[tilespmem:s16+$0xFFFFFF40] =	vst v13;
	v13 =	vld [tilespmem:s21+$0x50];
	v10 =	vadd.f32 v10, v12  }
0x57f: {  	v12 =	vld [tilespmem:s21+$0xFFFFFF50]  }
0x580: {  	v10 =	vmax.f32 v10, $0.0e+00;
	v3 =	vadd.f32 v3, v7;
	v7 =	vld [tilespmem:s6+$0x70];
	s6 =	smov.u32 s21  }
0x581: {  	v14 =	vadd.f32 v15, v14;
	[tilespmem:s16+$0xD0] =	vst v10;
	v10 =	vld [tilespmem:s16+$0xE0]  }
0x582: {  	v15 =	vld [tilespmem:s21+$0xE0];
	v16 =	vmax.f32 v3, $0.0e+00;
	v11 =	vadd.f32 v2, v11  }
0x583: {  	v3 =	vld [tilespmem:s16+$0xFFFFFF70];
	v2 =	vmax.f32 v14, $0.0e+00;
	v13 =	vadd.f32 v8, v13;
	[tilespmem:s28+$0xFFFFFF70] =	vst v16  }
0x584: {  	v9 =	vadd.f32 v9, v12;
	[tilespmem:s16+$0xFFFFFFD0] =	vst v2;
	v2 =	vld [tilespmem:s16+$0xFFFFFFF0];
	v11 =	vmax.f32 v11, $0.0e+00  }
.Ltmp9:
0x585: {  	v8 =	vld [tilespmem:s21+$0xFFFFFFE0];
	v12 =	vmax.f32 v13, $0.0e+00;
	[tilespmem:s28+$0xFFFFFFF0] =	vst v11;
	v7 =	vadd.f32 v1, v7;
	(pc) =	sbr.rel @p0 .LBB2_21-.Ltmp9, $4  }
0x586: {  	v9 =	vmax.f32 v9, $0.0e+00;
	[tilespmem:s16+$0x50] =	vst v12;
	v1 =	vld [tilespmem:s16+$0x70]  }
0x587: {  	[tilespmem:s16+$0xFFFFFF50] =	vst v9;
	v9 =	vld [tilespmem:s21+$0x60];
	v11 =	vadd.f32 v10, v15;
	v7 =	vmax.f32 v7, $0.0e+00  }
0x588: {  	v10 =	vld [tilespmem:s21+$0xFFFFFF60];
	[tilespmem:s28+$0x70] =	vst v7;
	s28 =	smov.u32 s16  }
0x589: {  	s21 =	sadd.s32 $0x200, s21;
	v11 =	vmax.f32 v11, $0.0e+00;
	v7 =	vld [tilespmem:s16+$0xF0]  }
0x58a: {  	_ = 	snop  }
0x58b: {  	v5 =	vadd.f32 v5, v8  }
0x58c: {  	v6 =	vadd.f32 v6, v9  }
0x58d: {  	[tilespmem:s16+$0xE0] =	vst v11;
	v5 =	vmax.f32 v5, $0.0e+00;
	v4 =	vadd.f32 v4, v10  }
0x58e: {  	v58 =	vld [tilespmem:s6+$0xF0];
	[tilespmem:s28+$0xFFFFFFE0] =	vst v5;
	v59 =	vmax.f32 v6, $0.0e+00  }
0x58f: {  	v61 =	vld [tilespmem:s6+$0xFFFFFFF0];
	v4 =	vmax.f32 v4, $0.0e+00;
	[tilespmem:s28+$0x60] =	vst v59  }
0x590: {  	[tilespmem:s28+$0xFFFFFF60] =	vst v4;
	v62 =	vld [tilespmem:s6+$0x70]  }
0x591: {  	v60 =	vld [tilespmem:s6+$0xFFFFFF70];
	_ =	sdelay $0x1  }
0x592: {  	v7 =	vadd.f32 v7, v58  }
0x593: {  	v2 =	vadd.f32 v2, v61  }
0x594: {  	v63 =	vmax.f32 v7, $0.0e+00;
	v1 =	vadd.f32 v1, v62  }
0x595: {  	[tilespmem:s28+$0xF0] =	vst v63;
	v2 =	vmax.f32 v2, $0.0e+00;
	v3 =	vadd.f32 v3, v60  }
0x596: {  	[tilespmem:s28+$0xFFFFFFF0] =	vst v2;
	v1 =	vmax.f32 v1, $0.0e+00  }
0x597: {  	v3 =	vmax.f32 v3, $0.0e+00;
	[tilespmem:s28+$0x70] =	vst v1  }
0x598: {  	[tilespmem:s28+$0xFFFFFF70] =	vst v3  }
0x599: {  	s21 =	sadd.s32 $0xA0, s14;
	_ =	swait.ge [sflag:s11], $0x1400  }
0x59a: {  	s14 =	sshll.u32 s21, $0x4;
	[sflag:s11] =	ssyncset.done $0x0  }
0x59b: {  	s12 =	sadd.s32 $0x1, s12;
	s14 =	sadd.s32 s5, s14;
	[sflag:s11] =	ssyncadd.s32 $0xFFFFEC00  }
0x59c: {  	[tilespmem:s20], [sflag:$0x2] =	stream.linear.gather [hbm4b:s14+s4], $0x1400, $0x38;
	[tilespmem:$0x1CD80] =	vst v63  }
0x59d: {  	s13 =	sadd.s32 $0x140A0, s13;
	p0 =	sne.s32 s12, $0x29;
	s28 =	simm.s32 $0x1A400  }
0x59e: {  	[tilespmem:s28], [sflag:$0x5] =	stream.indirect.gather [hbm4b:s1+s17], $0x80, s13, s17, $0xb8;
	[tilespmem:$0x1CD80] =	vst v63  }
.Ltmp10:
0x59f: {  	s6 =	sshrl.u32 s21, $0x3;
	(pc) =	sbr.rel @p0 .LBB2_16-.Ltmp10, $4  }
0x5a0: {  	s6 =	sadd.s32 s7, s6  }
0x5a1: {  	[tilespmem:s22], [sflag:$0xB] =	stream.linear.gather [hbm4b:s6+s4], $0x28, $0x38;
	[tilespmem:$0x1CD80] =	vst v63  }
0x5a2: {  	_ = 	snop  }
0x5a3: {  	[spmem:s2] =	stream.indirect.scatter.add.f32 [tilespmem:s23], [sflag:$0x9], $0x80, s29, s17, $0xb8;
	[tilespmem:$0x1CD80] =	vst v63  }
0x5a4: {  	_ =	swait.ge [sflag:s24], $0x1400  }
0x5a5: {  	[sflag:s24] =	ssyncset.done $0x0  }
0x5a6: {  	[sflag:s24] =	ssyncadd.s32 $0xFFFFEC00  }
0x5a7: {  	_ =	swait.ge [sflag:s25], $0x1400  }
0x5a8: {  	[sflag:s25] =	ssyncset.done $0x0  }
0x5a9: {  	[sflag:s25] =	ssyncadd.s32 $0xFFFFEC00  }
0x5aa: {  	_ =	swait.ge [sflag:s26], $0x28  }
0x5ab: {  	[sflag:s26] =	ssyncset.done $0x0  }
0x5ac: {  	s6 =	simm.s32 $0x19100;
	[sflag:s26] =	ssyncadd.s32 $0xFFFFFFD8  }
0x5ad: {  	s12 =	simm.s32 $0x15500;
	v1 =	vld [tilespmem:s6+$0x80]  }
0x5ae: {  	v2 =	vld [tilespmem:s12+$0x80]  }
0x5af: {  	v3 =	vld [tilespmem:s12+$0xFFFFFF00]  }
0x5b0: {  	v4 =	vld [tilespmem:s6+$0xFFFFFF80]  }
0x5b1: {  	v5 =	vld [tilespmem:s12+$0xFFFFFF80]  }
0x5b2: {  	v6 =	vld [tilespmem:s12+$0x0]  }
0x5b3: {  	v1 =	vadd.f32 v2, v1;
	v2 =	vld [tilespmem:s6+$0x0]  }
0x5b4: {  	v7 =	vld [tilespmem:s6+$0xFFFFFF00]  }
0x5b5: {  	v1 =	vmax.f32 v1, $0.0e+00  }
0x5b6: {  	v4 =	vadd.f32 v5, v4;
	[tilespmem:s12+$0x80] =	vst v1;
	v1 =	vld [tilespmem:s12+$0x90]  }
0x5b7: {  	v8 =	vld [tilespmem:s6+$0x90]  }
0x5b8: {  	v9 =	vld [tilespmem:s12+$0xFFFFFF90];
	v4 =	vmax.f32 v4, $0.0e+00;
	v2 =	vadd.f32 v6, v2  }
0x5b9: {  	v5 =	vld [tilespmem:s12+$0xFFFFFF10];
	v3 =	vadd.f32 v3, v7;
	[tilespmem:s12+$0xFFFFFF80] =	vst v4  }
0x5ba: {  	v6 =	vld [tilespmem:s6+$0xFFFFFF90];
	v2 =	vmax.f32 v2, $0.0e+00  }
0x5bb: {  	v3 =	vmax.f32 v3, $0.0e+00;
	v4 =	vld [tilespmem:s12+$0x10];
	[tilespmem:s12+$0x0] =	vst v2  }
0x5bc: {  	[tilespmem:s12+$0xFFFFFF00] =	vst v3;
	v1 =	vadd.f32 v1, v8;
	v2 =	vld [tilespmem:s6+$0x10]  }
0x5bd: {  	v3 =	vld [tilespmem:s6+$0xFFFFFF10]  }
0x5be: {  	v1 =	vmax.f32 v1, $0.0e+00  }
0x5bf: {  	v6 =	vadd.f32 v9, v6;
	[tilespmem:s12+$0x90] =	vst v1;
	v1 =	vld [tilespmem:s12+$0xA0]  }
0x5c0: {  	v8 =	vld [tilespmem:s6+$0xA0]  }
0x5c1: {  	v7 =	vld [tilespmem:s12+$0xFFFFFF20];
	v6 =	vmax.f32 v6, $0.0e+00;
	v2 =	vadd.f32 v4, v2  }
0x5c2: {  	v3 =	vadd.f32 v5, v3;
	v9 =	vld [tilespmem:s12+$0xFFFFFFA0];
	[tilespmem:s12+$0xFFFFFF90] =	vst v6  }
0x5c3: {  	v5 =	vld [tilespmem:s6+$0xFFFFFFA0];
	v2 =	vmax.f32 v2, $0.0e+00  }
0x5c4: {  	v3 =	vmax.f32 v3, $0.0e+00;
	v4 =	vld [tilespmem:s12+$0x20];
	[tilespmem:s12+$0x10] =	vst v2  }
0x5c5: {  	[tilespmem:s12+$0xFFFFFF10] =	vst v3;
	v1 =	vadd.f32 v1, v8;
	v2 =	vld [tilespmem:s6+$0x20]  }
0x5c6: {  	v3 =	vld [tilespmem:s6+$0xFFFFFF20]  }
0x5c7: {  	v1 =	vmax.f32 v1, $0.0e+00  }
0x5c8: {  	v5 =	vadd.f32 v9, v5;
	[tilespmem:s12+$0xA0] =	vst v1;
	v1 =	vld [tilespmem:s12+$0xB0]  }
0x5c9: {  	v8 =	vld [tilespmem:s6+$0xB0]  }
0x5ca: {  	v10 =	vld [tilespmem:s12+$0x30];
	v5 =	vmax.f32 v5, $0.0e+00;
	v2 =	vadd.f32 v4, v2  }
0x5cb: {  	v3 =	vadd.f32 v7, v3;
	v9 =	vld [tilespmem:s12+$0xFFFFFFB0];
	[tilespmem:s12+$0xFFFFFFA0] =	vst v5  }
0x5cc: {  	v4 =	vld [tilespmem:s6+$0xFFFFFFB0];
	v2 =	vmax.f32 v2, $0.0e+00  }
0x5cd: {  	v6 =	vld [tilespmem:s12+$0xFFFFFF30];
	[tilespmem:s12+$0x20] =	vst v2;
	v2 =	vmax.f32 v3, $0.0e+00  }
0x5ce: {  	v1 =	vadd.f32 v1, v8;
	[tilespmem:s12+$0xFFFFFF20] =	vst v2;
	v2 =	vld [tilespmem:s6+$0x30]  }
0x5cf: {  	v7 =	vld [tilespmem:s6+$0xFFFFFF30]  }
0x5d0: {  	v11 =	vld [tilespmem:s12+$0xFFFFFF40];
	v1 =	vmax.f32 v1, $0.0e+00  }
0x5d1: {  	v4 =	vadd.f32 v9, v4;
	[tilespmem:s12+$0xB0] =	vst v1;
	v1 =	vld [tilespmem:s12+$0xC0]  }
0x5d2: {  	v8 =	vld [tilespmem:s6+$0xC0]  }
0x5d3: {  	v12 =	vld [tilespmem:s12+$0xFFFFFFD0];
	v4 =	vmax.f32 v4, $0.0e+00;
	v2 =	vadd.f32 v10, v2  }
0x5d4: {  	v5 =	vld [tilespmem:s12+$0xFFFFFFC0];
	[tilespmem:s12+$0xFFFFFFB0] =	vst v4;
	v6 =	vadd.f32 v6, v7  }
0x5d5: {  	v7 =	vld [tilespmem:s6+$0xFFFFFFC0];
	v2 =	vmax.f32 v2, $0.0e+00  }
0x5d6: {  	v3 =	vld [tilespmem:s12+$0x40];
	[tilespmem:s12+$0x30] =	vst v2;
	v2 =	vmax.f32 v6, $0.0e+00  }
0x5d7: {  	v1 =	vadd.f32 v1, v8;
	v6 =	vld [tilespmem:s6+$0x40];
	[tilespmem:s12+$0xFFFFFF30] =	vst v2  }
0x5d8: {  	v2 =	vld [tilespmem:s6+$0xFFFFFF40]  }
0x5d9: {  	v9 =	vld [tilespmem:s12+$0xFFFFFF50];
	v1 =	vmax.f32 v1, $0.0e+00  }
0x5da: {  	[tilespmem:s12+$0xC0] =	vst v1;
	v1 =	vadd.f32 v5, v7;
	v7 =	vld [tilespmem:s12+$0xD0]  }
0x5db: {  	v8 =	vld [tilespmem:s6+$0xD0]  }
0x5dc: {  	v4 =	vld [tilespmem:s12+$0xFFFFFF60];
	v1 =	vmax.f32 v1, $0.0e+00;
	v3 =	vadd.f32 v3, v6  }
0x5dd: {  	v10 =	vld [tilespmem:s12+$0x50];
	[tilespmem:s12+$0xFFFFFFC0] =	vst v1;
	v1 =	vadd.f32 v11, v2  }
0x5de: {  	v2 =	vld [tilespmem:s6+$0xFFFFFFD0];
	v3 =	vmax.f32 v3, $0.0e+00  }
0x5df: {  	v5 =	vld [tilespmem:s12+$0xFFFFFFE0];
	[tilespmem:s12+$0x40] =	vst v3;
	v1 =	vmax.f32 v1, $0.0e+00  }
0x5e0: {  	v3 =	vld [tilespmem:s6+$0x50];
	v7 =	vadd.f32 v7, v8;
	[tilespmem:s12+$0xFFFFFF40] =	vst v1  }
0x5e1: {  	v1 =	vld [tilespmem:s6+$0xFFFFFF50]  }
0x5e2: {  	v6 =	vld [tilespmem:s12+$0x60];
	v7 =	vmax.f32 v7, $0.0e+00  }
0x5e3: {  	v2 =	vadd.f32 v12, v2;
	[tilespmem:s12+$0xD0] =	vst v7;
	v7 =	vld [tilespmem:s12+$0xE0]  }
0x5e4: {  	v11 =	vld [tilespmem:s6+$0xE0]  }
0x5e5: {  	v2 =	vmax.f32 v2, $0.0e+00;
	v8 =	vadd.f32 v10, v3;
	v3 =	vld [tilespmem:s12+$0xFFFFFF70]  }
0x5e6: {  	[tilespmem:s12+$0xFFFFFFD0] =	vst v2;
	v1 =	vadd.f32 v9, v1;
	v2 =	vld [tilespmem:s12+$0xFFFFFFF0]  }
0x5e7: {  	v9 =	vmax.f32 v8, $0.0e+00;
	v8 =	vld [tilespmem:s6+$0xFFFFFFE0]  }
0x5e8: {  	[tilespmem:s12+$0x50] =	vst v9;
	v9 =	vmax.f32 v1, $0.0e+00;
	v1 =	vld [tilespmem:s12+$0x70]  }
0x5e9: {  	[tilespmem:s12+$0xFFFFFF50] =	vst v9;
	v9 =	vld [tilespmem:s6+$0x60];
	v7 =	vadd.f32 v7, v11  }
0x5ea: {  	v10 =	vld [tilespmem:s6+$0xFFFFFF60]  }
0x5eb: {  	s14 =	simm.s32 $0x0;
	s16 =	simm.s32 $0x19300;
	s13 =	simm.s32 $0x15500;
	v11 =	vmax.f32 v7, $0.0e+00;
	v7 =	vld [tilespmem:s12+$0xF0]  }
.LBB2_24:
0x5ec: {  	v12 =	vld [tilespmem:s16+$0x80];
	v5 =	vadd.f32 v5, v8;
	[tilespmem:s12+$0xE0] =	vst v11  }
0x5ed: {  	s12 =	sadd.s32 $0x200, s12;
	v8 =	vld [tilespmem:s6+$0xF0]  }
0x5ee: {  	s14 =	sadd.s32 $0x4, s14;
	v11 =	vld [tilespmem:s12+$0x80];
	v5 =	vmax.f32 v5, $0.0e+00;
	v6 =	vadd.f32 v6, v9  }
0x5ef: {  	p0 =	slt.u32 s14, $0x24;
	v9 =	vld [tilespmem:s12+$0xFFFFFF00];
	v4 =	vadd.f32 v4, v10;
	[tilespmem:s13+$0xFFFFFFE0] =	vst v5  }
0x5f0: {  	v5 =	vld [tilespmem:s16+$0xFFFFFF80];
	v6 =	vmax.f32 v6, $0.0e+00  }
0x5f1: {  	v10 =	vld [tilespmem:s12+$0xFFFFFF80];
	v4 =	vmax.f32 v4, $0.0e+00;
	[tilespmem:s13+$0x60] =	vst v6  }
0x5f2: {  	v6 =	vld [tilespmem:s16+$0x0];
	[tilespmem:s13+$0xFFFFFF60] =	vst v4;
	v4 =	vadd.f32 v7, v8  }
0x5f3: {  	v7 =	vld [tilespmem:s12+$0x0];
	v8 =	vadd.f32 v11, v12  }
0x5f4: {  	v11 =	vld [tilespmem:s16+$0xFFFFFF00];
	v4 =	vmax.f32 v4, $0.0e+00  }
0x5f5: {  	v12 =	vld [tilespmem:s12+$0xFFFFFF10];
	v8 =	vmax.f32 v8, $0.0e+00;
	[tilespmem:s13+$0xF0] =	vst v4  }
0x5f6: {  	v4 =	vadd.f32 v10, v5;
	[tilespmem:s12+$0x80] =	vst v8;
	v5 =	vld [tilespmem:s12+$0x90]  }
0x5f7: {  	v8 =	vld [tilespmem:s16+$0x90]  }
0x5f8: {  	v4 =	vmax.f32 v4, $0.0e+00;
	v10 =	vld [tilespmem:s12+$0xFFFFFF90];
	v6 =	vadd.f32 v7, v6  }
0x5f9: {  	v7 =	vadd.f32 v9, v11;
	[tilespmem:s12+$0xFFFFFF80] =	vst v4;
	v4 =	vld [tilespmem:s12+$0x10]  }
0x5fa: {  	v9 =	vld [tilespmem:s16+$0xFFFFFF90];
	v6 =	vmax.f32 v6, $0.0e+00  }
0x5fb: {  	v7 =	vmax.f32 v7, $0.0e+00;
	v11 =	vld [tilespmem:s12+$0xFFFFFF20];
	[tilespmem:s12+$0x0] =	vst v6  }
0x5fc: {  	[tilespmem:s12+$0xFFFFFF00] =	vst v7;
	v6 =	vld [tilespmem:s16+$0x10];
	v5 =	vadd.f32 v5, v8  }
0x5fd: {  	v7 =	vld [tilespmem:s16+$0xFFFFFF10]  }
0x5fe: {  	v8 =	vld [tilespmem:s12+$0xFFFFFFA0];
	v5 =	vmax.f32 v5, $0.0e+00  }
0x5ff: {  	v9 =	vadd.f32 v10, v9;
	[tilespmem:s12+$0x90] =	vst v5;
	v5 =	vld [tilespmem:s12+$0xA0]  }
0x600: {  	v10 =	vld [tilespmem:s16+$0xA0]  }
0x601: {  	v9 =	vmax.f32 v9, $0.0e+00;
	v4 =	vadd.f32 v4, v6;
	v6 =	vld [tilespmem:s12+$0x20]  }
0x602: {  	v7 =	vadd.f32 v12, v7;
	v12 =	vld [tilespmem:s12+$0xFFFFFF30];
	[tilespmem:s12+$0xFFFFFF90] =	vst v9  }
0x603: {  	v9 =	vld [tilespmem:s16+$0xFFFFFFA0];
	v4 =	vmax.f32 v4, $0.0e+00  }
0x604: {  	v7 =	vmax.f32 v7, $0.0e+00;
	v13 =	vld [tilespmem:s12+$0xFFFFFFB0];
	[tilespmem:s12+$0x10] =	vst v4  }
0x605: {  	[tilespmem:s12+$0xFFFFFF10] =	vst v7;
	v4 =	vld [tilespmem:s16+$0x20];
	v5 =	vadd.f32 v5, v10  }
0x606: {  	v7 =	vld [tilespmem:s16+$0xFFFFFF20]  }
0x607: {  	v10 =	vld [tilespmem:s12+$0x30];
	v5 =	vmax.f32 v5, $0.0e+00  }
0x608: {  	v8 =	vadd.f32 v8, v9;
	[tilespmem:s12+$0xA0] =	vst v5;
	v5 =	vld [tilespmem:s12+$0xB0]  }
0x609: {  	v9 =	vld [tilespmem:s16+$0xB0]  }
0x60a: {  	v14 =	vld [tilespmem:s12+$0xFFFFFF40];
	v8 =	vmax.f32 v8, $0.0e+00;
	v4 =	vadd.f32 v6, v4  }
0x60b: {  	v6 =	vadd.f32 v11, v7;
	[tilespmem:s12+$0xFFFFFFA0] =	vst v8;
	v7 =	vld [tilespmem:s12+$0xFFFFFFC0]  }
0x60c: {  	v8 =	vld [tilespmem:s16+$0xFFFFFFB0];
	v4 =	vmax.f32 v4, $0.0e+00  }
0x60d: {  	v6 =	vmax.f32 v6, $0.0e+00;
	[tilespmem:s12+$0x20] =	vst v4;
	v11 =	vld [tilespmem:s12+$0x40]  }
0x60e: {  	[tilespmem:s12+$0xFFFFFF20] =	vst v6;
	v4 =	vld [tilespmem:s16+$0x30];
	v5 =	vadd.f32 v5, v9  }
0x60f: {  	v6 =	vld [tilespmem:s16+$0xFFFFFF30]  }
0x610: {  	v9 =	vld [tilespmem:s12+$0xFFFFFF50];
	v5 =	vmax.f32 v5, $0.0e+00  }
0x611: {  	v8 =	vadd.f32 v13, v8;
	[tilespmem:s12+$0xB0] =	vst v5;
	v5 =	vld [tilespmem:s12+$0xC0]  }
0x612: {  	v13 =	vld [tilespmem:s16+$0xC0]  }
0x613: {  	v8 =	vmax.f32 v8, $0.0e+00;
	v15 =	vld [tilespmem:s12+$0xFFFFFFD0];
	v4 =	vadd.f32 v10, v4  }
0x614: {  	v6 =	vadd.f32 v12, v6;
	[tilespmem:s12+$0xFFFFFFB0] =	vst v8;
	v8 =	vld [tilespmem:s12+$0x50]  }
0x615: {  	v10 =	vld [tilespmem:s16+$0xFFFFFFC0];
	v12 =	vmax.f32 v4, $0.0e+00  }
0x616: {  	v6 =	vmax.f32 v6, $0.0e+00;
	v4 =	vld [tilespmem:s12+$0xFFFFFF60];
	[tilespmem:s12+$0x30] =	vst v12  }
0x617: {  	[tilespmem:s12+$0xFFFFFF30] =	vst v6;
	v6 =	vld [tilespmem:s16+$0x40];
	v12 =	vadd.f32 v5, v13  }
0x618: {  	v13 =	vld [tilespmem:s16+$0xFFFFFF40]  }
0x619: {  	v5 =	vld [tilespmem:s12+$0xFFFFFFE0];
	v12 =	vmax.f32 v12, $0.0e+00  }
0x61a: {  	v7 =	vadd.f32 v7, v10;
	[tilespmem:s12+$0xC0] =	vst v12;
	v10 =	vld [tilespmem:s12+$0xD0]  }
0x61b: {  	v12 =	vld [tilespmem:s16+$0xD0]  }
0x61c: {  	v7 =	vmax.f32 v7, $0.0e+00;
	v11 =	vadd.f32 v11, v6;
	v6 =	vld [tilespmem:s12+$0x60]  }
0x61d: {  	v13 =	vadd.f32 v14, v13;
	[tilespmem:s12+$0xFFFFFFC0] =	vst v7;
	v7 =	vld [tilespmem:s6+$0xFFFFFF70]  }
0x61e: {  	v14 =	vld [tilespmem:s16+$0xFFFFFFD0];
	v11 =	vmax.f32 v11, $0.0e+00  }
0x61f: {  	v13 =	vmax.f32 v13, $0.0e+00;
	[tilespmem:s12+$0x40] =	vst v11;
	v11 =	vld [tilespmem:s6+$0xFFFFFFF0]  }
0x620: {  	[tilespmem:s12+$0xFFFFFF40] =	vst v13;
	v13 =	vld [tilespmem:s16+$0x50];
	v10 =	vadd.f32 v10, v12  }
0x621: {  	v12 =	vld [tilespmem:s16+$0xFFFFFF50]  }
0x622: {  	v10 =	vmax.f32 v10, $0.0e+00;
	v3 =	vadd.f32 v3, v7;
	v7 =	vld [tilespmem:s6+$0x70];
	s6 =	smov.u32 s16  }
0x623: {  	v14 =	vadd.f32 v15, v14;
	[tilespmem:s12+$0xD0] =	vst v10;
	v10 =	vld [tilespmem:s12+$0xE0]  }
0x624: {  	v15 =	vld [tilespmem:s16+$0xE0];
	v16 =	vmax.f32 v3, $0.0e+00;
	v11 =	vadd.f32 v2, v11  }
0x625: {  	v3 =	vld [tilespmem:s12+$0xFFFFFF70];
	v2 =	vmax.f32 v14, $0.0e+00;
	v13 =	vadd.f32 v8, v13;
	[tilespmem:s13+$0xFFFFFF70] =	vst v16  }
0x626: {  	v9 =	vadd.f32 v9, v12;
	[tilespmem:s12+$0xFFFFFFD0] =	vst v2;
	v2 =	vld [tilespmem:s12+$0xFFFFFFF0];
	v11 =	vmax.f32 v11, $0.0e+00  }
.Ltmp11:
0x627: {  	v8 =	vld [tilespmem:s16+$0xFFFFFFE0];
	v12 =	vmax.f32 v13, $0.0e+00;
	[tilespmem:s13+$0xFFFFFFF0] =	vst v11;
	v7 =	vadd.f32 v1, v7;
	(pc) =	sbr.rel @p0 .LBB2_24-.Ltmp11, $4  }
0x628: {  	v9 =	vmax.f32 v9, $0.0e+00;
	[tilespmem:s12+$0x50] =	vst v12;
	v1 =	vld [tilespmem:s12+$0x70]  }
0x629: {  	[tilespmem:s12+$0xFFFFFF50] =	vst v9;
	v9 =	vld [tilespmem:s16+$0x60];
	v11 =	vadd.f32 v10, v15;
	v7 =	vmax.f32 v7, $0.0e+00  }
0x62a: {  	v10 =	vld [tilespmem:s16+$0xFFFFFF60];
	[tilespmem:s13+$0x70] =	vst v7;
	s13 =	smov.u32 s12  }
0x62b: {  	s16 =	sadd.s32 $0x200, s16;
	v11 =	vmax.f32 v11, $0.0e+00;
	v7 =	vld [tilespmem:s12+$0xF0]  }
0x62c: {  	_ =	sdelay $0x2  }
0x62d: {  	v4 =	vadd.f32 v4, v10  }
0x62e: {  	v5 =	vadd.f32 v5, v8  }
0x62f: {  	[tilespmem:s12+$0xE0] =	vst v11;
	v6 =	vadd.f32 v6, v9;
	v4 =	vmax.f32 v4, $0.0e+00  }
0x630: {  	v8 =	vld [tilespmem:s6+$0xF0];
	v5 =	vmax.f32 v5, $0.0e+00;
	[tilespmem:s13+$0xFFFFFF60] =	vst v4  }
0x631: {  	[tilespmem:s13+$0xFFFFFFE0] =	vst v5;
	v4 =	vmax.f32 v6, $0.0e+00;
	v5 =	vld [tilespmem:s6+$0xFFFFFF70]  }
0x632: {  	[tilespmem:s13+$0x60] =	vst v4;
	v4 =	vld [tilespmem:s6+$0xFFFFFFF0]  }
0x633: {  	v6 =	vld [tilespmem:s6+$0x70];
	_ =	sdelay $0x1  }
0x634: {  	v7 =	vadd.f32 v7, v8  }
0x635: {  	v3 =	vadd.f32 v3, v5  }
0x636: {  	v5 =	vmax.f32 v7, $0.0e+00;
	v2 =	vadd.f32 v2, v4  }
0x637: {  	[tilespmem:s13+$0xF0] =	vst v5;
	v1 =	vadd.f32 v1, v6;
	v3 =	vmax.f32 v3, $0.0e+00  }
0x638: {  	v2 =	vmax.f32 v2, $0.0e+00;
	[tilespmem:s13+$0xFFFFFF70] =	vst v3  }
0x639: {  	[tilespmem:s13+$0xFFFFFFF0] =	vst v2;
	v1 =	vmax.f32 v1, $0.0e+00  }
0x63a: {  	s28 =	simm.s32 $0x9;
	[tilespmem:s13+$0x70] =	vst v1  }
0x63b: {  	_ =	swait.ge [sflag:s28], $0x1400  }
0x63c: {  	[sflag:s28] =	ssyncset.done $0x0  }
0x63d: {  	[sflag:s28] =	ssyncadd.s32 $0xFFFFEC00  }
0x63e: {  	[spmem:s2] =	stream.indirect.scatter.add.f32 [tilespmem:s15], [sflag:$0x7], $0x80, s19, s17, $0xb8;
	[tilespmem:$0x1CD80] =	vst v63  }
0x63f: {  	_ =	swait.ge [sflag:s30], $0x1400  }
0x640: {  	[sflag:s30] =	ssyncset.done $0x0  }
0x641: {  	[sflag:s30] =	ssyncadd.s32 $0xFFFFEC00  }
0x642: {  	_ =	swait.ge [sflag:s31], $0x1400  }
0x643: {  	[sflag:s31] =	ssyncset.done $0x0  }
0x644: {  	[sflag:s31] =	ssyncadd.s32 $0xFFFFEC00  }
0x645: {  	_ =	swait.ge [sflag:s0], $0x28  }
0x646: {  	[sflag:s0] =	ssyncset.done $0x0  }
0x647: {  	s6 =	simm.s32 $0x1A500;
	[sflag:s0] =	ssyncadd.s32 $0xFFFFFFD8  }
0x648: {  	s12 =	simm.s32 $0x16900;
	v1 =	vld [tilespmem:s6+$0x80]  }
0x649: {  	v2 =	vld [tilespmem:s12+$0x80]  }
0x64a: {  	v3 =	vld [tilespmem:s12+$0xFFFFFF00]  }
0x64b: {  	v4 =	vld [tilespmem:s6+$0xFFFFFF80]  }
0x64c: {  	v5 =	vld [tilespmem:s12+$0xFFFFFF80]  }
0x64d: {  	v6 =	vld [tilespmem:s12+$0x0]  }
0x64e: {  	v1 =	vadd.f32 v2, v1;
	v2 =	vld [tilespmem:s6+$0x0]  }
0x64f: {  	v7 =	vld [tilespmem:s6+$0xFFFFFF00]  }
0x650: {  	v1 =	vmax.f32 v1, $0.0e+00  }
0x651: {  	v4 =	vadd.f32 v5, v4;
	[tilespmem:s12+$0x80] =	vst v1;
	v1 =	vld [tilespmem:s12+$0x90]  }
0x652: {  	v8 =	vld [tilespmem:s6+$0x90]  }
0x653: {  	v9 =	vld [tilespmem:s12+$0xFFFFFF90];
	v4 =	vmax.f32 v4, $0.0e+00;
	v2 =	vadd.f32 v6, v2  }
0x654: {  	v5 =	vld [tilespmem:s12+$0xFFFFFF10];
	v3 =	vadd.f32 v3, v7;
	[tilespmem:s12+$0xFFFFFF80] =	vst v4  }
0x655: {  	v6 =	vld [tilespmem:s6+$0xFFFFFF90];
	v2 =	vmax.f32 v2, $0.0e+00  }
0x656: {  	v3 =	vmax.f32 v3, $0.0e+00;
	v4 =	vld [tilespmem:s12+$0x10];
	[tilespmem:s12+$0x0] =	vst v2  }
0x657: {  	[tilespmem:s12+$0xFFFFFF00] =	vst v3;
	v1 =	vadd.f32 v1, v8;
	v2 =	vld [tilespmem:s6+$0x10]  }
0x658: {  	v3 =	vld [tilespmem:s6+$0xFFFFFF10]  }
0x659: {  	v1 =	vmax.f32 v1, $0.0e+00  }
0x65a: {  	v6 =	vadd.f32 v9, v6;
	[tilespmem:s12+$0x90] =	vst v1;
	v1 =	vld [tilespmem:s12+$0xA0]  }
0x65b: {  	v8 =	vld [tilespmem:s6+$0xA0]  }
0x65c: {  	v7 =	vld [tilespmem:s12+$0xFFFFFF20];
	v6 =	vmax.f32 v6, $0.0e+00;
	v2 =	vadd.f32 v4, v2  }
0x65d: {  	v3 =	vadd.f32 v5, v3;
	v9 =	vld [tilespmem:s12+$0xFFFFFFA0];
	[tilespmem:s12+$0xFFFFFF90] =	vst v6  }
0x65e: {  	v5 =	vld [tilespmem:s6+$0xFFFFFFA0];
	v2 =	vmax.f32 v2, $0.0e+00  }
0x65f: {  	v3 =	vmax.f32 v3, $0.0e+00;
	v4 =	vld [tilespmem:s12+$0x20];
	[tilespmem:s12+$0x10] =	vst v2  }
0x660: {  	[tilespmem:s12+$0xFFFFFF10] =	vst v3;
	v1 =	vadd.f32 v1, v8;
	v2 =	vld [tilespmem:s6+$0x20]  }
0x661: {  	v3 =	vld [tilespmem:s6+$0xFFFFFF20]  }
0x662: {  	v1 =	vmax.f32 v1, $0.0e+00  }
0x663: {  	v5 =	vadd.f32 v9, v5;
	[tilespmem:s12+$0xA0] =	vst v1;
	v1 =	vld [tilespmem:s12+$0xB0]  }
0x664: {  	v8 =	vld [tilespmem:s6+$0xB0]  }
0x665: {  	v10 =	vld [tilespmem:s12+$0x30];
	v5 =	vmax.f32 v5, $0.0e+00;
	v2 =	vadd.f32 v4, v2  }
0x666: {  	v3 =	vadd.f32 v7, v3;
	v9 =	vld [tilespmem:s12+$0xFFFFFFB0];
	[tilespmem:s12+$0xFFFFFFA0] =	vst v5  }
0x667: {  	v4 =	vld [tilespmem:s6+$0xFFFFFFB0];
	v2 =	vmax.f32 v2, $0.0e+00  }
0x668: {  	v6 =	vld [tilespmem:s12+$0xFFFFFF30];
	[tilespmem:s12+$0x20] =	vst v2;
	v2 =	vmax.f32 v3, $0.0e+00  }
0x669: {  	v1 =	vadd.f32 v1, v8;
	[tilespmem:s12+$0xFFFFFF20] =	vst v2;
	v2 =	vld [tilespmem:s6+$0x30]  }
0x66a: {  	v7 =	vld [tilespmem:s6+$0xFFFFFF30]  }
0x66b: {  	v11 =	vld [tilespmem:s12+$0xFFFFFF40];
	v1 =	vmax.f32 v1, $0.0e+00  }
0x66c: {  	v4 =	vadd.f32 v9, v4;
	[tilespmem:s12+$0xB0] =	vst v1;
	v1 =	vld [tilespmem:s12+$0xC0]  }
0x66d: {  	v8 =	vld [tilespmem:s6+$0xC0]  }
0x66e: {  	v12 =	vld [tilespmem:s12+$0xFFFFFFD0];
	v4 =	vmax.f32 v4, $0.0e+00;
	v2 =	vadd.f32 v10, v2  }
0x66f: {  	v5 =	vld [tilespmem:s12+$0xFFFFFFC0];
	[tilespmem:s12+$0xFFFFFFB0] =	vst v4;
	v6 =	vadd.f32 v6, v7  }
0x670: {  	v7 =	vld [tilespmem:s6+$0xFFFFFFC0];
	v2 =	vmax.f32 v2, $0.0e+00  }
0x671: {  	v3 =	vld [tilespmem:s12+$0x40];
	[tilespmem:s12+$0x30] =	vst v2;
	v2 =	vmax.f32 v6, $0.0e+00  }
0x672: {  	v1 =	vadd.f32 v1, v8;
	v6 =	vld [tilespmem:s6+$0x40];
	[tilespmem:s12+$0xFFFFFF30] =	vst v2  }
0x673: {  	v2 =	vld [tilespmem:s6+$0xFFFFFF40]  }
0x674: {  	v9 =	vld [tilespmem:s12+$0xFFFFFF50];
	v1 =	vmax.f32 v1, $0.0e+00  }
0x675: {  	[tilespmem:s12+$0xC0] =	vst v1;
	v1 =	vadd.f32 v5, v7;
	v7 =	vld [tilespmem:s12+$0xD0]  }
0x676: {  	v8 =	vld [tilespmem:s6+$0xD0]  }
0x677: {  	v4 =	vld [tilespmem:s12+$0xFFFFFF60];
	v1 =	vmax.f32 v1, $0.0e+00;
	v3 =	vadd.f32 v3, v6  }
0x678: {  	v10 =	vld [tilespmem:s12+$0x50];
	[tilespmem:s12+$0xFFFFFFC0] =	vst v1;
	v1 =	vadd.f32 v11, v2  }
0x679: {  	v2 =	vld [tilespmem:s6+$0xFFFFFFD0];
	v3 =	vmax.f32 v3, $0.0e+00  }
0x67a: {  	v5 =	vld [tilespmem:s12+$0xFFFFFFE0];
	[tilespmem:s12+$0x40] =	vst v3;
	v1 =	vmax.f32 v1, $0.0e+00  }
0x67b: {  	v3 =	vld [tilespmem:s6+$0x50];
	v7 =	vadd.f32 v7, v8;
	[tilespmem:s12+$0xFFFFFF40] =	vst v1  }
0x67c: {  	v1 =	vld [tilespmem:s6+$0xFFFFFF50]  }
0x67d: {  	v6 =	vld [tilespmem:s12+$0x60];
	v7 =	vmax.f32 v7, $0.0e+00  }
0x67e: {  	v2 =	vadd.f32 v12, v2;
	[tilespmem:s12+$0xD0] =	vst v7;
	v7 =	vld [tilespmem:s12+$0xE0]  }
0x67f: {  	v11 =	vld [tilespmem:s6+$0xE0]  }
0x680: {  	v2 =	vmax.f32 v2, $0.0e+00;
	v8 =	vadd.f32 v10, v3;
	v3 =	vld [tilespmem:s12+$0xFFFFFF70]  }
0x681: {  	[tilespmem:s12+$0xFFFFFFD0] =	vst v2;
	v1 =	vadd.f32 v9, v1;
	v2 =	vld [tilespmem:s12+$0xFFFFFFF0]  }
0x682: {  	v9 =	vmax.f32 v8, $0.0e+00;
	v8 =	vld [tilespmem:s6+$0xFFFFFFE0]  }
0x683: {  	[tilespmem:s12+$0x50] =	vst v9;
	v9 =	vmax.f32 v1, $0.0e+00;
	v1 =	vld [tilespmem:s12+$0x70]  }
0x684: {  	[tilespmem:s12+$0xFFFFFF50] =	vst v9;
	v9 =	vld [tilespmem:s6+$0x60];
	v7 =	vadd.f32 v7, v11  }
0x685: {  	v10 =	vld [tilespmem:s6+$0xFFFFFF60]  }
0x686: {  	s14 =	simm.s32 $0x0;
	s16 =	simm.s32 $0x1A700;
	s13 =	simm.s32 $0x16900;
	v11 =	vmax.f32 v7, $0.0e+00;
	v7 =	vld [tilespmem:s12+$0xF0]  }
.LBB2_26:
0x687: {  	v12 =	vld [tilespmem:s16+$0x80];
	v5 =	vadd.f32 v5, v8;
	[tilespmem:s12+$0xE0] =	vst v11  }
0x688: {  	s12 =	sadd.s32 $0x200, s12;
	v8 =	vld [tilespmem:s6+$0xF0]  }
0x689: {  	s14 =	sadd.s32 $0x4, s14;
	v11 =	vld [tilespmem:s12+$0x80];
	v5 =	vmax.f32 v5, $0.0e+00;
	v6 =	vadd.f32 v6, v9  }
0x68a: {  	p0 =	slt.u32 s14, $0x24;
	v9 =	vld [tilespmem:s12+$0xFFFFFF00];
	v4 =	vadd.f32 v4, v10;
	[tilespmem:s13+$0xFFFFFFE0] =	vst v5  }
0x68b: {  	v5 =	vld [tilespmem:s16+$0xFFFFFF80];
	v6 =	vmax.f32 v6, $0.0e+00  }
0x68c: {  	v10 =	vld [tilespmem:s12+$0xFFFFFF80];
	v4 =	vmax.f32 v4, $0.0e+00;
	[tilespmem:s13+$0x60] =	vst v6  }
0x68d: {  	v6 =	vld [tilespmem:s16+$0x0];
	[tilespmem:s13+$0xFFFFFF60] =	vst v4;
	v4 =	vadd.f32 v7, v8  }
0x68e: {  	v7 =	vld [tilespmem:s12+$0x0];
	v8 =	vadd.f32 v11, v12  }
0x68f: {  	v11 =	vld [tilespmem:s16+$0xFFFFFF00];
	v4 =	vmax.f32 v4, $0.0e+00  }
0x690: {  	v12 =	vld [tilespmem:s12+$0xFFFFFF10];
	v8 =	vmax.f32 v8, $0.0e+00;
	[tilespmem:s13+$0xF0] =	vst v4  }
0x691: {  	v4 =	vadd.f32 v10, v5;
	[tilespmem:s12+$0x80] =	vst v8;
	v5 =	vld [tilespmem:s12+$0x90]  }
0x692: {  	v8 =	vld [tilespmem:s16+$0x90]  }
0x693: {  	v4 =	vmax.f32 v4, $0.0e+00;
	v10 =	vld [tilespmem:s12+$0xFFFFFF90];
	v6 =	vadd.f32 v7, v6  }
0x694: {  	v7 =	vadd.f32 v9, v11;
	[tilespmem:s12+$0xFFFFFF80] =	vst v4;
	v4 =	vld [tilespmem:s12+$0x10]  }
0x695: {  	v9 =	vld [tilespmem:s16+$0xFFFFFF90];
	v6 =	vmax.f32 v6, $0.0e+00  }
0x696: {  	v7 =	vmax.f32 v7, $0.0e+00;
	v11 =	vld [tilespmem:s12+$0xFFFFFF20];
	[tilespmem:s12+$0x0] =	vst v6  }
0x697: {  	[tilespmem:s12+$0xFFFFFF00] =	vst v7;
	v6 =	vld [tilespmem:s16+$0x10];
	v5 =	vadd.f32 v5, v8  }
0x698: {  	v7 =	vld [tilespmem:s16+$0xFFFFFF10]  }
0x699: {  	v8 =	vld [tilespmem:s12+$0xFFFFFFA0];
	v5 =	vmax.f32 v5, $0.0e+00  }
0x69a: {  	v9 =	vadd.f32 v10, v9;
	[tilespmem:s12+$0x90] =	vst v5;
	v5 =	vld [tilespmem:s12+$0xA0]  }
0x69b: {  	v10 =	vld [tilespmem:s16+$0xA0]  }
0x69c: {  	v9 =	vmax.f32 v9, $0.0e+00;
	v4 =	vadd.f32 v4, v6;
	v6 =	vld [tilespmem:s12+$0x20]  }
0x69d: {  	v7 =	vadd.f32 v12, v7;
	v12 =	vld [tilespmem:s12+$0xFFFFFF30];
	[tilespmem:s12+$0xFFFFFF90] =	vst v9  }
0x69e: {  	v9 =	vld [tilespmem:s16+$0xFFFFFFA0];
	v4 =	vmax.f32 v4, $0.0e+00  }
0x69f: {  	v7 =	vmax.f32 v7, $0.0e+00;
	v13 =	vld [tilespmem:s12+$0xFFFFFFB0];
	[tilespmem:s12+$0x10] =	vst v4  }
0x6a0: {  	[tilespmem:s12+$0xFFFFFF10] =	vst v7;
	v4 =	vld [tilespmem:s16+$0x20];
	v5 =	vadd.f32 v5, v10  }
0x6a1: {  	v7 =	vld [tilespmem:s16+$0xFFFFFF20]  }
0x6a2: {  	v10 =	vld [tilespmem:s12+$0x30];
	v5 =	vmax.f32 v5, $0.0e+00  }
0x6a3: {  	v8 =	vadd.f32 v8, v9;
	[tilespmem:s12+$0xA0] =	vst v5;
	v5 =	vld [tilespmem:s12+$0xB0]  }
0x6a4: {  	v9 =	vld [tilespmem:s16+$0xB0]  }
0x6a5: {  	v14 =	vld [tilespmem:s12+$0xFFFFFF40];
	v8 =	vmax.f32 v8, $0.0e+00;
	v4 =	vadd.f32 v6, v4  }
0x6a6: {  	v6 =	vadd.f32 v11, v7;
	[tilespmem:s12+$0xFFFFFFA0] =	vst v8;
	v7 =	vld [tilespmem:s12+$0xFFFFFFC0]  }
0x6a7: {  	v8 =	vld [tilespmem:s16+$0xFFFFFFB0];
	v4 =	vmax.f32 v4, $0.0e+00  }
0x6a8: {  	v6 =	vmax.f32 v6, $0.0e+00;
	[tilespmem:s12+$0x20] =	vst v4;
	v11 =	vld [tilespmem:s12+$0x40]  }
0x6a9: {  	[tilespmem:s12+$0xFFFFFF20] =	vst v6;
	v4 =	vld [tilespmem:s16+$0x30];
	v5 =	vadd.f32 v5, v9  }
0x6aa: {  	v6 =	vld [tilespmem:s16+$0xFFFFFF30]  }
0x6ab: {  	v9 =	vld [tilespmem:s12+$0xFFFFFF50];
	v5 =	vmax.f32 v5, $0.0e+00  }
0x6ac: {  	v8 =	vadd.f32 v13, v8;
	[tilespmem:s12+$0xB0] =	vst v5;
	v5 =	vld [tilespmem:s12+$0xC0]  }
0x6ad: {  	v13 =	vld [tilespmem:s16+$0xC0]  }
0x6ae: {  	v8 =	vmax.f32 v8, $0.0e+00;
	v15 =	vld [tilespmem:s12+$0xFFFFFFD0];
	v4 =	vadd.f32 v10, v4  }
0x6af: {  	v6 =	vadd.f32 v12, v6;
	[tilespmem:s12+$0xFFFFFFB0] =	vst v8;
	v8 =	vld [tilespmem:s12+$0x50]  }
0x6b0: {  	v10 =	vld [tilespmem:s16+$0xFFFFFFC0];
	v12 =	vmax.f32 v4, $0.0e+00  }
0x6b1: {  	v6 =	vmax.f32 v6, $0.0e+00;
	v4 =	vld [tilespmem:s12+$0xFFFFFF60];
	[tilespmem:s12+$0x30] =	vst v12  }
0x6b2: {  	[tilespmem:s12+$0xFFFFFF30] =	vst v6;
	v6 =	vld [tilespmem:s16+$0x40];
	v12 =	vadd.f32 v5, v13  }
0x6b3: {  	v13 =	vld [tilespmem:s16+$0xFFFFFF40]  }
0x6b4: {  	v5 =	vld [tilespmem:s12+$0xFFFFFFE0];
	v12 =	vmax.f32 v12, $0.0e+00  }
0x6b5: {  	v7 =	vadd.f32 v7, v10;
	[tilespmem:s12+$0xC0] =	vst v12;
	v10 =	vld [tilespmem:s12+$0xD0]  }
0x6b6: {  	v12 =	vld [tilespmem:s16+$0xD0]  }
0x6b7: {  	v7 =	vmax.f32 v7, $0.0e+00;
	v11 =	vadd.f32 v11, v6;
	v6 =	vld [tilespmem:s12+$0x60]  }
0x6b8: {  	v13 =	vadd.f32 v14, v13;
	[tilespmem:s12+$0xFFFFFFC0] =	vst v7;
	v7 =	vld [tilespmem:s6+$0xFFFFFF70]  }
0x6b9: {  	v14 =	vld [tilespmem:s16+$0xFFFFFFD0];
	v11 =	vmax.f32 v11, $0.0e+00  }
0x6ba: {  	v13 =	vmax.f32 v13, $0.0e+00;
	[tilespmem:s12+$0x40] =	vst v11;
	v11 =	vld [tilespmem:s6+$0xFFFFFFF0]  }
0x6bb: {  	[tilespmem:s12+$0xFFFFFF40] =	vst v13;
	v13 =	vld [tilespmem:s16+$0x50];
	v10 =	vadd.f32 v10, v12  }
0x6bc: {  	v12 =	vld [tilespmem:s16+$0xFFFFFF50]  }
0x6bd: {  	v10 =	vmax.f32 v10, $0.0e+00;
	v3 =	vadd.f32 v3, v7;
	v7 =	vld [tilespmem:s6+$0x70];
	s6 =	smov.u32 s16  }
0x6be: {  	v14 =	vadd.f32 v15, v14;
	[tilespmem:s12+$0xD0] =	vst v10;
	v10 =	vld [tilespmem:s12+$0xE0]  }
0x6bf: {  	v15 =	vld [tilespmem:s16+$0xE0];
	v16 =	vmax.f32 v3, $0.0e+00;
	v11 =	vadd.f32 v2, v11  }
0x6c0: {  	v3 =	vld [tilespmem:s12+$0xFFFFFF70];
	v2 =	vmax.f32 v14, $0.0e+00;
	v13 =	vadd.f32 v8, v13;
	[tilespmem:s13+$0xFFFFFF70] =	vst v16  }
0x6c1: {  	v9 =	vadd.f32 v9, v12;
	[tilespmem:s12+$0xFFFFFFD0] =	vst v2;
	v2 =	vld [tilespmem:s12+$0xFFFFFFF0];
	v11 =	vmax.f32 v11, $0.0e+00  }
.Ltmp12:
0x6c2: {  	v8 =	vld [tilespmem:s16+$0xFFFFFFE0];
	v12 =	vmax.f32 v13, $0.0e+00;
	[tilespmem:s13+$0xFFFFFFF0] =	vst v11;
	v7 =	vadd.f32 v1, v7;
	(pc) =	sbr.rel @p0 .LBB2_26-.Ltmp12, $4  }
0x6c3: {  	v9 =	vmax.f32 v9, $0.0e+00;
	[tilespmem:s12+$0x50] =	vst v12;
	v1 =	vld [tilespmem:s12+$0x70]  }
0x6c4: {  	[tilespmem:s12+$0xFFFFFF50] =	vst v9;
	v9 =	vld [tilespmem:s16+$0x60];
	v11 =	vadd.f32 v10, v15;
	v7 =	vmax.f32 v7, $0.0e+00  }
0x6c5: {  	v10 =	vld [tilespmem:s16+$0xFFFFFF60];
	[tilespmem:s13+$0x70] =	vst v7;
	s13 =	smov.u32 s12  }
0x6c6: {  	s16 =	sadd.s32 $0x200, s16;
	v11 =	vmax.f32 v11, $0.0e+00;
	v7 =	vld [tilespmem:s12+$0xF0]  }
0x6c7: {  	_ = 	snop  }
0x6c8: {  	v5 =	vadd.f32 v5, v8  }
0x6c9: {  	v6 =	vadd.f32 v6, v9  }
0x6ca: {  	[tilespmem:s12+$0xE0] =	vst v11;
	v5 =	vmax.f32 v5, $0.0e+00;
	v4 =	vadd.f32 v4, v10  }
0x6cb: {  	v58 =	vld [tilespmem:s6+$0xF0];
	[tilespmem:s13+$0xFFFFFFE0] =	vst v5;
	v59 =	vmax.f32 v6, $0.0e+00  }
0x6cc: {  	v61 =	vld [tilespmem:s6+$0xFFFFFFF0];
	v4 =	vmax.f32 v4, $0.0e+00;
	[tilespmem:s13+$0x60] =	vst v59  }
0x6cd: {  	[tilespmem:s13+$0xFFFFFF60] =	vst v4;
	v62 =	vld [tilespmem:s6+$0x70]  }
0x6ce: {  	v60 =	vld [tilespmem:s6+$0xFFFFFF70];
	_ =	sdelay $0x1  }
0x6cf: {  	v7 =	vadd.f32 v7, v58  }
0x6d0: {  	v2 =	vadd.f32 v2, v61  }
0x6d1: {  	v63 =	vmax.f32 v7, $0.0e+00;
	v1 =	vadd.f32 v1, v62  }
0x6d2: {  	[tilespmem:s13+$0xF0] =	vst v63;
	v2 =	vmax.f32 v2, $0.0e+00;
	v3 =	vadd.f32 v3, v60  }
0x6d3: {  	[tilespmem:s13+$0xFFFFFFF0] =	vst v2;
	v1 =	vmax.f32 v1, $0.0e+00  }
0x6d4: {  	v3 =	vmax.f32 v3, $0.0e+00;
	[tilespmem:s13+$0x70] =	vst v1  }
0x6d5: {  	[tilespmem:s13+$0xFFFFFF70] =	vst v3  }
0x6d6: {  	_ =	swait.ge [sflag:s3], $0x1400  }
0x6d7: {  	[sflag:s3] =	ssyncset.done $0x0  }
0x6d8: {  	[sflag:s3] =	ssyncadd.s32 $0xFFFFEC00  }
0x6d9: {  	[spmem:s2] =	stream.indirect.scatter.add.f32 [tilespmem:s20], [sflag:$0x8], $0x80, s22, s17, $0xb8;
	[tilespmem:$0x1CD80] =	vst v63  }
0x6da: {  	_ =	swait.ge [sflag:s11], $0x1400  }
0x6db: {  	[sflag:s11] =	ssyncset.done $0x0  }
0x6dc: {  	[sflag:s11] =	ssyncadd.s32 $0xFFFFEC00  }
0x6dd: {  	s16 =	stileid.u32;
	[bflag:$0x0] =	sbarrier.arrive $0xFFFF  }
0x6de: {  	s6 =	sshll.u32 s16, $0x6;
	s13 =	rddreg [dreg:$0xa]  }
0x6df: {  	s6 =	sor.u32 $0x1C0D, s6;
	s14 =	rddreg [dreg:$0x15];
	s18 =	sshrl.u32 s13, $0x3  }
0x6e0: {  	[hbm:s14], [sflag:s6] =	dma.local [spmem:s18], $0x2800  }
0x6e1: {  	s14 =	simm.s32 $0xD  }
0x6e2: {  	_ =	swait.ge [sflag:s14], $0x2800  }
0x6e3: {  	s21 =	sld [smem:$0x7FB];
	_ =	sdelay $0x2  }
0x6e4: {  	s28 =	rddreg [dreg:$0x16];
	s12 =	sadd.s32 $0x1, s21  }
0x6e5: {  	p0 =	sne.s32 s12, s28  }
.Ltmp13:
0x6e6: {  	_ = 	snop;
	(pc) =	sbr.rel @p0 .LBB2_1-.Ltmp13, $3  }
0x6e7: {  	_ =	sdelay $0x1  }
0x6e8: {  	[sflag:s14] =	ssyncset.done $0x0  }
0x6e9: {  	[sflag:s14] =	ssyncadd.s32 $0xFFFFD800  }
0x6ea: {  	_ =	sfence.sel $0x180000  }
0x6eb: {  	[bflag:$0x0] =	sbarrier.arrive $0xFFFF  }
0x6ec: {  	_ =	strace $0x90000047  }
0x6ed: {  	s0 =	stileid.u32;
	[bflag:$0x2] =	sbarrier.arrive $0xFFFF  }
0x6ee: {  	p0 =	sne.s32 s0, $0x0;
	s0 =	rddreg [dreg:$0x3]  }
0x6ef: {  	s0 =	sadd.s32 @!p0 $0x100000, s0  }
0x6f0: {  	[sflag:s0] =	ssyncadd.tile.s32 @!p0 $0x1;
	_ =	shalt  }
.Lfunc_end2:
_tile_overlayer_lowered:
.L_overlay_start_2:
0x6f1: {  	(tag) =	ssettag $0x2  }
0x6f2: {  	s0 =	rddreg [dreg:$0x0];
	s2 =	stileid.u32  }
0x6f3: {  	s1 =	rddreg [dreg:$0x1];
	p0 =	sne.s32 s2, $0x0  }
0x6f4: {  	s3 =	rddreg [dreg:$0x2];
	[bflag:$0x3] =	sbarrier.arrive $0xFFFF;
	s2 =	simm.s32 @!p0 $0x1C0D  }
0x6f5: {  	[timem:s3], [sflag:s2] =	dma.local @!p0 [hbm:s0], s1  }
0x6f6: {  	s0 =	simm.s32 @!p0 $0xD  }
0x6f7: {  	_ =	swait.ge @!p0 [sflag:s0], s1  }
0x6f8: {  	s1 =	ssub.s32 @!p0 $0x0, s1;
	[sflag:s0] =	ssyncset.done @!p0 $0x0  }
0x6f9: {  	[sflag:s0] =	ssyncadd.s32 @!p0 s1  }
0x6fa: {  	[bflag:$0x3] =	sbarrier.arrive $0xFFFF  }
0x6fb: {  	_ =	shalt  }

</sc_bundles>
